<compile_context>
chip_gen: v7x
topology: tpu7x:2x2x1
jax: 0.10.2.dev20260603
libtpu: 0.0.44.dev20260713+nightly
codegen_flags: <defaults>
</compile_context>

<pallas_src>
import functools

import jax
import jax.numpy as jnp
from jax import lax
from jax.experimental import pallas as pl
from jax.experimental.pallas import tpu as pltpu
from jax.experimental.pallas import tpu_sc as plsc

N = 262144
S = 2048
NC = 2
NS = 16
NW = NC * NS
CH = N // NW
SCH = CH // 2
EPS = 1e-5

_MESH = dict(core_axis_name="c", subcore_axis_name="s", num_cores=NC,
             num_subcores=NS)
_CP = pltpu.CompilerParams(needs_layout_passes=False)


def _fill(ref, n, val):
    v = jnp.full((16,), val, ref.dtype)

    @pl.loop(0, n // 16)
    def _(i):
        ref[pl.ds(i * 16, 16)] = v


def _sqrt(x):
    i = plsc.bitcast(x, jnp.int32)
    i = jnp.int32(0x5F3759DF) - (i >> 1)
    y = plsc.bitcast(i, jnp.float32)
    for _ in range(3):
        y = y * (1.5 - 0.5 * x * y * y)
    return x * y


def _floor(y):
    t = y.astype(jnp.int32).astype(jnp.float32)
    return t - jnp.where(y < t, 1.0, 0.0)


def _wrap_disp(x):
    y = x + 0.5
    return y - _floor(y) - 0.5


def _wrap_pos(x):
    return x - _floor(x)


def _combine_counts(ct_hbm, cts_ref, tmp_ref):
    pltpu.sync_copy(ct_hbm.at[0], cts_ref)
    pltpu.sync_copy(ct_hbm.at[1], tmp_ref)

    @pl.loop(0, S // 16)
    def _(i):
        sl = pl.ds(i * 16, 16)
        cts_ref[sl] = jnp.maximum(cts_ref[sl] + tmp_ref[sl], 1.0)


def _mean_table(p_hbm, row, cts_ref, mean_ref, tmp_ref):
    pltpu.sync_copy(p_hbm.at[row], mean_ref)
    pltpu.sync_copy(p_hbm.at[3 + row], tmp_ref)

    @pl.loop(0, S // 16)
    def _(i):
        sl = pl.ds(i * 16, 16)
        mean_ref[sl] = (mean_ref[sl] + tmp_ref[sl]) / cts_ref[sl]


def _seg_partials_body(idx_hbm, ev_hbm, er_hbm, sv_out, sr_out, ct_out,
                       idx_v, val_v, ones_v, zeros_v,
                       a0, a1, a2, b0, b1, b2, ac):
    cid = lax.axis_index("c")
    sid = lax.axis_index("s")
    wid = sid * NC + cid
    base = wid * CH
    _fill(ones_v, CH, 1.0)
    _fill(zeros_v, S, 0.0)

    accs = (a0, a1, a2, b0, b1, b2, ac)

    @pl.when(sid == 0)
    def _():
        for acc in accs:
            pltpu.sync_copy(zeros_v, acc)

    plsc.subcore_barrier()
    pltpu.sync_copy(idx_hbm.at[pl.ds(base, CH)], idx_v)
    for c, acc in enumerate((a0, a1, a2)):
        pltpu.sync_copy(ev_hbm.at[pl.ds(c * N + base, CH)], val_v)
        pltpu.sync_copy(val_v, acc.at[idx_v], add=True)
    for c, acc in enumerate((b0, b1, b2)):
        pltpu.sync_copy(er_hbm.at[pl.ds(c * N + base, CH)], val_v)
        pltpu.sync_copy(val_v, acc.at[idx_v], add=True)
    pltpu.sync_copy(ones_v, ac.at[idx_v], add=True)
    plsc.subcore_barrier()

    @pl.when(sid == 0)
    def _():
        for c, acc in enumerate((a0, a1, a2)):
            pltpu.sync_copy(acc, sv_out.at[cid * 3 + c])
        for c, acc in enumerate((b0, b1, b2)):
            pltpu.sync_copy(acc, sr_out.at[cid * 3 + c])
        pltpu.sync_copy(ac, ct_out.at[cid])


_seg_partials = functools.partial(
    pl.kernel,
    compiler_params=_CP,
    out_type=(jax.ShapeDtypeStruct((NC * 3, S), jnp.float32),
              jax.ShapeDtypeStruct((NC * 3, S), jnp.float32),
              jax.ShapeDtypeStruct((NC, S), jnp.float32)),
    mesh=plsc.VectorSubcoreMesh(**_MESH),
    scratch_types=[
        pltpu.VMEM((CH,), jnp.int32),
        pltpu.VMEM((CH,), jnp.float32),
        pltpu.VMEM((CH,), jnp.float32),
        pltpu.VMEM((S,), jnp.float32),
    ] + [pltpu.VMEM_SHARED((S,), jnp.float32)] * 7,
)(_seg_partials_body)


def _center_diffuse_body(idx_hbm, t_hbm, v0_hbm, ev_hbm, er_hbm,
                         sv_hbm, sr_hbm, ct_hbm,
                         evc_out, erc_out, vt_out, rp_out, srt_out,
                         idx_v, t_v, a_v, s1_v, co_v, s2_v,
                         ev0, ev1, ev2, er0, er1, er2,
                         v00, v01, v02, rp0, rp1, rp2,
                         mv0, mv1, mv2, mr0, mr1, mr2, cts_v, tmp_v,
                         r0, r1, r2):
    cid = lax.axis_index("c")
    sid = lax.axis_index("s")
    wid = sid * NC + cid

    evs, ers, v0s, rps = (ev0, ev1, ev2), (er0, er1, er2), \
        (v00, v01, v02), (rp0, rp1, rp2)
    mvs, mrs, raccs = (mv0, mv1, mv2), (mr0, mr1, mr2), (r0, r1, r2)

    _fill(tmp_v, S, 0.0)

    @pl.when(sid == 0)
    def _():
        for acc in raccs:
            pltpu.sync_copy(tmp_v, acc)

    _combine_counts(ct_hbm, cts_v, tmp_v)
    for c in range(3):
        _mean_table(sv_hbm, c, cts_v, mvs[c], tmp_v)
        _mean_table(sr_hbm, c, cts_v, mrs[c], tmp_v)
    plsc.subcore_barrier()

    for sub in range(CH // SCH):
        base = wid * CH + sub * SCH
        pltpu.sync_copy(idx_hbm.at[pl.ds(base, SCH)], idx_v)
        pltpu.sync_copy(t_hbm.at[pl.ds(base, SCH)], t_v)
        for c in range(3):
            pltpu.sync_copy(v0_hbm.at[pl.ds(c * N + base, SCH)], v0s[c])
            pltpu.sync_copy(ev_hbm.at[pl.ds(c * N + base, SCH)], evs[c])
            pltpu.sync_copy(er_hbm.at[pl.ds(c * N + base, SCH)], ers[c])

        @pl.loop(0, SCH // 16)
        def _(i):
            sl = pl.ds(i * 16, 16)
            tt = t_v[sl] * 2.0
            a = jnp.exp(-tt)
            a_v[sl] = a
            s1_v[sl] = _sqrt(jnp.maximum(1.0 - a * a, EPS))
            co_v[sl] = (1.0 - a) / (1.0 + a)
            s2_v[sl] = _sqrt(jnp.maximum(tt + tt + 8.0 * a / (1.0 + a) - 4.0,
                                         EPS))

        @pl.loop(0, SCH // 16)
        def _(i):
            sl = pl.ds(i * 16, 16)
            seg = idx_v[sl]
            a = a_v[sl]
            s1 = s1_v[sl]
            co = co_v[sl]
            s2 = s2_v[sl]
            for c in range(3):
                m1 = plsc.load_gather(mvs[c], [seg])
                m2 = plsc.load_gather(mrs[c], [seg])
                evc = evs[c][sl] - m1
                erc = ers[c][sl] - m2
                v0 = v0s[c][sl]
                vt = a * v0 + s1 * evc
                q = co * (vt + v0) + s2 * erc
                evs[c][sl] = evc
                ers[c][sl] = erc
                v0s[c][sl] = vt
                rps[c][sl] = _wrap_disp(q)

        for c in range(3):
            pltpu.sync_copy(rps[c], raccs[c].at[idx_v], add=True)
            pltpu.sync_copy(evs[c], evc_out.at[pl.ds(c * N + base, SCH)])
            pltpu.sync_copy(ers[c], erc_out.at[pl.ds(c * N + base, SCH)])
            pltpu.sync_copy(v0s[c], vt_out.at[pl.ds(c * N + base, SCH)])
            pltpu.sync_copy(rps[c], rp_out.at[pl.ds(c * N + base, SCH)])

    plsc.subcore_barrier()

    @pl.when(sid == 0)
    def _():
        for c in range(3):
            pltpu.sync_copy(raccs[c], srt_out.at[cid * 3 + c])


_center_diffuse = functools.partial(
    pl.kernel,
    compiler_params=_CP,
    out_type=(jax.ShapeDtypeStruct((N * 3,), jnp.float32),
              jax.ShapeDtypeStruct((N * 3,), jnp.float32),
              jax.ShapeDtypeStruct((N * 3,), jnp.float32),
              jax.ShapeDtypeStruct((N * 3,), jnp.float32),
              jax.ShapeDtypeStruct((NC * 3, S), jnp.float32)),
    mesh=plsc.VectorSubcoreMesh(**_MESH),
    scratch_types=[
        pltpu.VMEM((SCH,), jnp.int32),
        pltpu.VMEM((SCH,), jnp.float32),
        pltpu.VMEM((SCH,), jnp.float32),
        pltpu.VMEM((SCH,), jnp.float32),
        pltpu.VMEM((SCH,), jnp.float32),
        pltpu.VMEM((SCH,), jnp.float32),
    ] + [pltpu.VMEM((SCH,), jnp.float32)] * 12
      + [pltpu.VMEM((S,), jnp.float32)] * 8
      + [pltpu.VMEM_SHARED((S,), jnp.float32)] * 3,
)(_center_diffuse_body)


def _finish_body(idx_hbm, rp_hbm, f0_hbm, srt_hbm, ct_hbm,
                 ft_out, rt_out,
                 idx_v, rp_v, f0_v, mt0, mt1, mt2, cts_v, tmp_v):
    cid = lax.axis_index("c")
    sid = lax.axis_index("s")
    wid = sid * NC + cid
    base = wid * CH
    mts = (mt0, mt1, mt2)

    _combine_counts(ct_hbm, cts_v, tmp_v)
    for c in range(3):
        _mean_table(srt_hbm, c, cts_v, mts[c], tmp_v)

    pltpu.sync_copy(idx_hbm.at[pl.ds(base, CH)], idx_v)
    for c in range(3):
        pltpu.sync_copy(rp_hbm.at[pl.ds(c * N + base, CH)], rp_v)
        pltpu.sync_copy(f0_hbm.at[pl.ds(c * N + base, CH)], f0_v)

        @pl.loop(0, CH // 16)
        def _(i):
            sl = pl.ds(i * 16, 16)
            g = plsc.load_gather(mts[c], [idx_v[sl]])
            rt = _wrap_disp(rp_v[sl] - g)
            ft = _wrap_pos(f0_v[sl] + rt)
            rp_v[sl] = rt
            f0_v[sl] = ft

        pltpu.sync_copy(rp_v, rt_out.at[pl.ds(c * N + base, CH)])
        pltpu.sync_copy(f0_v, ft_out.at[pl.ds(c * N + base, CH)])


_finish = functools.partial(
    pl.kernel,
    compiler_params=_CP,
    out_type=(jax.ShapeDtypeStruct((N * 3,), jnp.float32),
              jax.ShapeDtypeStruct((N * 3,), jnp.float32)),
    mesh=plsc.VectorSubcoreMesh(**_MESH),
    scratch_types=[
        pltpu.VMEM((CH,), jnp.int32),
        pltpu.VMEM((CH,), jnp.float32),
        pltpu.VMEM((CH,), jnp.float32),
    ] + [pltpu.VMEM((S,), jnp.float32)] * 5,
)(_finish_body)


def kernel(t, f0, index, v0, epsilon_v, epsilon_r):
    idx = index.astype(jnp.int32)
    planar = lambda x: x.T.reshape(N * 3)
    evf = planar(epsilon_v)
    erf = planar(epsilon_r)
    v0f = planar(v0)
    f0f = planar(f0)
    sv, sr, ct = _seg_partials(idx, evf, erf)
    evc, erc, vt, rp, srt = _center_diffuse(idx, t, v0f, evf, erf, sv, sr, ct)
    ft, rt = _finish(idx, rp, f0f, srt, ct)
    unplanar = lambda x: x.reshape(3, N).T
    return (unplanar(ft), unplanar(vt), unplanar(evc), unplanar(erc),
            unplanar(rt))

# --- scband reference (transcript-rebuilt; emitter-appended) ---
"""Pipeline reference for scband-trivialised-diffusion-46505905881174 (READ-ONLY COPY).

The authoritative reference and input builder live on the scoring server;
editing this copy changes nothing except your own understanding.
"""

import jax, jax.numpy as jnp
import numpy as np

N = 262144
NUM_SEGMENTS = 2048
EPS = 1e-05
TIME_SCALING_T = 2.0


def scatter_center(x, index, num_segments):
    seg_sum = jax.ops.segment_sum(x, index, num_segments=num_segments)
    counts = jax.ops.segment_sum(jnp.ones((x.shape[0],), dtype=x.dtype), index, num_segments=num_segments)
    mean = seg_sum / jnp.clip(counts, 1.0)[:, None]
    return x - mean[index]


def wrap_positions(x):
    return jnp.remainder(x, 1.0)


def wrap_displacements(x):
    return jnp.remainder(x + 0.5, 1.0) - 0.5


def setup_inputs(seed: int = 0):
    key = jax.random.key(seed)
    k1, k2, k3, k4, k5, k6 = jax.random.split(key, 6)
    t = jax.random.uniform(k1, (N,), dtype=jnp.float32)
    f0 = jax.random.uniform(k2, (N, 3), dtype=jnp.float32)
    index = jnp.sort(jax.random.randint(k3, (N,), 0, NUM_SEGMENTS)).astype(jnp.int64)
    v0 = jax.random.normal(k4, (N, 3), dtype=jnp.float32)
    epsilon_v = jax.random.normal(k5, (N, 3), dtype=jnp.float32)
    epsilon_r = jax.random.normal(k6, (N, 3), dtype=jnp.float32)
    return {"t": t, "f0": f0, "index": index, "v0": v0, "epsilon_v": epsilon_v, "epsilon_r": epsilon_r}


def reference(t, f0, index, v0, epsilon_v, epsilon_r):
    t = TIME_SCALING_T * t
    epsilon_v = scatter_center(epsilon_v, index, NUM_SEGMENTS)
    gaussian_velocity_mean_coeff_t = jnp.exp(-t)[:, None]
    gaussian_velocity_sigma_t = jnp.sqrt(jnp.clip(1.0 - jnp.exp(-2.0 * t), EPS))[:, None]
    v_t = gaussian_velocity_mean_coeff_t * v0 + gaussian_velocity_sigma_t * epsilon_v
    coeff = ((1.0 - jnp.exp(-t)) / (1.0 + jnp.exp(-t)))[:, None]
    wrapped_gaussian_mu_r_t = coeff * (v_t + v0)
    wrapped_gaussian_sigma_r_t = jnp.sqrt(jnp.clip(2.0 * t + 8.0 / (1.0 + jnp.exp(t)) - 4.0, EPS))[:, None]
    epsilon_r = scatter_center(epsilon_r, index, NUM_SEGMENTS)
    r_t = wrap_displacements(wrapped_gaussian_mu_r_t + wrapped_gaussian_sigma_r_t * epsilon_r)
    r_t = scatter_center(r_t, index, NUM_SEGMENTS)
    r_t = wrap_displacements(r_t)
    f_t = wrap_positions(f0 + r_t)
    return (f_t, v_t, epsilon_v, epsilon_r, r_t)

if __name__ == "__main__":
    import jax
    _d = setup_inputs()
    print(jax.jit(kernel)(*tuple(_d.values())))

</pallas_src>

<mosaic_0001>
#map = affine_map<(d0, d1) -> (0)>
#map1 = affine_map<(d0, d1) -> (0, 0)>
module attributes {stable_mosaic.version = 14 : i64} {
  func.func @_seg_partials_body(%arg0: i32, %arg1: i32, %arg2: memref<262144xi32, #tpu.memory_space<hbm>>, %arg3: memref<786432xf32, #tpu.memory_space<hbm>>, %arg4: memref<786432xf32, #tpu.memory_space<hbm>>, %arg5: memref<6x2048xf32, #tpu.memory_space<hbm>>, %arg6: memref<6x2048xf32, #tpu.memory_space<hbm>>, %arg7: memref<2x2048xf32, #tpu.memory_space<hbm>>, %arg8: memref<8192xi32, #tpu.memory_space<vmem>>, %arg9: memref<8192xf32, #tpu.memory_space<vmem>>, %arg10: memref<8192xf32, #tpu.memory_space<vmem>>, %arg11: memref<2048xf32, #tpu.memory_space<vmem>>, %arg12: memref<2048xf32, #tpu.memory_space<vmem_shared>>, %arg13: memref<2048xf32, #tpu.memory_space<vmem_shared>>, %arg14: memref<2048xf32, #tpu.memory_space<vmem_shared>>, %arg15: memref<2048xf32, #tpu.memory_space<vmem_shared>>, %arg16: memref<2048xf32, #tpu.memory_space<vmem_shared>>, %arg17: memref<2048xf32, #tpu.memory_space<vmem_shared>>, %arg18: memref<2048xf32, #tpu.memory_space<vmem_shared>>) attributes {dimension_semantics = [#tpu.dimension_semantics<core_parallel>, #tpu.dimension_semantics<subcore_parallel>], iteration_bounds = array<i64: 2, 16>, scalar_prefetch = 0 : i64, scratch_operands = 11 : i64, tpu.core_type = #tpu.core_type<sc_vector_subcore>, window_params = [{transform_indices = #map}, {transform_indices = #map}, {transform_indices = #map}, {transform_indices = #map1}, {transform_indices = #map1}, {transform_indices = #map1}]} {
    %mul3A = arith.constant 2 : i32
    %mul3A_0 = arith.muli %arg1, %mul3A : i32
    %add3A = arith.addi %mul3A_0, %arg0 : i32
    %mul3A_1 = arith.constant 8192 : i32
    %mul3A_2 = arith.muli %add3A, %mul3A_1 : i32
    %broadcast_in_dim3A = arith.constant 1.000000e+00 : f32
    %broadcast_in_dim3A_3 = vector.broadcast %broadcast_in_dim3A : f32 to vector<16xf32>
    %scan3A = arith.constant 0 : i32
    %scan3A_4 = arith.constant 512 : i32
    %scan3A_5 = arith.addi %scan3A, %scan3A_4 : i32
    %scan3A_6 = arith.constant 1 : i32
    scf.for %scan3A_35 = %scan3A to %scan3A_5 step %scan3A_6  : i32 {
      %mul3A_36 = arith.constant 1 : i32
      %mul3A_37 = arith.muli %scan3A_35, %mul3A_36 : i32
      %add3A_38 = arith.constant 0 : i32
      %add3A_39 = arith.addi %add3A_38, %mul3A_37 : i32
      %mul3A_40 = arith.constant 16 : i32
      %mul3A_41 = arith.muli %add3A_39, %mul3A_40 : i32
      %swap3A = arith.index_cast %mul3A_41 : i32 to index
      %swap3A_42 = tpu.vector_load %arg10[%swap3A] {strides = array<i32>} : memref<8192xf32, #tpu.memory_space<vmem>>, vector<16xf32>,
      tpu.vector_store %arg10[%swap3A], %broadcast_in_dim3A_3 {strides = array<i32>} : memref<8192xf32, #tpu.memory_space<vmem>>, vector<16xf32>,
    }
    %scan3A_7 = arith.constant 512 : i32
    %broadcast_in_dim3A_8 = arith.constant 0.000000e+00 : f32
    %broadcast_in_dim3A_9 = vector.broadcast %broadcast_in_dim3A_8 : f32 to vector<16xf32>
    %scan3A_10 = arith.constant 0 : i32
    %scan3A_11 = arith.constant 128 : i32
    %scan3A_12 = arith.addi %scan3A_10, %scan3A_11 : i32
    %scan3A_13 = arith.constant 1 : i32
    scf.for %scan3A_35 = %scan3A_10 to %scan3A_12 step %scan3A_13  : i32 {
      %mul3A_36 = arith.constant 1 : i32
      %mul3A_37 = arith.muli %scan3A_35, %mul3A_36 : i32
      %add3A_38 = arith.constant 0 : i32
      %add3A_39 = arith.addi %add3A_38, %mul3A_37 : i32
      %mul3A_40 = arith.constant 16 : i32
      %mul3A_41 = arith.muli %add3A_39, %mul3A_40 : i32
      %swap3A = arith.index_cast %mul3A_41 : i32 to index
      %swap3A_42 = tpu.vector_load %arg11[%swap3A] {strides = array<i32>} : memref<2048xf32, #tpu.memory_space<vmem>>, vector<16xf32>,
      tpu.vector_store %arg11[%swap3A], %broadcast_in_dim3A_9 {strides = array<i32>} : memref<2048xf32, #tpu.memory_space<vmem>>, vector<16xf32>,
    }
    %scan3A_14 = arith.constant 128 : i32
    %eq3A = arith.constant 0 : i32
    %eq3A_15 = arith.cmpi eq, %arg1, %eq3A : i32
    %convert_element_type3A = arith.extui %eq3A_15 : i1 to i32
    %cond3A = arith.constant 0 : i32
    %cond3A_16 = arith.cmpi ne, %convert_element_type3A, %cond3A : i32
    scf.if %cond3A_16 {
      "tpu.region"() ({
        %run_scoped3A = tpu.sem_alloc : memref<!tpu.dma_semaphore, #tpu.memory_space<semaphore_mem>>
        tpu.enqueue_dma source(%arg11 : memref<2048xf32, #tpu.memory_space<vmem>>) target(%arg12 : memref<2048xf32, #tpu.memory_space<vmem_shared>>) target_semaphore(%run_scoped3A : memref<!tpu.dma_semaphore, #tpu.memory_space<semaphore_mem>>)
        tpu.wait_dma2 semaphore(%run_scoped3A : memref<!tpu.dma_semaphore, #tpu.memory_space<semaphore_mem>>) src(%arg11 : memref<2048xf32, #tpu.memory_space<vmem>>) dst(%arg12 : memref<2048xf32, #tpu.memory_space<vmem_shared>>)
        tpu.yield
      }) : () -> ()
      "tpu.region"() ({
        %run_scoped3A = tpu.sem_alloc : memref<!tpu.dma_semaphore, #tpu.memory_space<semaphore_mem>>
        tpu.enqueue_dma source(%arg11 : memref<2048xf32, #tpu.memory_space<vmem>>) target(%arg13 : memref<2048xf32, #tpu.memory_space<vmem_shared>>) target_semaphore(%run_scoped3A : memref<!tpu.dma_semaphore, #tpu.memory_space<semaphore_mem>>)
        tpu.wait_dma2 semaphore(%run_scoped3A : memref<!tpu.dma_semaphore, #tpu.memory_space<semaphore_mem>>) src(%arg11 : memref<2048xf32, #tpu.memory_space<vmem>>) dst(%arg13 : memref<2048xf32, #tpu.memory_space<vmem_shared>>)
        tpu.yield
      }) : () -> ()
      "tpu.region"() ({
        %run_scoped3A = tpu.sem_alloc : memref<!tpu.dma_semaphore, #tpu.memory_space<semaphore_mem>>
        tpu.enqueue_dma source(%arg11 : memref<2048xf32, #tpu.memory_space<vmem>>) target(%arg14 : memref<2048xf32, #tpu.memory_space<vmem_shared>>) target_semaphore(%run_scoped3A : memref<!tpu.dma_semaphore, #tpu.memory_space<semaphore_mem>>)
        tpu.wait_dma2 semaphore(%run_scoped3A : memref<!tpu.dma_semaphore, #tpu.memory_space<semaphore_mem>>) src(%arg11 : memref<2048xf32, #tpu.memory_space<vmem>>) dst(%arg14 : memref<2048xf32, #tpu.memory_space<vmem_shared>>)
        tpu.yield
      }) : () -> ()
      "tpu.region"() ({
        %run_scoped3A = tpu.sem_alloc : memref<!tpu.dma_semaphore, #tpu.memory_space<semaphore_mem>>
        tpu.enqueue_dma source(%arg11 : memref<2048xf32, #tpu.memory_space<vmem>>) target(%arg15 : memref<2048xf32, #tpu.memory_space<vmem_shared>>) target_semaphore(%run_scoped3A : memref<!tpu.dma_semaphore, #tpu.memory_space<semaphore_mem>>)
        tpu.wait_dma2 semaphore(%run_scoped3A : memref<!tpu.dma_semaphore, #tpu.memory_space<semaphore_mem>>) src(%arg11 : memref<2048xf32, #tpu.memory_space<vmem>>) dst(%arg15 : memref<2048xf32, #tpu.memory_space<vmem_shared>>)
        tpu.yield
      }) : () -> ()
      "tpu.region"() ({
        %run_scoped3A = tpu.sem_alloc : memref<!tpu.dma_semaphore, #tpu.memory_space<semaphore_mem>>
        tpu.enqueue_dma source(%arg11 : memref<2048xf32, #tpu.memory_space<vmem>>) target(%arg16 : memref<2048xf32, #tpu.memory_space<vmem_shared>>) target_semaphore(%run_scoped3A : memref<!tpu.dma_semaphore, #tpu.memory_space<semaphore_mem>>)
        tpu.wait_dma2 semaphore(%run_scoped3A : memref<!tpu.dma_semaphore, #tpu.memory_space<semaphore_mem>>) src(%arg11 : memref<2048xf32, #tpu.memory_space<vmem>>) dst(%arg16 : memref<2048xf32, #tpu.memory_space<vmem_shared>>)
        tpu.yield
      }) : () -> ()
      "tpu.region"() ({
        %run_scoped3A = tpu.sem_alloc : memref<!tpu.dma_semaphore, #tpu.memory_space<semaphore_mem>>
        tpu.enqueue_dma source(%arg11 : memref<2048xf32, #tpu.memory_space<vmem>>) target(%arg17 : memref<2048xf32, #tpu.memory_space<vmem_shared>>) target_semaphore(%run_scoped3A : memref<!tpu.dma_semaphore, #tpu.memory_space<semaphore_mem>>)
        tpu.wait_dma2 semaphore(%run_scoped3A : memref<!tpu.dma_semaphore, #tpu.memory_space<semaphore_mem>>) src(%arg11 : memref<2048xf32, #tpu.memory_space<vmem>>) dst(%arg17 : memref<2048xf32, #tpu.memory_space<vmem_shared>>)
        tpu.yield
      }) : () -> ()
      "tpu.region"() ({
        %run_scoped3A = tpu.sem_alloc : memref<!tpu.dma_semaphore, #tpu.memory_space<semaphore_mem>>
        tpu.enqueue_dma source(%arg11 : memref<2048xf32, #tpu.memory_space<vmem>>) target(%arg18 : memref<2048xf32, #tpu.memory_space<vmem_shared>>) target_semaphore(%run_scoped3A : memref<!tpu.dma_semaphore, #tpu.memory_space<semaphore_mem>>)
        tpu.wait_dma2 semaphore(%run_scoped3A : memref<!tpu.dma_semaphore, #tpu.memory_space<semaphore_mem>>) src(%arg11 : memref<2048xf32, #tpu.memory_space<vmem>>) dst(%arg18 : memref<2048xf32, #tpu.memory_space<vmem_shared>>)
        tpu.yield
      }) : () -> ()
    } else {
    }
    %barrier3A = arith.constant 0 : index
    tpu.barrier barrier_id(%barrier3A)
    "tpu.region"() ({
      %run_scoped3A = tpu.sem_alloc : memref<!tpu.dma_semaphore, #tpu.memory_space<semaphore_mem>>
      %dma_start3A = tpu.memref_slice %arg2[%mul3A_2] : memref<262144xi32, #tpu.memory_space<hbm>> -> memref<8192xi32, #tpu.memory_space<hbm>>
      %dma_start3A_35 = tpu.memref_slice %arg2[%mul3A_2] : memref<262144xi32, #tpu.memory_space<hbm>> -> memref<8192xi32, #tpu.memory_space<hbm>>
      tpu.enqueue_dma source(%dma_start3A_35 : memref<8192xi32, #tpu.memory_space<hbm>>) target(%arg8 : memref<8192xi32, #tpu.memory_space<vmem>>) target_semaphore(%run_scoped3A : memref<!tpu.dma_semaphore, #tpu.memory_space<semaphore_mem>>)
      %dma_wait3A = tpu.memref_slice %arg2[%mul3A_2] : memref<262144xi32, #tpu.memory_space<hbm>> -> memref<8192xi32, #tpu.memory_space<hbm>>
      %dma_wait3A_36 = tpu.memref_slice %arg2[%mul3A_2] : memref<262144xi32, #tpu.memory_space<hbm>> -> memref<8192xi32, #tpu.memory_space<hbm>>
      tpu.wait_dma2 semaphore(%run_scoped3A : memref<!tpu.dma_semaphore, #tpu.memory_space<semaphore_mem>>) src(%dma_wait3A_36 : memref<8192xi32, #tpu.memory_space<hbm>>) dst(%arg8 : memref<8192xi32, #tpu.memory_space<vmem>>)
      tpu.yield
    }) : () -> ()
    %add3A_17 = arith.constant 0 : i32
    %add3A_18 = arith.addi %add3A_17, %mul3A_2 : i32
    "tpu.region"() ({
      %run_scoped3A = tpu.sem_alloc : memref<!tpu.dma_semaphore, #tpu.memory_space<semaphore_mem>>
      %dma_start3A = tpu.memref_slice %arg3[%add3A_18] : memref<786432xf32, #tpu.memory_space<hbm>> -> memref<8192xf32, #tpu.memory_space<hbm>>
      %dma_start3A_35 = tpu.memref_slice %arg3[%add3A_18] : memref<786432xf32, #tpu.memory_space<hbm>> -> memref<8192xf32, #tpu.memory_space<hbm>>
      tpu.enqueue_dma source(%dma_start3A_35 : memref<8192xf32, #tpu.memory_space<hbm>>) target(%arg9 : memref<8192xf32, #tpu.memory_space<vmem>>) target_semaphore(%run_scoped3A : memref<!tpu.dma_semaphore, #tpu.memory_space<semaphore_mem>>)
      %dma_wait3A = tpu.memref_slice %arg3[%add3A_18] : memref<786432xf32, #tpu.memory_space<hbm>> -> memref<8192xf32, #tpu.memory_space<hbm>>
      %dma_wait3A_36 = tpu.memref_slice %arg3[%add3A_18] : memref<786432xf32, #tpu.memory_space<hbm>> -> memref<8192xf32, #tpu.memory_space<hbm>>
      tpu.wait_dma2 semaphore(%run_scoped3A : memref<!tpu.dma_semaphore, #tpu.memory_space<semaphore_mem>>) src(%dma_wait3A_36 : memref<8192xf32, #tpu.memory_space<hbm>>) dst(%arg9 : memref<8192xf32, #tpu.memory_space<vmem>>)
      tpu.yield
    }) : () -> ()
    "tpu.region"() ({
      %run_scoped3A = tpu.sem_alloc : memref<!tpu.dma_semaphore, #tpu.memory_space<semaphore_mem>>
      %dma_start3A = arith.constant 0 : i32
      %dma_start3A_35 = tpu.memref_slice %arg12[%dma_start3A] : memref<2048xf32, #tpu.memory_space<vmem_shared>> -> memref<2048xf32, #tpu.memory_space<vmem_shared>>
      tpu.enqueue_indirect_dma source(%arg9 : memref<8192xf32, #tpu.memory_space<vmem>>) target(%dma_start3A_35 : memref<2048xf32, #tpu.memory_space<vmem_shared>>) offsets(%arg8 : memref<8192xi32, #tpu.memory_space<vmem>>) semaphore(%run_scoped3A : memref<!tpu.dma_semaphore, #tpu.memory_space<semaphore_mem>>) {add = true}
      %dma_wait3A = arith.constant 0 : i32
      %dma_wait3A_36 = tpu.memref_slice %arg12[%dma_wait3A] : memref<2048xf32, #tpu.memory_space<vmem_shared>> -> memref<2048xf32, #tpu.memory_space<vmem_shared>>
      tpu.wait_indirect_dma semaphore(%run_scoped3A : memref<!tpu.dma_semaphore, #tpu.memory_space<semaphore_mem>>) src(%arg9 : memref<8192xf32, #tpu.memory_space<vmem>>) dst(%dma_wait3A_36 : memref<2048xf32, #tpu.memory_space<vmem_shared>>)
      tpu.yield
    }) : () -> ()
    %add3A_19 = arith.constant 262144 : i32
    %add3A_20 = arith.addi %add3A_19, %mul3A_2 : i32
    "tpu.region"() ({
      %run_scoped3A = tpu.sem_alloc : memref<!tpu.dma_semaphore, #tpu.memory_space<semaphore_mem>>
      %dma_start3A = tpu.memref_slice %arg3[%add3A_20] : memref<786432xf32, #tpu.memory_space<hbm>> -> memref<8192xf32, #tpu.memory_space<hbm>>
      %dma_start3A_35 = tpu.memref_slice %arg3[%add3A_20] : memref<786432xf32, #tpu.memory_space<hbm>> -> memref<8192xf32, #tpu.memory_space<hbm>>
      tpu.enqueue_dma source(%dma_start3A_35 : memref<8192xf32, #tpu.memory_space<hbm>>) target(%arg9 : memref<8192xf32, #tpu.memory_space<vmem>>) target_semaphore(%run_scoped3A : memref<!tpu.dma_semaphore, #tpu.memory_space<semaphore_mem>>)
      %dma_wait3A = tpu.memref_slice %arg3[%add3A_20] : memref<786432xf32, #tpu.memory_space<hbm>> -> memref<8192xf32, #tpu.memory_space<hbm>>
      %dma_wait3A_36 = tpu.memref_slice %arg3[%add3A_20] : memref<786432xf32, #tpu.memory_space<hbm>> -> memref<8192xf32, #tpu.memory_space<hbm>>
      tpu.wait_dma2 semaphore(%run_scoped3A : memref<!tpu.dma_semaphore, #tpu.memory_space<semaphore_mem>>) src(%dma_wait3A_36 : memref<8192xf32, #tpu.memory_space<hbm>>) dst(%arg9 : memref<8192xf32, #tpu.memory_space<vmem>>)
      tpu.yield
    }) : () -> ()
    "tpu.region"() ({
      %run_scoped3A = tpu.sem_alloc : memref<!tpu.dma_semaphore, #tpu.memory_space<semaphore_mem>>
      %dma_start3A = arith.constant 0 : i32
      %dma_start3A_35 = tpu.memref_slice %arg13[%dma_start3A] : memref<2048xf32, #tpu.memory_space<vmem_shared>> -> memref<2048xf32, #tpu.memory_space<vmem_shared>>
      tpu.enqueue_indirect_dma source(%arg9 : memref<8192xf32, #tpu.memory_space<vmem>>) target(%dma_start3A_35 : memref<2048xf32, #tpu.memory_space<vmem_shared>>) offsets(%arg8 : memref<8192xi32, #tpu.memory_space<vmem>>) semaphore(%run_scoped3A : memref<!tpu.dma_semaphore, #tpu.memory_space<semaphore_mem>>) {add = true}
      %dma_wait3A = arith.constant 0 : i32
      %dma_wait3A_36 = tpu.memref_slice %arg13[%dma_wait3A] : memref<2048xf32, #tpu.memory_space<vmem_shared>> -> memref<2048xf32, #tpu.memory_space<vmem_shared>>
      tpu.wait_indirect_dma semaphore(%run_scoped3A : memref<!tpu.dma_semaphore, #tpu.memory_space<semaphore_mem>>) src(%arg9 : memref<8192xf32, #tpu.memory_space<vmem>>) dst(%dma_wait3A_36 : memref<2048xf32, #tpu.memory_space<vmem_shared>>)
      tpu.yield
    }) : () -> ()
    %add3A_21 = arith.constant 524288 : i32
    %add3A_22 = arith.addi %add3A_21, %mul3A_2 : i32
    "tpu.region"() ({
      %run_scoped3A = tpu.sem_alloc : memref<!tpu.dma_semaphore, #tpu.memory_space<semaphore_mem>>
      %dma_start3A = tpu.memref_slice %arg3[%add3A_22] : memref<786432xf32, #tpu.memory_space<hbm>> -> memref<8192xf32, #tpu.memory_space<hbm>>
      %dma_start3A_35 = tpu.memref_slice %arg3[%add3A_22] : memref<786432xf32, #tpu.memory_space<hbm>> -> memref<8192xf32, #tpu.memory_space<hbm>>
      tpu.enqueue_dma source(%dma_start3A_35 : memref<8192xf32, #tpu.memory_space<hbm>>) target(%arg9 : memref<8192xf32, #tpu.memory_space<vmem>>) target_semaphore(%run_scoped3A : memref<!tpu.dma_semaphore, #tpu.memory_space<semaphore_mem>>)
      %dma_wait3A = tpu.memref_slice %arg3[%add3A_22] : memref<786432xf32, #tpu.memory_space<hbm>> -> memref<8192xf32, #tpu.memory_space<hbm>>
      %dma_wait3A_36 = tpu.memref_slice %arg3[%add3A_22] : memref<786432xf32, #tpu.memory_space<hbm>> -> memref<8192xf32, #tpu.memory_space<hbm>>
      tpu.wait_dma2 semaphore(%run_scoped3A : memref<!tpu.dma_semaphore, #tpu.memory_space<semaphore_mem>>) src(%dma_wait3A_36 : memref<8192xf32, #tpu.memory_space<hbm>>) dst(%arg9 : memref<8192xf32, #tpu.memory_space<vmem>>)
      tpu.yield
    }) : () -> ()
    "tpu.region"() ({
      %run_scoped3A = tpu.sem_alloc : memref<!tpu.dma_semaphore, #tpu.memory_space<semaphore_mem>>
      %dma_start3A = arith.constant 0 : i32
      %dma_start3A_35 = tpu.memref_slice %arg14[%dma_start3A] : memref<2048xf32, #tpu.memory_space<vmem_shared>> -> memref<2048xf32, #tpu.memory_space<vmem_shared>>
      tpu.enqueue_indirect_dma source(%arg9 : memref<8192xf32, #tpu.memory_space<vmem>>) target(%dma_start3A_35 : memref<2048xf32, #tpu.memory_space<vmem_shared>>) offsets(%arg8 : memref<8192xi32, #tpu.memory_space<vmem>>) semaphore(%run_scoped3A : memref<!tpu.dma_semaphore, #tpu.memory_space<semaphore_mem>>) {add = true}
      %dma_wait3A = arith.constant 0 : i32
      %dma_wait3A_36 = tpu.memref_slice %arg14[%dma_wait3A] : memref<2048xf32, #tpu.memory_space<vmem_shared>> -> memref<2048xf32, #tpu.memory_space<vmem_shared>>
      tpu.wait_indirect_dma semaphore(%run_scoped3A : memref<!tpu.dma_semaphore, #tpu.memory_space<semaphore_mem>>) src(%arg9 : memref<8192xf32, #tpu.memory_space<vmem>>) dst(%dma_wait3A_36 : memref<2048xf32, #tpu.memory_space<vmem_shared>>)
      tpu.yield
    }) : () -> ()
    %add3A_23 = arith.constant 0 : i32
    %add3A_24 = arith.addi %add3A_23, %mul3A_2 : i32
    "tpu.region"() ({
      %run_scoped3A = tpu.sem_alloc : memref<!tpu.dma_semaphore, #tpu.memory_space<semaphore_mem>>
      %dma_start3A = tpu.memref_slice %arg4[%add3A_24] : memref<786432xf32, #tpu.memory_space<hbm>> -> memref<8192xf32, #tpu.memory_space<hbm>>
      %dma_start3A_35 = tpu.memref_slice %arg4[%add3A_24] : memref<786432xf32, #tpu.memory_space<hbm>> -> memref<8192xf32, #tpu.memory_space<hbm>>
      tpu.enqueue_dma source(%dma_start3A_35 : memref<8192xf32, #tpu.memory_space<hbm>>) target(%arg9 : memref<8192xf32, #tpu.memory_space<vmem>>) target_semaphore(%run_scoped3A : memref<!tpu.dma_semaphore, #tpu.memory_space<semaphore_mem>>)
      %dma_wait3A = tpu.memref_slice %arg4[%add3A_24] : memref<786432xf32, #tpu.memory_space<hbm>> -> memref<8192xf32, #tpu.memory_space<hbm>>
      %dma_wait3A_36 = tpu.memref_slice %arg4[%add3A_24] : memref<786432xf32, #tpu.memory_space<hbm>> -> memref<8192xf32, #tpu.memory_space<hbm>>
      tpu.wait_dma2 semaphore(%run_scoped3A : memref<!tpu.dma_semaphore, #tpu.memory_space<semaphore_mem>>) src(%dma_wait3A_36 : memref<8192xf32, #tpu.memory_space<hbm>>) dst(%arg9 : memref<8192xf32, #tpu.memory_space<vmem>>)
      tpu.yield
    }) : () -> ()
    "tpu.region"() ({
      %run_scoped3A = tpu.sem_alloc : memref<!tpu.dma_semaphore, #tpu.memory_space<semaphore_mem>>
      %dma_start3A = arith.constant 0 : i32
      %dma_start3A_35 = tpu.memref_slice %arg15[%dma_start3A] : memref<2048xf32, #tpu.memory_space<vmem_shared>> -> memref<2048xf32, #tpu.memory_space<vmem_shared>>
      tpu.enqueue_indirect_dma source(%arg9 : memref<8192xf32, #tpu.memory_space<vmem>>) target(%dma_start3A_35 : memref<2048xf32, #tpu.memory_space<vmem_shared>>) offsets(%arg8 : memref<8192xi32, #tpu.memory_space<vmem>>) semaphore(%run_scoped3A : memref<!tpu.dma_semaphore, #tpu.memory_space<semaphore_mem>>) {add = true}
      %dma_wait3A = arith.constant 0 : i32
      %dma_wait3A_36 = tpu.memref_slice %arg15[%dma_wait3A] : memref<2048xf32, #tpu.memory_space<vmem_shared>> -> memref<2048xf32, #tpu.memory_space<vmem_shared>>
      tpu.wait_indirect_dma semaphore(%run_scoped3A : memref<!tpu.dma_semaphore, #tpu.memory_space<semaphore_mem>>) src(%arg9 : memref<8192xf32, #tpu.memory_space<vmem>>) dst(%dma_wait3A_36 : memref<2048xf32, #tpu.memory_space<vmem_shared>>)
      tpu.yield
    }) : () -> ()
    %add3A_25 = arith.constant 262144 : i32
    %add3A_26 = arith.addi %add3A_25, %mul3A_2 : i32
    "tpu.region"() ({
      %run_scoped3A = tpu.sem_alloc : memref<!tpu.dma_semaphore, #tpu.memory_space<semaphore_mem>>
      %dma_start3A = tpu.memref_slice %arg4[%add3A_26] : memref<786432xf32, #tpu.memory_space<hbm>> -> memref<8192xf32, #tpu.memory_space<hbm>>
      %dma_start3A_35 = tpu.memref_slice %arg4[%add3A_26] : memref<786432xf32, #tpu.memory_space<hbm>> -> memref<8192xf32, #tpu.memory_space<hbm>>
      tpu.enqueue_dma source(%dma_start3A_35 : memref<8192xf32, #tpu.memory_space<hbm>>) target(%arg9 : memref<8192xf32, #tpu.memory_space<vmem>>) target_semaphore(%run_scoped3A : memref<!tpu.dma_semaphore, #tpu.memory_space<semaphore_mem>>)
      %dma_wait3A = tpu.memref_slice %arg4[%add3A_26] : memref<786432xf32, #tpu.memory_space<hbm>> -> memref<8192xf32, #tpu.memory_space<hbm>>
      %dma_wait3A_36 = tpu.memref_slice %arg4[%add3A_26] : memref<786432xf32, #tpu.memory_space<hbm>> -> memref<8192xf32, #tpu.memory_space<hbm>>
      tpu.wait_dma2 semaphore(%run_scoped3A : memref<!tpu.dma_semaphore, #tpu.memory_space<semaphore_mem>>) src(%dma_wait3A_36 : memref<8192xf32, #tpu.memory_space<hbm>>) dst(%arg9 : memref<8192xf32, #tpu.memory_space<vmem>>)
      tpu.yield
    }) : () -> ()
    "tpu.region"() ({
      %run_scoped3A = tpu.sem_alloc : memref<!tpu.dma_semaphore, #tpu.memory_space<semaphore_mem>>
      %dma_start3A = arith.constant 0 : i32
      %dma_start3A_35 = tpu.memref_slice %arg16[%dma_start3A] : memref<2048xf32, #tpu.memory_space<vmem_shared>> -> memref<2048xf32, #tpu.memory_space<vmem_shared>>
      tpu.enqueue_indirect_dma source(%arg9 : memref<8192xf32, #tpu.memory_space<vmem>>) target(%dma_start3A_35 : memref<2048xf32, #tpu.memory_space<vmem_shared>>) offsets(%arg8 : memref<8192xi32, #tpu.memory_space<vmem>>) semaphore(%run_scoped3A : memref<!tpu.dma_semaphore, #tpu.memory_space<semaphore_mem>>) {add = true}
      %dma_wait3A = arith.constant 0 : i32
      %dma_wait3A_36 = tpu.memref_slice %arg16[%dma_wait3A] : memref<2048xf32, #tpu.memory_space<vmem_shared>> -> memref<2048xf32, #tpu.memory_space<vmem_shared>>
      tpu.wait_indirect_dma semaphore(%run_scoped3A : memref<!tpu.dma_semaphore, #tpu.memory_space<semaphore_mem>>) src(%arg9 : memref<8192xf32, #tpu.memory_space<vmem>>) dst(%dma_wait3A_36 : memref<2048xf32, #tpu.memory_space<vmem_shared>>)
      tpu.yield
    }) : () -> ()
    %add3A_27 = arith.constant 524288 : i32
    %add3A_28 = arith.addi %add3A_27, %mul3A_2 : i32
    "tpu.region"() ({
      %run_scoped3A = tpu.sem_alloc : memref<!tpu.dma_semaphore, #tpu.memory_space<semaphore_mem>>
      %dma_start3A = tpu.memref_slice %arg4[%add3A_28] : memref<786432xf32, #tpu.memory_space<hbm>> -> memref<8192xf32, #tpu.memory_space<hbm>>
      %dma_start3A_35 = tpu.memref_slice %arg4[%add3A_28] : memref<786432xf32, #tpu.memory_space<hbm>> -> memref<8192xf32, #tpu.memory_space<hbm>>
      tpu.enqueue_dma source(%dma_start3A_35 : memref<8192xf32, #tpu.memory_space<hbm>>) target(%arg9 : memref<8192xf32, #tpu.memory_space<vmem>>) target_semaphore(%run_scoped3A : memref<!tpu.dma_semaphore, #tpu.memory_space<semaphore_mem>>)
      %dma_wait3A = tpu.memref_slice %arg4[%add3A_28] : memref<786432xf32, #tpu.memory_space<hbm>> -> memref<8192xf32, #tpu.memory_space<hbm>>
      %dma_wait3A_36 = tpu.memref_slice %arg4[%add3A_28] : memref<786432xf32, #tpu.memory_space<hbm>> -> memref<8192xf32, #tpu.memory_space<hbm>>
      tpu.wait_dma2 semaphore(%run_scoped3A : memref<!tpu.dma_semaphore, #tpu.memory_space<semaphore_mem>>) src(%dma_wait3A_36 : memref<8192xf32, #tpu.memory_space<hbm>>) dst(%arg9 : memref<8192xf32, #tpu.memory_space<vmem>>)
      tpu.yield
    }) : () -> ()
    "tpu.region"() ({
      %run_scoped3A = tpu.sem_alloc : memref<!tpu.dma_semaphore, #tpu.memory_space<semaphore_mem>>
      %dma_start3A = arith.constant 0 : i32
      %dma_start3A_35 = tpu.memref_slice %arg17[%dma_start3A] : memref<2048xf32, #tpu.memory_space<vmem_shared>> -> memref<2048xf32, #tpu.memory_space<vmem_shared>>
      tpu.enqueue_indirect_dma source(%arg9 : memref<8192xf32, #tpu.memory_space<vmem>>) target(%dma_start3A_35 : memref<2048xf32, #tpu.memory_space<vmem_shared>>) offsets(%arg8 : memref<8192xi32, #tpu.memory_space<vmem>>) semaphore(%run_scoped3A : memref<!tpu.dma_semaphore, #tpu.memory_space<semaphore_mem>>) {add = true}
      %dma_wait3A = arith.constant 0 : i32
      %dma_wait3A_36 = tpu.memref_slice %arg17[%dma_wait3A] : memref<2048xf32, #tpu.memory_space<vmem_shared>> -> memref<2048xf32, #tpu.memory_space<vmem_shared>>
      tpu.wait_indirect_dma semaphore(%run_scoped3A : memref<!tpu.dma_semaphore, #tpu.memory_space<semaphore_mem>>) src(%arg9 : memref<8192xf32, #tpu.memory_space<vmem>>) dst(%dma_wait3A_36 : memref<2048xf32, #tpu.memory_space<vmem_shared>>)
      tpu.yield
    }) : () -> ()
    "tpu.region"() ({
      %run_scoped3A = tpu.sem_alloc : memref<!tpu.dma_semaphore, #tpu.memory_space<semaphore_mem>>
      %dma_start3A = arith.constant 0 : i32
      %dma_start3A_35 = tpu.memref_slice %arg18[%dma_start3A] : memref<2048xf32, #tpu.memory_space<vmem_shared>> -> memref<2048xf32, #tpu.memory_space<vmem_shared>>
      tpu.enqueue_indirect_dma source(%arg10 : memref<8192xf32, #tpu.memory_space<vmem>>) target(%dma_start3A_35 : memref<2048xf32, #tpu.memory_space<vmem_shared>>) offsets(%arg8 : memref<8192xi32, #tpu.memory_space<vmem>>) semaphore(%run_scoped3A : memref<!tpu.dma_semaphore, #tpu.memory_space<semaphore_mem>>) {add = true}
      %dma_wait3A = arith.constant 0 : i32
      %dma_wait3A_36 = tpu.memref_slice %arg18[%dma_wait3A] : memref<2048xf32, #tpu.memory_space<vmem_shared>> -> memref<2048xf32, #tpu.memory_space<vmem_shared>>
      tpu.wait_indirect_dma semaphore(%run_scoped3A : memref<!tpu.dma_semaphore, #tpu.memory_space<semaphore_mem>>) src(%arg10 : memref<8192xf32, #tpu.memory_space<vmem>>) dst(%dma_wait3A_36 : memref<2048xf32, #tpu.memory_space<vmem_shared>>)
      tpu.yield
    }) : () -> ()
    %barrier3A_29 = arith.constant 0 : index
    tpu.barrier barrier_id(%barrier3A_29)
    %eq3A_30 = arith.constant 0 : i32
    %eq3A_31 = arith.cmpi eq, %arg1, %eq3A_30 : i32
    %convert_element_type3A_32 = arith.extui %eq3A_31 : i1 to i32
    %cond3A_33 = arith.constant 0 : i32
    %cond3A_34 = arith.cmpi ne, %convert_element_type3A_32, %cond3A_33 : i32
    scf.if %cond3A_34 {
      %mul3A_35 = arith.constant 3 : i32
      %mul3A_36 = arith.muli %arg0, %mul3A_35 : i32
      %add3A_37 = arith.constant 0 : i32
      %add3A_38 = arith.addi %mul3A_36, %add3A_37 : i32
      "tpu.region"() ({
        %run_scoped3A = tpu.sem_alloc : memref<!tpu.dma_semaphore, #tpu.memory_space<semaphore_mem>>
        %dma_start3A = arith.constant 0 : i32
        %dma_start3A_59 = tpu.memref_slice %arg5[%add3A_38, %dma_start3A] : memref<6x2048xf32, #tpu.memory_space<hbm>> -> memref<1x2048xf32, #tpu.memory_space<hbm>>
        %dma_start3A_60 = tpu.memref_squeeze %dma_start3A_59 : memref<1x2048xf32, #tpu.memory_space<hbm>> -> memref<2048xf32, #tpu.memory_space<hbm>>
        tpu.enqueue_dma source(%arg12 : memref<2048xf32, #tpu.memory_space<vmem_shared>>) target(%dma_start3A_60 : memref<2048xf32, #tpu.memory_space<hbm>>) target_semaphore(%run_scoped3A : memref<!tpu.dma_semaphore, #tpu.memory_space<semaphore_mem>>)
        %dma_wait3A = arith.constant 0 : i32
        %dma_wait3A_61 = tpu.memref_slice %arg5[%add3A_38, %dma_wait3A] : memref<6x2048xf32, #tpu.memory_space<hbm>> -> memref<1x2048xf32, #tpu.memory_space<hbm>>
        %dma_wait3A_62 = tpu.memref_squeeze %dma_wait3A_61 : memref<1x2048xf32, #tpu.memory_space<hbm>> -> memref<2048xf32, #tpu.memory_space<hbm>>
        tpu.wait_dma2 semaphore(%run_scoped3A : memref<!tpu.dma_semaphore, #tpu.memory_space<semaphore_mem>>) src(%arg12 : memref<2048xf32, #tpu.memory_space<vmem_shared>>) dst(%dma_wait3A_62 : memref<2048xf32, #tpu.memory_space<hbm>>)
        tpu.yield
      }) : () -> ()
      %mul3A_39 = arith.constant 3 : i32
      %mul3A_40 = arith.muli %arg0, %mul3A_39 : i32
      %add3A_41 = arith.constant 1 : i32
      %add3A_42 = arith.addi %mul3A_40, %add3A_41 : i32
      "tpu.region"() ({
        %run_scoped3A = tpu.sem_alloc : memref<!tpu.dma_semaphore, #tpu.memory_space<semaphore_mem>>
        %dma_start3A = arith.constant 0 : i32
        %dma_start3A_59 = tpu.memref_slice %arg5[%add3A_42, %dma_start3A] : memref<6x2048xf32, #tpu.memory_space<hbm>> -> memref<1x2048xf32, #tpu.memory_space<hbm>>
        %dma_start3A_60 = tpu.memref_squeeze %dma_start3A_59 : memref<1x2048xf32, #tpu.memory_space<hbm>> -> memref<2048xf32, #tpu.memory_space<hbm>>
        tpu.enqueue_dma source(%arg13 : memref<2048xf32, #tpu.memory_space<vmem_shared>>) target(%dma_start3A_60 : memref<2048xf32, #tpu.memory_space<hbm>>) target_semaphore(%run_scoped3A : memref<!tpu.dma_semaphore, #tpu.memory_space<semaphore_mem>>)
        %dma_wait3A = arith.constant 0 : i32
        %dma_wait3A_61 = tpu.memref_slice %arg5[%add3A_42, %dma_wait3A] : memref<6x2048xf32, #tpu.memory_space<hbm>> -> memref<1x2048xf32, #tpu.memory_space<hbm>>
        %dma_wait3A_62 = tpu.memref_squeeze %dma_wait3A_61 : memref<1x2048xf32, #tpu.memory_space<hbm>> -> memref<2048xf32, #tpu.memory_space<hbm>>
        tpu.wait_dma2 semaphore(%run_scoped3A : memref<!tpu.dma_semaphore, #tpu.memory_space<semaphore_mem>>) src(%arg13 : memref<2048xf32, #tpu.memory_space<vmem_shared>>) dst(%dma_wait3A_62 : memref<2048xf32, #tpu.memory_space<hbm>>)
        tpu.yield
      }) : () -> ()
      %mul3A_43 = arith.constant 3 : i32
      %mul3A_44 = arith.muli %arg0, %mul3A_43 : i32
      %add3A_45 = arith.constant 2 : i32
      %add3A_46 = arith.addi %mul3A_44, %add3A_45 : i32
      "tpu.region"() ({
        %run_scoped3A = tpu.sem_alloc : memref<!tpu.dma_semaphore, #tpu.memory_space<semaphore_mem>>
        %dma_start3A = arith.constant 0 : i32
        %dma_start3A_59 = tpu.memref_slice %arg5[%add3A_46, %dma_start3A] : memref<6x2048xf32, #tpu.memory_space<hbm>> -> memref<1x2048xf32, #tpu.memory_space<hbm>>
        %dma_start3A_60 = tpu.memref_squeeze %dma_start3A_59 : memref<1x2048xf32, #tpu.memory_space<hbm>> -> memref<2048xf32, #tpu.memory_space<hbm>>
        tpu.enqueue_dma source(%arg14 : memref<2048xf32, #tpu.memory_space<vmem_shared>>) target(%dma_start3A_60 : memref<2048xf32, #tpu.memory_space<hbm>>) target_semaphore(%run_scoped3A : memref<!tpu.dma_semaphore, #tpu.memory_space<semaphore_mem>>)
        %dma_wait3A = arith.constant 0 : i32
        %dma_wait3A_61 = tpu.memref_slice %arg5[%add3A_46, %dma_wait3A] : memref<6x2048xf32, #tpu.memory_space<hbm>> -> memref<1x2048xf32, #tpu.memory_space<hbm>>
        %dma_wait3A_62 = tpu.memref_squeeze %dma_wait3A_61 : memref<1x2048xf32, #tpu.memory_space<hbm>> -> memref<2048xf32, #tpu.memory_space<hbm>>
        tpu.wait_dma2 semaphore(%run_scoped3A : memref<!tpu.dma_semaphore, #tpu.memory_space<semaphore_mem>>) src(%arg14 : memref<2048xf32, #tpu.memory_space<vmem_shared>>) dst(%dma_wait3A_62 : memref<2048xf32, #tpu.memory_space<hbm>>)
        tpu.yield
      }) : () -> ()
      %mul3A_47 = arith.constant 3 : i32
      %mul3A_48 = arith.muli %arg0, %mul3A_47 : i32
      %add3A_49 = arith.constant 0 : i32
      %add3A_50 = arith.addi %mul3A_48, %add3A_49 : i32
      "tpu.region"() ({
        %run_scoped3A = tpu.sem_alloc : memref<!tpu.dma_semaphore, #tpu.memory_space<semaphore_mem>>
        %dma_start3A = arith.constant 0 : i32
        %dma_start3A_59 = tpu.memref_slice %arg6[%add3A_50, %dma_start3A] : memref<6x2048xf32, #tpu.memory_space<hbm>> -> memref<1x2048xf32, #tpu.memory_space<hbm>>
        %dma_start3A_60 = tpu.memref_squeeze %dma_start3A_59 : memref<1x2048xf32, #tpu.memory_space<hbm>> -> memref<2048xf32, #tpu.memory_space<hbm>>
        tpu.enqueue_dma source(%arg15 : memref<2048xf32, #tpu.memory_space<vmem_shared>>) target(%dma_start3A_60 : memref<2048xf32, #tpu.memory_space<hbm>>) target_semaphore(%run_scoped3A : memref<!tpu.dma_semaphore, #tpu.memory_space<semaphore_mem>>)
        %dma_wait3A = arith.constant 0 : i32
        %dma_wait3A_61 = tpu.memref_slice %arg6[%add3A_50, %dma_wait3A] : memref<6x2048xf32, #tpu.memory_space<hbm>> -> memref<1x2048xf32, #tpu.memory_space<hbm>>
        %dma_wait3A_62 = tpu.memref_squeeze %dma_wait3A_61 : memref<1x2048xf32, #tpu.memory_space<hbm>> -> memref<2048xf32, #tpu.memory_space<hbm>>
        tpu.wait_dma2 semaphore(%run_scoped3A : memref<!tpu.dma_semaphore, #tpu.memory_space<semaphore_mem>>) src(%arg15 : memref<2048xf32, #tpu.memory_space<vmem_shared>>) dst(%dma_wait3A_62 : memref<2048xf32, #tpu.memory_space<hbm>>)
        tpu.yield
      }) : () -> ()
      %mul3A_51 = arith.constant 3 : i32
      %mul3A_52 = arith.muli %arg0, %mul3A_51 : i32
      %add3A_53 = arith.constant 1 : i32
      %add3A_54 = arith.addi %mul3A_52, %add3A_53 : i32
      "tpu.region"() ({
        %run_scoped3A = tpu.sem_alloc : memref<!tpu.dma_semaphore, #tpu.memory_space<semaphore_mem>>
        %dma_start3A = arith.constant 0 : i32
        %dma_start3A_59 = tpu.memref_slice %arg6[%add3A_54, %dma_start3A] : memref<6x2048xf32, #tpu.memory_space<hbm>> -> memref<1x2048xf32, #tpu.memory_space<hbm>>
        %dma_start3A_60 = tpu.memref_squeeze %dma_start3A_59 : memref<1x2048xf32, #tpu.memory_space<hbm>> -> memref<2048xf32, #tpu.memory_space<hbm>>
        tpu.enqueue_dma source(%arg16 : memref<2048xf32, #tpu.memory_space<vmem_shared>>) target(%dma_start3A_60 : memref<2048xf32, #tpu.memory_space<hbm>>) target_semaphore(%run_scoped3A : memref<!tpu.dma_semaphore, #tpu.memory_space<semaphore_mem>>)
        %dma_wait3A = arith.constant 0 : i32
        %dma_wait3A_61 = tpu.memref_slice %arg6[%add3A_54, %dma_wait3A] : memref<6x2048xf32, #tpu.memory_space<hbm>> -> memref<1x2048xf32, #tpu.memory_space<hbm>>
        %dma_wait3A_62 = tpu.memref_squeeze %dma_wait3A_61 : memref<1x2048xf32, #tpu.memory_space<hbm>> -> memref<2048xf32, #tpu.memory_space<hbm>>
        tpu.wait_dma2 semaphore(%run_scoped3A : memref<!tpu.dma_semaphore, #tpu.memory_space<semaphore_mem>>) src(%arg16 : memref<2048xf32, #tpu.memory_space<vmem_shared>>) dst(%dma_wait3A_62 : memref<2048xf32, #tpu.memory_space<hbm>>)
        tpu.yield
      }) : () -> ()
      %mul3A_55 = arith.constant 3 : i32
      %mul3A_56 = arith.muli %arg0, %mul3A_55 : i32
      %add3A_57 = arith.constant 2 : i32
      %add3A_58 = arith.addi %mul3A_56, %add3A_57 : i32
      "tpu.region"() ({
        %run_scoped3A = tpu.sem_alloc : memref<!tpu.dma_semaphore, #tpu.memory_space<semaphore_mem>>
        %dma_start3A = arith.constant 0 : i32
        %dma_start3A_59 = tpu.memref_slice %arg6[%add3A_58, %dma_start3A] : memref<6x2048xf32, #tpu.memory_space<hbm>> -> memref<1x2048xf32, #tpu.memory_space<hbm>>
        %dma_start3A_60 = tpu.memref_squeeze %dma_start3A_59 : memref<1x2048xf32, #tpu.memory_space<hbm>> -> memref<2048xf32, #tpu.memory_space<hbm>>
        tpu.enqueue_dma source(%arg17 : memref<2048xf32, #tpu.memory_space<vmem_shared>>) target(%dma_start3A_60 : memref<2048xf32, #tpu.memory_space<hbm>>) target_semaphore(%run_scoped3A : memref<!tpu.dma_semaphore, #tpu.memory_space<semaphore_mem>>)
        %dma_wait3A = arith.constant 0 : i32
        %dma_wait3A_61 = tpu.memref_slice %arg6[%add3A_58, %dma_wait3A] : memref<6x2048xf32, #tpu.memory_space<hbm>> -> memref<1x2048xf32, #tpu.memory_space<hbm>>
        %dma_wait3A_62 = tpu.memref_squeeze %dma_wait3A_61 : memref<1x2048xf32, #tpu.memory_space<hbm>> -> memref<2048xf32, #tpu.memory_space<hbm>>
        tpu.wait_dma2 semaphore(%run_scoped3A : memref<!tpu.dma_semaphore, #tpu.memory_space<semaphore_mem>>) src(%arg17 : memref<2048xf32, #tpu.memory_space<vmem_shared>>) dst(%dma_wait3A_62 : memref<2048xf32, #tpu.memory_space<hbm>>)
        tpu.yield
      }) : () -> ()
      "tpu.region"() ({
        %run_scoped3A = tpu.sem_alloc : memref<!tpu.dma_semaphore, #tpu.memory_space<semaphore_mem>>
        %dma_start3A = arith.constant 0 : i32
        %dma_start3A_59 = tpu.memref_slice %arg7[%arg0, %dma_start3A] : memref<2x2048xf32, #tpu.memory_space<hbm>> -> memref<1x2048xf32, #tpu.memory_space<hbm>>
        %dma_start3A_60 = tpu.memref_squeeze %dma_start3A_59 : memref<1x2048xf32, #tpu.memory_space<hbm>> -> memref<2048xf32, #tpu.memory_space<hbm>>
        tpu.enqueue_dma source(%arg18 : memref<2048xf32, #tpu.memory_space<vmem_shared>>) target(%dma_start3A_60 : memref<2048xf32, #tpu.memory_space<hbm>>) target_semaphore(%run_scoped3A : memref<!tpu.dma_semaphore, #tpu.memory_space<semaphore_mem>>)
        %dma_wait3A = arith.constant 0 : i32
        %dma_wait3A_61 = tpu.memref_slice %arg7[%arg0, %dma_wait3A] : memref<2x2048xf32, #tpu.memory_space<hbm>> -> memref<1x2048xf32, #tpu.memory_space<hbm>>
        %dma_wait3A_62 = tpu.memref_squeeze %dma_wait3A_61 : memref<1x2048xf32, #tpu.memory_space<hbm>> -> memref<2048xf32, #tpu.memory_space<hbm>>
        tpu.wait_dma2 semaphore(%run_scoped3A : memref<!tpu.dma_semaphore, #tpu.memory_space<semaphore_mem>>) src(%arg18 : memref<2048xf32, #tpu.memory_space<vmem_shared>>) dst(%dma_wait3A_62 : memref<2048xf32, #tpu.memory_space<hbm>>)
        tpu.yield
      }) : () -> ()
    } else {
    }
    return
  }
}

#map = affine_map<(d0, d1) -> (0)>
#map1 = affine_map<(d0, d1) -> (0, 0)>
module attributes {stable_mosaic.version = 14 : i64} {
  func.func @_center_diffuse_body(%arg0: i32, %arg1: i32, %arg2: memref<262144xi32, #tpu.memory_space<hbm>>, %arg3: memref<262144xf32, #tpu.memory_space<hbm>>, %arg4: memref<786432xf32, #tpu.memory_space<hbm>>, %arg5: memref<786432xf32, #tpu.memory_space<hbm>>, %arg6: memref<786432xf32, #tpu.memory_space<hbm>>, %arg7: memref<6x2048xf32, #tpu.memory_space<hbm>>, %arg8: memref<6x2048xf32, #tpu.memory_space<hbm>>, %arg9: memref<2x2048xf32, #tpu.memory_space<hbm>>, %arg10: memref<786432xf32, #tpu.memory_space<hbm>>, %arg11: memref<786432xf32, #tpu.memory_space<hbm>>, %arg12: memref<786432xf32, #tpu.memory_space<hbm>>, %arg13: memref<786432xf32, #tpu.memory_space<hbm>>, %arg14: memref<6x2048xf32, #tpu.memory_space<hbm>>, %arg15: memref<4096xi32, #tpu.memory_space<vmem>>, %arg16: memref<4096xf32, #tpu.memory_space<vmem>>, %arg17: memref<4096xf32, #tpu.memory_space<vmem>>, %arg18: memref<4096xf32, #tpu.memory_space<vmem>>, %arg19: memref<4096xf32, #tpu.memory_space<vmem>>, %arg20: memref<4096xf32, #tpu.memory_space<vmem>>, %arg21: memref<4096xf32, #tpu.memory_space<vmem>>, %arg22: memref<4096xf32, #tpu.memory_space<vmem>>, %arg23: memref<4096xf32, #tpu.memory_space<vmem>>, %arg24: memref<4096xf32, #tpu.memory_space<vmem>>, %arg25: memref<4096xf32, #tpu.memory_space<vmem>>, %arg26: memref<4096xf32, #tpu.memory_space<vmem>>, %arg27: memref<4096xf32, #tpu.memory_space<vmem>>, %arg28: memref<4096xf32, #tpu.memory_space<vmem>>, %arg29: memref<4096xf32, #tpu.memory_space<vmem>>, %arg30: memref<4096xf32, #tpu.memory_space<vmem>>, %arg31: memref<4096xf32, #tpu.memory_space<vmem>>, %arg32: memref<4096xf32, #tpu.memory_space<vmem>>, %arg33: memref<2048xf32, #tpu.memory_space<vmem>>, %arg34: memref<2048xf32, #tpu.memory_space<vmem>>, %arg35: memref<2048xf32, #tpu.memory_space<vmem>>, %arg36: memref<2048xf32, #tpu.memory_space<vmem>>, %arg37: memref<2048xf32, #tpu.memory_space<vmem>>, %arg38: memref<2048xf32, #tpu.memory_space<vmem>>, %arg39: memref<2048xf32, #tpu.memory_space<vmem>>, %arg40: memref<2048xf32, #tpu.memory_space<vmem>>, %arg41: memref<2048xf32, #tpu.memory_space<vmem_shared>>, %arg42: memref<2048xf32, #tpu.memory_space<vmem_shared>>, %arg43: memref<2048xf32, #tpu.memory_space<vmem_shared>>) attributes {dimension_semantics = [#tpu.dimension_semantics<core_parallel>, #tpu.dimension_semantics<subcore_parallel>], iteration_bounds = array<i64: 2, 16>, scalar_prefetch = 0 : i64, scratch_operands = 29 : i64, tpu.core_type = #tpu.core_type<sc_vector_subcore>, window_params = [{transform_indices = #map}, {transform_indices = #map}, {transform_indices = #map}, {transform_indices = #map}, {transform_indices = #map}, {transform_indices = #map1}, {transform_indices = #map1}, {transform_indices = #map1}, {transform_indices = #map}, {transform_indices = #map}, {transform_indices = #map}, {transform_indices = #map}, {transform_indices = #map1}]} {
    %mul3A = arith.constant 2 : i32
    %mul3A_0 = arith.muli %arg1, %mul3A : i32
    %add3A = arith.addi %mul3A_0, %arg0 : i32
    %broadcast_in_dim3A = arith.constant 0.000000e+00 : f32
    %broadcast_in_dim3A_1 = vector.broadcast %broadcast_in_dim3A : f32 to vector<16xf32>
    %scan3A = arith.constant 0 : i32
    %scan3A_2 = arith.constant 128 : i32
    %scan3A_3 = arith.addi %scan3A, %scan3A_2 : i32
    %scan3A_4 = arith.constant 1 : i32
    scf.for %scan3A_174 = %scan3A to %scan3A_3 step %scan3A_4  : i32 {
      %mul3A_175 = arith.constant 1 : i32
      %mul3A_176 = arith.muli %scan3A_174, %mul3A_175 : i32
      %add3A_177 = arith.constant 0 : i32
      %add3A_178 = arith.addi %add3A_177, %mul3A_176 : i32
      %mul3A_179 = arith.constant 16 : i32
      %mul3A_180 = arith.muli %add3A_178, %mul3A_179 : i32
      %swap3A = arith.index_cast %mul3A_180 : i32 to index
      %swap3A_181 = tpu.vector_load %arg40[%swap3A] {strides = array<i32>} : memref<2048xf32, #tpu.memory_space<vmem>>, vector<16xf32>,
      tpu.vector_store %arg40[%swap3A], %broadcast_in_dim3A_1 {strides = array<i32>} : memref<2048xf32, #tpu.memory_space<vmem>>, vector<16xf32>,
    }
    %scan3A_5 = arith.constant 128 : i32
    %eq3A = arith.constant 0 : i32
    %eq3A_6 = arith.cmpi eq, %arg1, %eq3A : i32
    %convert_element_type3A = arith.extui %eq3A_6 : i1 to i32
    %cond3A = arith.constant 0 : i32
    %cond3A_7 = arith.cmpi ne, %convert_element_type3A, %cond3A : i32
    scf.if %cond3A_7 {
      "tpu.region"() ({
        %run_scoped3A_174 = tpu.sem_alloc : memref<!tpu.dma_semaphore, #tpu.memory_space<semaphore_mem>>
        tpu.enqueue_dma source(%arg40 : memref<2048xf32, #tpu.memory_space<vmem>>) target(%arg41 : memref<2048xf32, #tpu.memory_space<vmem_shared>>) target_semaphore(%run_scoped3A_174 : memref<!tpu.dma_semaphore, #tpu.memory_space<semaphore_mem>>)
        tpu.wait_dma2 semaphore(%run_scoped3A_174 : memref<!tpu.dma_semaphore, #tpu.memory_space<semaphore_mem>>) src(%arg40 : memref<2048xf32, #tpu.memory_space<vmem>>) dst(%arg41 : memref<2048xf32, #tpu.memory_space<vmem_shared>>)
        tpu.yield
      }) : () -> ()
      "tpu.region"() ({
        %run_scoped3A_174 = tpu.sem_alloc : memref<!tpu.dma_semaphore, #tpu.memory_space<semaphore_mem>>
        tpu.enqueue_dma source(%arg40 : memref<2048xf32, #tpu.memory_space<vmem>>) target(%arg42 : memref<2048xf32, #tpu.memory_space<vmem_shared>>) target_semaphore(%run_scoped3A_174 : memref<!tpu.dma_semaphore, #tpu.memory_space<semaphore_mem>>)
        tpu.wait_dma2 semaphore(%run_scoped3A_174 : memref<!tpu.dma_semaphore, #tpu.memory_space<semaphore_mem>>) src(%arg40 : memref<2048xf32, #tpu.memory_space<vmem>>) dst(%arg42 : memref<2048xf32, #tpu.memory_space<vmem_shared>>)
        tpu.yield
      }) : () -> ()
      "tpu.region"() ({
        %run_scoped3A_174 = tpu.sem_alloc : memref<!tpu.dma_semaphore, #tpu.memory_space<semaphore_mem>>
        tpu.enqueue_dma source(%arg40 : memref<2048xf32, #tpu.memory_space<vmem>>) target(%arg43 : memref<2048xf32, #tpu.memory_space<vmem_shared>>) target_semaphore(%run_scoped3A_174 : memref<!tpu.dma_semaphore, #tpu.memory_space<semaphore_mem>>)
        tpu.wait_dma2 semaphore(%run_scoped3A_174 : memref<!tpu.dma_semaphore, #tpu.memory_space<semaphore_mem>>) src(%arg40 : memref<2048xf32, #tpu.memory_space<vmem>>) dst(%arg43 : memref<2048xf32, #tpu.memory_space<vmem_shared>>)
        tpu.yield
      }) : () -> ()
    } else {
    }
    %run_scoped3A = arith.constant 0 : i32
    "tpu.region"() ({
      %run_scoped3A_174 = tpu.sem_alloc : memref<!tpu.dma_semaphore, #tpu.memory_space<semaphore_mem>>
      %dma_start3A = arith.constant 0 : i32
      %dma_start3A_175 = tpu.memref_slice %arg9[%run_scoped3A, %dma_start3A] : memref<2x2048xf32, #tpu.memory_space<hbm>> -> memref<1x2048xf32, #tpu.memory_space<hbm>>
      %dma_start3A_176 = tpu.memref_squeeze %dma_start3A_175 : memref<1x2048xf32, #tpu.memory_space<hbm>> -> memref<2048xf32, #tpu.memory_space<hbm>>
      %dma_start3A_177 = arith.constant 0 : i32
      %dma_start3A_178 = tpu.memref_slice %arg9[%run_scoped3A, %dma_start3A_177] : memref<2x2048xf32, #tpu.memory_space<hbm>> -> memref<1x2048xf32, #tpu.memory_space<hbm>>
      %dma_start3A_179 = tpu.memref_squeeze %dma_start3A_178 : memref<1x2048xf32, #tpu.memory_space<hbm>> -> memref<2048xf32, #tpu.memory_space<hbm>>
      tpu.enqueue_dma source(%dma_start3A_179 : memref<2048xf32, #tpu.memory_space<hbm>>) target(%arg39 : memref<2048xf32, #tpu.memory_space<vmem>>) target_semaphore(%run_scoped3A_174 : memref<!tpu.dma_semaphore, #tpu.memory_space<semaphore_mem>>)
      %dma_wait3A = arith.constant 0 : i32
      %dma_wait3A_180 = tpu.memref_slice %arg9[%run_scoped3A, %dma_wait3A] : memref<2x2048xf32, #tpu.memory_space<hbm>> -> memref<1x2048xf32, #tpu.memory_space<hbm>>
      %dma_wait3A_181 = tpu.memref_squeeze %dma_wait3A_180 : memref<1x2048xf32, #tpu.memory_space<hbm>> -> memref<2048xf32, #tpu.memory_space<hbm>>
      %dma_wait3A_182 = arith.constant 0 : i32
      %dma_wait3A_183 = tpu.memref_slice %arg9[%run_scoped3A, %dma_wait3A_182] : memref<2x2048xf32, #tpu.memory_space<hbm>> -> memref<1x2048xf32, #tpu.memory_space<hbm>>
      %dma_wait3A_184 = tpu.memref_squeeze %dma_wait3A_183 : memref<1x2048xf32, #tpu.memory_space<hbm>> -> memref<2048xf32, #tpu.memory_space<hbm>>
      tpu.wait_dma2 semaphore(%run_scoped3A_174 : memref<!tpu.dma_semaphore, #tpu.memory_space<semaphore_mem>>) src(%dma_wait3A_184 : memref<2048xf32, #tpu.memory_space<hbm>>) dst(%arg39 : memref<2048xf32, #tpu.memory_space<vmem>>)
      tpu.yield
    }) : () -> ()
    %run_scoped3A_8 = arith.constant 1 : i32
    "tpu.region"() ({
      %run_scoped3A_174 = tpu.sem_alloc : memref<!tpu.dma_semaphore, #tpu.memory_space<semaphore_mem>>
      %dma_start3A = arith.constant 0 : i32
      %dma_start3A_175 = tpu.memref_slice %arg9[%run_scoped3A_8, %dma_start3A] : memref<2x2048xf32, #tpu.memory_space<hbm>> -> memref<1x2048xf32, #tpu.memory_space<hbm>>
      %dma_start3A_176 = tpu.memref_squeeze %dma_start3A_175 : memref<1x2048xf32, #tpu.memory_space<hbm>> -> memref<2048xf32, #tpu.memory_space<hbm>>
      %dma_start3A_177 = arith.constant 0 : i32
      %dma_start3A_178 = tpu.memref_slice %arg9[%run_scoped3A_8, %dma_start3A_177] : memref<2x2048xf32, #tpu.memory_space<hbm>> -> memref<1x2048xf32, #tpu.memory_space<hbm>>
      %dma_start3A_179 = tpu.memref_squeeze %dma_start3A_178 : memref<1x2048xf32, #tpu.memory_space<hbm>> -> memref<2048xf32, #tpu.memory_space<hbm>>
      tpu.enqueue_dma source(%dma_start3A_179 : memref<2048xf32, #tpu.memory_space<hbm>>) target(%arg40 : memref<2048xf32, #tpu.memory_space<vmem>>) target_semaphore(%run_scoped3A_174 : memref<!tpu.dma_semaphore, #tpu.memory_space<semaphore_mem>>)
      %dma_wait3A = arith.constant 0 : i32
      %dma_wait3A_180 = tpu.memref_slice %arg9[%run_scoped3A_8, %dma_wait3A] : memref<2x2048xf32, #tpu.memory_space<hbm>> -> memref<1x2048xf32, #tpu.memory_space<hbm>>
      %dma_wait3A_181 = tpu.memref_squeeze %dma_wait3A_180 : memref<1x2048xf32, #tpu.memory_space<hbm>> -> memref<2048xf32, #tpu.memory_space<hbm>>
      %dma_wait3A_182 = arith.constant 0 : i32
      %dma_wait3A_183 = tpu.memref_slice %arg9[%run_scoped3A_8, %dma_wait3A_182] : memref<2x2048xf32, #tpu.memory_space<hbm>> -> memref<1x2048xf32, #tpu.memory_space<hbm>>
      %dma_wait3A_184 = tpu.memref_squeeze %dma_wait3A_183 : memref<1x2048xf32, #tpu.memory_space<hbm>> -> memref<2048xf32, #tpu.memory_space<hbm>>
      tpu.wait_dma2 semaphore(%run_scoped3A_174 : memref<!tpu.dma_semaphore, #tpu.memory_space<semaphore_mem>>) src(%dma_wait3A_184 : memref<2048xf32, #tpu.memory_space<hbm>>) dst(%arg40 : memref<2048xf32, #tpu.memory_space<vmem>>)
      tpu.yield
    }) : () -> ()
    %scan3A_9 = arith.constant 0 : i32
    %scan3A_10 = arith.constant 128 : i32
    %scan3A_11 = arith.addi %scan3A_9, %scan3A_10 : i32
    %scan3A_12 = arith.constant 1 : i32
    scf.for %scan3A_174 = %scan3A_9 to %scan3A_11 step %scan3A_12  : i32 {
      %mul3A_175 = arith.constant 1 : i32
      %mul3A_176 = arith.muli %scan3A_174, %mul3A_175 : i32
      %add3A_177 = arith.constant 0 : i32
      %add3A_178 = arith.addi %add3A_177, %mul3A_176 : i32
      %mul3A_179 = arith.constant 16 : i32
      %mul3A_180 = arith.muli %add3A_178, %mul3A_179 : i32
      %get3A = arith.index_cast %mul3A_180 : i32 to index
      %get3A_181 = tpu.vector_load %arg39[%get3A] {strides = array<i32>} : memref<2048xf32, #tpu.memory_space<vmem>>, vector<16xf32>,
      %get3A_182 = arith.index_cast %mul3A_180 : i32 to index
      %get3A_183 = tpu.vector_load %arg40[%get3A_182] {strides = array<i32>} : memref<2048xf32, #tpu.memory_space<vmem>>, vector<16xf32>,
      %add3A_184 = arith.addf %get3A_181, %get3A_183 : vector<16xf32>
      %max3A = arith.constant 1.000000e+00 : f32
      %max3A_185 = vector.broadcast %max3A : f32 to vector<16xf32>
      %max3A_186 = arith.maximumf %add3A_184, %max3A_185 : vector<16xf32>
      %swap3A = arith.index_cast %mul3A_180 : i32 to index
      %swap3A_187 = tpu.vector_load %arg39[%swap3A] {strides = array<i32>} : memref<2048xf32, #tpu.memory_space<vmem>>, vector<16xf32>,
      tpu.vector_store %arg39[%swap3A], %max3A_186 {strides = array<i32>} : memref<2048xf32, #tpu.memory_space<vmem>>, vector<16xf32>,
    }
    %scan3A_13 = arith.constant 128 : i32
    %run_scoped3A_14 = arith.constant 0 : i32
    "tpu.region"() ({
      %run_scoped3A_174 = tpu.sem_alloc : memref<!tpu.dma_semaphore, #tpu.memory_space<semaphore_mem>>
      %dma_start3A = arith.constant 0 : i32
      %dma_start3A_175 = tpu.memref_slice %arg7[%run_scoped3A_14, %dma_start3A] : memref<6x2048xf32, #tpu.memory_space<hbm>> -> memref<1x2048xf32, #tpu.memory_space<hbm>>
      %dma_start3A_176 = tpu.memref_squeeze %dma_start3A_175 : memref<1x2048xf32, #tpu.memory_space<hbm>> -> memref<2048xf32, #tpu.memory_space<hbm>>
      %dma_start3A_177 = arith.constant 0 : i32
      %dma_start3A_178 = tpu.memref_slice %arg7[%run_scoped3A_14, %dma_start3A_177] : memref<6x2048xf32, #tpu.memory_space<hbm>> -> memref<1x2048xf32, #tpu.memory_space<hbm>>
      %dma_start3A_179 = tpu.memref_squeeze %dma_start3A_178 : memref<1x2048xf32, #tpu.memory_space<hbm>> -> memref<2048xf32, #tpu.memory_space<hbm>>
      tpu.enqueue_dma source(%dma_start3A_179 : memref<2048xf32, #tpu.memory_space<hbm>>) target(%arg33 : memref<2048xf32, #tpu.memory_space<vmem>>) target_semaphore(%run_scoped3A_174 : memref<!tpu.dma_semaphore, #tpu.memory_space<semaphore_mem>>)
      %dma_wait3A = arith.constant 0 : i32
      %dma_wait3A_180 = tpu.memref_slice %arg7[%run_scoped3A_14, %dma_wait3A] : memref<6x2048xf32, #tpu.memory_space<hbm>> -> memref<1x2048xf32, #tpu.memory_space<hbm>>
      %dma_wait3A_181 = tpu.memref_squeeze %dma_wait3A_180 : memref<1x2048xf32, #tpu.memory_space<hbm>> -> memref<2048xf32, #tpu.memory_space<hbm>>
      %dma_wait3A_182 = arith.constant 0 : i32
      %dma_wait3A_183 = tpu.memref_slice %arg7[%run_scoped3A_14, %dma_wait3A_182] : memref<6x2048xf32, #tpu.memory_space<hbm>> -> memref<1x2048xf32, #tpu.memory_space<hbm>>
      %dma_wait3A_184 = tpu.memref_squeeze %dma_wait3A_183 : memref<1x2048xf32, #tpu.memory_space<hbm>> -> memref<2048xf32, #tpu.memory_space<hbm>>
      tpu.wait_dma2 semaphore(%run_scoped3A_174 : memref<!tpu.dma_semaphore, #tpu.memory_space<semaphore_mem>>) src(%dma_wait3A_184 : memref<2048xf32, #tpu.memory_space<hbm>>) dst(%arg33 : memref<2048xf32, #tpu.memory_space<vmem>>)
      tpu.yield
    }) : () -> ()
    %run_scoped3A_15 = arith.constant 3 : i32
    "tpu.region"() ({
      %run_scoped3A_174 = tpu.sem_alloc : memref<!tpu.dma_semaphore, #tpu.memory_space<semaphore_mem>>
      %dma_start3A = arith.constant 0 : i32
      %dma_start3A_175 = tpu.memref_slice %arg7[%run_scoped3A_15, %dma_start3A] : memref<6x2048xf32, #tpu.memory_space<hbm>> -> memref<1x2048xf32, #tpu.memory_space<hbm>>
      %dma_start3A_176 = tpu.memref_squeeze %dma_start3A_175 : memref<1x2048xf32, #tpu.memory_space<hbm>> -> memref<2048xf32, #tpu.memory_space<hbm>>
      %dma_start3A_177 = arith.constant 0 : i32
      %dma_start3A_178 = tpu.memref_slice %arg7[%run_scoped3A_15, %dma_start3A_177] : memref<6x2048xf32, #tpu.memory_space<hbm>> -> memref<1x2048xf32, #tpu.memory_space<hbm>>
      %dma_start3A_179 = tpu.memref_squeeze %dma_start3A_178 : memref<1x2048xf32, #tpu.memory_space<hbm>> -> memref<2048xf32, #tpu.memory_space<hbm>>
      tpu.enqueue_dma source(%dma_start3A_179 : memref<2048xf32, #tpu.memory_space<hbm>>) target(%arg40 : memref<2048xf32, #tpu.memory_space<vmem>>) target_semaphore(%run_scoped3A_174 : memref<!tpu.dma_semaphore, #tpu.memory_space<semaphore_mem>>)
      %dma_wait3A = arith.constant 0 : i32
      %dma_wait3A_180 = tpu.memref_slice %arg7[%run_scoped3A_15, %dma_wait3A] : memref<6x2048xf32, #tpu.memory_space<hbm>> -> memref<1x2048xf32, #tpu.memory_space<hbm>>
      %dma_wait3A_181 = tpu.memref_squeeze %dma_wait3A_180 : memref<1x2048xf32, #tpu.memory_space<hbm>> -> memref<2048xf32, #tpu.memory_space<hbm>>
      %dma_wait3A_182 = arith.constant 0 : i32
      %dma_wait3A_183 = tpu.memref_slice %arg7[%run_scoped3A_15, %dma_wait3A_182] : memref<6x2048xf32, #tpu.memory_space<hbm>> -> memref<1x2048xf32, #tpu.memory_space<hbm>>
      %dma_wait3A_184 = tpu.memref_squeeze %dma_wait3A_183 : memref<1x2048xf32, #tpu.memory_space<hbm>> -> memref<2048xf32, #tpu.memory_space<hbm>>
      tpu.wait_dma2 semaphore(%run_scoped3A_174 : memref<!tpu.dma_semaphore, #tpu.memory_space<semaphore_mem>>) src(%dma_wait3A_184 : memref<2048xf32, #tpu.memory_space<hbm>>) dst(%arg40 : memref<2048xf32, #tpu.memory_space<vmem>>)
      tpu.yield
    }) : () -> ()
    %scan3A_16 = arith.constant 0 : i32
    %scan3A_17 = arith.constant 128 : i32
    %scan3A_18 = arith.addi %scan3A_16, %scan3A_17 : i32
    %scan3A_19 = arith.constant 1 : i32
    scf.for %scan3A_174 = %scan3A_16 to %scan3A_18 step %scan3A_19  : i32 {
      %mul3A_175 = arith.constant 1 : i32
      %mul3A_176 = arith.muli %scan3A_174, %mul3A_175 : i32
      %add3A_177 = arith.constant 0 : i32
      %add3A_178 = arith.addi %add3A_177, %mul3A_176 : i32
      %mul3A_179 = arith.constant 16 : i32
      %mul3A_180 = arith.muli %add3A_178, %mul3A_179 : i32
      %get3A = arith.index_cast %mul3A_180 : i32 to index
      %get3A_181 = tpu.vector_load %arg33[%get3A] {strides = array<i32>} : memref<2048xf32, #tpu.memory_space<vmem>>, vector<16xf32>,
      %get3A_182 = arith.index_cast %mul3A_180 : i32 to index
      %get3A_183 = tpu.vector_load %arg40[%get3A_182] {strides = array<i32>} : memref<2048xf32, #tpu.memory_space<vmem>>, vector<16xf32>,
      %add3A_184 = arith.addf %get3A_181, %get3A_183 : vector<16xf32>
      %get3A_185 = arith.index_cast %mul3A_180 : i32 to index
      %get3A_186 = tpu.vector_load %arg39[%get3A_185] {strides = array<i32>} : memref<2048xf32, #tpu.memory_space<vmem>>, vector<16xf32>,
      %div3A = arith.divf %add3A_184, %get3A_186 : vector<16xf32>
      %swap3A = arith.index_cast %mul3A_180 : i32 to index
      %swap3A_187 = tpu.vector_load %arg33[%swap3A] {strides = array<i32>} : memref<2048xf32, #tpu.memory_space<vmem>>, vector<16xf32>,
      tpu.vector_store %arg33[%swap3A], %div3A {strides = array<i32>} : memref<2048xf32, #tpu.memory_space<vmem>>, vector<16xf32>,
    }
    %scan3A_20 = arith.constant 128 : i32
    %run_scoped3A_21 = arith.constant 0 : i32
    "tpu.region"() ({
      %run_scoped3A_174 = tpu.sem_alloc : memref<!tpu.dma_semaphore, #tpu.memory_space<semaphore_mem>>
      %dma_start3A = arith.constant 0 : i32
      %dma_start3A_175 = tpu.memref_slice %arg8[%run_scoped3A_21, %dma_start3A] : memref<6x2048xf32, #tpu.memory_space<hbm>> -> memref<1x2048xf32, #tpu.memory_space<hbm>>
      %dma_start3A_176 = tpu.memref_squeeze %dma_start3A_175 : memref<1x2048xf32, #tpu.memory_space<hbm>> -> memref<2048xf32, #tpu.memory_space<hbm>>
      %dma_start3A_177 = arith.constant 0 : i32
      %dma_start3A_178 = tpu.memref_slice %arg8[%run_scoped3A_21, %dma_start3A_177] : memref<6x2048xf32, #tpu.memory_space<hbm>> -> memref<1x2048xf32, #tpu.memory_space<hbm>>
      %dma_start3A_179 = tpu.memref_squeeze %dma_start3A_178 : memref<1x2048xf32, #tpu.memory_space<hbm>> -> memref<2048xf32, #tpu.memory_space<hbm>>
      tpu.enqueue_dma source(%dma_start3A_179 : memref<2048xf32, #tpu.memory_space<hbm>>) target(%arg36 : memref<2048xf32, #tpu.memory_space<vmem>>) target_semaphore(%run_scoped3A_174 : memref<!tpu.dma_semaphore, #tpu.memory_space<semaphore_mem>>)
      %dma_wait3A = arith.constant 0 : i32
      %dma_wait3A_180 = tpu.memref_slice %arg8[%run_scoped3A_21, %dma_wait3A] : memref<6x2048xf32, #tpu.memory_space<hbm>> -> memref<1x2048xf32, #tpu.memory_space<hbm>>
      %dma_wait3A_181 = tpu.memref_squeeze %dma_wait3A_180 : memref<1x2048xf32, #tpu.memory_space<hbm>> -> memref<2048xf32, #tpu.memory_space<hbm>>
      %dma_wait3A_182 = arith.constant 0 : i32
      %dma_wait3A_183 = tpu.memref_slice %arg8[%run_scoped3A_21, %dma_wait3A_182] : memref<6x2048xf32, #tpu.memory_space<hbm>> -> memref<1x2048xf32, #tpu.memory_space<hbm>>
      %dma_wait3A_184 = tpu.memref_squeeze %dma_wait3A_183 : memref<1x2048xf32, #tpu.memory_space<hbm>> -> memref<2048xf32, #tpu.memory_space<hbm>>
      tpu.wait_dma2 semaphore(%run_scoped3A_174 : memref<!tpu.dma_semaphore, #tpu.memory_space<semaphore_mem>>) src(%dma_wait3A_184 : memref<2048xf32, #tpu.memory_space<hbm>>) dst(%arg36 : memref<2048xf32, #tpu.memory_space<vmem>>)
      tpu.yield
    }) : () -> ()
    %run_scoped3A_22 = arith.constant 3 : i32
    "tpu.region"() ({
      %run_scoped3A_174 = tpu.sem_alloc : memref<!tpu.dma_semaphore, #tpu.memory_space<semaphore_mem>>
      %dma_start3A = arith.constant 0 : i32
      %dma_start3A_175 = tpu.memref_slice %arg8[%run_scoped3A_22, %dma_start3A] : memref<6x2048xf32, #tpu.memory_space<hbm>> -> memref<1x2048xf32, #tpu.memory_space<hbm>>
      %dma_start3A_176 = tpu.memref_squeeze %dma_start3A_175 : memref<1x2048xf32, #tpu.memory_space<hbm>> -> memref<2048xf32, #tpu.memory_space<hbm>>
      %dma_start3A_177 = arith.constant 0 : i32
      %dma_start3A_178 = tpu.memref_slice %arg8[%run_scoped3A_22, %dma_start3A_177] : memref<6x2048xf32, #tpu.memory_space<hbm>> -> memref<1x2048xf32, #tpu.memory_space<hbm>>
      %dma_start3A_179 = tpu.memref_squeeze %dma_start3A_178 : memref<1x2048xf32, #tpu.memory_space<hbm>> -> memref<2048xf32, #tpu.memory_space<hbm>>
      tpu.enqueue_dma source(%dma_start3A_179 : memref<2048xf32, #tpu.memory_space<hbm>>) target(%arg40 : memref<2048xf32, #tpu.memory_space<vmem>>) target_semaphore(%run_scoped3A_174 : memref<!tpu.dma_semaphore, #tpu.memory_space<semaphore_mem>>)
      %dma_wait3A = arith.constant 0 : i32
      %dma_wait3A_180 = tpu.memref_slice %arg8[%run_scoped3A_22, %dma_wait3A] : memref<6x2048xf32, #tpu.memory_space<hbm>> -> memref<1x2048xf32, #tpu.memory_space<hbm>>
      %dma_wait3A_181 = tpu.memref_squeeze %dma_wait3A_180 : memref<1x2048xf32, #tpu.memory_space<hbm>> -> memref<2048xf32, #tpu.memory_space<hbm>>
      %dma_wait3A_182 = arith.constant 0 : i32
      %dma_wait3A_183 = tpu.memref_slice %arg8[%run_scoped3A_22, %dma_wait3A_182] : memref<6x2048xf32, #tpu.memory_space<hbm>> -> memref<1x2048xf32, #tpu.memory_space<hbm>>
      %dma_wait3A_184 = tpu.memref_squeeze %dma_wait3A_183 : memref<1x2048xf32, #tpu.memory_space<hbm>> -> memref<2048xf32, #tpu.memory_space<hbm>>
      tpu.wait_dma2 semaphore(%run_scoped3A_174 : memref<!tpu.dma_semaphore, #tpu.memory_space<semaphore_mem>>) src(%dma_wait3A_184 : memref<2048xf32, #tpu.memory_space<hbm>>) dst(%arg40 : memref<2048xf32, #tpu.memory_space<vmem>>)
      tpu.yield
    }) : () -> ()
    %scan3A_23 = arith.constant 0 : i32
    %scan3A_24 = arith.constant 128 : i32
    %scan3A_25 = arith.addi %scan3A_23, %scan3A_24 : i32
    %scan3A_26 = arith.constant 1 : i32
    scf.for %scan3A_174 = %scan3A_23 to %scan3A_25 step %scan3A_26  : i32 {
      %mul3A_175 = arith.constant 1 : i32
      %mul3A_176 = arith.muli %scan3A_174, %mul3A_175 : i32
      %add3A_177 = arith.constant 0 : i32
      %add3A_178 = arith.addi %add3A_177, %mul3A_176 : i32
      %mul3A_179 = arith.constant 16 : i32
      %mul3A_180 = arith.muli %add3A_178, %mul3A_179 : i32
      %get3A = arith.index_cast %mul3A_180 : i32 to index
      %get3A_181 = tpu.vector_load %arg36[%get3A] {strides = array<i32>} : memref<2048xf32, #tpu.memory_space<vmem>>, vector<16xf32>,
      %get3A_182 = arith.index_cast %mul3A_180 : i32 to index
      %get3A_183 = tpu.vector_load %arg40[%get3A_182] {strides = array<i32>} : memref<2048xf32, #tpu.memory_space<vmem>>, vector<16xf32>,
      %add3A_184 = arith.addf %get3A_181, %get3A_183 : vector<16xf32>
      %get3A_185 = arith.index_cast %mul3A_180 : i32 to index
      %get3A_186 = tpu.vector_load %arg39[%get3A_185] {strides = array<i32>} : memref<2048xf32, #tpu.memory_space<vmem>>, vector<16xf32>,
      %div3A = arith.divf %add3A_184, %get3A_186 : vector<16xf32>
      %swap3A = arith.index_cast %mul3A_180 : i32 to index
      %swap3A_187 = tpu.vector_load %arg36[%swap3A] {strides = array<i32>} : memref<2048xf32, #tpu.memory_space<vmem>>, vector<16xf32>,
      tpu.vector_store %arg36[%swap3A], %div3A {strides = array<i32>} : memref<2048xf32, #tpu.memory_space<vmem>>, vector<16xf32>,
    }
    %scan3A_27 = arith.constant 128 : i32
    %run_scoped3A_28 = arith.constant 1 : i32
    "tpu.region"() ({
      %run_scoped3A_174 = tpu.sem_alloc : memref<!tpu.dma_semaphore, #tpu.memory_space<semaphore_mem>>
      %dma_start3A = arith.constant 0 : i32
      %dma_start3A_175 = tpu.memref_slice %arg7[%run_scoped3A_28, %dma_start3A] : memref<6x2048xf32, #tpu.memory_space<hbm>> -> memref<1x2048xf32, #tpu.memory_space<hbm>>
      %dma_start3A_176 = tpu.memref_squeeze %dma_start3A_175 : memref<1x2048xf32, #tpu.memory_space<hbm>> -> memref<2048xf32, #tpu.memory_space<hbm>>
      %dma_start3A_177 = arith.constant 0 : i32
      %dma_start3A_178 = tpu.memref_slice %arg7[%run_scoped3A_28, %dma_start3A_177] : memref<6x2048xf32, #tpu.memory_space<hbm>> -> memref<1x2048xf32, #tpu.memory_space<hbm>>
      %dma_start3A_179 = tpu.memref_squeeze %dma_start3A_178 : memref<1x2048xf32, #tpu.memory_space<hbm>> -> memref<2048xf32, #tpu.memory_space<hbm>>
      tpu.enqueue_dma source(%dma_start3A_179 : memref<2048xf32, #tpu.memory_space<hbm>>) target(%arg34 : memref<2048xf32, #tpu.memory_space<vmem>>) target_semaphore(%run_scoped3A_174 : memref<!tpu.dma_semaphore, #tpu.memory_space<semaphore_mem>>)
      %dma_wait3A = arith.constant 0 : i32
      %dma_wait3A_180 = tpu.memref_slice %arg7[%run_scoped3A_28, %dma_wait3A] : memref<6x2048xf32, #tpu.memory_space<hbm>> -> memref<1x2048xf32, #tpu.memory_space<hbm>>
      %dma_wait3A_181 = tpu.memref_squeeze %dma_wait3A_180 : memref<1x2048xf32, #tpu.memory_space<hbm>> -> memref<2048xf32, #tpu.memory_space<hbm>>
      %dma_wait3A_182 = arith.constant 0 : i32
      %dma_wait3A_183 = tpu.memref_slice %arg7[%run_scoped3A_28, %dma_wait3A_182] : memref<6x2048xf32, #tpu.memory_space<hbm>> -> memref<1x2048xf32, #tpu.memory_space<hbm>>
      %dma_wait3A_184 = tpu.memref_squeeze %dma_wait3A_183 : memref<1x2048xf32, #tpu.memory_space<hbm>> -> memref<2048xf32, #tpu.memory_space<hbm>>
      tpu.wait_dma2 semaphore(%run_scoped3A_174 : memref<!tpu.dma_semaphore, #tpu.memory_space<semaphore_mem>>) src(%dma_wait3A_184 : memref<2048xf32, #tpu.memory_space<hbm>>) dst(%arg34 : memref<2048xf32, #tpu.memory_space<vmem>>)
      tpu.yield
    }) : () -> ()
    %run_scoped3A_29 = arith.constant 4 : i32
    "tpu.region"() ({
      %run_scoped3A_174 = tpu.sem_alloc : memref<!tpu.dma_semaphore, #tpu.memory_space<semaphore_mem>>
      %dma_start3A = arith.constant 0 : i32
      %dma_start3A_175 = tpu.memref_slice %arg7[%run_scoped3A_29, %dma_start3A] : memref<6x2048xf32, #tpu.memory_space<hbm>> -> memref<1x2048xf32, #tpu.memory_space<hbm>>
      %dma_start3A_176 = tpu.memref_squeeze %dma_start3A_175 : memref<1x2048xf32, #tpu.memory_space<hbm>> -> memref<2048xf32, #tpu.memory_space<hbm>>
      %dma_start3A_177 = arith.constant 0 : i32
      %dma_start3A_178 = tpu.memref_slice %arg7[%run_scoped3A_29, %dma_start3A_177] : memref<6x2048xf32, #tpu.memory_space<hbm>> -> memref<1x2048xf32, #tpu.memory_space<hbm>>
      %dma_start3A_179 = tpu.memref_squeeze %dma_start3A_178 : memref<1x2048xf32, #tpu.memory_space<hbm>> -> memref<2048xf32, #tpu.memory_space<hbm>>
      tpu.enqueue_dma source(%dma_start3A_179 : memref<2048xf32, #tpu.memory_space<hbm>>) target(%arg40 : memref<2048xf32, #tpu.memory_space<vmem>>) target_semaphore(%run_scoped3A_174 : memref<!tpu.dma_semaphore, #tpu.memory_space<semaphore_mem>>)
      %dma_wait3A = arith.constant 0 : i32
      %dma_wait3A_180 = tpu.memref_slice %arg7[%run_scoped3A_29, %dma_wait3A] : memref<6x2048xf32, #tpu.memory_space<hbm>> -> memref<1x2048xf32, #tpu.memory_space<hbm>>
      %dma_wait3A_181 = tpu.memref_squeeze %dma_wait3A_180 : memref<1x2048xf32, #tpu.memory_space<hbm>> -> memref<2048xf32, #tpu.memory_space<hbm>>
      %dma_wait3A_182 = arith.constant 0 : i32
      %dma_wait3A_183 = tpu.memref_slice %arg7[%run_scoped3A_29, %dma_wait3A_182] : memref<6x2048xf32, #tpu.memory_space<hbm>> -> memref<1x2048xf32, #tpu.memory_space<hbm>>
      %dma_wait3A_184 = tpu.memref_squeeze %dma_wait3A_183 : memref<1x2048xf32, #tpu.memory_space<hbm>> -> memref<2048xf32, #tpu.memory_space<hbm>>
      tpu.wait_dma2 semaphore(%run_scoped3A_174 : memref<!tpu.dma_semaphore, #tpu.memory_space<semaphore_mem>>) src(%dma_wait3A_184 : memref<2048xf32, #tpu.memory_space<hbm>>) dst(%arg40 : memref<2048xf32, #tpu.memory_space<vmem>>)
      tpu.yield
    }) : () -> ()
    %scan3A_30 = arith.constant 0 : i32
    %scan3A_31 = arith.constant 128 : i32
    %scan3A_32 = arith.addi %scan3A_30, %scan3A_31 : i32
    %scan3A_33 = arith.constant 1 : i32
    scf.for %scan3A_174 = %scan3A_30 to %scan3A_32 step %scan3A_33  : i32 {
      %mul3A_175 = arith.constant 1 : i32
      %mul3A_176 = arith.muli %scan3A_174, %mul3A_175 : i32
      %add3A_177 = arith.constant 0 : i32
      %add3A_178 = arith.addi %add3A_177, %mul3A_176 : i32
      %mul3A_179 = arith.constant 16 : i32
      %mul3A_180 = arith.muli %add3A_178, %mul3A_179 : i32
      %get3A = arith.index_cast %mul3A_180 : i32 to index
      %get3A_181 = tpu.vector_load %arg34[%get3A] {strides = array<i32>} : memref<2048xf32, #tpu.memory_space<vmem>>, vector<16xf32>,
      %get3A_182 = arith.index_cast %mul3A_180 : i32 to index
      %get3A_183 = tpu.vector_load %arg40[%get3A_182] {strides = array<i32>} : memref<2048xf32, #tpu.memory_space<vmem>>, vector<16xf32>,
      %add3A_184 = arith.addf %get3A_181, %get3A_183 : vector<16xf32>
      %get3A_185 = arith.index_cast %mul3A_180 : i32 to index
      %get3A_186 = tpu.vector_load %arg39[%get3A_185] {strides = array<i32>} : memref<2048xf32, #tpu.memory_space<vmem>>, vector<16xf32>,
      %div3A = arith.divf %add3A_184, %get3A_186 : vector<16xf32>
      %swap3A = arith.index_cast %mul3A_180 : i32 to index
      %swap3A_187 = tpu.vector_load %arg34[%swap3A] {strides = array<i32>} : memref<2048xf32, #tpu.memory_space<vmem>>, vector<16xf32>,
      tpu.vector_store %arg34[%swap3A], %div3A {strides = array<i32>} : memref<2048xf32, #tpu.memory_space<vmem>>, vector<16xf32>,
    }
    %scan3A_34 = arith.constant 128 : i32
    %run_scoped3A_35 = arith.constant 1 : i32
    "tpu.region"() ({
      %run_scoped3A_174 = tpu.sem_alloc : memref<!tpu.dma_semaphore, #tpu.memory_space<semaphore_mem>>
      %dma_start3A = arith.constant 0 : i32
      %dma_start3A_175 = tpu.memref_slice %arg8[%run_scoped3A_35, %dma_start3A] : memref<6x2048xf32, #tpu.memory_space<hbm>> -> memref<1x2048xf32, #tpu.memory_space<hbm>>
      %dma_start3A_176 = tpu.memref_squeeze %dma_start3A_175 : memref<1x2048xf32, #tpu.memory_space<hbm>> -> memref<2048xf32, #tpu.memory_space<hbm>>
      %dma_start3A_177 = arith.constant 0 : i32
      %dma_start3A_178 = tpu.memref_slice %arg8[%run_scoped3A_35, %dma_start3A_177] : memref<6x2048xf32, #tpu.memory_space<hbm>> -> memref<1x2048xf32, #tpu.memory_space<hbm>>
      %dma_start3A_179 = tpu.memref_squeeze %dma_start3A_178 : memref<1x2048xf32, #tpu.memory_space<hbm>> -> memref<2048xf32, #tpu.memory_space<hbm>>
      tpu.enqueue_dma source(%dma_start3A_179 : memref<2048xf32, #tpu.memory_space<hbm>>) target(%arg37 : memref<2048xf32, #tpu.memory_space<vmem>>) target_semaphore(%run_scoped3A_174 : memref<!tpu.dma_semaphore, #tpu.memory_space<semaphore_mem>>)
      %dma_wait3A = arith.constant 0 : i32
      %dma_wait3A_180 = tpu.memref_slice %arg8[%run_scoped3A_35, %dma_wait3A] : memref<6x2048xf32, #tpu.memory_space<hbm>> -> memref<1x2048xf32, #tpu.memory_space<hbm>>
      %dma_wait3A_181 = tpu.memref_squeeze %dma_wait3A_180 : memref<1x2048xf32, #tpu.memory_space<hbm>> -> memref<2048xf32, #tpu.memory_space<hbm>>
      %dma_wait3A_182 = arith.constant 0 : i32
      %dma_wait3A_183 = tpu.memref_slice %arg8[%run_scoped3A_35, %dma_wait3A_182] : memref<6x2048xf32, #tpu.memory_space<hbm>> -> memref<1x2048xf32, #tpu.memory_space<hbm>>
      %dma_wait3A_184 = tpu.memref_squeeze %dma_wait3A_183 : memref<1x2048xf32, #tpu.memory_space<hbm>> -> memref<2048xf32, #tpu.memory_space<hbm>>
      tpu.wait_dma2 semaphore(%run_scoped3A_174 : memref<!tpu.dma_semaphore, #tpu.memory_space<semaphore_mem>>) src(%dma_wait3A_184 : memref<2048xf32, #tpu.memory_space<hbm>>) dst(%arg37 : memref<2048xf32, #tpu.memory_space<vmem>>)
      tpu.yield
    }) : () -> ()
    %run_scoped3A_36 = arith.constant 4 : i32
    "tpu.region"() ({
      %run_scoped3A_174 = tpu.sem_alloc : memref<!tpu.dma_semaphore, #tpu.memory_space<semaphore_mem>>
      %dma_start3A = arith.constant 0 : i32
      %dma_start3A_175 = tpu.memref_slice %arg8[%run_scoped3A_36, %dma_start3A] : memref<6x2048xf32, #tpu.memory_space<hbm>> -> memref<1x2048xf32, #tpu.memory_space<hbm>>
      %dma_start3A_176 = tpu.memref_squeeze %dma_start3A_175 : memref<1x2048xf32, #tpu.memory_space<hbm>> -> memref<2048xf32, #tpu.memory_space<hbm>>
      %dma_start3A_177 = arith.constant 0 : i32
      %dma_start3A_178 = tpu.memref_slice %arg8[%run_scoped3A_36, %dma_start3A_177] : memref<6x2048xf32, #tpu.memory_space<hbm>> -> memref<1x2048xf32, #tpu.memory_space<hbm>>
      %dma_start3A_179 = tpu.memref_squeeze %dma_start3A_178 : memref<1x2048xf32, #tpu.memory_space<hbm>> -> memref<2048xf32, #tpu.memory_space<hbm>>
      tpu.enqueue_dma source(%dma_start3A_179 : memref<2048xf32, #tpu.memory_space<hbm>>) target(%arg40 : memref<2048xf32, #tpu.memory_space<vmem>>) target_semaphore(%run_scoped3A_174 : memref<!tpu.dma_semaphore, #tpu.memory_space<semaphore_mem>>)
      %dma_wait3A = arith.constant 0 : i32
      %dma_wait3A_180 = tpu.memref_slice %arg8[%run_scoped3A_36, %dma_wait3A] : memref<6x2048xf32, #tpu.memory_space<hbm>> -> memref<1x2048xf32, #tpu.memory_space<hbm>>
      %dma_wait3A_181 = tpu.memref_squeeze %dma_wait3A_180 : memref<1x2048xf32, #tpu.memory_space<hbm>> -> memref<2048xf32, #tpu.memory_space<hbm>>
      %dma_wait3A_182 = arith.constant 0 : i32
      %dma_wait3A_183 = tpu.memref_slice %arg8[%run_scoped3A_36, %dma_wait3A_182] : memref<6x2048xf32, #tpu.memory_space<hbm>> -> memref<1x2048xf32, #tpu.memory_space<hbm>>
      %dma_wait3A_184 = tpu.memref_squeeze %dma_wait3A_183 : memref<1x2048xf32, #tpu.memory_space<hbm>> -> memref<2048xf32, #tpu.memory_space<hbm>>
      tpu.wait_dma2 semaphore(%run_scoped3A_174 : memref<!tpu.dma_semaphore, #tpu.memory_space<semaphore_mem>>) src(%dma_wait3A_184 : memref<2048xf32, #tpu.memory_space<hbm>>) dst(%arg40 : memref<2048xf32, #tpu.memory_space<vmem>>)
      tpu.yield
    }) : () -> ()
    %scan3A_37 = arith.constant 0 : i32
    %scan3A_38 = arith.constant 128 : i32
    %scan3A_39 = arith.addi %scan3A_37, %scan3A_38 : i32
    %scan3A_40 = arith.constant 1 : i32
    scf.for %scan3A_174 = %scan3A_37 to %scan3A_39 step %scan3A_40  : i32 {
      %mul3A_175 = arith.constant 1 : i32
      %mul3A_176 = arith.muli %scan3A_174, %mul3A_175 : i32
      %add3A_177 = arith.constant 0 : i32
      %add3A_178 = arith.addi %add3A_177, %mul3A_176 : i32
      %mul3A_179 = arith.constant 16 : i32
      %mul3A_180 = arith.muli %add3A_178, %mul3A_179 : i32
      %get3A = arith.index_cast %mul3A_180 : i32 to index
      %get3A_181 = tpu.vector_load %arg37[%get3A] {strides = array<i32>} : memref<2048xf32, #tpu.memory_space<vmem>>, vector<16xf32>,
      %get3A_182 = arith.index_cast %mul3A_180 : i32 to index
      %get3A_183 = tpu.vector_load %arg40[%get3A_182] {strides = array<i32>} : memref<2048xf32, #tpu.memory_space<vmem>>, vector<16xf32>,
      %add3A_184 = arith.addf %get3A_181, %get3A_183 : vector<16xf32>
      %get3A_185 = arith.index_cast %mul3A_180 : i32 to index
      %get3A_186 = tpu.vector_load %arg39[%get3A_185] {strides = array<i32>} : memref<2048xf32, #tpu.memory_space<vmem>>, vector<16xf32>,
      %div3A = arith.divf %add3A_184, %get3A_186 : vector<16xf32>
      %swap3A = arith.index_cast %mul3A_180 : i32 to index
      %swap3A_187 = tpu.vector_load %arg37[%swap3A] {strides = array<i32>} : memref<2048xf32, #tpu.memory_space<vmem>>, vector<16xf32>,
      tpu.vector_store %arg37[%swap3A], %div3A {strides = array<i32>} : memref<2048xf32, #tpu.memory_space<vmem>>, vector<16xf32>,
    }
    %scan3A_41 = arith.constant 128 : i32
    %run_scoped3A_42 = arith.constant 2 : i32
    "tpu.region"() ({
      %run_scoped3A_174 = tpu.sem_alloc : memref<!tpu.dma_semaphore, #tpu.memory_space<semaphore_mem>>
      %dma_start3A = arith.constant 0 : i32
      %dma_start3A_175 = tpu.memref_slice %arg7[%run_scoped3A_42, %dma_start3A] : memref<6x2048xf32, #tpu.memory_space<hbm>> -> memref<1x2048xf32, #tpu.memory_space<hbm>>
      %dma_start3A_176 = tpu.memref_squeeze %dma_start3A_175 : memref<1x2048xf32, #tpu.memory_space<hbm>> -> memref<2048xf32, #tpu.memory_space<hbm>>
      %dma_start3A_177 = arith.constant 0 : i32
      %dma_start3A_178 = tpu.memref_slice %arg7[%run_scoped3A_42, %dma_start3A_177] : memref<6x2048xf32, #tpu.memory_space<hbm>> -> memref<1x2048xf32, #tpu.memory_space<hbm>>
      %dma_start3A_179 = tpu.memref_squeeze %dma_start3A_178 : memref<1x2048xf32, #tpu.memory_space<hbm>> -> memref<2048xf32, #tpu.memory_space<hbm>>
      tpu.enqueue_dma source(%dma_start3A_179 : memref<2048xf32, #tpu.memory_space<hbm>>) target(%arg35 : memref<2048xf32, #tpu.memory_space<vmem>>) target_semaphore(%run_scoped3A_174 : memref<!tpu.dma_semaphore, #tpu.memory_space<semaphore_mem>>)
      %dma_wait3A = arith.constant 0 : i32
      %dma_wait3A_180 = tpu.memref_slice %arg7[%run_scoped3A_42, %dma_wait3A] : memref<6x2048xf32, #tpu.memory_space<hbm>> -> memref<1x2048xf32, #tpu.memory_space<hbm>>
      %dma_wait3A_181 = tpu.memref_squeeze %dma_wait3A_180 : memref<1x2048xf32, #tpu.memory_space<hbm>> -> memref<2048xf32, #tpu.memory_space<hbm>>
      %dma_wait3A_182 = arith.constant 0 : i32
      %dma_wait3A_183 = tpu.memref_slice %arg7[%run_scoped3A_42, %dma_wait3A_182] : memref<6x2048xf32, #tpu.memory_space<hbm>> -> memref<1x2048xf32, #tpu.memory_space<hbm>>
      %dma_wait3A_184 = tpu.memref_squeeze %dma_wait3A_183 : memref<1x2048xf32, #tpu.memory_space<hbm>> -> memref<2048xf32, #tpu.memory_space<hbm>>
      tpu.wait_dma2 semaphore(%run_scoped3A_174 : memref<!tpu.dma_semaphore, #tpu.memory_space<semaphore_mem>>) src(%dma_wait3A_184 : memref<2048xf32, #tpu.memory_space<hbm>>) dst(%arg35 : memref<2048xf32, #tpu.memory_space<vmem>>)
      tpu.yield
    }) : () -> ()
    %run_scoped3A_43 = arith.constant 5 : i32
    "tpu.region"() ({
      %run_scoped3A_174 = tpu.sem_alloc : memref<!tpu.dma_semaphore, #tpu.memory_space<semaphore_mem>>
      %dma_start3A = arith.constant 0 : i32
      %dma_start3A_175 = tpu.memref_slice %arg7[%run_scoped3A_43, %dma_start3A] : memref<6x2048xf32, #tpu.memory_space<hbm>> -> memref<1x2048xf32, #tpu.memory_space<hbm>>
      %dma_start3A_176 = tpu.memref_squeeze %dma_start3A_175 : memref<1x2048xf32, #tpu.memory_space<hbm>> -> memref<2048xf32, #tpu.memory_space<hbm>>
      %dma_start3A_177 = arith.constant 0 : i32
      %dma_start3A_178 = tpu.memref_slice %arg7[%run_scoped3A_43, %dma_start3A_177] : memref<6x2048xf32, #tpu.memory_space<hbm>> -> memref<1x2048xf32, #tpu.memory_space<hbm>>
      %dma_start3A_179 = tpu.memref_squeeze %dma_start3A_178 : memref<1x2048xf32, #tpu.memory_space<hbm>> -> memref<2048xf32, #tpu.memory_space<hbm>>
      tpu.enqueue_dma source(%dma_start3A_179 : memref<2048xf32, #tpu.memory_space<hbm>>) target(%arg40 : memref<2048xf32, #tpu.memory_space<vmem>>) target_semaphore(%run_scoped3A_174 : memref<!tpu.dma_semaphore, #tpu.memory_space<semaphore_mem>>)
      %dma_wait3A = arith.constant 0 : i32
      %dma_wait3A_180 = tpu.memref_slice %arg7[%run_scoped3A_43, %dma_wait3A] : memref<6x2048xf32, #tpu.memory_space<hbm>> -> memref<1x2048xf32, #tpu.memory_space<hbm>>
      %dma_wait3A_181 = tpu.memref_squeeze %dma_wait3A_180 : memref<1x2048xf32, #tpu.memory_space<hbm>> -> memref<2048xf32, #tpu.memory_space<hbm>>
      %dma_wait3A_182 = arith.constant 0 : i32
      %dma_wait3A_183 = tpu.memref_slice %arg7[%run_scoped3A_43, %dma_wait3A_182] : memref<6x2048xf32, #tpu.memory_space<hbm>> -> memref<1x2048xf32, #tpu.memory_space<hbm>>
      %dma_wait3A_184 = tpu.memref_squeeze %dma_wait3A_183 : memref<1x2048xf32, #tpu.memory_space<hbm>> -> memref<2048xf32, #tpu.memory_space<hbm>>
      tpu.wait_dma2 semaphore(%run_scoped3A_174 : memref<!tpu.dma_semaphore, #tpu.memory_space<semaphore_mem>>) src(%dma_wait3A_184 : memref<2048xf32, #tpu.memory_space<hbm>>) dst(%arg40 : memref<2048xf32, #tpu.memory_space<vmem>>)
      tpu.yield
    }) : () -> ()
    %scan3A_44 = arith.constant 0 : i32
    %scan3A_45 = arith.constant 128 : i32
    %scan3A_46 = arith.addi %scan3A_44, %scan3A_45 : i32
    %scan3A_47 = arith.constant 1 : i32
    scf.for %scan3A_174 = %scan3A_44 to %scan3A_46 step %scan3A_47  : i32 {
      %mul3A_175 = arith.constant 1 : i32
      %mul3A_176 = arith.muli %scan3A_174, %mul3A_175 : i32
      %add3A_177 = arith.constant 0 : i32
      %add3A_178 = arith.addi %add3A_177, %mul3A_176 : i32
      %mul3A_179 = arith.constant 16 : i32
      %mul3A_180 = arith.muli %add3A_178, %mul3A_179 : i32
      %get3A = arith.index_cast %mul3A_180 : i32 to index
      %get3A_181 = tpu.vector_load %arg35[%get3A] {strides = array<i32>} : memref<2048xf32, #tpu.memory_space<vmem>>, vector<16xf32>,
      %get3A_182 = arith.index_cast %mul3A_180 : i32 to index
      %get3A_183 = tpu.vector_load %arg40[%get3A_182] {strides = array<i32>} : memref<2048xf32, #tpu.memory_space<vmem>>, vector<16xf32>,
      %add3A_184 = arith.addf %get3A_181, %get3A_183 : vector<16xf32>
      %get3A_185 = arith.index_cast %mul3A_180 : i32 to index
      %get3A_186 = tpu.vector_load %arg39[%get3A_185] {strides = array<i32>} : memref<2048xf32, #tpu.memory_space<vmem>>, vector<16xf32>,
      %div3A = arith.divf %add3A_184, %get3A_186 : vector<16xf32>
      %swap3A = arith.index_cast %mul3A_180 : i32 to index
      %swap3A_187 = tpu.vector_load %arg35[%swap3A] {strides = array<i32>} : memref<2048xf32, #tpu.memory_space<vmem>>, vector<16xf32>,
      tpu.vector_store %arg35[%swap3A], %div3A {strides = array<i32>} : memref<2048xf32, #tpu.memory_space<vmem>>, vector<16xf32>,
    }
    %scan3A_48 = arith.constant 128 : i32
    %run_scoped3A_49 = arith.constant 2 : i32
    "tpu.region"() ({
      %run_scoped3A_174 = tpu.sem_alloc : memref<!tpu.dma_semaphore, #tpu.memory_space<semaphore_mem>>
      %dma_start3A = arith.constant 0 : i32
      %dma_start3A_175 = tpu.memref_slice %arg8[%run_scoped3A_49, %dma_start3A] : memref<6x2048xf32, #tpu.memory_space<hbm>> -> memref<1x2048xf32, #tpu.memory_space<hbm>>
      %dma_start3A_176 = tpu.memref_squeeze %dma_start3A_175 : memref<1x2048xf32, #tpu.memory_space<hbm>> -> memref<2048xf32, #tpu.memory_space<hbm>>
      %dma_start3A_177 = arith.constant 0 : i32
      %dma_start3A_178 = tpu.memref_slice %arg8[%run_scoped3A_49, %dma_start3A_177] : memref<6x2048xf32, #tpu.memory_space<hbm>> -> memref<1x2048xf32, #tpu.memory_space<hbm>>
      %dma_start3A_179 = tpu.memref_squeeze %dma_start3A_178 : memref<1x2048xf32, #tpu.memory_space<hbm>> -> memref<2048xf32, #tpu.memory_space<hbm>>
      tpu.enqueue_dma source(%dma_start3A_179 : memref<2048xf32, #tpu.memory_space<hbm>>) target(%arg38 : memref<2048xf32, #tpu.memory_space<vmem>>) target_semaphore(%run_scoped3A_174 : memref<!tpu.dma_semaphore, #tpu.memory_space<semaphore_mem>>)
      %dma_wait3A = arith.constant 0 : i32
      %dma_wait3A_180 = tpu.memref_slice %arg8[%run_scoped3A_49, %dma_wait3A] : memref<6x2048xf32, #tpu.memory_space<hbm>> -> memref<1x2048xf32, #tpu.memory_space<hbm>>
      %dma_wait3A_181 = tpu.memref_squeeze %dma_wait3A_180 : memref<1x2048xf32, #tpu.memory_space<hbm>> -> memref<2048xf32, #tpu.memory_space<hbm>>
      %dma_wait3A_182 = arith.constant 0 : i32
      %dma_wait3A_183 = tpu.memref_slice %arg8[%run_scoped3A_49, %dma_wait3A_182] : memref<6x2048xf32, #tpu.memory_space<hbm>> -> memref<1x2048xf32, #tpu.memory_space<hbm>>
      %dma_wait3A_184 = tpu.memref_squeeze %dma_wait3A_183 : memref<1x2048xf32, #tpu.memory_space<hbm>> -> memref<2048xf32, #tpu.memory_space<hbm>>
      tpu.wait_dma2 semaphore(%run_scoped3A_174 : memref<!tpu.dma_semaphore, #tpu.memory_space<semaphore_mem>>) src(%dma_wait3A_184 : memref<2048xf32, #tpu.memory_space<hbm>>) dst(%arg38 : memref<2048xf32, #tpu.memory_space<vmem>>)
      tpu.yield
    }) : () -> ()
    %run_scoped3A_50 = arith.constant 5 : i32
    "tpu.region"() ({
      %run_scoped3A_174 = tpu.sem_alloc : memref<!tpu.dma_semaphore, #tpu.memory_space<semaphore_mem>>
      %dma_start3A = arith.constant 0 : i32
      %dma_start3A_175 = tpu.memref_slice %arg8[%run_scoped3A_50, %dma_start3A] : memref<6x2048xf32, #tpu.memory_space<hbm>> -> memref<1x2048xf32, #tpu.memory_space<hbm>>
      %dma_start3A_176 = tpu.memref_squeeze %dma_start3A_175 : memref<1x2048xf32, #tpu.memory_space<hbm>> -> memref<2048xf32, #tpu.memory_space<hbm>>
      %dma_start3A_177 = arith.constant 0 : i32
      %dma_start3A_178 = tpu.memref_slice %arg8[%run_scoped3A_50, %dma_start3A_177] : memref<6x2048xf32, #tpu.memory_space<hbm>> -> memref<1x2048xf32, #tpu.memory_space<hbm>>
      %dma_start3A_179 = tpu.memref_squeeze %dma_start3A_178 : memref<1x2048xf32, #tpu.memory_space<hbm>> -> memref<2048xf32, #tpu.memory_space<hbm>>
      tpu.enqueue_dma source(%dma_start3A_179 : memref<2048xf32, #tpu.memory_space<hbm>>) target(%arg40 : memref<2048xf32, #tpu.memory_space<vmem>>) target_semaphore(%run_scoped3A_174 : memref<!tpu.dma_semaphore, #tpu.memory_space<semaphore_mem>>)
      %dma_wait3A = arith.constant 0 : i32
      %dma_wait3A_180 = tpu.memref_slice %arg8[%run_scoped3A_50, %dma_wait3A] : memref<6x2048xf32, #tpu.memory_space<hbm>> -> memref<1x2048xf32, #tpu.memory_space<hbm>>
      %dma_wait3A_181 = tpu.memref_squeeze %dma_wait3A_180 : memref<1x2048xf32, #tpu.memory_space<hbm>> -> memref<2048xf32, #tpu.memory_space<hbm>>
      %dma_wait3A_182 = arith.constant 0 : i32
      %dma_wait3A_183 = tpu.memref_slice %arg8[%run_scoped3A_50, %dma_wait3A_182] : memref<6x2048xf32, #tpu.memory_space<hbm>> -> memref<1x2048xf32, #tpu.memory_space<hbm>>
      %dma_wait3A_184 = tpu.memref_squeeze %dma_wait3A_183 : memref<1x2048xf32, #tpu.memory_space<hbm>> -> memref<2048xf32, #tpu.memory_space<hbm>>
      tpu.wait_dma2 semaphore(%run_scoped3A_174 : memref<!tpu.dma_semaphore, #tpu.memory_space<semaphore_mem>>) src(%dma_wait3A_184 : memref<2048xf32, #tpu.memory_space<hbm>>) dst(%arg40 : memref<2048xf32, #tpu.memory_space<vmem>>)
      tpu.yield
    }) : () -> ()
    %scan3A_51 = arith.constant 0 : i32
    %scan3A_52 = arith.constant 128 : i32
    %scan3A_53 = arith.addi %scan3A_51, %scan3A_52 : i32
    %scan3A_54 = arith.constant 1 : i32
    scf.for %scan3A_174 = %scan3A_51 to %scan3A_53 step %scan3A_54  : i32 {
      %mul3A_175 = arith.constant 1 : i32
      %mul3A_176 = arith.muli %scan3A_174, %mul3A_175 : i32
      %add3A_177 = arith.constant 0 : i32
      %add3A_178 = arith.addi %add3A_177, %mul3A_176 : i32
      %mul3A_179 = arith.constant 16 : i32
      %mul3A_180 = arith.muli %add3A_178, %mul3A_179 : i32
      %get3A = arith.index_cast %mul3A_180 : i32 to index
      %get3A_181 = tpu.vector_load %arg38[%get3A] {strides = array<i32>} : memref<2048xf32, #tpu.memory_space<vmem>>, vector<16xf32>,
      %get3A_182 = arith.index_cast %mul3A_180 : i32 to index
      %get3A_183 = tpu.vector_load %arg40[%get3A_182] {strides = array<i32>} : memref<2048xf32, #tpu.memory_space<vmem>>, vector<16xf32>,
      %add3A_184 = arith.addf %get3A_181, %get3A_183 : vector<16xf32>
      %get3A_185 = arith.index_cast %mul3A_180 : i32 to index
      %get3A_186 = tpu.vector_load %arg39[%get3A_185] {strides = array<i32>} : memref<2048xf32, #tpu.memory_space<vmem>>, vector<16xf32>,
      %div3A = arith.divf %add3A_184, %get3A_186 : vector<16xf32>
      %swap3A = arith.index_cast %mul3A_180 : i32 to index
      %swap3A_187 = tpu.vector_load %arg38[%swap3A] {strides = array<i32>} : memref<2048xf32, #tpu.memory_space<vmem>>, vector<16xf32>,
      tpu.vector_store %arg38[%swap3A], %div3A {strides = array<i32>} : memref<2048xf32, #tpu.memory_space<vmem>>, vector<16xf32>,
    }
    %scan3A_55 = arith.constant 128 : i32
    %barrier3A = arith.constant 0 : index
    tpu.barrier barrier_id(%barrier3A)
    %mul3A_56 = arith.constant 8192 : i32
    %mul3A_57 = arith.muli %add3A, %mul3A_56 : i32
    %add3A_58 = arith.constant 0 : i32
    %add3A_59 = arith.addi %mul3A_57, %add3A_58 : i32
    "tpu.region"() ({
      %run_scoped3A_174 = tpu.sem_alloc : memref<!tpu.dma_semaphore, #tpu.memory_space<semaphore_mem>>
      %dma_start3A = tpu.memref_slice %arg2[%add3A_59] : memref<262144xi32, #tpu.memory_space<hbm>> -> memref<4096xi32, #tpu.memory_space<hbm>>
      %dma_start3A_175 = tpu.memref_slice %arg2[%add3A_59] : memref<262144xi32, #tpu.memory_space<hbm>> -> memref<4096xi32, #tpu.memory_space<hbm>>
      tpu.enqueue_dma source(%dma_start3A_175 : memref<4096xi32, #tpu.memory_space<hbm>>) target(%arg15 : memref<4096xi32, #tpu.memory_space<vmem>>) target_semaphore(%run_scoped3A_174 : memref<!tpu.dma_semaphore, #tpu.memory_space<semaphore_mem>>)
      %dma_wait3A = tpu.memref_slice %arg2[%add3A_59] : memref<262144xi32, #tpu.memory_space<hbm>> -> memref<4096xi32, #tpu.memory_space<hbm>>
      %dma_wait3A_176 = tpu.memref_slice %arg2[%add3A_59] : memref<262144xi32, #tpu.memory_space<hbm>> -> memref<4096xi32, #tpu.memory_space<hbm>>
      tpu.wait_dma2 semaphore(%run_scoped3A_174 : memref<!tpu.dma_semaphore, #tpu.memory_space<semaphore_mem>>) src(%dma_wait3A_176 : memref<4096xi32, #tpu.memory_space<hbm>>) dst(%arg15 : memref<4096xi32, #tpu.memory_space<vmem>>)
      tpu.yield
    }) : () -> ()
    "tpu.region"() ({
      %run_scoped3A_174 = tpu.sem_alloc : memref<!tpu.dma_semaphore, #tpu.memory_space<semaphore_mem>>
      %dma_start3A = tpu.memref_slice %arg3[%add3A_59] : memref<262144xf32, #tpu.memory_space<hbm>> -> memref<4096xf32, #tpu.memory_space<hbm>>
      %dma_start3A_175 = tpu.memref_slice %arg3[%add3A_59] : memref<262144xf32, #tpu.memory_space<hbm>> -> memref<4096xf32, #tpu.memory_space<hbm>>
      tpu.enqueue_dma source(%dma_start3A_175 : memref<4096xf32, #tpu.memory_space<hbm>>) target(%arg16 : memref<4096xf32, #tpu.memory_space<vmem>>) target_semaphore(%run_scoped3A_174 : memref<!tpu.dma_semaphore, #tpu.memory_space<semaphore_mem>>)
      %dma_wait3A = tpu.memref_slice %arg3[%add3A_59] : memref<262144xf32, #tpu.memory_space<hbm>> -> memref<4096xf32, #tpu.memory_space<hbm>>
      %dma_wait3A_176 = tpu.memref_slice %arg3[%add3A_59] : memref<262144xf32, #tpu.memory_space<hbm>> -> memref<4096xf32, #tpu.memory_space<hbm>>
      tpu.wait_dma2 semaphore(%run_scoped3A_174 : memref<!tpu.dma_semaphore, #tpu.memory_space<semaphore_mem>>) src(%dma_wait3A_176 : memref<4096xf32, #tpu.memory_space<hbm>>) dst(%arg16 : memref<4096xf32, #tpu.memory_space<vmem>>)
      tpu.yield
    }) : () -> ()
    %add3A_60 = arith.constant 0 : i32
    %add3A_61 = arith.addi %add3A_60, %add3A_59 : i32
    "tpu.region"() ({
      %run_scoped3A_174 = tpu.sem_alloc : memref<!tpu.dma_semaphore, #tpu.memory_space<semaphore_mem>>
      %dma_start3A = tpu.memref_slice %arg4[%add3A_61] : memref<786432xf32, #tpu.memory_space<hbm>> -> memref<4096xf32, #tpu.memory_space<hbm>>
      %dma_start3A_175 = tpu.memref_slice %arg4[%add3A_61] : memref<786432xf32, #tpu.memory_space<hbm>> -> memref<4096xf32, #tpu.memory_space<hbm>>
      tpu.enqueue_dma source(%dma_start3A_175 : memref<4096xf32, #tpu.memory_space<hbm>>) target(%arg27 : memref<4096xf32, #tpu.memory_space<vmem>>) target_semaphore(%run_scoped3A_174 : memref<!tpu.dma_semaphore, #tpu.memory_space<semaphore_mem>>)
      %dma_wait3A = tpu.memref_slice %arg4[%add3A_61] : memref<786432xf32, #tpu.memory_space<hbm>> -> memref<4096xf32, #tpu.memory_space<hbm>>
      %dma_wait3A_176 = tpu.memref_slice %arg4[%add3A_61] : memref<786432xf32, #tpu.memory_space<hbm>> -> memref<4096xf32, #tpu.memory_space<hbm>>
      tpu.wait_dma2 semaphore(%run_scoped3A_174 : memref<!tpu.dma_semaphore, #tpu.memory_space<semaphore_mem>>) src(%dma_wait3A_176 : memref<4096xf32, #tpu.memory_space<hbm>>) dst(%arg27 : memref<4096xf32, #tpu.memory_space<vmem>>)
      tpu.yield
    }) : () -> ()
    %add3A_62 = arith.constant 0 : i32
    %add3A_63 = arith.addi %add3A_62, %add3A_59 : i32
    "tpu.region"() ({
      %run_scoped3A_174 = tpu.sem_alloc : memref<!tpu.dma_semaphore, #tpu.memory_space<semaphore_mem>>
      %dma_start3A = tpu.memref_slice %arg5[%add3A_63] : memref<786432xf32, #tpu.memory_space<hbm>> -> memref<4096xf32, #tpu.memory_space<hbm>>
      %dma_start3A_175 = tpu.memref_slice %arg5[%add3A_63] : memref<786432xf32, #tpu.memory_space<hbm>> -> memref<4096xf32, #tpu.memory_space<hbm>>
      tpu.enqueue_dma source(%dma_start3A_175 : memref<4096xf32, #tpu.memory_space<hbm>>) target(%arg21 : memref<4096xf32, #tpu.memory_space<vmem>>) target_semaphore(%run_scoped3A_174 : memref<!tpu.dma_semaphore, #tpu.memory_space<semaphore_mem>>)
      %dma_wait3A = tpu.memref_slice %arg5[%add3A_63] : memref<786432xf32, #tpu.memory_space<hbm>> -> memref<4096xf32, #tpu.memory_space<hbm>>
      %dma_wait3A_176 = tpu.memref_slice %arg5[%add3A_63] : memref<786432xf32, #tpu.memory_space<hbm>> -> memref<4096xf32, #tpu.memory_space<hbm>>
      tpu.wait_dma2 semaphore(%run_scoped3A_174 : memref<!tpu.dma_semaphore, #tpu.memory_space<semaphore_mem>>) src(%dma_wait3A_176 : memref<4096xf32, #tpu.memory_space<hbm>>) dst(%arg21 : memref<4096xf32, #tpu.memory_space<vmem>>)
      tpu.yield
    }) : () -> ()
    %add3A_64 = arith.constant 0 : i32
    %add3A_65 = arith.addi %add3A_64, %add3A_59 : i32
    "tpu.region"() ({
      %run_scoped3A_174 = tpu.sem_alloc : memref<!tpu.dma_semaphore, #tpu.memory_space<semaphore_mem>>
      %dma_start3A = tpu.memref_slice %arg6[%add3A_65] : memref<786432xf32, #tpu.memory_space<hbm>> -> memref<4096xf32, #tpu.memory_space<hbm>>
      %dma_start3A_175 = tpu.memref_slice %arg6[%add3A_65] : memref<786432xf32, #tpu.memory_space<hbm>> -> memref<4096xf32, #tpu.memory_space<hbm>>
      tpu.enqueue_dma source(%dma_start3A_175 : memref<4096xf32, #tpu.memory_space<hbm>>) target(%arg24 : memref<4096xf32, #tpu.memory_space<vmem>>) target_semaphore(%run_scoped3A_174 : memref<!tpu.dma_semaphore, #tpu.memory_space<semaphore_mem>>)
      %dma_wait3A = tpu.memref_slice %arg6[%add3A_65] : memref<786432xf32, #tpu.memory_space<hbm>> -> memref<4096xf32, #tpu.memory_space<hbm>>
      %dma_wait3A_176 = tpu.memref_slice %arg6[%add3A_65] : memref<786432xf32, #tpu.memory_space<hbm>> -> memref<4096xf32, #tpu.memory_space<hbm>>
      tpu.wait_dma2 semaphore(%run_scoped3A_174 : memref<!tpu.dma_semaphore, #tpu.memory_space<semaphore_mem>>) src(%dma_wait3A_176 : memref<4096xf32, #tpu.memory_space<hbm>>) dst(%arg24 : memref<4096xf32, #tpu.memory_space<vmem>>)
      tpu.yield
    }) : () -> ()
    %add3A_66 = arith.constant 262144 : i32
    %add3A_67 = arith.addi %add3A_66, %add3A_59 : i32
    "tpu.region"() ({
      %run_scoped3A_174 = tpu.sem_alloc : memref<!tpu.dma_semaphore, #tpu.memory_space<semaphore_mem>>
      %dma_start3A = tpu.memref_slice %arg4[%add3A_67] : memref<786432xf32, #tpu.memory_space<hbm>> -> memref<4096xf32, #tpu.memory_space<hbm>>
      %dma_start3A_175 = tpu.memref_slice %arg4[%add3A_67] : memref<786432xf32, #tpu.memory_space<hbm>> -> memref<4096xf32, #tpu.memory_space<hbm>>
      tpu.enqueue_dma source(%dma_start3A_175 : memref<4096xf32, #tpu.memory_space<hbm>>) target(%arg28 : memref<4096xf32, #tpu.memory_space<vmem>>) target_semaphore(%run_scoped3A_174 : memref<!tpu.dma_semaphore, #tpu.memory_space<semaphore_mem>>)
      %dma_wait3A = tpu.memref_slice %arg4[%add3A_67] : memref<786432xf32, #tpu.memory_space<hbm>> -> memref<4096xf32, #tpu.memory_space<hbm>>
      %dma_wait3A_176 = tpu.memref_slice %arg4[%add3A_67] : memref<786432xf32, #tpu.memory_space<hbm>> -> memref<4096xf32, #tpu.memory_space<hbm>>
      tpu.wait_dma2 semaphore(%run_scoped3A_174 : memref<!tpu.dma_semaphore, #tpu.memory_space<semaphore_mem>>) src(%dma_wait3A_176 : memref<4096xf32, #tpu.memory_space<hbm>>) dst(%arg28 : memref<4096xf32, #tpu.memory_space<vmem>>)
      tpu.yield
    }) : () -> ()
    %add3A_68 = arith.constant 262144 : i32
    %add3A_69 = arith.addi %add3A_68, %add3A_59 : i32
    "tpu.region"() ({
      %run_scoped3A_174 = tpu.sem_alloc : memref<!tpu.dma_semaphore, #tpu.memory_space<semaphore_mem>>
      %dma_start3A = tpu.memref_slice %arg5[%add3A_69] : memref<786432xf32, #tpu.memory_space<hbm>> -> memref<4096xf32, #tpu.memory_space<hbm>>
      %dma_start3A_175 = tpu.memref_slice %arg5[%add3A_69] : memref<786432xf32, #tpu.memory_space<hbm>> -> memref<4096xf32, #tpu.memory_space<hbm>>
      tpu.enqueue_dma source(%dma_start3A_175 : memref<4096xf32, #tpu.memory_space<hbm>>) target(%arg22 : memref<4096xf32, #tpu.memory_space<vmem>>) target_semaphore(%run_scoped3A_174 : memref<!tpu.dma_semaphore, #tpu.memory_space<semaphore_mem>>)
      %dma_wait3A = tpu.memref_slice %arg5[%add3A_69] : memref<786432xf32, #tpu.memory_space<hbm>> -> memref<4096xf32, #tpu.memory_space<hbm>>
      %dma_wait3A_176 = tpu.memref_slice %arg5[%add3A_69] : memref<786432xf32, #tpu.memory_space<hbm>> -> memref<4096xf32, #tpu.memory_space<hbm>>
      tpu.wait_dma2 semaphore(%run_scoped3A_174 : memref<!tpu.dma_semaphore, #tpu.memory_space<semaphore_mem>>) src(%dma_wait3A_176 : memref<4096xf32, #tpu.memory_space<hbm>>) dst(%arg22 : memref<4096xf32, #tpu.memory_space<vmem>>)
      tpu.yield
    }) : () -> ()
    %add3A_70 = arith.constant 262144 : i32
    %add3A_71 = arith.addi %add3A_70, %add3A_59 : i32
    "tpu.region"() ({
      %run_scoped3A_174 = tpu.sem_alloc : memref<!tpu.dma_semaphore, #tpu.memory_space<semaphore_mem>>
      %dma_start3A = tpu.memref_slice %arg6[%add3A_71] : memref<786432xf32, #tpu.memory_space<hbm>> -> memref<4096xf32, #tpu.memory_space<hbm>>
      %dma_start3A_175 = tpu.memref_slice %arg6[%add3A_71] : memref<786432xf32, #tpu.memory_space<hbm>> -> memref<4096xf32, #tpu.memory_space<hbm>>
      tpu.enqueue_dma source(%dma_start3A_175 : memref<4096xf32, #tpu.memory_space<hbm>>) target(%arg25 : memref<4096xf32, #tpu.memory_space<vmem>>) target_semaphore(%run_scoped3A_174 : memref<!tpu.dma_semaphore, #tpu.memory_space<semaphore_mem>>)
      %dma_wait3A = tpu.memref_slice %arg6[%add3A_71] : memref<786432xf32, #tpu.memory_space<hbm>> -> memref<4096xf32, #tpu.memory_space<hbm>>
      %dma_wait3A_176 = tpu.memref_slice %arg6[%add3A_71] : memref<786432xf32, #tpu.memory_space<hbm>> -> memref<4096xf32, #tpu.memory_space<hbm>>
      tpu.wait_dma2 semaphore(%run_scoped3A_174 : memref<!tpu.dma_semaphore, #tpu.memory_space<semaphore_mem>>) src(%dma_wait3A_176 : memref<4096xf32, #tpu.memory_space<hbm>>) dst(%arg25 : memref<4096xf32, #tpu.memory_space<vmem>>)
      tpu.yield
    }) : () -> ()
    %add3A_72 = arith.constant 524288 : i32
    %add3A_73 = arith.addi %add3A_72, %add3A_59 : i32
    "tpu.region"() ({
      %run_scoped3A_174 = tpu.sem_alloc : memref<!tpu.dma_semaphore, #tpu.memory_space<semaphore_mem>>
      %dma_start3A = tpu.memref_slice %arg4[%add3A_73] : memref<786432xf32, #tpu.memory_space<hbm>> -> memref<4096xf32, #tpu.memory_space<hbm>>
      %dma_start3A_175 = tpu.memref_slice %arg4[%add3A_73] : memref<786432xf32, #tpu.memory_space<hbm>> -> memref<4096xf32, #tpu.memory_space<hbm>>
      tpu.enqueue_dma source(%dma_start3A_175 : memref<4096xf32, #tpu.memory_space<hbm>>) target(%arg29 : memref<4096xf32, #tpu.memory_space<vmem>>) target_semaphore(%run_scoped3A_174 : memref<!tpu.dma_semaphore, #tpu.memory_space<semaphore_mem>>)
      %dma_wait3A = tpu.memref_slice %arg4[%add3A_73] : memref<786432xf32, #tpu.memory_space<hbm>> -> memref<4096xf32, #tpu.memory_space<hbm>>
      %dma_wait3A_176 = tpu.memref_slice %arg4[%add3A_73] : memref<786432xf32, #tpu.memory_space<hbm>> -> memref<4096xf32, #tpu.memory_space<hbm>>
      tpu.wait_dma2 semaphore(%run_scoped3A_174 : memref<!tpu.dma_semaphore, #tpu.memory_space<semaphore_mem>>) src(%dma_wait3A_176 : memref<4096xf32, #tpu.memory_space<hbm>>) dst(%arg29 : memref<4096xf32, #tpu.memory_space<vmem>>)
      tpu.yield
    }) : () -> ()
    %add3A_74 = arith.constant 524288 : i32
    %add3A_75 = arith.addi %add3A_74, %add3A_59 : i32
    "tpu.region"() ({
      %run_scoped3A_174 = tpu.sem_alloc : memref<!tpu.dma_semaphore, #tpu.memory_space<semaphore_mem>>
      %dma_start3A = tpu.memref_slice %arg5[%add3A_75] : memref<786432xf32, #tpu.memory_space<hbm>> -> memref<4096xf32, #tpu.memory_space<hbm>>
      %dma_start3A_175 = tpu.memref_slice %arg5[%add3A_75] : memref<786432xf32, #tpu.memory_space<hbm>> -> memref<4096xf32, #tpu.memory_space<hbm>>
      tpu.enqueue_dma source(%dma_start3A_175 : memref<4096xf32, #tpu.memory_space<hbm>>) target(%arg23 : memref<4096xf32, #tpu.memory_space<vmem>>) target_semaphore(%run_scoped3A_174 : memref<!tpu.dma_semaphore, #tpu.memory_space<semaphore_mem>>)
      %dma_wait3A = tpu.memref_slice %arg5[%add3A_75] : memref<786432xf32, #tpu.memory_space<hbm>> -> memref<4096xf32, #tpu.memory_space<hbm>>
      %dma_wait3A_176 = tpu.memref_slice %arg5[%add3A_75] : memref<786432xf32, #tpu.memory_space<hbm>> -> memref<4096xf32, #tpu.memory_space<hbm>>
      tpu.wait_dma2 semaphore(%run_scoped3A_174 : memref<!tpu.dma_semaphore, #tpu.memory_space<semaphore_mem>>) src(%dma_wait3A_176 : memref<4096xf32, #tpu.memory_space<hbm>>) dst(%arg23 : memref<4096xf32, #tpu.memory_space<vmem>>)
      tpu.yield
    }) : () -> ()
    %add3A_76 = arith.constant 524288 : i32
    %add3A_77 = arith.addi %add3A_76, %add3A_59 : i32
    "tpu.region"() ({
      %run_scoped3A_174 = tpu.sem_alloc : memref<!tpu.dma_semaphore, #tpu.memory_space<semaphore_mem>>
      %dma_start3A = tpu.memref_slice %arg6[%add3A_77] : memref<786432xf32, #tpu.memory_space<hbm>> -> memref<4096xf32, #tpu.memory_space<hbm>>
      %dma_start3A_175 = tpu.memref_slice %arg6[%add3A_77] : memref<786432xf32, #tpu.memory_space<hbm>> -> memref<4096xf32, #tpu.memory_space<hbm>>
      tpu.enqueue_dma source(%dma_start3A_175 : memref<4096xf32, #tpu.memory_space<hbm>>) target(%arg26 : memref<4096xf32, #tpu.memory_space<vmem>>) target_semaphore(%run_scoped3A_174 : memref<!tpu.dma_semaphore, #tpu.memory_space<semaphore_mem>>)
      %dma_wait3A = tpu.memref_slice %arg6[%add3A_77] : memref<786432xf32, #tpu.memory_space<hbm>> -> memref<4096xf32, #tpu.memory_space<hbm>>
      %dma_wait3A_176 = tpu.memref_slice %arg6[%add3A_77] : memref<786432xf32, #tpu.memory_space<hbm>> -> memref<4096xf32, #tpu.memory_space<hbm>>
      tpu.wait_dma2 semaphore(%run_scoped3A_174 : memref<!tpu.dma_semaphore, #tpu.memory_space<semaphore_mem>>) src(%dma_wait3A_176 : memref<4096xf32, #tpu.memory_space<hbm>>) dst(%arg26 : memref<4096xf32, #tpu.memory_space<vmem>>)
      tpu.yield
    }) : () -> ()
    %scan3A_78 = arith.constant 0 : i32
    %scan3A_79 = arith.constant 256 : i32
    %scan3A_80 = arith.addi %scan3A_78, %scan3A_79 : i32
    %scan3A_81 = arith.constant 1 : i32
    scf.for %scan3A_174 = %scan3A_78 to %scan3A_80 step %scan3A_81  : i32 {
      %mul3A_175 = arith.constant 1 : i32
      %mul3A_176 = arith.muli %scan3A_174, %mul3A_175 : i32
      %add3A_177 = arith.constant 0 : i32
      %add3A_178 = arith.addi %add3A_177, %mul3A_176 : i32
      %mul3A_179 = arith.constant 16 : i32
      %mul3A_180 = arith.muli %add3A_178, %mul3A_179 : i32
      %get3A = arith.index_cast %mul3A_180 : i32 to index
      %get3A_181 = tpu.vector_load %arg16[%get3A] {strides = array<i32>} : memref<4096xf32, #tpu.memory_space<vmem>>, vector<16xf32>,
      %mul3A_182 = arith.constant 2.000000e+00 : f32
      %mul3A_183 = vector.broadcast %mul3A_182 : f32 to vector<16xf32>
      %mul3A_184 = arith.mulf %get3A_181, %mul3A_183 : vector<16xf32>
      %neg3A = arith.constant 0.000000e+00 : f32
      %neg3A_185 = vector.broadcast %neg3A : f32 to vector<16xf32>
      %neg3A_186 = arith.subf %neg3A_185, %mul3A_184 : vector<16xf32>
      %exp3A = math.exp %neg3A_186 : vector<16xf32>
      %swap3A = arith.index_cast %mul3A_180 : i32 to index
      %swap3A_187 = tpu.vector_load %arg17[%swap3A] {strides = array<i32>} : memref<4096xf32, #tpu.memory_space<vmem>>, vector<16xf32>,
      tpu.vector_store %arg17[%swap3A], %exp3A {strides = array<i32>} : memref<4096xf32, #tpu.memory_space<vmem>>, vector<16xf32>,
      %mul3A_188 = arith.mulf %exp3A, %exp3A : vector<16xf32>
      %sub3A = arith.constant 1.000000e+00 : f32
      %sub3A_189 = vector.broadcast %sub3A : f32 to vector<16xf32>
      %sub3A_190 = arith.subf %sub3A_189, %mul3A_188 : vector<16xf32>
      %max3A = arith.constant 9.99999974E-6 : f32
      %max3A_191 = vector.broadcast %max3A : f32 to vector<16xf32>
      %max3A_192 = arith.maximumf %sub3A_190, %max3A_191 : vector<16xf32>
      %bitcast3A = vector.bitcast %max3A_192 : vector<16xf32> to vector<16xi32>
      %shift_right_arithmetic3A = arith.constant 1 : i32
      %shift_right_arithmetic3A_193 = vector.broadcast %shift_right_arithmetic3A : i32 to vector<16xi32>
      %shift_right_arithmetic3A_194 = arith.shrsi %bitcast3A, %shift_right_arithmetic3A_193 : vector<16xi32>
      %sub3A_195 = arith.constant 1597463007 : i32
      %sub3A_196 = vector.broadcast %sub3A_195 : i32 to vector<16xi32>
      %sub3A_197 = arith.subi %sub3A_196, %shift_right_arithmetic3A_194 : vector<16xi32>
      %bitcast3A_198 = vector.bitcast %sub3A_197 : vector<16xi32> to vector<16xf32>
      %mul3A_199 = arith.constant 5.000000e-01 : f32
      %mul3A_200 = vector.broadcast %mul3A_199 : f32 to vector<16xf32>
      %mul3A_201 = arith.mulf %mul3A_200, %max3A_192 : vector<16xf32>
      %mul3A_202 = arith.mulf %mul3A_201, %bitcast3A_198 : vector<16xf32>
      %mul3A_203 = arith.mulf %mul3A_202, %bitcast3A_198 : vector<16xf32>
      %sub3A_204 = arith.constant 1.500000e+00 : f32
      %sub3A_205 = vector.broadcast %sub3A_204 : f32 to vector<16xf32>
      %sub3A_206 = arith.subf %sub3A_205, %mul3A_203 : vector<16xf32>
      %mul3A_207 = arith.mulf %bitcast3A_198, %sub3A_206 : vector<16xf32>
      %mul3A_208 = arith.constant 5.000000e-01 : f32
      %mul3A_209 = vector.broadcast %mul3A_208 : f32 to vector<16xf32>
      %mul3A_210 = arith.mulf %mul3A_209, %max3A_192 : vector<16xf32>
      %mul3A_211 = arith.mulf %mul3A_210, %mul3A_207 : vector<16xf32>
      %mul3A_212 = arith.mulf %mul3A_211, %mul3A_207 : vector<16xf32>
      %sub3A_213 = arith.constant 1.500000e+00 : f32
      %sub3A_214 = vector.broadcast %sub3A_213 : f32 to vector<16xf32>
      %sub3A_215 = arith.subf %sub3A_214, %mul3A_212 : vector<16xf32>
      %mul3A_216 = arith.mulf %mul3A_207, %sub3A_215 : vector<16xf32>
      %mul3A_217 = arith.constant 5.000000e-01 : f32
      %mul3A_218 = vector.broadcast %mul3A_217 : f32 to vector<16xf32>
      %mul3A_219 = arith.mulf %mul3A_218, %max3A_192 : vector<16xf32>
      %mul3A_220 = arith.mulf %mul3A_219, %mul3A_216 : vector<16xf32>
      %mul3A_221 = arith.mulf %mul3A_220, %mul3A_216 : vector<16xf32>
      %sub3A_222 = arith.constant 1.500000e+00 : f32
      %sub3A_223 = vector.broadcast %sub3A_222 : f32 to vector<16xf32>
      %sub3A_224 = arith.subf %sub3A_223, %mul3A_221 : vector<16xf32>
      %mul3A_225 = arith.mulf %mul3A_216, %sub3A_224 : vector<16xf32>
      %mul3A_226 = arith.mulf %max3A_192, %mul3A_225 : vector<16xf32>
      %swap3A_227 = arith.index_cast %mul3A_180 : i32 to index
      %swap3A_228 = tpu.vector_load %arg18[%swap3A_227] {strides = array<i32>} : memref<4096xf32, #tpu.memory_space<vmem>>, vector<16xf32>,
      tpu.vector_store %arg18[%swap3A_227], %mul3A_226 {strides = array<i32>} : memref<4096xf32, #tpu.memory_space<vmem>>, vector<16xf32>,
      %sub3A_229 = arith.constant 1.000000e+00 : f32
      %sub3A_230 = vector.broadcast %sub3A_229 : f32 to vector<16xf32>
      %sub3A_231 = arith.subf %sub3A_230, %exp3A : vector<16xf32>
      %add3A_232 = arith.constant 1.000000e+00 : f32
      %add3A_233 = vector.broadcast %add3A_232 : f32 to vector<16xf32>
      %add3A_234 = arith.addf %add3A_233, %exp3A : vector<16xf32>
      %div3A = arith.divf %sub3A_231, %add3A_234 : vector<16xf32>
      %swap3A_235 = arith.index_cast %mul3A_180 : i32 to index
      %swap3A_236 = tpu.vector_load %arg19[%swap3A_235] {strides = array<i32>} : memref<4096xf32, #tpu.memory_space<vmem>>, vector<16xf32>,
      tpu.vector_store %arg19[%swap3A_235], %div3A {strides = array<i32>} : memref<4096xf32, #tpu.memory_space<vmem>>, vector<16xf32>,
      %add3A_237 = arith.addf %mul3A_184, %mul3A_184 : vector<16xf32>
      %mul3A_238 = arith.constant 8.000000e+00 : f32
      %mul3A_239 = vector.broadcast %mul3A_238 : f32 to vector<16xf32>
      %mul3A_240 = arith.mulf %mul3A_239, %exp3A : vector<16xf32>
      %add3A_241 = arith.constant 1.000000e+00 : f32
      %add3A_242 = vector.broadcast %add3A_241 : f32 to vector<16xf32>
      %add3A_243 = arith.addf %add3A_242, %exp3A : vector<16xf32>
      %div3A_244 = arith.divf %mul3A_240, %add3A_243 : vector<16xf32>
      %add3A_245 = arith.addf %add3A_237, %div3A_244 : vector<16xf32>
      %sub3A_246 = arith.constant 4.000000e+00 : f32
      %sub3A_247 = vector.broadcast %sub3A_246 : f32 to vector<16xf32>
      %sub3A_248 = arith.subf %add3A_245, %sub3A_247 : vector<16xf32>
      %max3A_249 = arith.constant 9.99999974E-6 : f32
      %max3A_250 = vector.broadcast %max3A_249 : f32 to vector<16xf32>
      %max3A_251 = arith.maximumf %sub3A_248, %max3A_250 : vector<16xf32>
      %bitcast3A_252 = vector.bitcast %max3A_251 : vector<16xf32> to vector<16xi32>
      %shift_right_arithmetic3A_253 = arith.constant 1 : i32
      %shift_right_arithmetic3A_254 = vector.broadcast %shift_right_arithmetic3A_253 : i32 to vector<16xi32>
      %shift_right_arithmetic3A_255 = arith.shrsi %bitcast3A_252, %shift_right_arithmetic3A_254 : vector<16xi32>
      %sub3A_256 = arith.constant 1597463007 : i32
      %sub3A_257 = vector.broadcast %sub3A_256 : i32 to vector<16xi32>
      %sub3A_258 = arith.subi %sub3A_257, %shift_right_arithmetic3A_255 : vector<16xi32>
      %bitcast3A_259 = vector.bitcast %sub3A_258 : vector<16xi32> to vector<16xf32>
      %mul3A_260 = arith.constant 5.000000e-01 : f32
      %mul3A_261 = vector.broadcast %mul3A_260 : f32 to vector<16xf32>
      %mul3A_262 = arith.mulf %mul3A_261, %max3A_251 : vector<16xf32>
      %mul3A_263 = arith.mulf %mul3A_262, %bitcast3A_259 : vector<16xf32>
      %mul3A_264 = arith.mulf %mul3A_263, %bitcast3A_259 : vector<16xf32>
      %sub3A_265 = arith.constant 1.500000e+00 : f32
      %sub3A_266 = vector.broadcast %sub3A_265 : f32 to vector<16xf32>
      %sub3A_267 = arith.subf %sub3A_266, %mul3A_264 : vector<16xf32>
      %mul3A_268 = arith.mulf %bitcast3A_259, %sub3A_267 : vector<16xf32>
      %mul3A_269 = arith.constant 5.000000e-01 : f32
      %mul3A_270 = vector.broadcast %mul3A_269 : f32 to vector<16xf32>
      %mul3A_271 = arith.mulf %mul3A_270, %max3A_251 : vector<16xf32>
      %mul3A_272 = arith.mulf %mul3A_271, %mul3A_268 : vector<16xf32>
      %mul3A_273 = arith.mulf %mul3A_272, %mul3A_268 : vector<16xf32>
      %sub3A_274 = arith.constant 1.500000e+00 : f32
      %sub3A_275 = vector.broadcast %sub3A_274 : f32 to vector<16xf32>
      %sub3A_276 = arith.subf %sub3A_275, %mul3A_273 : vector<16xf32>
      %mul3A_277 = arith.mulf %mul3A_268, %sub3A_276 : vector<16xf32>
      %mul3A_278 = arith.constant 5.000000e-01 : f32
      %mul3A_279 = vector.broadcast %mul3A_278 : f32 to vector<16xf32>
      %mul3A_280 = arith.mulf %mul3A_279, %max3A_251 : vector<16xf32>
      %mul3A_281 = arith.mulf %mul3A_280, %mul3A_277 : vector<16xf32>
      %mul3A_282 = arith.mulf %mul3A_281, %mul3A_277 : vector<16xf32>
      %sub3A_283 = arith.constant 1.500000e+00 : f32
      %sub3A_284 = vector.broadcast %sub3A_283 : f32 to vector<16xf32>
      %sub3A_285 = arith.subf %sub3A_284, %mul3A_282 : vector<16xf32>
      %mul3A_286 = arith.mulf %mul3A_277, %sub3A_285 : vector<16xf32>
      %mul3A_287 = arith.mulf %max3A_251, %mul3A_286 : vector<16xf32>
      %swap3A_288 = arith.index_cast %mul3A_180 : i32 to index
      %swap3A_289 = tpu.vector_load %arg20[%swap3A_288] {strides = array<i32>} : memref<4096xf32, #tpu.memory_space<vmem>>, vector<16xf32>,
      tpu.vector_store %arg20[%swap3A_288], %mul3A_287 {strides = array<i32>} : memref<4096xf32, #tpu.memory_space<vmem>>, vector<16xf32>,
    }
    %scan3A_82 = arith.constant 256 : i32
    %scan3A_83 = arith.constant 0 : i32
    %scan3A_84 = arith.constant 256 : i32
    %scan3A_85 = arith.addi %scan3A_83, %scan3A_84 : i32
    %scan3A_86 = arith.constant 1 : i32
    scf.for %scan3A_174 = %scan3A_83 to %scan3A_85 step %scan3A_86  : i32 {
      %mul3A_175 = arith.constant 1 : i32
      %mul3A_176 = arith.muli %scan3A_174, %mul3A_175 : i32
      %add3A_177 = arith.constant 0 : i32
      %add3A_178 = arith.addi %add3A_177, %mul3A_176 : i32
      %mul3A_179 = arith.constant 16 : i32
      %mul3A_180 = arith.muli %add3A_178, %mul3A_179 : i32
      %get3A = arith.index_cast %mul3A_180 : i32 to index
      %get3A_181 = tpu.vector_load %arg15[%get3A] {strides = array<i32>} : memref<4096xi32, #tpu.memory_space<vmem>>, vector<16xi32>,
      %get3A_182 = arith.index_cast %mul3A_180 : i32 to index
      %get3A_183 = tpu.vector_load %arg17[%get3A_182] {strides = array<i32>} : memref<4096xf32, #tpu.memory_space<vmem>>, vector<16xf32>,
      %get3A_184 = arith.index_cast %mul3A_180 : i32 to index
      %get3A_185 = tpu.vector_load %arg18[%get3A_184] {strides = array<i32>} : memref<4096xf32, #tpu.memory_space<vmem>>, vector<16xf32>,
      %get3A_186 = arith.index_cast %mul3A_180 : i32 to index
      %get3A_187 = tpu.vector_load %arg19[%get3A_186] {strides = array<i32>} : memref<4096xf32, #tpu.memory_space<vmem>>, vector<16xf32>,
      %get3A_188 = arith.index_cast %mul3A_180 : i32 to index
      %get3A_189 = tpu.vector_load %arg20[%get3A_188] {strides = array<i32>} : memref<4096xf32, #tpu.memory_space<vmem>>, vector<16xf32>,
      %gather3A = tpu.vector_load_idx %arg33[%get3A_181] : memref<2048xf32, #tpu.memory_space<vmem>>[vector<16xi32>], vector<16xf32>,
      %gather3A_190 = tpu.vector_load_idx %arg36[%get3A_181] : memref<2048xf32, #tpu.memory_space<vmem>>[vector<16xi32>], vector<16xf32>,
      %get3A_191 = arith.index_cast %mul3A_180 : i32 to index
      %get3A_192 = tpu.vector_load %arg21[%get3A_191] {strides = array<i32>} : memref<4096xf32, #tpu.memory_space<vmem>>, vector<16xf32>,
      %sub3A = arith.subf %get3A_192, %gather3A : vector<16xf32>
      %get3A_193 = arith.index_cast %mul3A_180 : i32 to index
      %get3A_194 = tpu.vector_load %arg24[%get3A_193] {strides = array<i32>} : memref<4096xf32, #tpu.memory_space<vmem>>, vector<16xf32>,
      %sub3A_195 = arith.subf %get3A_194, %gather3A_190 : vector<16xf32>
      %get3A_196 = arith.index_cast %mul3A_180 : i32 to index
      %get3A_197 = tpu.vector_load %arg27[%get3A_196] {strides = array<i32>} : memref<4096xf32, #tpu.memory_space<vmem>>, vector<16xf32>,
      %mul3A_198 = arith.mulf %get3A_183, %get3A_197 : vector<16xf32>
      %mul3A_199 = arith.mulf %get3A_185, %sub3A : vector<16xf32>
      %add3A_200 = arith.addf %mul3A_198, %mul3A_199 : vector<16xf32>
      %add3A_201 = arith.addf %add3A_200, %get3A_197 : vector<16xf32>
      %mul3A_202 = arith.mulf %get3A_187, %add3A_201 : vector<16xf32>
      %mul3A_203 = arith.mulf %get3A_189, %sub3A_195 : vector<16xf32>
      %add3A_204 = arith.addf %mul3A_202, %mul3A_203 : vector<16xf32>
      %swap3A = arith.index_cast %mul3A_180 : i32 to index
      %swap3A_205 = tpu.vector_load %arg21[%swap3A] {strides = array<i32>} : memref<4096xf32, #tpu.memory_space<vmem>>, vector<16xf32>,
      tpu.vector_store %arg21[%swap3A], %sub3A {strides = array<i32>} : memref<4096xf32, #tpu.memory_space<vmem>>, vector<16xf32>,
      %swap3A_206 = arith.index_cast %mul3A_180 : i32 to index
      %swap3A_207 = tpu.vector_load %arg24[%swap3A_206] {strides = array<i32>} : memref<4096xf32, #tpu.memory_space<vmem>>, vector<16xf32>,
      tpu.vector_store %arg24[%swap3A_206], %sub3A_195 {strides = array<i32>} : memref<4096xf32, #tpu.memory_space<vmem>>, vector<16xf32>,
      %swap3A_208 = arith.index_cast %mul3A_180 : i32 to index
      %swap3A_209 = tpu.vector_load %arg27[%swap3A_208] {strides = array<i32>} : memref<4096xf32, #tpu.memory_space<vmem>>, vector<16xf32>,
      tpu.vector_store %arg27[%swap3A_208], %add3A_200 {strides = array<i32>} : memref<4096xf32, #tpu.memory_space<vmem>>, vector<16xf32>,
      %add3A_210 = arith.constant 5.000000e-01 : f32
      %add3A_211 = vector.broadcast %add3A_210 : f32 to vector<16xf32>
      %add3A_212 = arith.addf %add3A_204, %add3A_211 : vector<16xf32>
      %convert_element_type3A_213 = arith.fptosi %add3A_212 : vector<16xf32> to vector<16xi32>
      %convert_element_type3A_214 = arith.sitofp %convert_element_type3A_213 : vector<16xi32> to vector<16xf32>
      %lt3A = arith.cmpf olt, %add3A_212, %convert_element_type3A_214 : vector<16xf32>
      %jit3A = arith.constant 1.000000e+00 : f32
      %jit3A_215 = arith.constant 0.000000e+00 : f32
      %broadcast_in_dim3A_216 = vector.broadcast %jit3A : f32 to vector<16xf32>
      %broadcast_in_dim3A_217 = vector.broadcast %jit3A_215 : f32 to vector<16xf32>
      %select_n3A = arith.select %lt3A, %broadcast_in_dim3A_216, %broadcast_in_dim3A_217 : vector<16xi1>, vector<16xf32>
      %sub3A_218 = arith.subf %convert_element_type3A_214, %select_n3A : vector<16xf32>
      %sub3A_219 = arith.subf %add3A_212, %sub3A_218 : vector<16xf32>
      %sub3A_220 = arith.constant 5.000000e-01 : f32
      %sub3A_221 = vector.broadcast %sub3A_220 : f32 to vector<16xf32>
      %sub3A_222 = arith.subf %sub3A_219, %sub3A_221 : vector<16xf32>
      %swap3A_223 = arith.index_cast %mul3A_180 : i32 to index
      %swap3A_224 = tpu.vector_load %arg30[%swap3A_223] {strides = array<i32>} : memref<4096xf32, #tpu.memory_space<vmem>>, vector<16xf32>,
      tpu.vector_store %arg30[%swap3A_223], %sub3A_222 {strides = array<i32>} : memref<4096xf32, #tpu.memory_space<vmem>>, vector<16xf32>,
      %gather3A_225 = tpu.vector_load_idx %arg34[%get3A_181] : memref<2048xf32, #tpu.memory_space<vmem>>[vector<16xi32>], vector<16xf32>,
      %gather3A_226 = tpu.vector_load_idx %arg37[%get3A_181] : memref<2048xf32, #tpu.memory_space<vmem>>[vector<16xi32>], vector<16xf32>,
      %get3A_227 = arith.index_cast %mul3A_180 : i32 to index
      %get3A_228 = tpu.vector_load %arg22[%get3A_227] {strides = array<i32>} : memref<4096xf32, #tpu.memory_space<vmem>>, vector<16xf32>,
      %sub3A_229 = arith.subf %get3A_228, %gather3A_225 : vector<16xf32>
      %get3A_230 = arith.index_cast %mul3A_180 : i32 to index
      %get3A_231 = tpu.vector_load %arg25[%get3A_230] {strides = array<i32>} : memref<4096xf32, #tpu.memory_space<vmem>>, vector<16xf32>,
      %sub3A_232 = arith.subf %get3A_231, %gather3A_226 : vector<16xf32>
      %get3A_233 = arith.index_cast %mul3A_180 : i32 to index
      %get3A_234 = tpu.vector_load %arg28[%get3A_233] {strides = array<i32>} : memref<4096xf32, #tpu.memory_space<vmem>>, vector<16xf32>,
      %mul3A_235 = arith.mulf %get3A_183, %get3A_234 : vector<16xf32>
      %mul3A_236 = arith.mulf %get3A_185, %sub3A_229 : vector<16xf32>
      %add3A_237 = arith.addf %mul3A_235, %mul3A_236 : vector<16xf32>
      %add3A_238 = arith.addf %add3A_237, %get3A_234 : vector<16xf32>
      %mul3A_239 = arith.mulf %get3A_187, %add3A_238 : vector<16xf32>
      %mul3A_240 = arith.mulf %get3A_189, %sub3A_232 : vector<16xf32>
      %add3A_241 = arith.addf %mul3A_239, %mul3A_240 : vector<16xf32>
      %swap3A_242 = arith.index_cast %mul3A_180 : i32 to index
      %swap3A_243 = tpu.vector_load %arg22[%swap3A_242] {strides = array<i32>} : memref<4096xf32, #tpu.memory_space<vmem>>, vector<16xf32>,
      tpu.vector_store %arg22[%swap3A_242], %sub3A_229 {strides = array<i32>} : memref<4096xf32, #tpu.memory_space<vmem>>, vector<16xf32>,
      %swap3A_244 = arith.index_cast %mul3A_180 : i32 to index
      %swap3A_245 = tpu.vector_load %arg25[%swap3A_244] {strides = array<i32>} : memref<4096xf32, #tpu.memory_space<vmem>>, vector<16xf32>,
      tpu.vector_store %arg25[%swap3A_244], %sub3A_232 {strides = array<i32>} : memref<4096xf32, #tpu.memory_space<vmem>>, vector<16xf32>,
      %swap3A_246 = arith.index_cast %mul3A_180 : i32 to index
      %swap3A_247 = tpu.vector_load %arg28[%swap3A_246] {strides = array<i32>} : memref<4096xf32, #tpu.memory_space<vmem>>, vector<16xf32>,
      tpu.vector_store %arg28[%swap3A_246], %add3A_237 {strides = array<i32>} : memref<4096xf32, #tpu.memory_space<vmem>>, vector<16xf32>,
      %add3A_248 = arith.constant 5.000000e-01 : f32
      %add3A_249 = vector.broadcast %add3A_248 : f32 to vector<16xf32>
      %add3A_250 = arith.addf %add3A_241, %add3A_249 : vector<16xf32>
      %convert_element_type3A_251 = arith.fptosi %add3A_250 : vector<16xf32> to vector<16xi32>
      %convert_element_type3A_252 = arith.sitofp %convert_element_type3A_251 : vector<16xi32> to vector<16xf32>
      %lt3A_253 = arith.cmpf olt, %add3A_250, %convert_element_type3A_252 : vector<16xf32>
      %jit3A_254 = arith.constant 1.000000e+00 : f32
      %jit3A_255 = arith.constant 0.000000e+00 : f32
      %broadcast_in_dim3A_256 = vector.broadcast %jit3A_254 : f32 to vector<16xf32>
      %broadcast_in_dim3A_257 = vector.broadcast %jit3A_255 : f32 to vector<16xf32>
      %select_n3A_258 = arith.select %lt3A_253, %broadcast_in_dim3A_256, %broadcast_in_dim3A_257 : vector<16xi1>, vector<16xf32>
      %sub3A_259 = arith.subf %convert_element_type3A_252, %select_n3A_258 : vector<16xf32>
      %sub3A_260 = arith.subf %add3A_250, %sub3A_259 : vector<16xf32>
      %sub3A_261 = arith.constant 5.000000e-01 : f32
      %sub3A_262 = vector.broadcast %sub3A_261 : f32 to vector<16xf32>
      %sub3A_263 = arith.subf %sub3A_260, %sub3A_262 : vector<16xf32>
      %swap3A_264 = arith.index_cast %mul3A_180 : i32 to index
      %swap3A_265 = tpu.vector_load %arg31[%swap3A_264] {strides = array<i32>} : memref<4096xf32, #tpu.memory_space<vmem>>, vector<16xf32>,
      tpu.vector_store %arg31[%swap3A_264], %sub3A_263 {strides = array<i32>} : memref<4096xf32, #tpu.memory_space<vmem>>, vector<16xf32>,
      %gather3A_266 = tpu.vector_load_idx %arg35[%get3A_181] : memref<2048xf32, #tpu.memory_space<vmem>>[vector<16xi32>], vector<16xf32>,
      %gather3A_267 = tpu.vector_load_idx %arg38[%get3A_181] : memref<2048xf32, #tpu.memory_space<vmem>>[vector<16xi32>], vector<16xf32>,
      %get3A_268 = arith.index_cast %mul3A_180 : i32 to index
      %get3A_269 = tpu.vector_load %arg23[%get3A_268] {strides = array<i32>} : memref<4096xf32, #tpu.memory_space<vmem>>, vector<16xf32>,
      %sub3A_270 = arith.subf %get3A_269, %gather3A_266 : vector<16xf32>
      %get3A_271 = arith.index_cast %mul3A_180 : i32 to index
      %get3A_272 = tpu.vector_load %arg26[%get3A_271] {strides = array<i32>} : memref<4096xf32, #tpu.memory_space<vmem>>, vector<16xf32>,
      %sub3A_273 = arith.subf %get3A_272, %gather3A_267 : vector<16xf32>
      %get3A_274 = arith.index_cast %mul3A_180 : i32 to index
      %get3A_275 = tpu.vector_load %arg29[%get3A_274] {strides = array<i32>} : memref<4096xf32, #tpu.memory_space<vmem>>, vector<16xf32>,
      %mul3A_276 = arith.mulf %get3A_183, %get3A_275 : vector<16xf32>
      %mul3A_277 = arith.mulf %get3A_185, %sub3A_270 : vector<16xf32>
      %add3A_278 = arith.addf %mul3A_276, %mul3A_277 : vector<16xf32>
      %add3A_279 = arith.addf %add3A_278, %get3A_275 : vector<16xf32>
      %mul3A_280 = arith.mulf %get3A_187, %add3A_279 : vector<16xf32>
      %mul3A_281 = arith.mulf %get3A_189, %sub3A_273 : vector<16xf32>
      %add3A_282 = arith.addf %mul3A_280, %mul3A_281 : vector<16xf32>
      %swap3A_283 = arith.index_cast %mul3A_180 : i32 to index
      %swap3A_284 = tpu.vector_load %arg23[%swap3A_283] {strides = array<i32>} : memref<4096xf32, #tpu.memory_space<vmem>>, vector<16xf32>,
      tpu.vector_store %arg23[%swap3A_283], %sub3A_270 {strides = array<i32>} : memref<4096xf32, #tpu.memory_space<vmem>>, vector<16xf32>,
      %swap3A_285 = arith.index_cast %mul3A_180 : i32 to index
      %swap3A_286 = tpu.vector_load %arg26[%swap3A_285] {strides = array<i32>} : memref<4096xf32, #tpu.memory_space<vmem>>, vector<16xf32>,
      tpu.vector_store %arg26[%swap3A_285], %sub3A_273 {strides = array<i32>} : memref<4096xf32, #tpu.memory_space<vmem>>, vector<16xf32>,
      %swap3A_287 = arith.index_cast %mul3A_180 : i32 to index
      %swap3A_288 = tpu.vector_load %arg29[%swap3A_287] {strides = array<i32>} : memref<4096xf32, #tpu.memory_space<vmem>>, vector<16xf32>,
      tpu.vector_store %arg29[%swap3A_287], %add3A_278 {strides = array<i32>} : memref<4096xf32, #tpu.memory_space<vmem>>, vector<16xf32>,
      %add3A_289 = arith.constant 5.000000e-01 : f32
      %add3A_290 = vector.broadcast %add3A_289 : f32 to vector<16xf32>
      %add3A_291 = arith.addf %add3A_282, %add3A_290 : vector<16xf32>
      %convert_element_type3A_292 = arith.fptosi %add3A_291 : vector<16xf32> to vector<16xi32>
      %convert_element_type3A_293 = arith.sitofp %convert_element_type3A_292 : vector<16xi32> to vector<16xf32>
      %lt3A_294 = arith.cmpf olt, %add3A_291, %convert_element_type3A_293 : vector<16xf32>
      %jit3A_295 = arith.constant 1.000000e+00 : f32
      %jit3A_296 = arith.constant 0.000000e+00 : f32
      %broadcast_in_dim3A_297 = vector.broadcast %jit3A_295 : f32 to vector<16xf32>
      %broadcast_in_dim3A_298 = vector.broadcast %jit3A_296 : f32 to vector<16xf32>
      %select_n3A_299 = arith.select %lt3A_294, %broadcast_in_dim3A_297, %broadcast_in_dim3A_298 : vector<16xi1>, vector<16xf32>
      %sub3A_300 = arith.subf %convert_element_type3A_293, %select_n3A_299 : vector<16xf32>
      %sub3A_301 = arith.subf %add3A_291, %sub3A_300 : vector<16xf32>
      %sub3A_302 = arith.constant 5.000000e-01 : f32
      %sub3A_303 = vector.broadcast %sub3A_302 : f32 to vector<16xf32>
      %sub3A_304 = arith.subf %sub3A_301, %sub3A_303 : vector<16xf32>
      %swap3A_305 = arith.index_cast %mul3A_180 : i32 to index
      %swap3A_306 = tpu.vector_load %arg32[%swap3A_305] {strides = array<i32>} : memref<4096xf32, #tpu.memory_space<vmem>>, vector<16xf32>,
      tpu.vector_store %arg32[%swap3A_305], %sub3A_304 {strides = array<i32>} : memref<4096xf32, #tpu.memory_space<vmem>>, vector<16xf32>,
    }
    %scan3A_87 = arith.constant 256 : i32
    "tpu.region"() ({
      %run_scoped3A_174 = tpu.sem_alloc : memref<!tpu.dma_semaphore, #tpu.memory_space<semaphore_mem>>
      %dma_start3A = arith.constant 0 : i32
      %dma_start3A_175 = tpu.memref_slice %arg41[%dma_start3A] : memref<2048xf32, #tpu.memory_space<vmem_shared>> -> memref<2048xf32, #tpu.memory_space<vmem_shared>>
      tpu.enqueue_indirect_dma source(%arg30 : memref<4096xf32, #tpu.memory_space<vmem>>) target(%dma_start3A_175 : memref<2048xf32, #tpu.memory_space<vmem_shared>>) offsets(%arg15 : memref<4096xi32, #tpu.memory_space<vmem>>) semaphore(%run_scoped3A_174 : memref<!tpu.dma_semaphore, #tpu.memory_space<semaphore_mem>>) {add = true}
      %dma_wait3A = arith.constant 0 : i32
      %dma_wait3A_176 = tpu.memref_slice %arg41[%dma_wait3A] : memref<2048xf32, #tpu.memory_space<vmem_shared>> -> memref<2048xf32, #tpu.memory_space<vmem_shared>>
      tpu.wait_indirect_dma semaphore(%run_scoped3A_174 : memref<!tpu.dma_semaphore, #tpu.memory_space<semaphore_mem>>) src(%arg30 : memref<4096xf32, #tpu.memory_space<vmem>>) dst(%dma_wait3A_176 : memref<2048xf32, #tpu.memory_space<vmem_shared>>)
      tpu.yield
    }) : () -> ()
    %add3A_88 = arith.constant 0 : i32
    %add3A_89 = arith.addi %add3A_88, %add3A_59 : i32
    "tpu.region"() ({
      %run_scoped3A_174 = tpu.sem_alloc : memref<!tpu.dma_semaphore, #tpu.memory_space<semaphore_mem>>
      %dma_start3A = tpu.memref_slice %arg10[%add3A_89] : memref<786432xf32, #tpu.memory_space<hbm>> -> memref<4096xf32, #tpu.memory_space<hbm>>
      %dma_start3A_175 = tpu.memref_slice %arg10[%add3A_89] : memref<786432xf32, #tpu.memory_space<hbm>> -> memref<4096xf32, #tpu.memory_space<hbm>>
      tpu.enqueue_dma source(%arg21 : memref<4096xf32, #tpu.memory_space<vmem>>) target(%dma_start3A_175 : memref<4096xf32, #tpu.memory_space<hbm>>) target_semaphore(%run_scoped3A_174 : memref<!tpu.dma_semaphore, #tpu.memory_space<semaphore_mem>>)
      %dma_wait3A = tpu.memref_slice %arg10[%add3A_89] : memref<786432xf32, #tpu.memory_space<hbm>> -> memref<4096xf32, #tpu.memory_space<hbm>>
      %dma_wait3A_176 = tpu.memref_slice %arg10[%add3A_89] : memref<786432xf32, #tpu.memory_space<hbm>> -> memref<4096xf32, #tpu.memory_space<hbm>>
      tpu.wait_dma2 semaphore(%run_scoped3A_174 : memref<!tpu.dma_semaphore, #tpu.memory_space<semaphore_mem>>) src(%arg21 : memref<4096xf32, #tpu.memory_space<vmem>>) dst(%dma_wait3A_176 : memref<4096xf32, #tpu.memory_space<hbm>>)
      tpu.yield
    }) : () -> ()
    %add3A_90 = arith.constant 0 : i32
    %add3A_91 = arith.addi %add3A_90, %add3A_59 : i32
    "tpu.region"() ({
      %run_scoped3A_174 = tpu.sem_alloc : memref<!tpu.dma_semaphore, #tpu.memory_space<semaphore_mem>>
      %dma_start3A = tpu.memref_slice %arg11[%add3A_91] : memref<786432xf32, #tpu.memory_space<hbm>> -> memref<4096xf32, #tpu.memory_space<hbm>>
      %dma_start3A_175 = tpu.memref_slice %arg11[%add3A_91] : memref<786432xf32, #tpu.memory_space<hbm>> -> memref<4096xf32, #tpu.memory_space<hbm>>
      tpu.enqueue_dma source(%arg24 : memref<4096xf32, #tpu.memory_space<vmem>>) target(%dma_start3A_175 : memref<4096xf32, #tpu.memory_space<hbm>>) target_semaphore(%run_scoped3A_174 : memref<!tpu.dma_semaphore, #tpu.memory_space<semaphore_mem>>)
      %dma_wait3A = tpu.memref_slice %arg11[%add3A_91] : memref<786432xf32, #tpu.memory_space<hbm>> -> memref<4096xf32, #tpu.memory_space<hbm>>
      %dma_wait3A_176 = tpu.memref_slice %arg11[%add3A_91] : memref<786432xf32, #tpu.memory_space<hbm>> -> memref<4096xf32, #tpu.memory_space<hbm>>
      tpu.wait_dma2 semaphore(%run_scoped3A_174 : memref<!tpu.dma_semaphore, #tpu.memory_space<semaphore_mem>>) src(%arg24 : memref<4096xf32, #tpu.memory_space<vmem>>) dst(%dma_wait3A_176 : memref<4096xf32, #tpu.memory_space<hbm>>)
      tpu.yield
    }) : () -> ()
    %add3A_92 = arith.constant 0 : i32
    %add3A_93 = arith.addi %add3A_92, %add3A_59 : i32
    "tpu.region"() ({
      %run_scoped3A_174 = tpu.sem_alloc : memref<!tpu.dma_semaphore, #tpu.memory_space<semaphore_mem>>
      %dma_start3A = tpu.memref_slice %arg12[%add3A_93] : memref<786432xf32, #tpu.memory_space<hbm>> -> memref<4096xf32, #tpu.memory_space<hbm>>
      %dma_start3A_175 = tpu.memref_slice %arg12[%add3A_93] : memref<786432xf32, #tpu.memory_space<hbm>> -> memref<4096xf32, #tpu.memory_space<hbm>>
      tpu.enqueue_dma source(%arg27 : memref<4096xf32, #tpu.memory_space<vmem>>) target(%dma_start3A_175 : memref<4096xf32, #tpu.memory_space<hbm>>) target_semaphore(%run_scoped3A_174 : memref<!tpu.dma_semaphore, #tpu.memory_space<semaphore_mem>>)
      %dma_wait3A = tpu.memref_slice %arg12[%add3A_93] : memref<786432xf32, #tpu.memory_space<hbm>> -> memref<4096xf32, #tpu.memory_space<hbm>>
      %dma_wait3A_176 = tpu.memref_slice %arg12[%add3A_93] : memref<786432xf32, #tpu.memory_space<hbm>> -> memref<4096xf32, #tpu.memory_space<hbm>>
      tpu.wait_dma2 semaphore(%run_scoped3A_174 : memref<!tpu.dma_semaphore, #tpu.memory_space<semaphore_mem>>) src(%arg27 : memref<4096xf32, #tpu.memory_space<vmem>>) dst(%dma_wait3A_176 : memref<4096xf32, #tpu.memory_space<hbm>>)
      tpu.yield
    }) : () -> ()
    %add3A_94 = arith.constant 0 : i32
    %add3A_95 = arith.addi %add3A_94, %add3A_59 : i32
    "tpu.region"() ({
      %run_scoped3A_174 = tpu.sem_alloc : memref<!tpu.dma_semaphore, #tpu.memory_space<semaphore_mem>>
      %dma_start3A = tpu.memref_slice %arg13[%add3A_95] : memref<786432xf32, #tpu.memory_space<hbm>> -> memref<4096xf32, #tpu.memory_space<hbm>>
      %dma_start3A_175 = tpu.memref_slice %arg13[%add3A_95] : memref<786432xf32, #tpu.memory_space<hbm>> -> memref<4096xf32, #tpu.memory_space<hbm>>
      tpu.enqueue_dma source(%arg30 : memref<4096xf32, #tpu.memory_space<vmem>>) target(%dma_start3A_175 : memref<4096xf32, #tpu.memory_space<hbm>>) target_semaphore(%run_scoped3A_174 : memref<!tpu.dma_semaphore, #tpu.memory_space<semaphore_mem>>)
      %dma_wait3A = tpu.memref_slice %arg13[%add3A_95] : memref<786432xf32, #tpu.memory_space<hbm>> -> memref<4096xf32, #tpu.memory_space<hbm>>
      %dma_wait3A_176 = tpu.memref_slice %arg13[%add3A_95] : memref<786432xf32, #tpu.memory_space<hbm>> -> memref<4096xf32, #tpu.memory_space<hbm>>
      tpu.wait_dma2 semaphore(%run_scoped3A_174 : memref<!tpu.dma_semaphore, #tpu.memory_space<semaphore_mem>>) src(%arg30 : memref<4096xf32, #tpu.memory_space<vmem>>) dst(%dma_wait3A_176 : memref<4096xf32, #tpu.memory_space<hbm>>)
      tpu.yield
    }) : () -> ()
    "tpu.region"() ({
      %run_scoped3A_174 = tpu.sem_alloc : memref<!tpu.dma_semaphore, #tpu.memory_space<semaphore_mem>>
      %dma_start3A = arith.constant 0 : i32
      %dma_start3A_175 = tpu.memref_slice %arg42[%dma_start3A] : memref<2048xf32, #tpu.memory_space<vmem_shared>> -> memref<2048xf32, #tpu.memory_space<vmem_shared>>
      tpu.enqueue_indirect_dma source(%arg31 : memref<4096xf32, #tpu.memory_space<vmem>>) target(%dma_start3A_175 : memref<2048xf32, #tpu.memory_space<vmem_shared>>) offsets(%arg15 : memref<4096xi32, #tpu.memory_space<vmem>>) semaphore(%run_scoped3A_174 : memref<!tpu.dma_semaphore, #tpu.memory_space<semaphore_mem>>) {add = true}
      %dma_wait3A = arith.constant 0 : i32
      %dma_wait3A_176 = tpu.memref_slice %arg42[%dma_wait3A] : memref<2048xf32, #tpu.memory_space<vmem_shared>> -> memref<2048xf32, #tpu.memory_space<vmem_shared>>
      tpu.wait_indirect_dma semaphore(%run_scoped3A_174 : memref<!tpu.dma_semaphore, #tpu.memory_space<semaphore_mem>>) src(%arg31 : memref<4096xf32, #tpu.memory_space<vmem>>) dst(%dma_wait3A_176 : memref<2048xf32, #tpu.memory_space<vmem_shared>>)
      tpu.yield
    }) : () -> ()
    %add3A_96 = arith.constant 262144 : i32
    %add3A_97 = arith.addi %add3A_96, %add3A_59 : i32
    "tpu.region"() ({
      %run_scoped3A_174 = tpu.sem_alloc : memref<!tpu.dma_semaphore, #tpu.memory_space<semaphore_mem>>
      %dma_start3A = tpu.memref_slice %arg10[%add3A_97] : memref<786432xf32, #tpu.memory_space<hbm>> -> memref<4096xf32, #tpu.memory_space<hbm>>
      %dma_start3A_175 = tpu.memref_slice %arg10[%add3A_97] : memref<786432xf32, #tpu.memory_space<hbm>> -> memref<4096xf32, #tpu.memory_space<hbm>>
      tpu.enqueue_dma source(%arg22 : memref<4096xf32, #tpu.memory_space<vmem>>) target(%dma_start3A_175 : memref<4096xf32, #tpu.memory_space<hbm>>) target_semaphore(%run_scoped3A_174 : memref<!tpu.dma_semaphore, #tpu.memory_space<semaphore_mem>>)
      %dma_wait3A = tpu.memref_slice %arg10[%add3A_97] : memref<786432xf32, #tpu.memory_space<hbm>> -> memref<4096xf32, #tpu.memory_space<hbm>>
      %dma_wait3A_176 = tpu.memref_slice %arg10[%add3A_97] : memref<786432xf32, #tpu.memory_space<hbm>> -> memref<4096xf32, #tpu.memory_space<hbm>>
      tpu.wait_dma2 semaphore(%run_scoped3A_174 : memref<!tpu.dma_semaphore, #tpu.memory_space<semaphore_mem>>) src(%arg22 : memref<4096xf32, #tpu.memory_space<vmem>>) dst(%dma_wait3A_176 : memref<4096xf32, #tpu.memory_space<hbm>>)
      tpu.yield
    }) : () -> ()
    %add3A_98 = arith.constant 262144 : i32
    %add3A_99 = arith.addi %add3A_98, %add3A_59 : i32
    "tpu.region"() ({
      %run_scoped3A_174 = tpu.sem_alloc : memref<!tpu.dma_semaphore, #tpu.memory_space<semaphore_mem>>
      %dma_start3A = tpu.memref_slice %arg11[%add3A_99] : memref<786432xf32, #tpu.memory_space<hbm>> -> memref<4096xf32, #tpu.memory_space<hbm>>
      %dma_start3A_175 = tpu.memref_slice %arg11[%add3A_99] : memref<786432xf32, #tpu.memory_space<hbm>> -> memref<4096xf32, #tpu.memory_space<hbm>>
      tpu.enqueue_dma source(%arg25 : memref<4096xf32, #tpu.memory_space<vmem>>) target(%dma_start3A_175 : memref<4096xf32, #tpu.memory_space<hbm>>) target_semaphore(%run_scoped3A_174 : memref<!tpu.dma_semaphore, #tpu.memory_space<semaphore_mem>>)
      %dma_wait3A = tpu.memref_slice %arg11[%add3A_99] : memref<786432xf32, #tpu.memory_space<hbm>> -> memref<4096xf32, #tpu.memory_space<hbm>>
      %dma_wait3A_176 = tpu.memref_slice %arg11[%add3A_99] : memref<786432xf32, #tpu.memory_space<hbm>> -> memref<4096xf32, #tpu.memory_space<hbm>>
      tpu.wait_dma2 semaphore(%run_scoped3A_174 : memref<!tpu.dma_semaphore, #tpu.memory_space<semaphore_mem>>) src(%arg25 : memref<4096xf32, #tpu.memory_space<vmem>>) dst(%dma_wait3A_176 : memref<4096xf32, #tpu.memory_space<hbm>>)
      tpu.yield
    }) : () -> ()
    %add3A_100 = arith.constant 262144 : i32
    %add3A_101 = arith.addi %add3A_100, %add3A_59 : i32
    "tpu.region"() ({
      %run_scoped3A_174 = tpu.sem_alloc : memref<!tpu.dma_semaphore, #tpu.memory_space<semaphore_mem>>
      %dma_start3A = tpu.memref_slice %arg12[%add3A_101] : memref<786432xf32, #tpu.memory_space<hbm>> -> memref<4096xf32, #tpu.memory_space<hbm>>
      %dma_start3A_175 = tpu.memref_slice %arg12[%add3A_101] : memref<786432xf32, #tpu.memory_space<hbm>> -> memref<4096xf32, #tpu.memory_space<hbm>>
      tpu.enqueue_dma source(%arg28 : memref<4096xf32, #tpu.memory_space<vmem>>) target(%dma_start3A_175 : memref<4096xf32, #tpu.memory_space<hbm>>) target_semaphore(%run_scoped3A_174 : memref<!tpu.dma_semaphore, #tpu.memory_space<semaphore_mem>>)
      %dma_wait3A = tpu.memref_slice %arg12[%add3A_101] : memref<786432xf32, #tpu.memory_space<hbm>> -> memref<4096xf32, #tpu.memory_space<hbm>>
      %dma_wait3A_176 = tpu.memref_slice %arg12[%add3A_101] : memref<786432xf32, #tpu.memory_space<hbm>> -> memref<4096xf32, #tpu.memory_space<hbm>>
      tpu.wait_dma2 semaphore(%run_scoped3A_174 : memref<!tpu.dma_semaphore, #tpu.memory_space<semaphore_mem>>) src(%arg28 : memref<4096xf32, #tpu.memory_space<vmem>>) dst(%dma_wait3A_176 : memref<4096xf32, #tpu.memory_space<hbm>>)
      tpu.yield
    }) : () -> ()
    %add3A_102 = arith.constant 262144 : i32
    %add3A_103 = arith.addi %add3A_102, %add3A_59 : i32
    "tpu.region"() ({
      %run_scoped3A_174 = tpu.sem_alloc : memref<!tpu.dma_semaphore, #tpu.memory_space<semaphore_mem>>
      %dma_start3A = tpu.memref_slice %arg13[%add3A_103] : memref<786432xf32, #tpu.memory_space<hbm>> -> memref<4096xf32, #tpu.memory_space<hbm>>
      %dma_start3A_175 = tpu.memref_slice %arg13[%add3A_103] : memref<786432xf32, #tpu.memory_space<hbm>> -> memref<4096xf32, #tpu.memory_space<hbm>>
      tpu.enqueue_dma source(%arg31 : memref<4096xf32, #tpu.memory_space<vmem>>) target(%dma_start3A_175 : memref<4096xf32, #tpu.memory_space<hbm>>) target_semaphore(%run_scoped3A_174 : memref<!tpu.dma_semaphore, #tpu.memory_space<semaphore_mem>>)
      %dma_wait3A = tpu.memref_slice %arg13[%add3A_103] : memref<786432xf32, #tpu.memory_space<hbm>> -> memref<4096xf32, #tpu.memory_space<hbm>>
      %dma_wait3A_176 = tpu.memref_slice %arg13[%add3A_103] : memref<786432xf32, #tpu.memory_space<hbm>> -> memref<4096xf32, #tpu.memory_space<hbm>>
      tpu.wait_dma2 semaphore(%run_scoped3A_174 : memref<!tpu.dma_semaphore, #tpu.memory_space<semaphore_mem>>) src(%arg31 : memref<4096xf32, #tpu.memory_space<vmem>>) dst(%dma_wait3A_176 : memref<4096xf32, #tpu.memory_space<hbm>>)
      tpu.yield
    }) : () -> ()
    "tpu.region"() ({
      %run_scoped3A_174 = tpu.sem_alloc : memref<!tpu.dma_semaphore, #tpu.memory_space<semaphore_mem>>
      %dma_start3A = arith.constant 0 : i32
      %dma_start3A_175 = tpu.memref_slice %arg43[%dma_start3A] : memref<2048xf32, #tpu.memory_space<vmem_shared>> -> memref<2048xf32, #tpu.memory_space<vmem_shared>>
      tpu.enqueue_indirect_dma source(%arg32 : memref<4096xf32, #tpu.memory_space<vmem>>) target(%dma_start3A_175 : memref<2048xf32, #tpu.memory_space<vmem_shared>>) offsets(%arg15 : memref<4096xi32, #tpu.memory_space<vmem>>) semaphore(%run_scoped3A_174 : memref<!tpu.dma_semaphore, #tpu.memory_space<semaphore_mem>>) {add = true}
      %dma_wait3A = arith.constant 0 : i32
      %dma_wait3A_176 = tpu.memref_slice %arg43[%dma_wait3A] : memref<2048xf32, #tpu.memory_space<vmem_shared>> -> memref<2048xf32, #tpu.memory_space<vmem_shared>>
      tpu.wait_indirect_dma semaphore(%run_scoped3A_174 : memref<!tpu.dma_semaphore, #tpu.memory_space<semaphore_mem>>) src(%arg32 : memref<4096xf32, #tpu.memory_space<vmem>>) dst(%dma_wait3A_176 : memref<2048xf32, #tpu.memory_space<vmem_shared>>)
      tpu.yield
    }) : () -> ()
    %add3A_104 = arith.constant 524288 : i32
    %add3A_105 = arith.addi %add3A_104, %add3A_59 : i32
    "tpu.region"() ({
      %run_scoped3A_174 = tpu.sem_alloc : memref<!tpu.dma_semaphore, #tpu.memory_space<semaphore_mem>>
      %dma_start3A = tpu.memref_slice %arg10[%add3A_105] : memref<786432xf32, #tpu.memory_space<hbm>> -> memref<4096xf32, #tpu.memory_space<hbm>>
      %dma_start3A_175 = tpu.memref_slice %arg10[%add3A_105] : memref<786432xf32, #tpu.memory_space<hbm>> -> memref<4096xf32, #tpu.memory_space<hbm>>
      tpu.enqueue_dma source(%arg23 : memref<4096xf32, #tpu.memory_space<vmem>>) target(%dma_start3A_175 : memref<4096xf32, #tpu.memory_space<hbm>>) target_semaphore(%run_scoped3A_174 : memref<!tpu.dma_semaphore, #tpu.memory_space<semaphore_mem>>)
      %dma_wait3A = tpu.memref_slice %arg10[%add3A_105] : memref<786432xf32, #tpu.memory_space<hbm>> -> memref<4096xf32, #tpu.memory_space<hbm>>
      %dma_wait3A_176 = tpu.memref_slice %arg10[%add3A_105] : memref<786432xf32, #tpu.memory_space<hbm>> -> memref<4096xf32, #tpu.memory_space<hbm>>
      tpu.wait_dma2 semaphore(%run_scoped3A_174 : memref<!tpu.dma_semaphore, #tpu.memory_space<semaphore_mem>>) src(%arg23 : memref<4096xf32, #tpu.memory_space<vmem>>) dst(%dma_wait3A_176 : memref<4096xf32, #tpu.memory_space<hbm>>)
      tpu.yield
    }) : () -> ()
    %add3A_106 = arith.constant 524288 : i32
    %add3A_107 = arith.addi %add3A_106, %add3A_59 : i32
    "tpu.region"() ({
      %run_scoped3A_174 = tpu.sem_alloc : memref<!tpu.dma_semaphore, #tpu.memory_space<semaphore_mem>>
      %dma_start3A = tpu.memref_slice %arg11[%add3A_107] : memref<786432xf32, #tpu.memory_space<hbm>> -> memref<4096xf32, #tpu.memory_space<hbm>>
      %dma_start3A_175 = tpu.memref_slice %arg11[%add3A_107] : memref<786432xf32, #tpu.memory_space<hbm>> -> memref<4096xf32, #tpu.memory_space<hbm>>
      tpu.enqueue_dma source(%arg26 : memref<4096xf32, #tpu.memory_space<vmem>>) target(%dma_start3A_175 : memref<4096xf32, #tpu.memory_space<hbm>>) target_semaphore(%run_scoped3A_174 : memref<!tpu.dma_semaphore, #tpu.memory_space<semaphore_mem>>)
      %dma_wait3A = tpu.memref_slice %arg11[%add3A_107] : memref<786432xf32, #tpu.memory_space<hbm>> -> memref<4096xf32, #tpu.memory_space<hbm>>
      %dma_wait3A_176 = tpu.memref_slice %arg11[%add3A_107] : memref<786432xf32, #tpu.memory_space<hbm>> -> memref<4096xf32, #tpu.memory_space<hbm>>
      tpu.wait_dma2 semaphore(%run_scoped3A_174 : memref<!tpu.dma_semaphore, #tpu.memory_space<semaphore_mem>>) src(%arg26 : memref<4096xf32, #tpu.memory_space<vmem>>) dst(%dma_wait3A_176 : memref<4096xf32, #tpu.memory_space<hbm>>)
      tpu.yield
    }) : () -> ()
    %add3A_108 = arith.constant 524288 : i32
    %add3A_109 = arith.addi %add3A_108, %add3A_59 : i32
    "tpu.region"() ({
      %run_scoped3A_174 = tpu.sem_alloc : memref<!tpu.dma_semaphore, #tpu.memory_space<semaphore_mem>>
      %dma_start3A = tpu.memref_slice %arg12[%add3A_109] : memref<786432xf32, #tpu.memory_space<hbm>> -> memref<4096xf32, #tpu.memory_space<hbm>>
      %dma_start3A_175 = tpu.memref_slice %arg12[%add3A_109] : memref<786432xf32, #tpu.memory_space<hbm>> -> memref<4096xf32, #tpu.memory_space<hbm>>
      tpu.enqueue_dma source(%arg29 : memref<4096xf32, #tpu.memory_space<vmem>>) target(%dma_start3A_175 : memref<4096xf32, #tpu.memory_space<hbm>>) target_semaphore(%run_scoped3A_174 : memref<!tpu.dma_semaphore, #tpu.memory_space<semaphore_mem>>)
      %dma_wait3A = tpu.memref_slice %arg12[%add3A_109] : memref<786432xf32, #tpu.memory_space<hbm>> -> memref<4096xf32, #tpu.memory_space<hbm>>
      %dma_wait3A_176 = tpu.memref_slice %arg12[%add3A_109] : memref<786432xf32, #tpu.memory_space<hbm>> -> memref<4096xf32, #tpu.memory_space<hbm>>
      tpu.wait_dma2 semaphore(%run_scoped3A_174 : memref<!tpu.dma_semaphore, #tpu.memory_space<semaphore_mem>>) src(%arg29 : memref<4096xf32, #tpu.memory_space<vmem>>) dst(%dma_wait3A_176 : memref<4096xf32, #tpu.memory_space<hbm>>)
      tpu.yield
    }) : () -> ()
    %add3A_110 = arith.constant 524288 : i32
    %add3A_111 = arith.addi %add3A_110, %add3A_59 : i32
    "tpu.region"() ({
      %run_scoped3A_174 = tpu.sem_alloc : memref<!tpu.dma_semaphore, #tpu.memory_space<semaphore_mem>>
      %dma_start3A = tpu.memref_slice %arg13[%add3A_111] : memref<786432xf32, #tpu.memory_space<hbm>> -> memref<4096xf32, #tpu.memory_space<hbm>>
      %dma_start3A_175 = tpu.memref_slice %arg13[%add3A_111] : memref<786432xf32, #tpu.memory_space<hbm>> -> memref<4096xf32, #tpu.memory_space<hbm>>
      tpu.enqueue_dma source(%arg32 : memref<4096xf32, #tpu.memory_space<vmem>>) target(%dma_start3A_175 : memref<4096xf32, #tpu.memory_space<hbm>>) target_semaphore(%run_scoped3A_174 : memref<!tpu.dma_semaphore, #tpu.memory_space<semaphore_mem>>)
      %dma_wait3A = tpu.memref_slice %arg13[%add3A_111] : memref<786432xf32, #tpu.memory_space<hbm>> -> memref<4096xf32, #tpu.memory_space<hbm>>
      %dma_wait3A_176 = tpu.memref_slice %arg13[%add3A_111] : memref<786432xf32, #tpu.memory_space<hbm>> -> memref<4096xf32, #tpu.memory_space<hbm>>
      tpu.wait_dma2 semaphore(%run_scoped3A_174 : memref<!tpu.dma_semaphore, #tpu.memory_space<semaphore_mem>>) src(%arg32 : memref<4096xf32, #tpu.memory_space<vmem>>) dst(%dma_wait3A_176 : memref<4096xf32, #tpu.memory_space<hbm>>)
      tpu.yield
    }) : () -> ()
    %mul3A_112 = arith.constant 8192 : i32
    %mul3A_113 = arith.muli %add3A, %mul3A_112 : i32
    %add3A_114 = arith.constant 4096 : i32
    %add3A_115 = arith.addi %mul3A_113, %add3A_114 : i32
    "tpu.region"() ({
      %run_scoped3A_174 = tpu.sem_alloc : memref<!tpu.dma_semaphore, #tpu.memory_space<semaphore_mem>>
      %dma_start3A = tpu.memref_slice %arg2[%add3A_115] : memref<262144xi32, #tpu.memory_space<hbm>> -> memref<4096xi32, #tpu.memory_space<hbm>>
      %dma_start3A_175 = tpu.memref_slice %arg2[%add3A_115] : memref<262144xi32, #tpu.memory_space<hbm>> -> memref<4096xi32, #tpu.memory_space<hbm>>
      tpu.enqueue_dma source(%dma_start3A_175 : memref<4096xi32, #tpu.memory_space<hbm>>) target(%arg15 : memref<4096xi32, #tpu.memory_space<vmem>>) target_semaphore(%run_scoped3A_174 : memref<!tpu.dma_semaphore, #tpu.memory_space<semaphore_mem>>)
      %dma_wait3A = tpu.memref_slice %arg2[%add3A_115] : memref<262144xi32, #tpu.memory_space<hbm>> -> memref<4096xi32, #tpu.memory_space<hbm>>
      %dma_wait3A_176 = tpu.memref_slice %arg2[%add3A_115] : memref<262144xi32, #tpu.memory_space<hbm>> -> memref<4096xi32, #tpu.memory_space<hbm>>
      tpu.wait_dma2 semaphore(%run_scoped3A_174 : memref<!tpu.dma_semaphore, #tpu.memory_space<semaphore_mem>>) src(%dma_wait3A_176 : memref<4096xi32, #tpu.memory_space<hbm>>) dst(%arg15 : memref<4096xi32, #tpu.memory_space<vmem>>)
      tpu.yield
    }) : () -> ()
    "tpu.region"() ({
      %run_scoped3A_174 = tpu.sem_alloc : memref<!tpu.dma_semaphore, #tpu.memory_space<semaphore_mem>>
      %dma_start3A = tpu.memref_slice %arg3[%add3A_115] : memref<262144xf32, #tpu.memory_space<hbm>> -> memref<4096xf32, #tpu.memory_space<hbm>>
      %dma_start3A_175 = tpu.memref_slice %arg3[%add3A_115] : memref<262144xf32, #tpu.memory_space<hbm>> -> memref<4096xf32, #tpu.memory_space<hbm>>
      tpu.enqueue_dma source(%dma_start3A_175 : memref<4096xf32, #tpu.memory_space<hbm>>) target(%arg16 : memref<4096xf32, #tpu.memory_space<vmem>>) target_semaphore(%run_scoped3A_174 : memref<!tpu.dma_semaphore, #tpu.memory_space<semaphore_mem>>)
      %dma_wait3A = tpu.memref_slice %arg3[%add3A_115] : memref<262144xf32, #tpu.memory_space<hbm>> -> memref<4096xf32, #tpu.memory_space<hbm>>
      %dma_wait3A_176 = tpu.memref_slice %arg3[%add3A_115] : memref<262144xf32, #tpu.memory_space<hbm>> -> memref<4096xf32, #tpu.memory_space<hbm>>
      tpu.wait_dma2 semaphore(%run_scoped3A_174 : memref<!tpu.dma_semaphore, #tpu.memory_space<semaphore_mem>>) src(%dma_wait3A_176 : memref<4096xf32, #tpu.memory_space<hbm>>) dst(%arg16 : memref<4096xf32, #tpu.memory_space<vmem>>)
      tpu.yield
    }) : () -> ()
    %add3A_116 = arith.constant 0 : i32
    %add3A_117 = arith.addi %add3A_116, %add3A_115 : i32
    "tpu.region"() ({
      %run_scoped3A_174 = tpu.sem_alloc : memref<!tpu.dma_semaphore, #tpu.memory_space<semaphore_mem>>
      %dma_start3A = tpu.memref_slice %arg4[%add3A_117] : memref<786432xf32, #tpu.memory_space<hbm>> -> memref<4096xf32, #tpu.memory_space<hbm>>
      %dma_start3A_175 = tpu.memref_slice %arg4[%add3A_117] : memref<786432xf32, #tpu.memory_space<hbm>> -> memref<4096xf32, #tpu.memory_space<hbm>>
      tpu.enqueue_dma source(%dma_start3A_175 : memref<4096xf32, #tpu.memory_space<hbm>>) target(%arg27 : memref<4096xf32, #tpu.memory_space<vmem>>) target_semaphore(%run_scoped3A_174 : memref<!tpu.dma_semaphore, #tpu.memory_space<semaphore_mem>>)
      %dma_wait3A = tpu.memref_slice %arg4[%add3A_117] : memref<786432xf32, #tpu.memory_space<hbm>> -> memref<4096xf32, #tpu.memory_space<hbm>>
      %dma_wait3A_176 = tpu.memref_slice %arg4[%add3A_117] : memref<786432xf32, #tpu.memory_space<hbm>> -> memref<4096xf32, #tpu.memory_space<hbm>>
      tpu.wait_dma2 semaphore(%run_scoped3A_174 : memref<!tpu.dma_semaphore, #tpu.memory_space<semaphore_mem>>) src(%dma_wait3A_176 : memref<4096xf32, #tpu.memory_space<hbm>>) dst(%arg27 : memref<4096xf32, #tpu.memory_space<vmem>>)
      tpu.yield
    }) : () -> ()
    %add3A_118 = arith.constant 0 : i32
    %add3A_119 = arith.addi %add3A_118, %add3A_115 : i32
    "tpu.region"() ({
      %run_scoped3A_174 = tpu.sem_alloc : memref<!tpu.dma_semaphore, #tpu.memory_space<semaphore_mem>>
      %dma_start3A = tpu.memref_slice %arg5[%add3A_119] : memref<786432xf32, #tpu.memory_space<hbm>> -> memref<4096xf32, #tpu.memory_space<hbm>>
      %dma_start3A_175 = tpu.memref_slice %arg5[%add3A_119] : memref<786432xf32, #tpu.memory_space<hbm>> -> memref<4096xf32, #tpu.memory_space<hbm>>
      tpu.enqueue_dma source(%dma_start3A_175 : memref<4096xf32, #tpu.memory_space<hbm>>) target(%arg21 : memref<4096xf32, #tpu.memory_space<vmem>>) target_semaphore(%run_scoped3A_174 : memref<!tpu.dma_semaphore, #tpu.memory_space<semaphore_mem>>)
      %dma_wait3A = tpu.memref_slice %arg5[%add3A_119] : memref<786432xf32, #tpu.memory_space<hbm>> -> memref<4096xf32, #tpu.memory_space<hbm>>
      %dma_wait3A_176 = tpu.memref_slice %arg5[%add3A_119] : memref<786432xf32, #tpu.memory_space<hbm>> -> memref<4096xf32, #tpu.memory_space<hbm>>
      tpu.wait_dma2 semaphore(%run_scoped3A_174 : memref<!tpu.dma_semaphore, #tpu.memory_space<semaphore_mem>>) src(%dma_wait3A_176 : memref<4096xf32, #tpu.memory_space<hbm>>) dst(%arg21 : memref<4096xf32, #tpu.memory_space<vmem>>)
      tpu.yield
    }) : () -> ()
    %add3A_120 = arith.constant 0 : i32
    %add3A_121 = arith.addi %add3A_120, %add3A_115 : i32
    "tpu.region"() ({
      %run_scoped3A_174 = tpu.sem_alloc : memref<!tpu.dma_semaphore, #tpu.memory_space<semaphore_mem>>
      %dma_start3A = tpu.memref_slice %arg6[%add3A_121] : memref<786432xf32, #tpu.memory_space<hbm>> -> memref<4096xf32, #tpu.memory_space<hbm>>
      %dma_start3A_175 = tpu.memref_slice %arg6[%add3A_121] : memref<786432xf32, #tpu.memory_space<hbm>> -> memref<4096xf32, #tpu.memory_space<hbm>>
      tpu.enqueue_dma source(%dma_start3A_175 : memref<4096xf32, #tpu.memory_space<hbm>>) target(%arg24 : memref<4096xf32, #tpu.memory_space<vmem>>) target_semaphore(%run_scoped3A_174 : memref<!tpu.dma_semaphore, #tpu.memory_space<semaphore_mem>>)
      %dma_wait3A = tpu.memref_slice %arg6[%add3A_121] : memref<786432xf32, #tpu.memory_space<hbm>> -> memref<4096xf32, #tpu.memory_space<hbm>>
      %dma_wait3A_176 = tpu.memref_slice %arg6[%add3A_121] : memref<786432xf32, #tpu.memory_space<hbm>> -> memref<4096xf32, #tpu.memory_space<hbm>>
      tpu.wait_dma2 semaphore(%run_scoped3A_174 : memref<!tpu.dma_semaphore, #tpu.memory_space<semaphore_mem>>) src(%dma_wait3A_176 : memref<4096xf32, #tpu.memory_space<hbm>>) dst(%arg24 : memref<4096xf32, #tpu.memory_space<vmem>>)
      tpu.yield
    }) : () -> ()
    %add3A_122 = arith.constant 262144 : i32
    %add3A_123 = arith.addi %add3A_122, %add3A_115 : i32
    "tpu.region"() ({
      %run_scoped3A_174 = tpu.sem_alloc : memref<!tpu.dma_semaphore, #tpu.memory_space<semaphore_mem>>
      %dma_start3A = tpu.memref_slice %arg4[%add3A_123] : memref<786432xf32, #tpu.memory_space<hbm>> -> memref<4096xf32, #tpu.memory_space<hbm>>
      %dma_start3A_175 = tpu.memref_slice %arg4[%add3A_123] : memref<786432xf32, #tpu.memory_space<hbm>> -> memref<4096xf32, #tpu.memory_space<hbm>>
      tpu.enqueue_dma source(%dma_start3A_175 : memref<4096xf32, #tpu.memory_space<hbm>>) target(%arg28 : memref<4096xf32, #tpu.memory_space<vmem>>) target_semaphore(%run_scoped3A_174 : memref<!tpu.dma_semaphore, #tpu.memory_space<semaphore_mem>>)
      %dma_wait3A = tpu.memref_slice %arg4[%add3A_123] : memref<786432xf32, #tpu.memory_space<hbm>> -> memref<4096xf32, #tpu.memory_space<hbm>>
      %dma_wait3A_176 = tpu.memref_slice %arg4[%add3A_123] : memref<786432xf32, #tpu.memory_space<hbm>> -> memref<4096xf32, #tpu.memory_space<hbm>>
      tpu.wait_dma2 semaphore(%run_scoped3A_174 : memref<!tpu.dma_semaphore, #tpu.memory_space<semaphore_mem>>) src(%dma_wait3A_176 : memref<4096xf32, #tpu.memory_space<hbm>>) dst(%arg28 : memref<4096xf32, #tpu.memory_space<vmem>>)
      tpu.yield
    }) : () -> ()
    %add3A_124 = arith.constant 262144 : i32
    %add3A_125 = arith.addi %add3A_124, %add3A_115 : i32
    "tpu.region"() ({
      %run_scoped3A_174 = tpu.sem_alloc : memref<!tpu.dma_semaphore, #tpu.memory_space<semaphore_mem>>
      %dma_start3A = tpu.memref_slice %arg5[%add3A_125] : memref<786432xf32, #tpu.memory_space<hbm>> -> memref<4096xf32, #tpu.memory_space<hbm>>
      %dma_start3A_175 = tpu.memref_slice %arg5[%add3A_125] : memref<786432xf32, #tpu.memory_space<hbm>> -> memref<4096xf32, #tpu.memory_space<hbm>>
      tpu.enqueue_dma source(%dma_start3A_175 : memref<4096xf32, #tpu.memory_space<hbm>>) target(%arg22 : memref<4096xf32, #tpu.memory_space<vmem>>) target_semaphore(%run_scoped3A_174 : memref<!tpu.dma_semaphore, #tpu.memory_space<semaphore_mem>>)
      %dma_wait3A = tpu.memref_slice %arg5[%add3A_125] : memref<786432xf32, #tpu.memory_space<hbm>> -> memref<4096xf32, #tpu.memory_space<hbm>>
      %dma_wait3A_176 = tpu.memref_slice %arg5[%add3A_125] : memref<786432xf32, #tpu.memory_space<hbm>> -> memref<4096xf32, #tpu.memory_space<hbm>>
      tpu.wait_dma2 semaphore(%run_scoped3A_174 : memref<!tpu.dma_semaphore, #tpu.memory_space<semaphore_mem>>) src(%dma_wait3A_176 : memref<4096xf32, #tpu.memory_space<hbm>>) dst(%arg22 : memref<4096xf32, #tpu.memory_space<vmem>>)
      tpu.yield
    }) : () -> ()
    %add3A_126 = arith.constant 262144 : i32
    %add3A_127 = arith.addi %add3A_126, %add3A_115 : i32
    "tpu.region"() ({
      %run_scoped3A_174 = tpu.sem_alloc : memref<!tpu.dma_semaphore, #tpu.memory_space<semaphore_mem>>
      %dma_start3A = tpu.memref_slice %arg6[%add3A_127] : memref<786432xf32, #tpu.memory_space<hbm>> -> memref<4096xf32, #tpu.memory_space<hbm>>
      %dma_start3A_175 = tpu.memref_slice %arg6[%add3A_127] : memref<786432xf32, #tpu.memory_space<hbm>> -> memref<4096xf32, #tpu.memory_space<hbm>>
      tpu.enqueue_dma source(%dma_start3A_175 : memref<4096xf32, #tpu.memory_space<hbm>>) target(%arg25 : memref<4096xf32, #tpu.memory_space<vmem>>) target_semaphore(%run_scoped3A_174 : memref<!tpu.dma_semaphore, #tpu.memory_space<semaphore_mem>>)
      %dma_wait3A = tpu.memref_slice %arg6[%add3A_127] : memref<786432xf32, #tpu.memory_space<hbm>> -> memref<4096xf32, #tpu.memory_space<hbm>>
      %dma_wait3A_176 = tpu.memref_slice %arg6[%add3A_127] : memref<786432xf32, #tpu.memory_space<hbm>> -> memref<4096xf32, #tpu.memory_space<hbm>>
      tpu.wait_dma2 semaphore(%run_scoped3A_174 : memref<!tpu.dma_semaphore, #tpu.memory_space<semaphore_mem>>) src(%dma_wait3A_176 : memref<4096xf32, #tpu.memory_space<hbm>>) dst(%arg25 : memref<4096xf32, #tpu.memory_space<vmem>>)
      tpu.yield
    }) : () -> ()
    %add3A_128 = arith.constant 524288 : i32
    %add3A_129 = arith.addi %add3A_128, %add3A_115 : i32
    "tpu.region"() ({
      %run_scoped3A_174 = tpu.sem_alloc : memref<!tpu.dma_semaphore, #tpu.memory_space<semaphore_mem>>
      %dma_start3A = tpu.memref_slice %arg4[%add3A_129] : memref<786432xf32, #tpu.memory_space<hbm>> -> memref<4096xf32, #tpu.memory_space<hbm>>
      %dma_start3A_175 = tpu.memref_slice %arg4[%add3A_129] : memref<786432xf32, #tpu.memory_space<hbm>> -> memref<4096xf32, #tpu.memory_space<hbm>>
      tpu.enqueue_dma source(%dma_start3A_175 : memref<4096xf32, #tpu.memory_space<hbm>>) target(%arg29 : memref<4096xf32, #tpu.memory_space<vmem>>) target_semaphore(%run_scoped3A_174 : memref<!tpu.dma_semaphore, #tpu.memory_space<semaphore_mem>>)
      %dma_wait3A = tpu.memref_slice %arg4[%add3A_129] : memref<786432xf32, #tpu.memory_space<hbm>> -> memref<4096xf32, #tpu.memory_space<hbm>>
      %dma_wait3A_176 = tpu.memref_slice %arg4[%add3A_129] : memref<786432xf32, #tpu.memory_space<hbm>> -> memref<4096xf32, #tpu.memory_space<hbm>>
      tpu.wait_dma2 semaphore(%run_scoped3A_174 : memref<!tpu.dma_semaphore, #tpu.memory_space<semaphore_mem>>) src(%dma_wait3A_176 : memref<4096xf32, #tpu.memory_space<hbm>>) dst(%arg29 : memref<4096xf32, #tpu.memory_space<vmem>>)
      tpu.yield
    }) : () -> ()
    %add3A_130 = arith.constant 524288 : i32
    %add3A_131 = arith.addi %add3A_130, %add3A_115 : i32
    "tpu.region"() ({
      %run_scoped3A_174 = tpu.sem_alloc : memref<!tpu.dma_semaphore, #tpu.memory_space<semaphore_mem>>
      %dma_start3A = tpu.memref_slice %arg5[%add3A_131] : memref<786432xf32, #tpu.memory_space<hbm>> -> memref<4096xf32, #tpu.memory_space<hbm>>
      %dma_start3A_175 = tpu.memref_slice %arg5[%add3A_131] : memref<786432xf32, #tpu.memory_space<hbm>> -> memref<4096xf32, #tpu.memory_space<hbm>>
      tpu.enqueue_dma source(%dma_start3A_175 : memref<4096xf32, #tpu.memory_space<hbm>>) target(%arg23 : memref<4096xf32, #tpu.memory_space<vmem>>) target_semaphore(%run_scoped3A_174 : memref<!tpu.dma_semaphore, #tpu.memory_space<semaphore_mem>>)
      %dma_wait3A = tpu.memref_slice %arg5[%add3A_131] : memref<786432xf32, #tpu.memory_space<hbm>> -> memref<4096xf32, #tpu.memory_space<hbm>>
      %dma_wait3A_176 = tpu.memref_slice %arg5[%add3A_131] : memref<786432xf32, #tpu.memory_space<hbm>> -> memref<4096xf32, #tpu.memory_space<hbm>>
      tpu.wait_dma2 semaphore(%run_scoped3A_174 : memref<!tpu.dma_semaphore, #tpu.memory_space<semaphore_mem>>) src(%dma_wait3A_176 : memref<4096xf32, #tpu.memory_space<hbm>>) dst(%arg23 : memref<4096xf32, #tpu.memory_space<vmem>>)
      tpu.yield
    }) : () -> ()
    %add3A_132 = arith.constant 524288 : i32
    %add3A_133 = arith.addi %add3A_132, %add3A_115 : i32
    "tpu.region"() ({
      %run_scoped3A_174 = tpu.sem_alloc : memref<!tpu.dma_semaphore, #tpu.memory_space<semaphore_mem>>
      %dma_start3A = tpu.memref_slice %arg6[%add3A_133] : memref<786432xf32, #tpu.memory_space<hbm>> -> memref<4096xf32, #tpu.memory_space<hbm>>
      %dma_start3A_175 = tpu.memref_slice %arg6[%add3A_133] : memref<786432xf32, #tpu.memory_space<hbm>> -> memref<4096xf32, #tpu.memory_space<hbm>>
      tpu.enqueue_dma source(%dma_start3A_175 : memref<4096xf32, #tpu.memory_space<hbm>>) target(%arg26 : memref<4096xf32, #tpu.memory_space<vmem>>) target_semaphore(%run_scoped3A_174 : memref<!tpu.dma_semaphore, #tpu.memory_space<semaphore_mem>>)
      %dma_wait3A = tpu.memref_slice %arg6[%add3A_133] : memref<786432xf32, #tpu.memory_space<hbm>> -> memref<4096xf32, #tpu.memory_space<hbm>>
      %dma_wait3A_176 = tpu.memref_slice %arg6[%add3A_133] : memref<786432xf32, #tpu.memory_space<hbm>> -> memref<4096xf32, #tpu.memory_space<hbm>>
      tpu.wait_dma2 semaphore(%run_scoped3A_174 : memref<!tpu.dma_semaphore, #tpu.memory_space<semaphore_mem>>) src(%dma_wait3A_176 : memref<4096xf32, #tpu.memory_space<hbm>>) dst(%arg26 : memref<4096xf32, #tpu.memory_space<vmem>>)
      tpu.yield
    }) : () -> ()
    %scan3A_134 = arith.constant 0 : i32
    %scan3A_135 = arith.constant 256 : i32
    %scan3A_136 = arith.addi %scan3A_134, %scan3A_135 : i32
    %scan3A_137 = arith.constant 1 : i32
    scf.for %scan3A_174 = %scan3A_134 to %scan3A_136 step %scan3A_137  : i32 {
      %mul3A_175 = arith.constant 1 : i32
      %mul3A_176 = arith.muli %scan3A_174, %mul3A_175 : i32
      %add3A_177 = arith.constant 0 : i32
      %add3A_178 = arith.addi %add3A_177, %mul3A_176 : i32
      %mul3A_179 = arith.constant 16 : i32
      %mul3A_180 = arith.muli %add3A_178, %mul3A_179 : i32
      %get3A = arith.index_cast %mul3A_180 : i32 to index
      %get3A_181 = tpu.vector_load %arg16[%get3A] {strides = array<i32>} : memref<4096xf32, #tpu.memory_space<vmem>>, vector<16xf32>,
      %mul3A_182 = arith.constant 2.000000e+00 : f32
      %mul3A_183 = vector.broadcast %mul3A_182 : f32 to vector<16xf32>
      %mul3A_184 = arith.mulf %get3A_181, %mul3A_183 : vector<16xf32>
      %neg3A = arith.constant 0.000000e+00 : f32
      %neg3A_185 = vector.broadcast %neg3A : f32 to vector<16xf32>
      %neg3A_186 = arith.subf %neg3A_185, %mul3A_184 : vector<16xf32>
      %exp3A = math.exp %neg3A_186 : vector<16xf32>
      %swap3A = arith.index_cast %mul3A_180 : i32 to index
      %swap3A_187 = tpu.vector_load %arg17[%swap3A] {strides = array<i32>} : memref<4096xf32, #tpu.memory_space<vmem>>, vector<16xf32>,
      tpu.vector_store %arg17[%swap3A], %exp3A {strides = array<i32>} : memref<4096xf32, #tpu.memory_space<vmem>>, vector<16xf32>,
      %mul3A_188 = arith.mulf %exp3A, %exp3A : vector<16xf32>
      %sub3A = arith.constant 1.000000e+00 : f32
      %sub3A_189 = vector.broadcast %sub3A : f32 to vector<16xf32>
      %sub3A_190 = arith.subf %sub3A_189, %mul3A_188 : vector<16xf32>
      %max3A = arith.constant 9.99999974E-6 : f32
      %max3A_191 = vector.broadcast %max3A : f32 to vector<16xf32>
      %max3A_192 = arith.maximumf %sub3A_190, %max3A_191 : vector<16xf32>
      %bitcast3A = vector.bitcast %max3A_192 : vector<16xf32> to vector<16xi32>
      %shift_right_arithmetic3A = arith.constant 1 : i32
      %shift_right_arithmetic3A_193 = vector.broadcast %shift_right_arithmetic3A : i32 to vector<16xi32>
      %shift_right_arithmetic3A_194 = arith.shrsi %bitcast3A, %shift_right_arithmetic3A_193 : vector<16xi32>
      %sub3A_195 = arith.constant 1597463007 : i32
      %sub3A_196 = vector.broadcast %sub3A_195 : i32 to vector<16xi32>
      %sub3A_197 = arith.subi %sub3A_196, %shift_right_arithmetic3A_194 : vector<16xi32>
      %bitcast3A_198 = vector.bitcast %sub3A_197 : vector<16xi32> to vector<16xf32>
      %mul3A_199 = arith.constant 5.000000e-01 : f32
      %mul3A_200 = vector.broadcast %mul3A_199 : f32 to vector<16xf32>
      %mul3A_201 = arith.mulf %mul3A_200, %max3A_192 : vector<16xf32>
      %mul3A_202 = arith.mulf %mul3A_201, %bitcast3A_198 : vector<16xf32>
      %mul3A_203 = arith.mulf %mul3A_202, %bitcast3A_198 : vector<16xf32>
      %sub3A_204 = arith.constant 1.500000e+00 : f32
      %sub3A_205 = vector.broadcast %sub3A_204 : f32 to vector<16xf32>
      %sub3A_206 = arith.subf %sub3A_205, %mul3A_203 : vector<16xf32>
      %mul3A_207 = arith.mulf %bitcast3A_198, %sub3A_206 : vector<16xf32>
      %mul3A_208 = arith.constant 5.000000e-01 : f32
      %mul3A_209 = vector.broadcast %mul3A_208 : f32 to vector<16xf32>
      %mul3A_210 = arith.mulf %mul3A_209, %max3A_192 : vector<16xf32>
      %mul3A_211 = arith.mulf %mul3A_210, %mul3A_207 : vector<16xf32>
      %mul3A_212 = arith.mulf %mul3A_211, %mul3A_207 : vector<16xf32>
      %sub3A_213 = arith.constant 1.500000e+00 : f32
      %sub3A_214 = vector.broadcast %sub3A_213 : f32 to vector<16xf32>
      %sub3A_215 = arith.subf %sub3A_214, %mul3A_212 : vector<16xf32>
      %mul3A_216 = arith.mulf %mul3A_207, %sub3A_215 : vector<16xf32>
      %mul3A_217 = arith.constant 5.000000e-01 : f32
      %mul3A_218 = vector.broadcast %mul3A_217 : f32 to vector<16xf32>
      %mul3A_219 = arith.mulf %mul3A_218, %max3A_192 : vector<16xf32>
      %mul3A_220 = arith.mulf %mul3A_219, %mul3A_216 : vector<16xf32>
      %mul3A_221 = arith.mulf %mul3A_220, %mul3A_216 : vector<16xf32>
      %sub3A_222 = arith.constant 1.500000e+00 : f32
      %sub3A_223 = vector.broadcast %sub3A_222 : f32 to vector<16xf32>
      %sub3A_224 = arith.subf %sub3A_223, %mul3A_221 : vector<16xf32>
      %mul3A_225 = arith.mulf %mul3A_216, %sub3A_224 : vector<16xf32>
      %mul3A_226 = arith.mulf %max3A_192, %mul3A_225 : vector<16xf32>
      %swap3A_227 = arith.index_cast %mul3A_180 : i32 to index
      %swap3A_228 = tpu.vector_load %arg18[%swap3A_227] {strides = array<i32>} : memref<4096xf32, #tpu.memory_space<vmem>>, vector<16xf32>,
      tpu.vector_store %arg18[%swap3A_227], %mul3A_226 {strides = array<i32>} : memref<4096xf32, #tpu.memory_space<vmem>>, vector<16xf32>,
      %sub3A_229 = arith.constant 1.000000e+00 : f32
      %sub3A_230 = vector.broadcast %sub3A_229 : f32 to vector<16xf32>
      %sub3A_231 = arith.subf %sub3A_230, %exp3A : vector<16xf32>
      %add3A_232 = arith.constant 1.000000e+00 : f32
      %add3A_233 = vector.broadcast %add3A_232 : f32 to vector<16xf32>
      %add3A_234 = arith.addf %add3A_233, %exp3A : vector<16xf32>
      %div3A = arith.divf %sub3A_231, %add3A_234 : vector<16xf32>
      %swap3A_235 = arith.index_cast %mul3A_180 : i32 to index
      %swap3A_236 = tpu.vector_load %arg19[%swap3A_235] {strides = array<i32>} : memref<4096xf32, #tpu.memory_space<vmem>>, vector<16xf32>,
      tpu.vector_store %arg19[%swap3A_235], %div3A {strides = array<i32>} : memref<4096xf32, #tpu.memory_space<vmem>>, vector<16xf32>,
      %add3A_237 = arith.addf %mul3A_184, %mul3A_184 : vector<16xf32>
      %mul3A_238 = arith.constant 8.000000e+00 : f32
      %mul3A_239 = vector.broadcast %mul3A_238 : f32 to vector<16xf32>
      %mul3A_240 = arith.mulf %mul3A_239, %exp3A : vector<16xf32>
      %add3A_241 = arith.constant 1.000000e+00 : f32
      %add3A_242 = vector.broadcast %add3A_241 : f32 to vector<16xf32>
      %add3A_243 = arith.addf %add3A_242, %exp3A : vector<16xf32>
      %div3A_244 = arith.divf %mul3A_240, %add3A_243 : vector<16xf32>
      %add3A_245 = arith.addf %add3A_237, %div3A_244 : vector<16xf32>
      %sub3A_246 = arith.constant 4.000000e+00 : f32
      %sub3A_247 = vector.broadcast %sub3A_246 : f32 to vector<16xf32>
      %sub3A_248 = arith.subf %add3A_245, %sub3A_247 : vector<16xf32>
      %max3A_249 = arith.constant 9.99999974E-6 : f32
      %max3A_250 = vector.broadcast %max3A_249 : f32 to vector<16xf32>
      %max3A_251 = arith.maximumf %sub3A_248, %max3A_250 : vector<16xf32>
      %bitcast3A_252 = vector.bitcast %max3A_251 : vector<16xf32> to vector<16xi32>
      %shift_right_arithmetic3A_253 = arith.constant 1 : i32
      %shift_right_arithmetic3A_254 = vector.broadcast %shift_right_arithmetic3A_253 : i32 to vector<16xi32>
      %shift_right_arithmetic3A_255 = arith.shrsi %bitcast3A_252, %shift_right_arithmetic3A_254 : vector<16xi32>
      %sub3A_256 = arith.constant 1597463007 : i32
      %sub3A_257 = vector.broadcast %sub3A_256 : i32 to vector<16xi32>
      %sub3A_258 = arith.subi %sub3A_257, %shift_right_arithmetic3A_255 : vector<16xi32>
      %bitcast3A_259 = vector.bitcast %sub3A_258 : vector<16xi32> to vector<16xf32>
      %mul3A_260 = arith.constant 5.000000e-01 : f32
      %mul3A_261 = vector.broadcast %mul3A_260 : f32 to vector<16xf32>
      %mul3A_262 = arith.mulf %mul3A_261, %max3A_251 : vector<16xf32>
      %mul3A_263 = arith.mulf %mul3A_262, %bitcast3A_259 : vector<16xf32>
      %mul3A_264 = arith.mulf %mul3A_263, %bitcast3A_259 : vector<16xf32>
      %sub3A_265 = arith.constant 1.500000e+00 : f32
      %sub3A_266 = vector.broadcast %sub3A_265 : f32 to vector<16xf32>
      %sub3A_267 = arith.subf %sub3A_266, %mul3A_264 : vector<16xf32>
      %mul3A_268 = arith.mulf %bitcast3A_259, %sub3A_267 : vector<16xf32>
      %mul3A_269 = arith.constant 5.000000e-01 : f32
      %mul3A_270 = vector.broadcast %mul3A_269 : f32 to vector<16xf32>
      %mul3A_271 = arith.mulf %mul3A_270, %max3A_251 : vector<16xf32>
      %mul3A_272 = arith.mulf %mul3A_271, %mul3A_268 : vector<16xf32>
      %mul3A_273 = arith.mulf %mul3A_272, %mul3A_268 : vector<16xf32>
      %sub3A_274 = arith.constant 1.500000e+00 : f32
      %sub3A_275 = vector.broadcast %sub3A_274 : f32 to vector<16xf32>
      %sub3A_276 = arith.subf %sub3A_275, %mul3A_273 : vector<16xf32>
      %mul3A_277 = arith.mulf %mul3A_268, %sub3A_276 : vector<16xf32>
      %mul3A_278 = arith.constant 5.000000e-01 : f32
      %mul3A_279 = vector.broadcast %mul3A_278 : f32 to vector<16xf32>
      %mul3A_280 = arith.mulf %mul3A_279, %max3A_251 : vector<16xf32>
      %mul3A_281 = arith.mulf %mul3A_280, %mul3A_277 : vector<16xf32>
      %mul3A_282 = arith.mulf %mul3A_281, %mul3A_277 : vector<16xf32>
      %sub3A_283 = arith.constant 1.500000e+00 : f32
      %sub3A_284 = vector.broadcast %sub3A_283 : f32 to vector<16xf32>
      %sub3A_285 = arith.subf %sub3A_284, %mul3A_282 : vector<16xf32>
      %mul3A_286 = arith.mulf %mul3A_277, %sub3A_285 : vector<16xf32>
      %mul3A_287 = arith.mulf %max3A_251, %mul3A_286 : vector<16xf32>
      %swap3A_288 = arith.index_cast %mul3A_180 : i32 to index
      %swap3A_289 = tpu.vector_load %arg20[%swap3A_288] {strides = array<i32>} : memref<4096xf32, #tpu.memory_space<vmem>>, vector<16xf32>,
      tpu.vector_store %arg20[%swap3A_288], %mul3A_287 {strides = array<i32>} : memref<4096xf32, #tpu.memory_space<vmem>>, vector<16xf32>,
    }
    %scan3A_138 = arith.constant 256 : i32
    %scan3A_139 = arith.constant 0 : i32
    %scan3A_140 = arith.constant 256 : i32
    %scan3A_141 = arith.addi %scan3A_139, %scan3A_140 : i32
    %scan3A_142 = arith.constant 1 : i32
    scf.for %scan3A_174 = %scan3A_139 to %scan3A_141 step %scan3A_142  : i32 {
      %mul3A_175 = arith.constant 1 : i32
      %mul3A_176 = arith.muli %scan3A_174, %mul3A_175 : i32
      %add3A_177 = arith.constant 0 : i32
      %add3A_178 = arith.addi %add3A_177, %mul3A_176 : i32
      %mul3A_179 = arith.constant 16 : i32
      %mul3A_180 = arith.muli %add3A_178, %mul3A_179 : i32
      %get3A = arith.index_cast %mul3A_180 : i32 to index
      %get3A_181 = tpu.vector_load %arg15[%get3A] {strides = array<i32>} : memref<4096xi32, #tpu.memory_space<vmem>>, vector<16xi32>,
      %get3A_182 = arith.index_cast %mul3A_180 : i32 to index
      %get3A_183 = tpu.vector_load %arg17[%get3A_182] {strides = array<i32>} : memref<4096xf32, #tpu.memory_space<vmem>>, vector<16xf32>,
      %get3A_184 = arith.index_cast %mul3A_180 : i32 to index
      %get3A_185 = tpu.vector_load %arg18[%get3A_184] {strides = array<i32>} : memref<4096xf32, #tpu.memory_space<vmem>>, vector<16xf32>,
      %get3A_186 = arith.index_cast %mul3A_180 : i32 to index
      %get3A_187 = tpu.vector_load %arg19[%get3A_186] {strides = array<i32>} : memref<4096xf32, #tpu.memory_space<vmem>>, vector<16xf32>,
      %get3A_188 = arith.index_cast %mul3A_180 : i32 to index
      %get3A_189 = tpu.vector_load %arg20[%get3A_188] {strides = array<i32>} : memref<4096xf32, #tpu.memory_space<vmem>>, vector<16xf32>,
      %gather3A = tpu.vector_load_idx %arg33[%get3A_181] : memref<2048xf32, #tpu.memory_space<vmem>>[vector<16xi32>], vector<16xf32>,
      %gather3A_190 = tpu.vector_load_idx %arg36[%get3A_181] : memref<2048xf32, #tpu.memory_space<vmem>>[vector<16xi32>], vector<16xf32>,
      %get3A_191 = arith.index_cast %mul3A_180 : i32 to index
      %get3A_192 = tpu.vector_load %arg21[%get3A_191] {strides = array<i32>} : memref<4096xf32, #tpu.memory_space<vmem>>, vector<16xf32>,
      %sub3A = arith.subf %get3A_192, %gather3A : vector<16xf32>
      %get3A_193 = arith.index_cast %mul3A_180 : i32 to index
      %get3A_194 = tpu.vector_load %arg24[%get3A_193] {strides = array<i32>} : memref<4096xf32, #tpu.memory_space<vmem>>, vector<16xf32>,
      %sub3A_195 = arith.subf %get3A_194, %gather3A_190 : vector<16xf32>
      %get3A_196 = arith.index_cast %mul3A_180 : i32 to index
      %get3A_197 = tpu.vector_load %arg27[%get3A_196] {strides = array<i32>} : memref<4096xf32, #tpu.memory_space<vmem>>, vector<16xf32>,
      %mul3A_198 = arith.mulf %get3A_183, %get3A_197 : vector<16xf32>
      %mul3A_199 = arith.mulf %get3A_185, %sub3A : vector<16xf32>
      %add3A_200 = arith.addf %mul3A_198, %mul3A_199 : vector<16xf32>
      %add3A_201 = arith.addf %add3A_200, %get3A_197 : vector<16xf32>
      %mul3A_202 = arith.mulf %get3A_187, %add3A_201 : vector<16xf32>
      %mul3A_203 = arith.mulf %get3A_189, %sub3A_195 : vector<16xf32>
      %add3A_204 = arith.addf %mul3A_202, %mul3A_203 : vector<16xf32>
      %swap3A = arith.index_cast %mul3A_180 : i32 to index
      %swap3A_205 = tpu.vector_load %arg21[%swap3A] {strides = array<i32>} : memref<4096xf32, #tpu.memory_space<vmem>>, vector<16xf32>,
      tpu.vector_store %arg21[%swap3A], %sub3A {strides = array<i32>} : memref<4096xf32, #tpu.memory_space<vmem>>, vector<16xf32>,
      %swap3A_206 = arith.index_cast %mul3A_180 : i32 to index
      %swap3A_207 = tpu.vector_load %arg24[%swap3A_206] {strides = array<i32>} : memref<4096xf32, #tpu.memory_space<vmem>>, vector<16xf32>,
      tpu.vector_store %arg24[%swap3A_206], %sub3A_195 {strides = array<i32>} : memref<4096xf32, #tpu.memory_space<vmem>>, vector<16xf32>,
      %swap3A_208 = arith.index_cast %mul3A_180 : i32 to index
      %swap3A_209 = tpu.vector_load %arg27[%swap3A_208] {strides = array<i32>} : memref<4096xf32, #tpu.memory_space<vmem>>, vector<16xf32>,
      tpu.vector_store %arg27[%swap3A_208], %add3A_200 {strides = array<i32>} : memref<4096xf32, #tpu.memory_space<vmem>>, vector<16xf32>,
      %add3A_210 = arith.constant 5.000000e-01 : f32
      %add3A_211 = vector.broadcast %add3A_210 : f32 to vector<16xf32>
      %add3A_212 = arith.addf %add3A_204, %add3A_211 : vector<16xf32>
      %convert_element_type3A_213 = arith.fptosi %add3A_212 : vector<16xf32> to vector<16xi32>
      %convert_element_type3A_214 = arith.sitofp %convert_element_type3A_213 : vector<16xi32> to vector<16xf32>
      %lt3A = arith.cmpf olt, %add3A_212, %convert_element_type3A_214 : vector<16xf32>
      %jit3A = arith.constant 1.000000e+00 : f32
      %jit3A_215 = arith.constant 0.000000e+00 : f32
      %broadcast_in_dim3A_216 = vector.broadcast %jit3A : f32 to vector<16xf32>
      %broadcast_in_dim3A_217 = vector.broadcast %jit3A_215 : f32 to vector<16xf32>
      %select_n3A = arith.select %lt3A, %broadcast_in_dim3A_216, %broadcast_in_dim3A_217 : vector<16xi1>, vector<16xf32>
      %sub3A_218 = arith.subf %convert_element_type3A_214, %select_n3A : vector<16xf32>
      %sub3A_219 = arith.subf %add3A_212, %sub3A_218 : vector<16xf32>
      %sub3A_220 = arith.constant 5.000000e-01 : f32
      %sub3A_221 = vector.broadcast %sub3A_220 : f32 to vector<16xf32>
      %sub3A_222 = arith.subf %sub3A_219, %sub3A_221 : vector<16xf32>
      %swap3A_223 = arith.index_cast %mul3A_180 : i32 to index
      %swap3A_224 = tpu.vector_load %arg30[%swap3A_223] {strides = array<i32>} : memref<4096xf32, #tpu.memory_space<vmem>>, vector<16xf32>,
      tpu.vector_store %arg30[%swap3A_223], %sub3A_222 {strides = array<i32>} : memref<4096xf32, #tpu.memory_space<vmem>>, vector<16xf32>,
      %gather3A_225 = tpu.vector_load_idx %arg34[%get3A_181] : memref<2048xf32, #tpu.memory_space<vmem>>[vector<16xi32>], vector<16xf32>,
      %gather3A_226 = tpu.vector_load_idx %arg37[%get3A_181] : memref<2048xf32, #tpu.memory_space<vmem>>[vector<16xi32>], vector<16xf32>,
      %get3A_227 = arith.index_cast %mul3A_180 : i32 to index
      %get3A_228 = tpu.vector_load %arg22[%get3A_227] {strides = array<i32>} : memref<4096xf32, #tpu.memory_space<vmem>>, vector<16xf32>,
      %sub3A_229 = arith.subf %get3A_228, %gather3A_225 : vector<16xf32>
      %get3A_230 = arith.index_cast %mul3A_180 : i32 to index
      %get3A_231 = tpu.vector_load %arg25[%get3A_230] {strides = array<i32>} : memref<4096xf32, #tpu.memory_space<vmem>>, vector<16xf32>,
      %sub3A_232 = arith.subf %get3A_231, %gather3A_226 : vector<16xf32>
      %get3A_233 = arith.index_cast %mul3A_180 : i32 to index
      %get3A_234 = tpu.vector_load %arg28[%get3A_233] {strides = array<i32>} : memref<4096xf32, #tpu.memory_space<vmem>>, vector<16xf32>,
      %mul3A_235 = arith.mulf %get3A_183, %get3A_234 : vector<16xf32>
      %mul3A_236 = arith.mulf %get3A_185, %sub3A_229 : vector<16xf32>
      %add3A_237 = arith.addf %mul3A_235, %mul3A_236 : vector<16xf32>
      %add3A_238 = arith.addf %add3A_237, %get3A_234 : vector<16xf32>
      %mul3A_239 = arith.mulf %get3A_187, %add3A_238 : vector<16xf32>
      %mul3A_240 = arith.mulf %get3A_189, %sub3A_232 : vector<16xf32>
      %add3A_241 = arith.addf %mul3A_239, %mul3A_240 : vector<16xf32>
      %swap3A_242 = arith.index_cast %mul3A_180 : i32 to index
      %swap3A_243 = tpu.vector_load %arg22[%swap3A_242] {strides = array<i32>} : memref<4096xf32, #tpu.memory_space<vmem>>, vector<16xf32>,
      tpu.vector_store %arg22[%swap3A_242], %sub3A_229 {strides = array<i32>} : memref<4096xf32, #tpu.memory_space<vmem>>, vector<16xf32>,
      %swap3A_244 = arith.index_cast %mul3A_180 : i32 to index
      %swap3A_245 = tpu.vector_load %arg25[%swap3A_244] {strides = array<i32>} : memref<4096xf32, #tpu.memory_space<vmem>>, vector<16xf32>,
      tpu.vector_store %arg25[%swap3A_244], %sub3A_232 {strides = array<i32>} : memref<4096xf32, #tpu.memory_space<vmem>>, vector<16xf32>,
      %swap3A_246 = arith.index_cast %mul3A_180 : i32 to index
      %swap3A_247 = tpu.vector_load %arg28[%swap3A_246] {strides = array<i32>} : memref<4096xf32, #tpu.memory_space<vmem>>, vector<16xf32>,
      tpu.vector_store %arg28[%swap3A_246], %add3A_237 {strides = array<i32>} : memref<4096xf32, #tpu.memory_space<vmem>>, vector<16xf32>,
      %add3A_248 = arith.constant 5.000000e-01 : f32
      %add3A_249 = vector.broadcast %add3A_248 : f32 to vector<16xf32>
      %add3A_250 = arith.addf %add3A_241, %add3A_249 : vector<16xf32>
      %convert_element_type3A_251 = arith.fptosi %add3A_250 : vector<16xf32> to vector<16xi32>
      %convert_element_type3A_252 = arith.sitofp %convert_element_type3A_251 : vector<16xi32> to vector<16xf32>
      %lt3A_253 = arith.cmpf olt, %add3A_250, %convert_element_type3A_252 : vector<16xf32>
      %jit3A_254 = arith.constant 1.000000e+00 : f32
      %jit3A_255 = arith.constant 0.000000e+00 : f32
      %broadcast_in_dim3A_256 = vector.broadcast %jit3A_254 : f32 to vector<16xf32>
      %broadcast_in_dim3A_257 = vector.broadcast %jit3A_255 : f32 to vector<16xf32>
      %select_n3A_258 = arith.select %lt3A_253, %broadcast_in_dim3A_256, %broadcast_in_dim3A_257 : vector<16xi1>, vector<16xf32>
      %sub3A_259 = arith.subf %convert_element_type3A_252, %select_n3A_258 : vector<16xf32>
      %sub3A_260 = arith.subf %add3A_250, %sub3A_259 : vector<16xf32>
      %sub3A_261 = arith.constant 5.000000e-01 : f32
      %sub3A_262 = vector.broadcast %sub3A_261 : f32 to vector<16xf32>
      %sub3A_263 = arith.subf %sub3A_260, %sub3A_262 : vector<16xf32>
      %swap3A_264 = arith.index_cast %mul3A_180 : i32 to index
      %swap3A_265 = tpu.vector_load %arg31[%swap3A_264] {strides = array<i32>} : memref<4096xf32, #tpu.memory_space<vmem>>, vector<16xf32>,
      tpu.vector_store %arg31[%swap3A_264], %sub3A_263 {strides = array<i32>} : memref<4096xf32, #tpu.memory_space<vmem>>, vector<16xf32>,
      %gather3A_266 = tpu.vector_load_idx %arg35[%get3A_181] : memref<2048xf32, #tpu.memory_space<vmem>>[vector<16xi32>], vector<16xf32>,
      %gather3A_267 = tpu.vector_load_idx %arg38[%get3A_181] : memref<2048xf32, #tpu.memory_space<vmem>>[vector<16xi32>], vector<16xf32>,
      %get3A_268 = arith.index_cast %mul3A_180 : i32 to index
      %get3A_269 = tpu.vector_load %arg23[%get3A_268] {strides = array<i32>} : memref<4096xf32, #tpu.memory_space<vmem>>, vector<16xf32>,
      %sub3A_270 = arith.subf %get3A_269, %gather3A_266 : vector<16xf32>
      %get3A_271 = arith.index_cast %mul3A_180 : i32 to index
      %get3A_272 = tpu.vector_load %arg26[%get3A_271] {strides = array<i32>} : memref<4096xf32, #tpu.memory_space<vmem>>, vector<16xf32>,
      %sub3A_273 = arith.subf %get3A_272, %gather3A_267 : vector<16xf32>
      %get3A_274 = arith.index_cast %mul3A_180 : i32 to index
      %get3A_275 = tpu.vector_load %arg29[%get3A_274] {strides = array<i32>} : memref<4096xf32, #tpu.memory_space<vmem>>, vector<16xf32>,
      %mul3A_276 = arith.mulf %get3A_183, %get3A_275 : vector<16xf32>
      %mul3A_277 = arith.mulf %get3A_185, %sub3A_270 : vector<16xf32>
      %add3A_278 = arith.addf %mul3A_276, %mul3A_277 : vector<16xf32>
      %add3A_279 = arith.addf %add3A_278, %get3A_275 : vector<16xf32>
      %mul3A_280 = arith.mulf %get3A_187, %add3A_279 : vector<16xf32>
      %mul3A_281 = arith.mulf %get3A_189, %sub3A_273 : vector<16xf32>
      %add3A_282 = arith.addf %mul3A_280, %mul3A_281 : vector<16xf32>
      %swap3A_283 = arith.index_cast %mul3A_180 : i32 to index
      %swap3A_284 = tpu.vector_load %arg23[%swap3A_283] {strides = array<i32>} : memref<4096xf32, #tpu.memory_space<vmem>>, vector<16xf32>,
      tpu.vector_store %arg23[%swap3A_283], %sub3A_270 {strides = array<i32>} : memref<4096xf32, #tpu.memory_space<vmem>>, vector<16xf32>,
      %swap3A_285 = arith.index_cast %mul3A_180 : i32 to index
      %swap3A_286 = tpu.vector_load %arg26[%swap3A_285] {strides = array<i32>} : memref<4096xf32, #tpu.memory_space<vmem>>, vector<16xf32>,
      tpu.vector_store %arg26[%swap3A_285], %sub3A_273 {strides = array<i32>} : memref<4096xf32, #tpu.memory_space<vmem>>, vector<16xf32>,
      %swap3A_287 = arith.index_cast %mul3A_180 : i32 to index
      %swap3A_288 = tpu.vector_load %arg29[%swap3A_287] {strides = array<i32>} : memref<4096xf32, #tpu.memory_space<vmem>>, vector<16xf32>,
      tpu.vector_store %arg29[%swap3A_287], %add3A_278 {strides = array<i32>} : memref<4096xf32, #tpu.memory_space<vmem>>, vector<16xf32>,
      %add3A_289 = arith.constant 5.000000e-01 : f32
      %add3A_290 = vector.broadcast %add3A_289 : f32 to vector<16xf32>
      %add3A_291 = arith.addf %add3A_282, %add3A_290 : vector<16xf32>
      %convert_element_type3A_292 = arith.fptosi %add3A_291 : vector<16xf32> to vector<16xi32>
      %convert_element_type3A_293 = arith.sitofp %convert_element_type3A_292 : vector<16xi32> to vector<16xf32>
      %lt3A_294 = arith.cmpf olt, %add3A_291, %convert_element_type3A_293 : vector<16xf32>
      %jit3A_295 = arith.constant 1.000000e+00 : f32
      %jit3A_296 = arith.constant 0.000000e+00 : f32
      %broadcast_in_dim3A_297 = vector.broadcast %jit3A_295 : f32 to vector<16xf32>
      %broadcast_in_dim3A_298 = vector.broadcast %jit3A_296 : f32 to vector<16xf32>
      %select_n3A_299 = arith.select %lt3A_294, %broadcast_in_dim3A_297, %broadcast_in_dim3A_298 : vector<16xi1>, vector<16xf32>
      %sub3A_300 = arith.subf %convert_element_type3A_293, %select_n3A_299 : vector<16xf32>
      %sub3A_301 = arith.subf %add3A_291, %sub3A_300 : vector<16xf32>
      %sub3A_302 = arith.constant 5.000000e-01 : f32
      %sub3A_303 = vector.broadcast %sub3A_302 : f32 to vector<16xf32>
      %sub3A_304 = arith.subf %sub3A_301, %sub3A_303 : vector<16xf32>
      %swap3A_305 = arith.index_cast %mul3A_180 : i32 to index
      %swap3A_306 = tpu.vector_load %arg32[%swap3A_305] {strides = array<i32>} : memref<4096xf32, #tpu.memory_space<vmem>>, vector<16xf32>,
      tpu.vector_store %arg32[%swap3A_305], %sub3A_304 {strides = array<i32>} : memref<4096xf32, #tpu.memory_space<vmem>>, vector<16xf32>,
    }
    %scan3A_143 = arith.constant 256 : i32
    "tpu.region"() ({
      %run_scoped3A_174 = tpu.sem_alloc : memref<!tpu.dma_semaphore, #tpu.memory_space<semaphore_mem>>
      %dma_start3A = arith.constant 0 : i32
      %dma_start3A_175 = tpu.memref_slice %arg41[%dma_start3A] : memref<2048xf32, #tpu.memory_space<vmem_shared>> -> memref<2048xf32, #tpu.memory_space<vmem_shared>>
      tpu.enqueue_indirect_dma source(%arg30 : memref<4096xf32, #tpu.memory_space<vmem>>) target(%dma_start3A_175 : memref<2048xf32, #tpu.memory_space<vmem_shared>>) offsets(%arg15 : memref<4096xi32, #tpu.memory_space<vmem>>) semaphore(%run_scoped3A_174 : memref<!tpu.dma_semaphore, #tpu.memory_space<semaphore_mem>>) {add = true}
      %dma_wait3A = arith.constant 0 : i32
      %dma_wait3A_176 = tpu.memref_slice %arg41[%dma_wait3A] : memref<2048xf32, #tpu.memory_space<vmem_shared>> -> memref<2048xf32, #tpu.memory_space<vmem_shared>>
      tpu.wait_indirect_dma semaphore(%run_scoped3A_174 : memref<!tpu.dma_semaphore, #tpu.memory_space<semaphore_mem>>) src(%arg30 : memref<4096xf32, #tpu.memory_space<vmem>>) dst(%dma_wait3A_176 : memref<2048xf32, #tpu.memory_space<vmem_shared>>)
      tpu.yield
    }) : () -> ()
    %add3A_144 = arith.constant 0 : i32
    %add3A_145 = arith.addi %add3A_144, %add3A_115 : i32
    "tpu.region"() ({
      %run_scoped3A_174 = tpu.sem_alloc : memref<!tpu.dma_semaphore, #tpu.memory_space<semaphore_mem>>
      %dma_start3A = tpu.memref_slice %arg10[%add3A_145] : memref<786432xf32, #tpu.memory_space<hbm>> -> memref<4096xf32, #tpu.memory_space<hbm>>
      %dma_start3A_175 = tpu.memref_slice %arg10[%add3A_145] : memref<786432xf32, #tpu.memory_space<hbm>> -> memref<4096xf32, #tpu.memory_space<hbm>>
      tpu.enqueue_dma source(%arg21 : memref<4096xf32, #tpu.memory_space<vmem>>) target(%dma_start3A_175 : memref<4096xf32, #tpu.memory_space<hbm>>) target_semaphore(%run_scoped3A_174 : memref<!tpu.dma_semaphore, #tpu.memory_space<semaphore_mem>>)
      %dma_wait3A = tpu.memref_slice %arg10[%add3A_145] : memref<786432xf32, #tpu.memory_space<hbm>> -> memref<4096xf32, #tpu.memory_space<hbm>>
      %dma_wait3A_176 = tpu.memref_slice %arg10[%add3A_145] : memref<786432xf32, #tpu.memory_space<hbm>> -> memref<4096xf32, #tpu.memory_space<hbm>>
      tpu.wait_dma2 semaphore(%run_scoped3A_174 : memref<!tpu.dma_semaphore, #tpu.memory_space<semaphore_mem>>) src(%arg21 : memref<4096xf32, #tpu.memory_space<vmem>>) dst(%dma_wait3A_176 : memref<4096xf32, #tpu.memory_space<hbm>>)
      tpu.yield
    }) : () -> ()
    %add3A_146 = arith.constant 0 : i32
    %add3A_147 = arith.addi %add3A_146, %add3A_115 : i32
    "tpu.region"() ({
      %run_scoped3A_174 = tpu.sem_alloc : memref<!tpu.dma_semaphore, #tpu.memory_space<semaphore_mem>>
      %dma_start3A = tpu.memref_slice %arg11[%add3A_147] : memref<786432xf32, #tpu.memory_space<hbm>> -> memref<4096xf32, #tpu.memory_space<hbm>>
      %dma_start3A_175 = tpu.memref_slice %arg11[%add3A_147] : memref<786432xf32, #tpu.memory_space<hbm>> -> memref<4096xf32, #tpu.memory_space<hbm>>
      tpu.enqueue_dma source(%arg24 : memref<4096xf32, #tpu.memory_space<vmem>>) target(%dma_start3A_175 : memref<4096xf32, #tpu.memory_space<hbm>>) target_semaphore(%run_scoped3A_174 : memref<!tpu.dma_semaphore, #tpu.memory_space<semaphore_mem>>)
      %dma_wait3A = tpu.memref_slice %arg11[%add3A_147] : memref<786432xf32, #tpu.memory_space<hbm>> -> memref<4096xf32, #tpu.memory_space<hbm>>
      %dma_wait3A_176 = tpu.memref_slice %arg11[%add3A_147] : memref<786432xf32, #tpu.memory_space<hbm>> -> memref<4096xf32, #tpu.memory_space<hbm>>
      tpu.wait_dma2 semaphore(%run_scoped3A_174 : memref<!tpu.dma_semaphore, #tpu.memory_space<semaphore_mem>>) src(%arg24 : memref<4096xf32, #tpu.memory_space<vmem>>) dst(%dma_wait3A_176 : memref<4096xf32, #tpu.memory_space<hbm>>)
      tpu.yield
    }) : () -> ()
    %add3A_148 = arith.constant 0 : i32
    %add3A_149 = arith.addi %add3A_148, %add3A_115 : i32
    "tpu.region"() ({
      %run_scoped3A_174 = tpu.sem_alloc : memref<!tpu.dma_semaphore, #tpu.memory_space<semaphore_mem>>
      %dma_start3A = tpu.memref_slice %arg12[%add3A_149] : memref<786432xf32, #tpu.memory_space<hbm>> -> memref<4096xf32, #tpu.memory_space<hbm>>
      %dma_start3A_175 = tpu.memref_slice %arg12[%add3A_149] : memref<786432xf32, #tpu.memory_space<hbm>> -> memref<4096xf32, #tpu.memory_space<hbm>>
      tpu.enqueue_dma source(%arg27 : memref<4096xf32, #tpu.memory_space<vmem>>) target(%dma_start3A_175 : memref<4096xf32, #tpu.memory_space<hbm>>) target_semaphore(%run_scoped3A_174 : memref<!tpu.dma_semaphore, #tpu.memory_space<semaphore_mem>>)
      %dma_wait3A = tpu.memref_slice %arg12[%add3A_149] : memref<786432xf32, #tpu.memory_space<hbm>> -> memref<4096xf32, #tpu.memory_space<hbm>>
      %dma_wait3A_176 = tpu.memref_slice %arg12[%add3A_149] : memref<786432xf32, #tpu.memory_space<hbm>> -> memref<4096xf32, #tpu.memory_space<hbm>>
      tpu.wait_dma2 semaphore(%run_scoped3A_174 : memref<!tpu.dma_semaphore, #tpu.memory_space<semaphore_mem>>) src(%arg27 : memref<4096xf32, #tpu.memory_space<vmem>>) dst(%dma_wait3A_176 : memref<4096xf32, #tpu.memory_space<hbm>>)
      tpu.yield
    }) : () -> ()
    %add3A_150 = arith.constant 0 : i32
    %add3A_151 = arith.addi %add3A_150, %add3A_115 : i32
    "tpu.region"() ({
      %run_scoped3A_174 = tpu.sem_alloc : memref<!tpu.dma_semaphore, #tpu.memory_space<semaphore_mem>>
      %dma_start3A = tpu.memref_slice %arg13[%add3A_151] : memref<786432xf32, #tpu.memory_space<hbm>> -> memref<4096xf32, #tpu.memory_space<hbm>>
      %dma_start3A_175 = tpu.memref_slice %arg13[%add3A_151] : memref<786432xf32, #tpu.memory_space<hbm>> -> memref<4096xf32, #tpu.memory_space<hbm>>
      tpu.enqueue_dma source(%arg30 : memref<4096xf32, #tpu.memory_space<vmem>>) target(%dma_start3A_175 : memref<4096xf32, #tpu.memory_space<hbm>>) target_semaphore(%run_scoped3A_174 : memref<!tpu.dma_semaphore, #tpu.memory_space<semaphore_mem>>)
      %dma_wait3A = tpu.memref_slice %arg13[%add3A_151] : memref<786432xf32, #tpu.memory_space<hbm>> -> memref<4096xf32, #tpu.memory_space<hbm>>
      %dma_wait3A_176 = tpu.memref_slice %arg13[%add3A_151] : memref<786432xf32, #tpu.memory_space<hbm>> -> memref<4096xf32, #tpu.memory_space<hbm>>
      tpu.wait_dma2 semaphore(%run_scoped3A_174 : memref<!tpu.dma_semaphore, #tpu.memory_space<semaphore_mem>>) src(%arg30 : memref<4096xf32, #tpu.memory_space<vmem>>) dst(%dma_wait3A_176 : memref<4096xf32, #tpu.memory_space<hbm>>)
      tpu.yield
    }) : () -> ()
    "tpu.region"() ({
      %run_scoped3A_174 = tpu.sem_alloc : memref<!tpu.dma_semaphore, #tpu.memory_space<semaphore_mem>>
      %dma_start3A = arith.constant 0 : i32
      %dma_start3A_175 = tpu.memref_slice %arg42[%dma_start3A] : memref<2048xf32, #tpu.memory_space<vmem_shared>> -> memref<2048xf32, #tpu.memory_space<vmem_shared>>
      tpu.enqueue_indirect_dma source(%arg31 : memref<4096xf32, #tpu.memory_space<vmem>>) target(%dma_start3A_175 : memref<2048xf32, #tpu.memory_space<vmem_shared>>) offsets(%arg15 : memref<4096xi32, #tpu.memory_space<vmem>>) semaphore(%run_scoped3A_174 : memref<!tpu.dma_semaphore, #tpu.memory_space<semaphore_mem>>) {add = true}
      %dma_wait3A = arith.constant 0 : i32
      %dma_wait3A_176 = tpu.memref_slice %arg42[%dma_wait3A] : memref<2048xf32, #tpu.memory_space<vmem_shared>> -> memref<2048xf32, #tpu.memory_space<vmem_shared>>
      tpu.wait_indirect_dma semaphore(%run_scoped3A_174 : memref<!tpu.dma_semaphore, #tpu.memory_space<semaphore_mem>>) src(%arg31 : memref<4096xf32, #tpu.memory_space<vmem>>) dst(%dma_wait3A_176 : memref<2048xf32, #tpu.memory_space<vmem_shared>>)
      tpu.yield
    }) : () -> ()
    %add3A_152 = arith.constant 262144 : i32
    %add3A_153 = arith.addi %add3A_152, %add3A_115 : i32
    "tpu.region"() ({
      %run_scoped3A_174 = tpu.sem_alloc : memref<!tpu.dma_semaphore, #tpu.memory_space<semaphore_mem>>
      %dma_start3A = tpu.memref_slice %arg10[%add3A_153] : memref<786432xf32, #tpu.memory_space<hbm>> -> memref<4096xf32, #tpu.memory_space<hbm>>
      %dma_start3A_175 = tpu.memref_slice %arg10[%add3A_153] : memref<786432xf32, #tpu.memory_space<hbm>> -> memref<4096xf32, #tpu.memory_space<hbm>>
      tpu.enqueue_dma source(%arg22 : memref<4096xf32, #tpu.memory_space<vmem>>) target(%dma_start3A_175 : memref<4096xf32, #tpu.memory_space<hbm>>) target_semaphore(%run_scoped3A_174 : memref<!tpu.dma_semaphore, #tpu.memory_space<semaphore_mem>>)
      %dma_wait3A = tpu.memref_slice %arg10[%add3A_153] : memref<786432xf32, #tpu.memory_space<hbm>> -> memref<4096xf32, #tpu.memory_space<hbm>>
      %dma_wait3A_176 = tpu.memref_slice %arg10[%add3A_153] : memref<786432xf32, #tpu.memory_space<hbm>> -> memref<4096xf32, #tpu.memory_space<hbm>>
      tpu.wait_dma2 semaphore(%run_scoped3A_174 : memref<!tpu.dma_semaphore, #tpu.memory_space<semaphore_mem>>) src(%arg22 : memref<4096xf32, #tpu.memory_space<vmem>>) dst(%dma_wait3A_176 : memref<4096xf32, #tpu.memory_space<hbm>>)
      tpu.yield
    }) : () -> ()
    %add3A_154 = arith.constant 262144 : i32
    %add3A_155 = arith.addi %add3A_154, %add3A_115 : i32
    "tpu.region"() ({
      %run_scoped3A_174 = tpu.sem_alloc : memref<!tpu.dma_semaphore, #tpu.memory_space<semaphore_mem>>
      %dma_start3A = tpu.memref_slice %arg11[%add3A_155] : memref<786432xf32, #tpu.memory_space<hbm>> -> memref<4096xf32, #tpu.memory_space<hbm>>
      %dma_start3A_175 = tpu.memref_slice %arg11[%add3A_155] : memref<786432xf32, #tpu.memory_space<hbm>> -> memref<4096xf32, #tpu.memory_space<hbm>>
      tpu.enqueue_dma source(%arg25 : memref<4096xf32, #tpu.memory_space<vmem>>) target(%dma_start3A_175 : memref<4096xf32, #tpu.memory_space<hbm>>) target_semaphore(%run_scoped3A_174 : memref<!tpu.dma_semaphore, #tpu.memory_space<semaphore_mem>>)
      %dma_wait3A = tpu.memref_slice %arg11[%add3A_155] : memref<786432xf32, #tpu.memory_space<hbm>> -> memref<4096xf32, #tpu.memory_space<hbm>>
      %dma_wait3A_176 = tpu.memref_slice %arg11[%add3A_155] : memref<786432xf32, #tpu.memory_space<hbm>> -> memref<4096xf32, #tpu.memory_space<hbm>>
      tpu.wait_dma2 semaphore(%run_scoped3A_174 : memref<!tpu.dma_semaphore, #tpu.memory_space<semaphore_mem>>) src(%arg25 : memref<4096xf32, #tpu.memory_space<vmem>>) dst(%dma_wait3A_176 : memref<4096xf32, #tpu.memory_space<hbm>>)
      tpu.yield
    }) : () -> ()
    %add3A_156 = arith.constant 262144 : i32
    %add3A_157 = arith.addi %add3A_156, %add3A_115 : i32
    "tpu.region"() ({
      %run_scoped3A_174 = tpu.sem_alloc : memref<!tpu.dma_semaphore, #tpu.memory_space<semaphore_mem>>
      %dma_start3A = tpu.memref_slice %arg12[%add3A_157] : memref<786432xf32, #tpu.memory_space<hbm>> -> memref<4096xf32, #tpu.memory_space<hbm>>
      %dma_start3A_175 = tpu.memref_slice %arg12[%add3A_157] : memref<786432xf32, #tpu.memory_space<hbm>> -> memref<4096xf32, #tpu.memory_space<hbm>>
      tpu.enqueue_dma source(%arg28 : memref<4096xf32, #tpu.memory_space<vmem>>) target(%dma_start3A_175 : memref<4096xf32, #tpu.memory_space<hbm>>) target_semaphore(%run_scoped3A_174 : memref<!tpu.dma_semaphore, #tpu.memory_space<semaphore_mem>>)
      %dma_wait3A = tpu.memref_slice %arg12[%add3A_157] : memref<786432xf32, #tpu.memory_space<hbm>> -> memref<4096xf32, #tpu.memory_space<hbm>>
      %dma_wait3A_176 = tpu.memref_slice %arg12[%add3A_157] : memref<786432xf32, #tpu.memory_space<hbm>> -> memref<4096xf32, #tpu.memory_space<hbm>>
      tpu.wait_dma2 semaphore(%run_scoped3A_174 : memref<!tpu.dma_semaphore, #tpu.memory_space<semaphore_mem>>) src(%arg28 : memref<4096xf32, #tpu.memory_space<vmem>>) dst(%dma_wait3A_176 : memref<4096xf32, #tpu.memory_space<hbm>>)
      tpu.yield
    }) : () -> ()
    %add3A_158 = arith.constant 262144 : i32
    %add3A_159 = arith.addi %add3A_158, %add3A_115 : i32
    "tpu.region"() ({
      %run_scoped3A_174 = tpu.sem_alloc : memref<!tpu.dma_semaphore, #tpu.memory_space<semaphore_mem>>
      %dma_start3A = tpu.memref_slice %arg13[%add3A_159] : memref<786432xf32, #tpu.memory_space<hbm>> -> memref<4096xf32, #tpu.memory_space<hbm>>
      %dma_start3A_175 = tpu.memref_slice %arg13[%add3A_159] : memref<786432xf32, #tpu.memory_space<hbm>> -> memref<4096xf32, #tpu.memory_space<hbm>>
      tpu.enqueue_dma source(%arg31 : memref<4096xf32, #tpu.memory_space<vmem>>) target(%dma_start3A_175 : memref<4096xf32, #tpu.memory_space<hbm>>) target_semaphore(%run_scoped3A_174 : memref<!tpu.dma_semaphore, #tpu.memory_space<semaphore_mem>>)
      %dma_wait3A = tpu.memref_slice %arg13[%add3A_159] : memref<786432xf32, #tpu.memory_space<hbm>> -> memref<4096xf32, #tpu.memory_space<hbm>>
      %dma_wait3A_176 = tpu.memref_slice %arg13[%add3A_159] : memref<786432xf32, #tpu.memory_space<hbm>> -> memref<4096xf32, #tpu.memory_space<hbm>>
      tpu.wait_dma2 semaphore(%run_scoped3A_174 : memref<!tpu.dma_semaphore, #tpu.memory_space<semaphore_mem>>) src(%arg31 : memref<4096xf32, #tpu.memory_space<vmem>>) dst(%dma_wait3A_176 : memref<4096xf32, #tpu.memory_space<hbm>>)
      tpu.yield
    }) : () -> ()
    "tpu.region"() ({
      %run_scoped3A_174 = tpu.sem_alloc : memref<!tpu.dma_semaphore, #tpu.memory_space<semaphore_mem>>
      %dma_start3A = arith.constant 0 : i32
      %dma_start3A_175 = tpu.memref_slice %arg43[%dma_start3A] : memref<2048xf32, #tpu.memory_space<vmem_shared>> -> memref<2048xf32, #tpu.memory_space<vmem_shared>>
      tpu.enqueue_indirect_dma source(%arg32 : memref<4096xf32, #tpu.memory_space<vmem>>) target(%dma_start3A_175 : memref<2048xf32, #tpu.memory_space<vmem_shared>>) offsets(%arg15 : memref<4096xi32, #tpu.memory_space<vmem>>) semaphore(%run_scoped3A_174 : memref<!tpu.dma_semaphore, #tpu.memory_space<semaphore_mem>>) {add = true}
      %dma_wait3A = arith.constant 0 : i32
      %dma_wait3A_176 = tpu.memref_slice %arg43[%dma_wait3A] : memref<2048xf32, #tpu.memory_space<vmem_shared>> -> memref<2048xf32, #tpu.memory_space<vmem_shared>>
      tpu.wait_indirect_dma semaphore(%run_scoped3A_174 : memref<!tpu.dma_semaphore, #tpu.memory_space<semaphore_mem>>) src(%arg32 : memref<4096xf32, #tpu.memory_space<vmem>>) dst(%dma_wait3A_176 : memref<2048xf32, #tpu.memory_space<vmem_shared>>)
      tpu.yield
    }) : () -> ()
    %add3A_160 = arith.constant 524288 : i32
    %add3A_161 = arith.addi %add3A_160, %add3A_115 : i32
    "tpu.region"() ({
      %run_scoped3A_174 = tpu.sem_alloc : memref<!tpu.dma_semaphore, #tpu.memory_space<semaphore_mem>>
      %dma_start3A = tpu.memref_slice %arg10[%add3A_161] : memref<786432xf32, #tpu.memory_space<hbm>> -> memref<4096xf32, #tpu.memory_space<hbm>>
      %dma_start3A_175 = tpu.memref_slice %arg10[%add3A_161] : memref<786432xf32, #tpu.memory_space<hbm>> -> memref<4096xf32, #tpu.memory_space<hbm>>
      tpu.enqueue_dma source(%arg23 : memref<4096xf32, #tpu.memory_space<vmem>>) target(%dma_start3A_175 : memref<4096xf32, #tpu.memory_space<hbm>>) target_semaphore(%run_scoped3A_174 : memref<!tpu.dma_semaphore, #tpu.memory_space<semaphore_mem>>)
      %dma_wait3A = tpu.memref_slice %arg10[%add3A_161] : memref<786432xf32, #tpu.memory_space<hbm>> -> memref<4096xf32, #tpu.memory_space<hbm>>
      %dma_wait3A_176 = tpu.memref_slice %arg10[%add3A_161] : memref<786432xf32, #tpu.memory_space<hbm>> -> memref<4096xf32, #tpu.memory_space<hbm>>
      tpu.wait_dma2 semaphore(%run_scoped3A_174 : memref<!tpu.dma_semaphore, #tpu.memory_space<semaphore_mem>>) src(%arg23 : memref<4096xf32, #tpu.memory_space<vmem>>) dst(%dma_wait3A_176 : memref<4096xf32, #tpu.memory_space<hbm>>)
      tpu.yield
    }) : () -> ()
    %add3A_162 = arith.constant 524288 : i32
    %add3A_163 = arith.addi %add3A_162, %add3A_115 : i32
    "tpu.region"() ({
      %run_scoped3A_174 = tpu.sem_alloc : memref<!tpu.dma_semaphore, #tpu.memory_space<semaphore_mem>>
      %dma_start3A = tpu.memref_slice %arg11[%add3A_163] : memref<786432xf32, #tpu.memory_space<hbm>> -> memref<4096xf32, #tpu.memory_space<hbm>>
      %dma_start3A_175 = tpu.memref_slice %arg11[%add3A_163] : memref<786432xf32, #tpu.memory_space<hbm>> -> memref<4096xf32, #tpu.memory_space<hbm>>
      tpu.enqueue_dma source(%arg26 : memref<4096xf32, #tpu.memory_space<vmem>>) target(%dma_start3A_175 : memref<4096xf32, #tpu.memory_space<hbm>>) target_semaphore(%run_scoped3A_174 : memref<!tpu.dma_semaphore, #tpu.memory_space<semaphore_mem>>)
      %dma_wait3A = tpu.memref_slice %arg11[%add3A_163] : memref<786432xf32, #tpu.memory_space<hbm>> -> memref<4096xf32, #tpu.memory_space<hbm>>
      %dma_wait3A_176 = tpu.memref_slice %arg11[%add3A_163] : memref<786432xf32, #tpu.memory_space<hbm>> -> memref<4096xf32, #tpu.memory_space<hbm>>
      tpu.wait_dma2 semaphore(%run_scoped3A_174 : memref<!tpu.dma_semaphore, #tpu.memory_space<semaphore_mem>>) src(%arg26 : memref<4096xf32, #tpu.memory_space<vmem>>) dst(%dma_wait3A_176 : memref<4096xf32, #tpu.memory_space<hbm>>)
      tpu.yield
    }) : () -> ()
    %add3A_164 = arith.constant 524288 : i32
    %add3A_165 = arith.addi %add3A_164, %add3A_115 : i32
    "tpu.region"() ({
      %run_scoped3A_174 = tpu.sem_alloc : memref<!tpu.dma_semaphore, #tpu.memory_space<semaphore_mem>>
      %dma_start3A = tpu.memref_slice %arg12[%add3A_165] : memref<786432xf32, #tpu.memory_space<hbm>> -> memref<4096xf32, #tpu.memory_space<hbm>>
      %dma_start3A_175 = tpu.memref_slice %arg12[%add3A_165] : memref<786432xf32, #tpu.memory_space<hbm>> -> memref<4096xf32, #tpu.memory_space<hbm>>
      tpu.enqueue_dma source(%arg29 : memref<4096xf32, #tpu.memory_space<vmem>>) target(%dma_start3A_175 : memref<4096xf32, #tpu.memory_space<hbm>>) target_semaphore(%run_scoped3A_174 : memref<!tpu.dma_semaphore, #tpu.memory_space<semaphore_mem>>)
      %dma_wait3A = tpu.memref_slice %arg12[%add3A_165] : memref<786432xf32, #tpu.memory_space<hbm>> -> memref<4096xf32, #tpu.memory_space<hbm>>
      %dma_wait3A_176 = tpu.memref_slice %arg12[%add3A_165] : memref<786432xf32, #tpu.memory_space<hbm>> -> memref<4096xf32, #tpu.memory_space<hbm>>
      tpu.wait_dma2 semaphore(%run_scoped3A_174 : memref<!tpu.dma_semaphore, #tpu.memory_space<semaphore_mem>>) src(%arg29 : memref<4096xf32, #tpu.memory_space<vmem>>) dst(%dma_wait3A_176 : memref<4096xf32, #tpu.memory_space<hbm>>)
      tpu.yield
    }) : () -> ()
    %add3A_166 = arith.constant 524288 : i32
    %add3A_167 = arith.addi %add3A_166, %add3A_115 : i32
    "tpu.region"() ({
      %run_scoped3A_174 = tpu.sem_alloc : memref<!tpu.dma_semaphore, #tpu.memory_space<semaphore_mem>>
      %dma_start3A = tpu.memref_slice %arg13[%add3A_167] : memref<786432xf32, #tpu.memory_space<hbm>> -> memref<4096xf32, #tpu.memory_space<hbm>>
      %dma_start3A_175 = tpu.memref_slice %arg13[%add3A_167] : memref<786432xf32, #tpu.memory_space<hbm>> -> memref<4096xf32, #tpu.memory_space<hbm>>
      tpu.enqueue_dma source(%arg32 : memref<4096xf32, #tpu.memory_space<vmem>>) target(%dma_start3A_175 : memref<4096xf32, #tpu.memory_space<hbm>>) target_semaphore(%run_scoped3A_174 : memref<!tpu.dma_semaphore, #tpu.memory_space<semaphore_mem>>)
      %dma_wait3A = tpu.memref_slice %arg13[%add3A_167] : memref<786432xf32, #tpu.memory_space<hbm>> -> memref<4096xf32, #tpu.memory_space<hbm>>
      %dma_wait3A_176 = tpu.memref_slice %arg13[%add3A_167] : memref<786432xf32, #tpu.memory_space<hbm>> -> memref<4096xf32, #tpu.memory_space<hbm>>
      tpu.wait_dma2 semaphore(%run_scoped3A_174 : memref<!tpu.dma_semaphore, #tpu.memory_space<semaphore_mem>>) src(%arg32 : memref<4096xf32, #tpu.memory_space<vmem>>) dst(%dma_wait3A_176 : memref<4096xf32, #tpu.memory_space<hbm>>)
      tpu.yield
    }) : () -> ()
    %barrier3A_168 = arith.constant 0 : index
    tpu.barrier barrier_id(%barrier3A_168)
    %eq3A_169 = arith.constant 0 : i32
    %eq3A_170 = arith.cmpi eq, %arg1, %eq3A_169 : i32
    %convert_element_type3A_171 = arith.extui %eq3A_170 : i1 to i32
    %cond3A_172 = arith.constant 0 : i32
    %cond3A_173 = arith.cmpi ne, %convert_element_type3A_171, %cond3A_172 : i32
    scf.if %cond3A_173 {
      %mul3A_174 = arith.constant 3 : i32
      %mul3A_175 = arith.muli %arg0, %mul3A_174 : i32
      %add3A_176 = arith.constant 0 : i32
      %add3A_177 = arith.addi %mul3A_175, %add3A_176 : i32
      "tpu.region"() ({
        %run_scoped3A_186 = tpu.sem_alloc : memref<!tpu.dma_semaphore, #tpu.memory_space<semaphore_mem>>
        %dma_start3A = arith.constant 0 : i32
        %dma_start3A_187 = tpu.memref_slice %arg14[%add3A_177, %dma_start3A] : memref<6x2048xf32, #tpu.memory_space<hbm>> -> memref<1x2048xf32, #tpu.memory_space<hbm>>
        %dma_start3A_188 = tpu.memref_squeeze %dma_start3A_187 : memref<1x2048xf32, #tpu.memory_space<hbm>> -> memref<2048xf32, #tpu.memory_space<hbm>>
        tpu.enqueue_dma source(%arg41 : memref<2048xf32, #tpu.memory_space<vmem_shared>>) target(%dma_start3A_188 : memref<2048xf32, #tpu.memory_space<hbm>>) target_semaphore(%run_scoped3A_186 : memref<!tpu.dma_semaphore, #tpu.memory_space<semaphore_mem>>)
        %dma_wait3A = arith.constant 0 : i32
        %dma_wait3A_189 = tpu.memref_slice %arg14[%add3A_177, %dma_wait3A] : memref<6x2048xf32, #tpu.memory_space<hbm>> -> memref<1x2048xf32, #tpu.memory_space<hbm>>
        %dma_wait3A_190 = tpu.memref_squeeze %dma_wait3A_189 : memref<1x2048xf32, #tpu.memory_space<hbm>> -> memref<2048xf32, #tpu.memory_space<hbm>>
        tpu.wait_dma2 semaphore(%run_scoped3A_186 : memref<!tpu.dma_semaphore, #tpu.memory_space<semaphore_mem>>) src(%arg41 : memref<2048xf32, #tpu.memory_space<vmem_shared>>) dst(%dma_wait3A_190 : memref<2048xf32, #tpu.memory_space<hbm>>)
        tpu.yield
      }) : () -> ()
      %mul3A_178 = arith.constant 3 : i32
      %mul3A_179 = arith.muli %arg0, %mul3A_178 : i32
      %add3A_180 = arith.constant 1 : i32
      %add3A_181 = arith.addi %mul3A_179, %add3A_180 : i32
      "tpu.region"() ({
        %run_scoped3A_186 = tpu.sem_alloc : memref<!tpu.dma_semaphore, #tpu.memory_space<semaphore_mem>>
        %dma_start3A = arith.constant 0 : i32
        %dma_start3A_187 = tpu.memref_slice %arg14[%add3A_181, %dma_start3A] : memref<6x2048xf32, #tpu.memory_space<hbm>> -> memref<1x2048xf32, #tpu.memory_space<hbm>>
        %dma_start3A_188 = tpu.memref_squeeze %dma_start3A_187 : memref<1x2048xf32, #tpu.memory_space<hbm>> -> memref<2048xf32, #tpu.memory_space<hbm>>
        tpu.enqueue_dma source(%arg42 : memref<2048xf32, #tpu.memory_space<vmem_shared>>) target(%dma_start3A_188 : memref<2048xf32, #tpu.memory_space<hbm>>) target_semaphore(%run_scoped3A_186 : memref<!tpu.dma_semaphore, #tpu.memory_space<semaphore_mem>>)
        %dma_wait3A = arith.constant 0 : i32
        %dma_wait3A_189 = tpu.memref_slice %arg14[%add3A_181, %dma_wait3A] : memref<6x2048xf32, #tpu.memory_space<hbm>> -> memref<1x2048xf32, #tpu.memory_space<hbm>>
        %dma_wait3A_190 = tpu.memref_squeeze %dma_wait3A_189 : memref<1x2048xf32, #tpu.memory_space<hbm>> -> memref<2048xf32, #tpu.memory_space<hbm>>
        tpu.wait_dma2 semaphore(%run_scoped3A_186 : memref<!tpu.dma_semaphore, #tpu.memory_space<semaphore_mem>>) src(%arg42 : memref<2048xf32, #tpu.memory_space<vmem_shared>>) dst(%dma_wait3A_190 : memref<2048xf32, #tpu.memory_space<hbm>>)
        tpu.yield
      }) : () -> ()
      %mul3A_182 = arith.constant 3 : i32
      %mul3A_183 = arith.muli %arg0, %mul3A_182 : i32
      %add3A_184 = arith.constant 2 : i32
      %add3A_185 = arith.addi %mul3A_183, %add3A_184 : i32
      "tpu.region"() ({
        %run_scoped3A_186 = tpu.sem_alloc : memref<!tpu.dma_semaphore, #tpu.memory_space<semaphore_mem>>
        %dma_start3A = arith.constant 0 : i32
        %dma_start3A_187 = tpu.memref_slice %arg14[%add3A_185, %dma_start3A] : memref<6x2048xf32, #tpu.memory_space<hbm>> -> memref<1x2048xf32, #tpu.memory_space<hbm>>
        %dma_start3A_188 = tpu.memref_squeeze %dma_start3A_187 : memref<1x2048xf32, #tpu.memory_space<hbm>> -> memref<2048xf32, #tpu.memory_space<hbm>>
        tpu.enqueue_dma source(%arg43 : memref<2048xf32, #tpu.memory_space<vmem_shared>>) target(%dma_start3A_188 : memref<2048xf32, #tpu.memory_space<hbm>>) target_semaphore(%run_scoped3A_186 : memref<!tpu.dma_semaphore, #tpu.memory_space<semaphore_mem>>)
        %dma_wait3A = arith.constant 0 : i32
        %dma_wait3A_189 = tpu.memref_slice %arg14[%add3A_185, %dma_wait3A] : memref<6x2048xf32, #tpu.memory_space<hbm>> -> memref<1x2048xf32, #tpu.memory_space<hbm>>
        %dma_wait3A_190 = tpu.memref_squeeze %dma_wait3A_189 : memref<1x2048xf32, #tpu.memory_space<hbm>> -> memref<2048xf32, #tpu.memory_space<hbm>>
        tpu.wait_dma2 semaphore(%run_scoped3A_186 : memref<!tpu.dma_semaphore, #tpu.memory_space<semaphore_mem>>) src(%arg43 : memref<2048xf32, #tpu.memory_space<vmem_shared>>) dst(%dma_wait3A_190 : memref<2048xf32, #tpu.memory_space<hbm>>)
        tpu.yield
      }) : () -> ()
    } else {
    }
    return
  }
}

#map = affine_map<(d0, d1) -> (0)>
#map1 = affine_map<(d0, d1) -> (0, 0)>
module attributes {stable_mosaic.version = 14 : i64} {
  func.func @_finish_body(%arg0: i32, %arg1: i32, %arg2: memref<262144xi32, #tpu.memory_space<hbm>>, %arg3: memref<786432xf32, #tpu.memory_space<hbm>>, %arg4: memref<786432xf32, #tpu.memory_space<hbm>>, %arg5: memref<6x2048xf32, #tpu.memory_space<hbm>>, %arg6: memref<2x2048xf32, #tpu.memory_space<hbm>>, %arg7: memref<786432xf32, #tpu.memory_space<hbm>>, %arg8: memref<786432xf32, #tpu.memory_space<hbm>>, %arg9: memref<8192xi32, #tpu.memory_space<vmem>>, %arg10: memref<8192xf32, #tpu.memory_space<vmem>>, %arg11: memref<8192xf32, #tpu.memory_space<vmem>>, %arg12: memref<2048xf32, #tpu.memory_space<vmem>>, %arg13: memref<2048xf32, #tpu.memory_space<vmem>>, %arg14: memref<2048xf32, #tpu.memory_space<vmem>>, %arg15: memref<2048xf32, #tpu.memory_space<vmem>>, %arg16: memref<2048xf32, #tpu.memory_space<vmem>>) attributes {dimension_semantics = [#tpu.dimension_semantics<core_parallel>, #tpu.dimension_semantics<subcore_parallel>], iteration_bounds = array<i64: 2, 16>, scalar_prefetch = 0 : i64, scratch_operands = 8 : i64, tpu.core_type = #tpu.core_type<sc_vector_subcore>, window_params = [{transform_indices = #map}, {transform_indices = #map}, {transform_indices = #map}, {transform_indices = #map1}, {transform_indices = #map1}, {transform_indices = #map}, {transform_indices = #map}]} {
    %mul3A = arith.constant 2 : i32
    %mul3A_0 = arith.muli %arg1, %mul3A : i32
    %add3A = arith.addi %mul3A_0, %arg0 : i32
    %mul3A_1 = arith.constant 8192 : i32
    %mul3A_2 = arith.muli %add3A, %mul3A_1 : i32
    %run_scoped3A = arith.constant 0 : i32
    "tpu.region"() ({
      %run_scoped3A_68 = tpu.sem_alloc : memref<!tpu.dma_semaphore, #tpu.memory_space<semaphore_mem>>
      %dma_start3A = arith.constant 0 : i32
      %dma_start3A_69 = tpu.memref_slice %arg6[%run_scoped3A, %dma_start3A] : memref<2x2048xf32, #tpu.memory_space<hbm>> -> memref<1x2048xf32, #tpu.memory_space<hbm>>
      %dma_start3A_70 = tpu.memref_squeeze %dma_start3A_69 : memref<1x2048xf32, #tpu.memory_space<hbm>> -> memref<2048xf32, #tpu.memory_space<hbm>>
      %dma_start3A_71 = arith.constant 0 : i32
      %dma_start3A_72 = tpu.memref_slice %arg6[%run_scoped3A, %dma_start3A_71] : memref<2x2048xf32, #tpu.memory_space<hbm>> -> memref<1x2048xf32, #tpu.memory_space<hbm>>
      %dma_start3A_73 = tpu.memref_squeeze %dma_start3A_72 : memref<1x2048xf32, #tpu.memory_space<hbm>> -> memref<2048xf32, #tpu.memory_space<hbm>>
      tpu.enqueue_dma source(%dma_start3A_73 : memref<2048xf32, #tpu.memory_space<hbm>>) target(%arg15 : memref<2048xf32, #tpu.memory_space<vmem>>) target_semaphore(%run_scoped3A_68 : memref<!tpu.dma_semaphore, #tpu.memory_space<semaphore_mem>>)
      %dma_wait3A = arith.constant 0 : i32
      %dma_wait3A_74 = tpu.memref_slice %arg6[%run_scoped3A, %dma_wait3A] : memref<2x2048xf32, #tpu.memory_space<hbm>> -> memref<1x2048xf32, #tpu.memory_space<hbm>>
      %dma_wait3A_75 = tpu.memref_squeeze %dma_wait3A_74 : memref<1x2048xf32, #tpu.memory_space<hbm>> -> memref<2048xf32, #tpu.memory_space<hbm>>
      %dma_wait3A_76 = arith.constant 0 : i32
      %dma_wait3A_77 = tpu.memref_slice %arg6[%run_scoped3A, %dma_wait3A_76] : memref<2x2048xf32, #tpu.memory_space<hbm>> -> memref<1x2048xf32, #tpu.memory_space<hbm>>
      %dma_wait3A_78 = tpu.memref_squeeze %dma_wait3A_77 : memref<1x2048xf32, #tpu.memory_space<hbm>> -> memref<2048xf32, #tpu.memory_space<hbm>>
      tpu.wait_dma2 semaphore(%run_scoped3A_68 : memref<!tpu.dma_semaphore, #tpu.memory_space<semaphore_mem>>) src(%dma_wait3A_78 : memref<2048xf32, #tpu.memory_space<hbm>>) dst(%arg15 : memref<2048xf32, #tpu.memory_space<vmem>>)
      tpu.yield
    }) : () -> ()
    %run_scoped3A_3 = arith.constant 1 : i32
    "tpu.region"() ({
      %run_scoped3A_68 = tpu.sem_alloc : memref<!tpu.dma_semaphore, #tpu.memory_space<semaphore_mem>>
      %dma_start3A = arith.constant 0 : i32
      %dma_start3A_69 = tpu.memref_slice %arg6[%run_scoped3A_3, %dma_start3A] : memref<2x2048xf32, #tpu.memory_space<hbm>> -> memref<1x2048xf32, #tpu.memory_space<hbm>>
      %dma_start3A_70 = tpu.memref_squeeze %dma_start3A_69 : memref<1x2048xf32, #tpu.memory_space<hbm>> -> memref<2048xf32, #tpu.memory_space<hbm>>
      %dma_start3A_71 = arith.constant 0 : i32
      %dma_start3A_72 = tpu.memref_slice %arg6[%run_scoped3A_3, %dma_start3A_71] : memref<2x2048xf32, #tpu.memory_space<hbm>> -> memref<1x2048xf32, #tpu.memory_space<hbm>>
      %dma_start3A_73 = tpu.memref_squeeze %dma_start3A_72 : memref<1x2048xf32, #tpu.memory_space<hbm>> -> memref<2048xf32, #tpu.memory_space<hbm>>
      tpu.enqueue_dma source(%dma_start3A_73 : memref<2048xf32, #tpu.memory_space<hbm>>) target(%arg16 : memref<2048xf32, #tpu.memory_space<vmem>>) target_semaphore(%run_scoped3A_68 : memref<!tpu.dma_semaphore, #tpu.memory_space<semaphore_mem>>)
      %dma_wait3A = arith.constant 0 : i32
      %dma_wait3A_74 = tpu.memref_slice %arg6[%run_scoped3A_3, %dma_wait3A] : memref<2x2048xf32, #tpu.memory_space<hbm>> -> memref<1x2048xf32, #tpu.memory_space<hbm>>
      %dma_wait3A_75 = tpu.memref_squeeze %dma_wait3A_74 : memref<1x2048xf32, #tpu.memory_space<hbm>> -> memref<2048xf32, #tpu.memory_space<hbm>>
      %dma_wait3A_76 = arith.constant 0 : i32
      %dma_wait3A_77 = tpu.memref_slice %arg6[%run_scoped3A_3, %dma_wait3A_76] : memref<2x2048xf32, #tpu.memory_space<hbm>> -> memref<1x2048xf32, #tpu.memory_space<hbm>>
      %dma_wait3A_78 = tpu.memref_squeeze %dma_wait3A_77 : memref<1x2048xf32, #tpu.memory_space<hbm>> -> memref<2048xf32, #tpu.memory_space<hbm>>
      tpu.wait_dma2 semaphore(%run_scoped3A_68 : memref<!tpu.dma_semaphore, #tpu.memory_space<semaphore_mem>>) src(%dma_wait3A_78 : memref<2048xf32, #tpu.memory_space<hbm>>) dst(%arg16 : memref<2048xf32, #tpu.memory_space<vmem>>)
      tpu.yield
    }) : () -> ()
    %scan3A = arith.constant 0 : i32
    %scan3A_4 = arith.constant 128 : i32
    %scan3A_5 = arith.addi %scan3A, %scan3A_4 : i32
    %scan3A_6 = arith.constant 1 : i32
    scf.for %scan3A_68 = %scan3A to %scan3A_5 step %scan3A_6  : i32 {
      %mul3A_69 = arith.constant 1 : i32
      %mul3A_70 = arith.muli %scan3A_68, %mul3A_69 : i32
      %add3A_71 = arith.constant 0 : i32
      %add3A_72 = arith.addi %add3A_71, %mul3A_70 : i32
      %mul3A_73 = arith.constant 16 : i32
      %mul3A_74 = arith.muli %add3A_72, %mul3A_73 : i32
      %get3A = arith.index_cast %mul3A_74 : i32 to index
      %get3A_75 = tpu.vector_load %arg15[%get3A] {strides = array<i32>} : memref<2048xf32, #tpu.memory_space<vmem>>, vector<16xf32>,
      %get3A_76 = arith.index_cast %mul3A_74 : i32 to index
      %get3A_77 = tpu.vector_load %arg16[%get3A_76] {strides = array<i32>} : memref<2048xf32, #tpu.memory_space<vmem>>, vector<16xf32>,
      %add3A_78 = arith.addf %get3A_75, %get3A_77 : vector<16xf32>
      %max3A = arith.constant 1.000000e+00 : f32
      %max3A_79 = vector.broadcast %max3A : f32 to vector<16xf32>
      %max3A_80 = arith.maximumf %add3A_78, %max3A_79 : vector<16xf32>
      %swap3A = arith.index_cast %mul3A_74 : i32 to index
      %swap3A_81 = tpu.vector_load %arg15[%swap3A] {strides = array<i32>} : memref<2048xf32, #tpu.memory_space<vmem>>, vector<16xf32>,
      tpu.vector_store %arg15[%swap3A], %max3A_80 {strides = array<i32>} : memref<2048xf32, #tpu.memory_space<vmem>>, vector<16xf32>,
    }
    %scan3A_7 = arith.constant 128 : i32
    %run_scoped3A_8 = arith.constant 0 : i32
    "tpu.region"() ({
      %run_scoped3A_68 = tpu.sem_alloc : memref<!tpu.dma_semaphore, #tpu.memory_space<semaphore_mem>>
      %dma_start3A = arith.constant 0 : i32
      %dma_start3A_69 = tpu.memref_slice %arg5[%run_scoped3A_8, %dma_start3A] : memref<6x2048xf32, #tpu.memory_space<hbm>> -> memref<1x2048xf32, #tpu.memory_space<hbm>>
      %dma_start3A_70 = tpu.memref_squeeze %dma_start3A_69 : memref<1x2048xf32, #tpu.memory_space<hbm>> -> memref<2048xf32, #tpu.memory_space<hbm>>
      %dma_start3A_71 = arith.constant 0 : i32
      %dma_start3A_72 = tpu.memref_slice %arg5[%run_scoped3A_8, %dma_start3A_71] : memref<6x2048xf32, #tpu.memory_space<hbm>> -> memref<1x2048xf32, #tpu.memory_space<hbm>>
      %dma_start3A_73 = tpu.memref_squeeze %dma_start3A_72 : memref<1x2048xf32, #tpu.memory_space<hbm>> -> memref<2048xf32, #tpu.memory_space<hbm>>
      tpu.enqueue_dma source(%dma_start3A_73 : memref<2048xf32, #tpu.memory_space<hbm>>) target(%arg12 : memref<2048xf32, #tpu.memory_space<vmem>>) target_semaphore(%run_scoped3A_68 : memref<!tpu.dma_semaphore, #tpu.memory_space<semaphore_mem>>)
      %dma_wait3A = arith.constant 0 : i32
      %dma_wait3A_74 = tpu.memref_slice %arg5[%run_scoped3A_8, %dma_wait3A] : memref<6x2048xf32, #tpu.memory_space<hbm>> -> memref<1x2048xf32, #tpu.memory_space<hbm>>
      %dma_wait3A_75 = tpu.memref_squeeze %dma_wait3A_74 : memref<1x2048xf32, #tpu.memory_space<hbm>> -> memref<2048xf32, #tpu.memory_space<hbm>>
      %dma_wait3A_76 = arith.constant 0 : i32
      %dma_wait3A_77 = tpu.memref_slice %arg5[%run_scoped3A_8, %dma_wait3A_76] : memref<6x2048xf32, #tpu.memory_space<hbm>> -> memref<1x2048xf32, #tpu.memory_space<hbm>>
      %dma_wait3A_78 = tpu.memref_squeeze %dma_wait3A_77 : memref<1x2048xf32, #tpu.memory_space<hbm>> -> memref<2048xf32, #tpu.memory_space<hbm>>
      tpu.wait_dma2 semaphore(%run_scoped3A_68 : memref<!tpu.dma_semaphore, #tpu.memory_space<semaphore_mem>>) src(%dma_wait3A_78 : memref<2048xf32, #tpu.memory_space<hbm>>) dst(%arg12 : memref<2048xf32, #tpu.memory_space<vmem>>)
      tpu.yield
    }) : () -> ()
    %run_scoped3A_9 = arith.constant 3 : i32
    "tpu.region"() ({
      %run_scoped3A_68 = tpu.sem_alloc : memref<!tpu.dma_semaphore, #tpu.memory_space<semaphore_mem>>
      %dma_start3A = arith.constant 0 : i32
      %dma_start3A_69 = tpu.memref_slice %arg5[%run_scoped3A_9, %dma_start3A] : memref<6x2048xf32, #tpu.memory_space<hbm>> -> memref<1x2048xf32, #tpu.memory_space<hbm>>
      %dma_start3A_70 = tpu.memref_squeeze %dma_start3A_69 : memref<1x2048xf32, #tpu.memory_space<hbm>> -> memref<2048xf32, #tpu.memory_space<hbm>>
      %dma_start3A_71 = arith.constant 0 : i32
      %dma_start3A_72 = tpu.memref_slice %arg5[%run_scoped3A_9, %dma_start3A_71] : memref<6x2048xf32, #tpu.memory_space<hbm>> -> memref<1x2048xf32, #tpu.memory_space<hbm>>
      %dma_start3A_73 = tpu.memref_squeeze %dma_start3A_72 : memref<1x2048xf32, #tpu.memory_space<hbm>> -> memref<2048xf32, #tpu.memory_space<hbm>>
      tpu.enqueue_dma source(%dma_start3A_73 : memref<2048xf32, #tpu.memory_space<hbm>>) target(%arg16 : memref<2048xf32, #tpu.memory_space<vmem>>) target_semaphore(%run_scoped3A_68 : memref<!tpu.dma_semaphore, #tpu.memory_space<semaphore_mem>>)
      %dma_wait3A = arith.constant 0 : i32
      %dma_wait3A_74 = tpu.memref_slice %arg5[%run_scoped3A_9, %dma_wait3A] : memref<6x2048xf32, #tpu.memory_space<hbm>> -> memref<1x2048xf32, #tpu.memory_space<hbm>>
      %dma_wait3A_75 = tpu.memref_squeeze %dma_wait3A_74 : memref<1x2048xf32, #tpu.memory_space<hbm>> -> memref<2048xf32, #tpu.memory_space<hbm>>
      %dma_wait3A_76 = arith.constant 0 : i32
      %dma_wait3A_77 = tpu.memref_slice %arg5[%run_scoped3A_9, %dma_wait3A_76] : memref<6x2048xf32, #tpu.memory_space<hbm>> -> memref<1x2048xf32, #tpu.memory_space<hbm>>
      %dma_wait3A_78 = tpu.memref_squeeze %dma_wait3A_77 : memref<1x2048xf32, #tpu.memory_space<hbm>> -> memref<2048xf32, #tpu.memory_space<hbm>>
      tpu.wait_dma2 semaphore(%run_scoped3A_68 : memref<!tpu.dma_semaphore, #tpu.memory_space<semaphore_mem>>) src(%dma_wait3A_78 : memref<2048xf32, #tpu.memory_space<hbm>>) dst(%arg16 : memref<2048xf32, #tpu.memory_space<vmem>>)
      tpu.yield
    }) : () -> ()
    %scan3A_10 = arith.constant 0 : i32
    %scan3A_11 = arith.constant 128 : i32
    %scan3A_12 = arith.addi %scan3A_10, %scan3A_11 : i32
    %scan3A_13 = arith.constant 1 : i32
    scf.for %scan3A_68 = %scan3A_10 to %scan3A_12 step %scan3A_13  : i32 {
      %mul3A_69 = arith.constant 1 : i32
      %mul3A_70 = arith.muli %scan3A_68, %mul3A_69 : i32
      %add3A_71 = arith.constant 0 : i32
      %add3A_72 = arith.addi %add3A_71, %mul3A_70 : i32
      %mul3A_73 = arith.constant 16 : i32
      %mul3A_74 = arith.muli %add3A_72, %mul3A_73 : i32
      %get3A = arith.index_cast %mul3A_74 : i32 to index
      %get3A_75 = tpu.vector_load %arg12[%get3A] {strides = array<i32>} : memref<2048xf32, #tpu.memory_space<vmem>>, vector<16xf32>,
      %get3A_76 = arith.index_cast %mul3A_74 : i32 to index
      %get3A_77 = tpu.vector_load %arg16[%get3A_76] {strides = array<i32>} : memref<2048xf32, #tpu.memory_space<vmem>>, vector<16xf32>,
      %add3A_78 = arith.addf %get3A_75, %get3A_77 : vector<16xf32>
      %get3A_79 = arith.index_cast %mul3A_74 : i32 to index
      %get3A_80 = tpu.vector_load %arg15[%get3A_79] {strides = array<i32>} : memref<2048xf32, #tpu.memory_space<vmem>>, vector<16xf32>,
      %div3A = arith.divf %add3A_78, %get3A_80 : vector<16xf32>
      %swap3A = arith.index_cast %mul3A_74 : i32 to index
      %swap3A_81 = tpu.vector_load %arg12[%swap3A] {strides = array<i32>} : memref<2048xf32, #tpu.memory_space<vmem>>, vector<16xf32>,
      tpu.vector_store %arg12[%swap3A], %div3A {strides = array<i32>} : memref<2048xf32, #tpu.memory_space<vmem>>, vector<16xf32>,
    }
    %scan3A_14 = arith.constant 128 : i32
    %run_scoped3A_15 = arith.constant 1 : i32
    "tpu.region"() ({
      %run_scoped3A_68 = tpu.sem_alloc : memref<!tpu.dma_semaphore, #tpu.memory_space<semaphore_mem>>
      %dma_start3A = arith.constant 0 : i32
      %dma_start3A_69 = tpu.memref_slice %arg5[%run_scoped3A_15, %dma_start3A] : memref<6x2048xf32, #tpu.memory_space<hbm>> -> memref<1x2048xf32, #tpu.memory_space<hbm>>
      %dma_start3A_70 = tpu.memref_squeeze %dma_start3A_69 : memref<1x2048xf32, #tpu.memory_space<hbm>> -> memref<2048xf32, #tpu.memory_space<hbm>>
      %dma_start3A_71 = arith.constant 0 : i32
      %dma_start3A_72 = tpu.memref_slice %arg5[%run_scoped3A_15, %dma_start3A_71] : memref<6x2048xf32, #tpu.memory_space<hbm>> -> memref<1x2048xf32, #tpu.memory_space<hbm>>
      %dma_start3A_73 = tpu.memref_squeeze %dma_start3A_72 : memref<1x2048xf32, #tpu.memory_space<hbm>> -> memref<2048xf32, #tpu.memory_space<hbm>>
      tpu.enqueue_dma source(%dma_start3A_73 : memref<2048xf32, #tpu.memory_space<hbm>>) target(%arg13 : memref<2048xf32, #tpu.memory_space<vmem>>) target_semaphore(%run_scoped3A_68 : memref<!tpu.dma_semaphore, #tpu.memory_space<semaphore_mem>>)
      %dma_wait3A = arith.constant 0 : i32
      %dma_wait3A_74 = tpu.memref_slice %arg5[%run_scoped3A_15, %dma_wait3A] : memref<6x2048xf32, #tpu.memory_space<hbm>> -> memref<1x2048xf32, #tpu.memory_space<hbm>>
      %dma_wait3A_75 = tpu.memref_squeeze %dma_wait3A_74 : memref<1x2048xf32, #tpu.memory_space<hbm>> -> memref<2048xf32, #tpu.memory_space<hbm>>
      %dma_wait3A_76 = arith.constant 0 : i32
      %dma_wait3A_77 = tpu.memref_slice %arg5[%run_scoped3A_15, %dma_wait3A_76] : memref<6x2048xf32, #tpu.memory_space<hbm>> -> memref<1x2048xf32, #tpu.memory_space<hbm>>
      %dma_wait3A_78 = tpu.memref_squeeze %dma_wait3A_77 : memref<1x2048xf32, #tpu.memory_space<hbm>> -> memref<2048xf32, #tpu.memory_space<hbm>>
      tpu.wait_dma2 semaphore(%run_scoped3A_68 : memref<!tpu.dma_semaphore, #tpu.memory_space<semaphore_mem>>) src(%dma_wait3A_78 : memref<2048xf32, #tpu.memory_space<hbm>>) dst(%arg13 : memref<2048xf32, #tpu.memory_space<vmem>>)
      tpu.yield
    }) : () -> ()
    %run_scoped3A_16 = arith.constant 4 : i32
    "tpu.region"() ({
      %run_scoped3A_68 = tpu.sem_alloc : memref<!tpu.dma_semaphore, #tpu.memory_space<semaphore_mem>>
      %dma_start3A = arith.constant 0 : i32
      %dma_start3A_69 = tpu.memref_slice %arg5[%run_scoped3A_16, %dma_start3A] : memref<6x2048xf32, #tpu.memory_space<hbm>> -> memref<1x2048xf32, #tpu.memory_space<hbm>>
      %dma_start3A_70 = tpu.memref_squeeze %dma_start3A_69 : memref<1x2048xf32, #tpu.memory_space<hbm>> -> memref<2048xf32, #tpu.memory_space<hbm>>
      %dma_start3A_71 = arith.constant 0 : i32
      %dma_start3A_72 = tpu.memref_slice %arg5[%run_scoped3A_16, %dma_start3A_71] : memref<6x2048xf32, #tpu.memory_space<hbm>> -> memref<1x2048xf32, #tpu.memory_space<hbm>>
      %dma_start3A_73 = tpu.memref_squeeze %dma_start3A_72 : memref<1x2048xf32, #tpu.memory_space<hbm>> -> memref<2048xf32, #tpu.memory_space<hbm>>
      tpu.enqueue_dma source(%dma_start3A_73 : memref<2048xf32, #tpu.memory_space<hbm>>) target(%arg16 : memref<2048xf32, #tpu.memory_space<vmem>>) target_semaphore(%run_scoped3A_68 : memref<!tpu.dma_semaphore, #tpu.memory_space<semaphore_mem>>)
      %dma_wait3A = arith.constant 0 : i32
      %dma_wait3A_74 = tpu.memref_slice %arg5[%run_scoped3A_16, %dma_wait3A] : memref<6x2048xf32, #tpu.memory_space<hbm>> -> memref<1x2048xf32, #tpu.memory_space<hbm>>
      %dma_wait3A_75 = tpu.memref_squeeze %dma_wait3A_74 : memref<1x2048xf32, #tpu.memory_space<hbm>> -> memref<2048xf32, #tpu.memory_space<hbm>>
      %dma_wait3A_76 = arith.constant 0 : i32
      %dma_wait3A_77 = tpu.memref_slice %arg5[%run_scoped3A_16, %dma_wait3A_76] : memref<6x2048xf32, #tpu.memory_space<hbm>> -> memref<1x2048xf32, #tpu.memory_space<hbm>>
      %dma_wait3A_78 = tpu.memref_squeeze %dma_wait3A_77 : memref<1x2048xf32, #tpu.memory_space<hbm>> -> memref<2048xf32, #tpu.memory_space<hbm>>
      tpu.wait_dma2 semaphore(%run_scoped3A_68 : memref<!tpu.dma_semaphore, #tpu.memory_space<semaphore_mem>>) src(%dma_wait3A_78 : memref<2048xf32, #tpu.memory_space<hbm>>) dst(%arg16 : memref<2048xf32, #tpu.memory_space<vmem>>)
      tpu.yield
    }) : () -> ()
    %scan3A_17 = arith.constant 0 : i32
    %scan3A_18 = arith.constant 128 : i32
    %scan3A_19 = arith.addi %scan3A_17, %scan3A_18 : i32
    %scan3A_20 = arith.constant 1 : i32
    scf.for %scan3A_68 = %scan3A_17 to %scan3A_19 step %scan3A_20  : i32 {
      %mul3A_69 = arith.constant 1 : i32
      %mul3A_70 = arith.muli %scan3A_68, %mul3A_69 : i32
      %add3A_71 = arith.constant 0 : i32
      %add3A_72 = arith.addi %add3A_71, %mul3A_70 : i32
      %mul3A_73 = arith.constant 16 : i32
      %mul3A_74 = arith.muli %add3A_72, %mul3A_73 : i32
      %get3A = arith.index_cast %mul3A_74 : i32 to index
      %get3A_75 = tpu.vector_load %arg13[%get3A] {strides = array<i32>} : memref<2048xf32, #tpu.memory_space<vmem>>, vector<16xf32>,
      %get3A_76 = arith.index_cast %mul3A_74 : i32 to index
      %get3A_77 = tpu.vector_load %arg16[%get3A_76] {strides = array<i32>} : memref<2048xf32, #tpu.memory_space<vmem>>, vector<16xf32>,
      %add3A_78 = arith.addf %get3A_75, %get3A_77 : vector<16xf32>
      %get3A_79 = arith.index_cast %mul3A_74 : i32 to index
      %get3A_80 = tpu.vector_load %arg15[%get3A_79] {strides = array<i32>} : memref<2048xf32, #tpu.memory_space<vmem>>, vector<16xf32>,
      %div3A = arith.divf %add3A_78, %get3A_80 : vector<16xf32>
      %swap3A = arith.index_cast %mul3A_74 : i32 to index
      %swap3A_81 = tpu.vector_load %arg13[%swap3A] {strides = array<i32>} : memref<2048xf32, #tpu.memory_space<vmem>>, vector<16xf32>,
      tpu.vector_store %arg13[%swap3A], %div3A {strides = array<i32>} : memref<2048xf32, #tpu.memory_space<vmem>>, vector<16xf32>,
    }
    %scan3A_21 = arith.constant 128 : i32
    %run_scoped3A_22 = arith.constant 2 : i32
    "tpu.region"() ({
      %run_scoped3A_68 = tpu.sem_alloc : memref<!tpu.dma_semaphore, #tpu.memory_space<semaphore_mem>>
      %dma_start3A = arith.constant 0 : i32
      %dma_start3A_69 = tpu.memref_slice %arg5[%run_scoped3A_22, %dma_start3A] : memref<6x2048xf32, #tpu.memory_space<hbm>> -> memref<1x2048xf32, #tpu.memory_space<hbm>>
      %dma_start3A_70 = tpu.memref_squeeze %dma_start3A_69 : memref<1x2048xf32, #tpu.memory_space<hbm>> -> memref<2048xf32, #tpu.memory_space<hbm>>
      %dma_start3A_71 = arith.constant 0 : i32
      %dma_start3A_72 = tpu.memref_slice %arg5[%run_scoped3A_22, %dma_start3A_71] : memref<6x2048xf32, #tpu.memory_space<hbm>> -> memref<1x2048xf32, #tpu.memory_space<hbm>>
      %dma_start3A_73 = tpu.memref_squeeze %dma_start3A_72 : memref<1x2048xf32, #tpu.memory_space<hbm>> -> memref<2048xf32, #tpu.memory_space<hbm>>
      tpu.enqueue_dma source(%dma_start3A_73 : memref<2048xf32, #tpu.memory_space<hbm>>) target(%arg14 : memref<2048xf32, #tpu.memory_space<vmem>>) target_semaphore(%run_scoped3A_68 : memref<!tpu.dma_semaphore, #tpu.memory_space<semaphore_mem>>)
      %dma_wait3A = arith.constant 0 : i32
      %dma_wait3A_74 = tpu.memref_slice %arg5[%run_scoped3A_22, %dma_wait3A] : memref<6x2048xf32, #tpu.memory_space<hbm>> -> memref<1x2048xf32, #tpu.memory_space<hbm>>
      %dma_wait3A_75 = tpu.memref_squeeze %dma_wait3A_74 : memref<1x2048xf32, #tpu.memory_space<hbm>> -> memref<2048xf32, #tpu.memory_space<hbm>>
      %dma_wait3A_76 = arith.constant 0 : i32
      %dma_wait3A_77 = tpu.memref_slice %arg5[%run_scoped3A_22, %dma_wait3A_76] : memref<6x2048xf32, #tpu.memory_space<hbm>> -> memref<1x2048xf32, #tpu.memory_space<hbm>>
      %dma_wait3A_78 = tpu.memref_squeeze %dma_wait3A_77 : memref<1x2048xf32, #tpu.memory_space<hbm>> -> memref<2048xf32, #tpu.memory_space<hbm>>
      tpu.wait_dma2 semaphore(%run_scoped3A_68 : memref<!tpu.dma_semaphore, #tpu.memory_space<semaphore_mem>>) src(%dma_wait3A_78 : memref<2048xf32, #tpu.memory_space<hbm>>) dst(%arg14 : memref<2048xf32, #tpu.memory_space<vmem>>)
      tpu.yield
    }) : () -> ()
    %run_scoped3A_23 = arith.constant 5 : i32
    "tpu.region"() ({
      %run_scoped3A_68 = tpu.sem_alloc : memref<!tpu.dma_semaphore, #tpu.memory_space<semaphore_mem>>
      %dma_start3A = arith.constant 0 : i32
      %dma_start3A_69 = tpu.memref_slice %arg5[%run_scoped3A_23, %dma_start3A] : memref<6x2048xf32, #tpu.memory_space<hbm>> -> memref<1x2048xf32, #tpu.memory_space<hbm>>
      %dma_start3A_70 = tpu.memref_squeeze %dma_start3A_69 : memref<1x2048xf32, #tpu.memory_space<hbm>> -> memref<2048xf32, #tpu.memory_space<hbm>>
      %dma_start3A_71 = arith.constant 0 : i32
      %dma_start3A_72 = tpu.memref_slice %arg5[%run_scoped3A_23, %dma_start3A_71] : memref<6x2048xf32, #tpu.memory_space<hbm>> -> memref<1x2048xf32, #tpu.memory_space<hbm>>
      %dma_start3A_73 = tpu.memref_squeeze %dma_start3A_72 : memref<1x2048xf32, #tpu.memory_space<hbm>> -> memref<2048xf32, #tpu.memory_space<hbm>>
      tpu.enqueue_dma source(%dma_start3A_73 : memref<2048xf32, #tpu.memory_space<hbm>>) target(%arg16 : memref<2048xf32, #tpu.memory_space<vmem>>) target_semaphore(%run_scoped3A_68 : memref<!tpu.dma_semaphore, #tpu.memory_space<semaphore_mem>>)
      %dma_wait3A = arith.constant 0 : i32
      %dma_wait3A_74 = tpu.memref_slice %arg5[%run_scoped3A_23, %dma_wait3A] : memref<6x2048xf32, #tpu.memory_space<hbm>> -> memref<1x2048xf32, #tpu.memory_space<hbm>>
      %dma_wait3A_75 = tpu.memref_squeeze %dma_wait3A_74 : memref<1x2048xf32, #tpu.memory_space<hbm>> -> memref<2048xf32, #tpu.memory_space<hbm>>
      %dma_wait3A_76 = arith.constant 0 : i32
      %dma_wait3A_77 = tpu.memref_slice %arg5[%run_scoped3A_23, %dma_wait3A_76] : memref<6x2048xf32, #tpu.memory_space<hbm>> -> memref<1x2048xf32, #tpu.memory_space<hbm>>
      %dma_wait3A_78 = tpu.memref_squeeze %dma_wait3A_77 : memref<1x2048xf32, #tpu.memory_space<hbm>> -> memref<2048xf32, #tpu.memory_space<hbm>>
      tpu.wait_dma2 semaphore(%run_scoped3A_68 : memref<!tpu.dma_semaphore, #tpu.memory_space<semaphore_mem>>) src(%dma_wait3A_78 : memref<2048xf32, #tpu.memory_space<hbm>>) dst(%arg16 : memref<2048xf32, #tpu.memory_space<vmem>>)
      tpu.yield
    }) : () -> ()
    %scan3A_24 = arith.constant 0 : i32
    %scan3A_25 = arith.constant 128 : i32
    %scan3A_26 = arith.addi %scan3A_24, %scan3A_25 : i32
    %scan3A_27 = arith.constant 1 : i32
    scf.for %scan3A_68 = %scan3A_24 to %scan3A_26 step %scan3A_27  : i32 {
      %mul3A_69 = arith.constant 1 : i32
      %mul3A_70 = arith.muli %scan3A_68, %mul3A_69 : i32
      %add3A_71 = arith.constant 0 : i32
      %add3A_72 = arith.addi %add3A_71, %mul3A_70 : i32
      %mul3A_73 = arith.constant 16 : i32
      %mul3A_74 = arith.muli %add3A_72, %mul3A_73 : i32
      %get3A = arith.index_cast %mul3A_74 : i32 to index
      %get3A_75 = tpu.vector_load %arg14[%get3A] {strides = array<i32>} : memref<2048xf32, #tpu.memory_space<vmem>>, vector<16xf32>,
      %get3A_76 = arith.index_cast %mul3A_74 : i32 to index
      %get3A_77 = tpu.vector_load %arg16[%get3A_76] {strides = array<i32>} : memref<2048xf32, #tpu.memory_space<vmem>>, vector<16xf32>,
      %add3A_78 = arith.addf %get3A_75, %get3A_77 : vector<16xf32>
      %get3A_79 = arith.index_cast %mul3A_74 : i32 to index
      %get3A_80 = tpu.vector_load %arg15[%get3A_79] {strides = array<i32>} : memref<2048xf32, #tpu.memory_space<vmem>>, vector<16xf32>,
      %div3A = arith.divf %add3A_78, %get3A_80 : vector<16xf32>
      %swap3A = arith.index_cast %mul3A_74 : i32 to index
      %swap3A_81 = tpu.vector_load %arg14[%swap3A] {strides = array<i32>} : memref<2048xf32, #tpu.memory_space<vmem>>, vector<16xf32>,
      tpu.vector_store %arg14[%swap3A], %div3A {strides = array<i32>} : memref<2048xf32, #tpu.memory_space<vmem>>, vector<16xf32>,
    }
    %scan3A_28 = arith.constant 128 : i32
    "tpu.region"() ({
      %run_scoped3A_68 = tpu.sem_alloc : memref<!tpu.dma_semaphore, #tpu.memory_space<semaphore_mem>>
      %dma_start3A = tpu.memref_slice %arg2[%mul3A_2] : memref<262144xi32, #tpu.memory_space<hbm>> -> memref<8192xi32, #tpu.memory_space<hbm>>
      %dma_start3A_69 = tpu.memref_slice %arg2[%mul3A_2] : memref<262144xi32, #tpu.memory_space<hbm>> -> memref<8192xi32, #tpu.memory_space<hbm>>
      tpu.enqueue_dma source(%dma_start3A_69 : memref<8192xi32, #tpu.memory_space<hbm>>) target(%arg9 : memref<8192xi32, #tpu.memory_space<vmem>>) target_semaphore(%run_scoped3A_68 : memref<!tpu.dma_semaphore, #tpu.memory_space<semaphore_mem>>)
      %dma_wait3A = tpu.memref_slice %arg2[%mul3A_2] : memref<262144xi32, #tpu.memory_space<hbm>> -> memref<8192xi32, #tpu.memory_space<hbm>>
      %dma_wait3A_70 = tpu.memref_slice %arg2[%mul3A_2] : memref<262144xi32, #tpu.memory_space<hbm>> -> memref<8192xi32, #tpu.memory_space<hbm>>
      tpu.wait_dma2 semaphore(%run_scoped3A_68 : memref<!tpu.dma_semaphore, #tpu.memory_space<semaphore_mem>>) src(%dma_wait3A_70 : memref<8192xi32, #tpu.memory_space<hbm>>) dst(%arg9 : memref<8192xi32, #tpu.memory_space<vmem>>)
      tpu.yield
    }) : () -> ()
    %add3A_29 = arith.constant 0 : i32
    %add3A_30 = arith.addi %add3A_29, %mul3A_2 : i32
    "tpu.region"() ({
      %run_scoped3A_68 = tpu.sem_alloc : memref<!tpu.dma_semaphore, #tpu.memory_space<semaphore_mem>>
      %dma_start3A = tpu.memref_slice %arg3[%add3A_30] : memref<786432xf32, #tpu.memory_space<hbm>> -> memref<8192xf32, #tpu.memory_space<hbm>>
      %dma_start3A_69 = tpu.memref_slice %arg3[%add3A_30] : memref<786432xf32, #tpu.memory_space<hbm>> -> memref<8192xf32, #tpu.memory_space<hbm>>
      tpu.enqueue_dma source(%dma_start3A_69 : memref<8192xf32, #tpu.memory_space<hbm>>) target(%arg10 : memref<8192xf32, #tpu.memory_space<vmem>>) target_semaphore(%run_scoped3A_68 : memref<!tpu.dma_semaphore, #tpu.memory_space<semaphore_mem>>)
      %dma_wait3A = tpu.memref_slice %arg3[%add3A_30] : memref<786432xf32, #tpu.memory_space<hbm>> -> memref<8192xf32, #tpu.memory_space<hbm>>
      %dma_wait3A_70 = tpu.memref_slice %arg3[%add3A_30] : memref<786432xf32, #tpu.memory_space<hbm>> -> memref<8192xf32, #tpu.memory_space<hbm>>
      tpu.wait_dma2 semaphore(%run_scoped3A_68 : memref<!tpu.dma_semaphore, #tpu.memory_space<semaphore_mem>>) src(%dma_wait3A_70 : memref<8192xf32, #tpu.memory_space<hbm>>) dst(%arg10 : memref<8192xf32, #tpu.memory_space<vmem>>)
      tpu.yield
    }) : () -> ()
    %add3A_31 = arith.constant 0 : i32
    %add3A_32 = arith.addi %add3A_31, %mul3A_2 : i32
    "tpu.region"() ({
      %run_scoped3A_68 = tpu.sem_alloc : memref<!tpu.dma_semaphore, #tpu.memory_space<semaphore_mem>>
      %dma_start3A = tpu.memref_slice %arg4[%add3A_32] : memref<786432xf32, #tpu.memory_space<hbm>> -> memref<8192xf32, #tpu.memory_space<hbm>>
      %dma_start3A_69 = tpu.memref_slice %arg4[%add3A_32] : memref<786432xf32, #tpu.memory_space<hbm>> -> memref<8192xf32, #tpu.memory_space<hbm>>
      tpu.enqueue_dma source(%dma_start3A_69 : memref<8192xf32, #tpu.memory_space<hbm>>) target(%arg11 : memref<8192xf32, #tpu.memory_space<vmem>>) target_semaphore(%run_scoped3A_68 : memref<!tpu.dma_semaphore, #tpu.memory_space<semaphore_mem>>)
      %dma_wait3A = tpu.memref_slice %arg4[%add3A_32] : memref<786432xf32, #tpu.memory_space<hbm>> -> memref<8192xf32, #tpu.memory_space<hbm>>
      %dma_wait3A_70 = tpu.memref_slice %arg4[%add3A_32] : memref<786432xf32, #tpu.memory_space<hbm>> -> memref<8192xf32, #tpu.memory_space<hbm>>
      tpu.wait_dma2 semaphore(%run_scoped3A_68 : memref<!tpu.dma_semaphore, #tpu.memory_space<semaphore_mem>>) src(%dma_wait3A_70 : memref<8192xf32, #tpu.memory_space<hbm>>) dst(%arg11 : memref<8192xf32, #tpu.memory_space<vmem>>)
      tpu.yield
    }) : () -> ()
    %scan3A_33 = arith.constant 0 : i32
    %scan3A_34 = arith.constant 512 : i32
    %scan3A_35 = arith.addi %scan3A_33, %scan3A_34 : i32
    %scan3A_36 = arith.constant 1 : i32
    scf.for %scan3A_68 = %scan3A_33 to %scan3A_35 step %scan3A_36  : i32 {
      %mul3A_69 = arith.constant 1 : i32
      %mul3A_70 = arith.muli %scan3A_68, %mul3A_69 : i32
      %add3A_71 = arith.constant 0 : i32
      %add3A_72 = arith.addi %add3A_71, %mul3A_70 : i32
      %mul3A_73 = arith.constant 16 : i32
      %mul3A_74 = arith.muli %add3A_72, %mul3A_73 : i32
      %get3A = arith.index_cast %mul3A_74 : i32 to index
      %get3A_75 = tpu.vector_load %arg9[%get3A] {strides = array<i32>} : memref<8192xi32, #tpu.memory_space<vmem>>, vector<16xi32>,
      %gather3A = tpu.vector_load_idx %arg12[%get3A_75] : memref<2048xf32, #tpu.memory_space<vmem>>[vector<16xi32>], vector<16xf32>,
      %get3A_76 = arith.index_cast %mul3A_74 : i32 to index
      %get3A_77 = tpu.vector_load %arg10[%get3A_76] {strides = array<i32>} : memref<8192xf32, #tpu.memory_space<vmem>>, vector<16xf32>,
      %sub3A = arith.subf %get3A_77, %gather3A : vector<16xf32>
      %add3A_78 = arith.constant 5.000000e-01 : f32
      %add3A_79 = vector.broadcast %add3A_78 : f32 to vector<16xf32>
      %add3A_80 = arith.addf %sub3A, %add3A_79 : vector<16xf32>
      %convert_element_type3A = arith.fptosi %add3A_80 : vector<16xf32> to vector<16xi32>
      %convert_element_type3A_81 = arith.sitofp %convert_element_type3A : vector<16xi32> to vector<16xf32>
      %lt3A = arith.cmpf olt, %add3A_80, %convert_element_type3A_81 : vector<16xf32>
      %jit3A = arith.constant 1.000000e+00 : f32
      %jit3A_82 = arith.constant 0.000000e+00 : f32
      %broadcast_in_dim3A = vector.broadcast %jit3A : f32 to vector<16xf32>
      %broadcast_in_dim3A_83 = vector.broadcast %jit3A_82 : f32 to vector<16xf32>
      %select_n3A = arith.select %lt3A, %broadcast_in_dim3A, %broadcast_in_dim3A_83 : vector<16xi1>, vector<16xf32>
      %sub3A_84 = arith.subf %convert_element_type3A_81, %select_n3A : vector<16xf32>
      %sub3A_85 = arith.subf %add3A_80, %sub3A_84 : vector<16xf32>
      %sub3A_86 = arith.constant 5.000000e-01 : f32
      %sub3A_87 = vector.broadcast %sub3A_86 : f32 to vector<16xf32>
      %sub3A_88 = arith.subf %sub3A_85, %sub3A_87 : vector<16xf32>
      %get3A_89 = arith.index_cast %mul3A_74 : i32 to index
      %get3A_90 = tpu.vector_load %arg11[%get3A_89] {strides = array<i32>} : memref<8192xf32, #tpu.memory_space<vmem>>, vector<16xf32>,
      %add3A_91 = arith.addf %get3A_90, %sub3A_88 : vector<16xf32>
      %convert_element_type3A_92 = arith.fptosi %add3A_91 : vector<16xf32> to vector<16xi32>
      %convert_element_type3A_93 = arith.sitofp %convert_element_type3A_92 : vector<16xi32> to vector<16xf32>
      %lt3A_94 = arith.cmpf olt, %add3A_91, %convert_element_type3A_93 : vector<16xf32>
      %jit3A_95 = arith.constant 1.000000e+00 : f32
      %jit3A_96 = arith.constant 0.000000e+00 : f32
      %broadcast_in_dim3A_97 = vector.broadcast %jit3A_95 : f32 to vector<16xf32>
      %broadcast_in_dim3A_98 = vector.broadcast %jit3A_96 : f32 to vector<16xf32>
      %select_n3A_99 = arith.select %lt3A_94, %broadcast_in_dim3A_97, %broadcast_in_dim3A_98 : vector<16xi1>, vector<16xf32>
      %sub3A_100 = arith.subf %convert_element_type3A_93, %select_n3A_99 : vector<16xf32>
      %sub3A_101 = arith.subf %add3A_91, %sub3A_100 : vector<16xf32>
      %swap3A = arith.index_cast %mul3A_74 : i32 to index
      %swap3A_102 = tpu.vector_load %arg10[%swap3A] {strides = array<i32>} : memref<8192xf32, #tpu.memory_space<vmem>>, vector<16xf32>,
      tpu.vector_store %arg10[%swap3A], %sub3A_88 {strides = array<i32>} : memref<8192xf32, #tpu.memory_space<vmem>>, vector<16xf32>,
      %swap3A_103 = arith.index_cast %mul3A_74 : i32 to index
      %swap3A_104 = tpu.vector_load %arg11[%swap3A_103] {strides = array<i32>} : memref<8192xf32, #tpu.memory_space<vmem>>, vector<16xf32>,
      tpu.vector_store %arg11[%swap3A_103], %sub3A_101 {strides = array<i32>} : memref<8192xf32, #tpu.memory_space<vmem>>, vector<16xf32>,
    }
    %scan3A_37 = arith.constant 512 : i32
    %add3A_38 = arith.constant 0 : i32
    %add3A_39 = arith.addi %add3A_38, %mul3A_2 : i32
    "tpu.region"() ({
      %run_scoped3A_68 = tpu.sem_alloc : memref<!tpu.dma_semaphore, #tpu.memory_space<semaphore_mem>>
      %dma_start3A = tpu.memref_slice %arg8[%add3A_39] : memref<786432xf32, #tpu.memory_space<hbm>> -> memref<8192xf32, #tpu.memory_space<hbm>>
      %dma_start3A_69 = tpu.memref_slice %arg8[%add3A_39] : memref<786432xf32, #tpu.memory_space<hbm>> -> memref<8192xf32, #tpu.memory_space<hbm>>
      tpu.enqueue_dma source(%arg10 : memref<8192xf32, #tpu.memory_space<vmem>>) target(%dma_start3A_69 : memref<8192xf32, #tpu.memory_space<hbm>>) target_semaphore(%run_scoped3A_68 : memref<!tpu.dma_semaphore, #tpu.memory_space<semaphore_mem>>)
      %dma_wait3A = tpu.memref_slice %arg8[%add3A_39] : memref<786432xf32, #tpu.memory_space<hbm>> -> memref<8192xf32, #tpu.memory_space<hbm>>
      %dma_wait3A_70 = tpu.memref_slice %arg8[%add3A_39] : memref<786432xf32, #tpu.memory_space<hbm>> -> memref<8192xf32, #tpu.memory_space<hbm>>
      tpu.wait_dma2 semaphore(%run_scoped3A_68 : memref<!tpu.dma_semaphore, #tpu.memory_space<semaphore_mem>>) src(%arg10 : memref<8192xf32, #tpu.memory_space<vmem>>) dst(%dma_wait3A_70 : memref<8192xf32, #tpu.memory_space<hbm>>)
      tpu.yield
    }) : () -> ()
    %add3A_40 = arith.constant 0 : i32
    %add3A_41 = arith.addi %add3A_40, %mul3A_2 : i32
    "tpu.region"() ({
      %run_scoped3A_68 = tpu.sem_alloc : memref<!tpu.dma_semaphore, #tpu.memory_space<semaphore_mem>>
      %dma_start3A = tpu.memref_slice %arg7[%add3A_41] : memref<786432xf32, #tpu.memory_space<hbm>> -> memref<8192xf32, #tpu.memory_space<hbm>>
      %dma_start3A_69 = tpu.memref_slice %arg7[%add3A_41] : memref<786432xf32, #tpu.memory_space<hbm>> -> memref<8192xf32, #tpu.memory_space<hbm>>
      tpu.enqueue_dma source(%arg11 : memref<8192xf32, #tpu.memory_space<vmem>>) target(%dma_start3A_69 : memref<8192xf32, #tpu.memory_space<hbm>>) target_semaphore(%run_scoped3A_68 : memref<!tpu.dma_semaphore, #tpu.memory_space<semaphore_mem>>)
      %dma_wait3A = tpu.memref_slice %arg7[%add3A_41] : memref<786432xf32, #tpu.memory_space<hbm>> -> memref<8192xf32, #tpu.memory_space<hbm>>
      %dma_wait3A_70 = tpu.memref_slice %arg7[%add3A_41] : memref<786432xf32, #tpu.memory_space<hbm>> -> memref<8192xf32, #tpu.memory_space<hbm>>
      tpu.wait_dma2 semaphore(%run_scoped3A_68 : memref<!tpu.dma_semaphore, #tpu.memory_space<semaphore_mem>>) src(%arg11 : memref<8192xf32, #tpu.memory_space<vmem>>) dst(%dma_wait3A_70 : memref<8192xf32, #tpu.memory_space<hbm>>)
      tpu.yield
    }) : () -> ()
    %add3A_42 = arith.constant 262144 : i32
    %add3A_43 = arith.addi %add3A_42, %mul3A_2 : i32
    "tpu.region"() ({
      %run_scoped3A_68 = tpu.sem_alloc : memref<!tpu.dma_semaphore, #tpu.memory_space<semaphore_mem>>
      %dma_start3A = tpu.memref_slice %arg3[%add3A_43] : memref<786432xf32, #tpu.memory_space<hbm>> -> memref<8192xf32, #tpu.memory_space<hbm>>
      %dma_start3A_69 = tpu.memref_slice %arg3[%add3A_43] : memref<786432xf32, #tpu.memory_space<hbm>> -> memref<8192xf32, #tpu.memory_space<hbm>>
      tpu.enqueue_dma source(%dma_start3A_69 : memref<8192xf32, #tpu.memory_space<hbm>>) target(%arg10 : memref<8192xf32, #tpu.memory_space<vmem>>) target_semaphore(%run_scoped3A_68 : memref<!tpu.dma_semaphore, #tpu.memory_space<semaphore_mem>>)
      %dma_wait3A = tpu.memref_slice %arg3[%add3A_43] : memref<786432xf32, #tpu.memory_space<hbm>> -> memref<8192xf32, #tpu.memory_space<hbm>>
      %dma_wait3A_70 = tpu.memref_slice %arg3[%add3A_43] : memref<786432xf32, #tpu.memory_space<hbm>> -> memref<8192xf32, #tpu.memory_space<hbm>>
      tpu.wait_dma2 semaphore(%run_scoped3A_68 : memref<!tpu.dma_semaphore, #tpu.memory_space<semaphore_mem>>) src(%dma_wait3A_70 : memref<8192xf32, #tpu.memory_space<hbm>>) dst(%arg10 : memref<8192xf32, #tpu.memory_space<vmem>>)
      tpu.yield
    }) : () -> ()
    %add3A_44 = arith.constant 262144 : i32
    %add3A_45 = arith.addi %add3A_44, %mul3A_2 : i32
    "tpu.region"() ({
      %run_scoped3A_68 = tpu.sem_alloc : memref<!tpu.dma_semaphore, #tpu.memory_space<semaphore_mem>>
      %dma_start3A = tpu.memref_slice %arg4[%add3A_45] : memref<786432xf32, #tpu.memory_space<hbm>> -> memref<8192xf32, #tpu.memory_space<hbm>>
      %dma_start3A_69 = tpu.memref_slice %arg4[%add3A_45] : memref<786432xf32, #tpu.memory_space<hbm>> -> memref<8192xf32, #tpu.memory_space<hbm>>
      tpu.enqueue_dma source(%dma_start3A_69 : memref<8192xf32, #tpu.memory_space<hbm>>) target(%arg11 : memref<8192xf32, #tpu.memory_space<vmem>>) target_semaphore(%run_scoped3A_68 : memref<!tpu.dma_semaphore, #tpu.memory_space<semaphore_mem>>)
      %dma_wait3A = tpu.memref_slice %arg4[%add3A_45] : memref<786432xf32, #tpu.memory_space<hbm>> -> memref<8192xf32, #tpu.memory_space<hbm>>
      %dma_wait3A_70 = tpu.memref_slice %arg4[%add3A_45] : memref<786432xf32, #tpu.memory_space<hbm>> -> memref<8192xf32, #tpu.memory_space<hbm>>
      tpu.wait_dma2 semaphore(%run_scoped3A_68 : memref<!tpu.dma_semaphore, #tpu.memory_space<semaphore_mem>>) src(%dma_wait3A_70 : memref<8192xf32, #tpu.memory_space<hbm>>) dst(%arg11 : memref<8192xf32, #tpu.memory_space<vmem>>)
      tpu.yield
    }) : () -> ()
    %scan3A_46 = arith.constant 0 : i32
    %scan3A_47 = arith.constant 512 : i32
    %scan3A_48 = arith.addi %scan3A_46, %scan3A_47 : i32
    %scan3A_49 = arith.constant 1 : i32
    scf.for %scan3A_68 = %scan3A_46 to %scan3A_48 step %scan3A_49  : i32 {
      %mul3A_69 = arith.constant 1 : i32
      %mul3A_70 = arith.muli %scan3A_68, %mul3A_69 : i32
      %add3A_71 = arith.constant 0 : i32
      %add3A_72 = arith.addi %add3A_71, %mul3A_70 : i32
      %mul3A_73 = arith.constant 16 : i32
      %mul3A_74 = arith.muli %add3A_72, %mul3A_73 : i32
      %get3A = arith.index_cast %mul3A_74 : i32 to index
      %get3A_75 = tpu.vector_load %arg9[%get3A] {strides = array<i32>} : memref<8192xi32, #tpu.memory_space<vmem>>, vector<16xi32>,
      %gather3A = tpu.vector_load_idx %arg13[%get3A_75] : memref<2048xf32, #tpu.memory_space<vmem>>[vector<16xi32>], vector<16xf32>,
      %get3A_76 = arith.index_cast %mul3A_74 : i32 to index
      %get3A_77 = tpu.vector_load %arg10[%get3A_76] {strides = array<i32>} : memref<8192xf32, #tpu.memory_space<vmem>>, vector<16xf32>,
      %sub3A = arith.subf %get3A_77, %gather3A : vector<16xf32>
      %add3A_78 = arith.constant 5.000000e-01 : f32
      %add3A_79 = vector.broadcast %add3A_78 : f32 to vector<16xf32>
      %add3A_80 = arith.addf %sub3A, %add3A_79 : vector<16xf32>
      %convert_element_type3A = arith.fptosi %add3A_80 : vector<16xf32> to vector<16xi32>
      %convert_element_type3A_81 = arith.sitofp %convert_element_type3A : vector<16xi32> to vector<16xf32>
      %lt3A = arith.cmpf olt, %add3A_80, %convert_element_type3A_81 : vector<16xf32>
      %jit3A = arith.constant 1.000000e+00 : f32
      %jit3A_82 = arith.constant 0.000000e+00 : f32
      %broadcast_in_dim3A = vector.broadcast %jit3A : f32 to vector<16xf32>
      %broadcast_in_dim3A_83 = vector.broadcast %jit3A_82 : f32 to vector<16xf32>
      %select_n3A = arith.select %lt3A, %broadcast_in_dim3A, %broadcast_in_dim3A_83 : vector<16xi1>, vector<16xf32>
      %sub3A_84 = arith.subf %convert_element_type3A_81, %select_n3A : vector<16xf32>
      %sub3A_85 = arith.subf %add3A_80, %sub3A_84 : vector<16xf32>
      %sub3A_86 = arith.constant 5.000000e-01 : f32
      %sub3A_87 = vector.broadcast %sub3A_86 : f32 to vector<16xf32>
      %sub3A_88 = arith.subf %sub3A_85, %sub3A_87 : vector<16xf32>
      %get3A_89 = arith.index_cast %mul3A_74 : i32 to index
      %get3A_90 = tpu.vector_load %arg11[%get3A_89] {strides = array<i32>} : memref<8192xf32, #tpu.memory_space<vmem>>, vector<16xf32>,
      %add3A_91 = arith.addf %get3A_90, %sub3A_88 : vector<16xf32>
      %convert_element_type3A_92 = arith.fptosi %add3A_91 : vector<16xf32> to vector<16xi32>
      %convert_element_type3A_93 = arith.sitofp %convert_element_type3A_92 : vector<16xi32> to vector<16xf32>
      %lt3A_94 = arith.cmpf olt, %add3A_91, %convert_element_type3A_93 : vector<16xf32>
      %jit3A_95 = arith.constant 1.000000e+00 : f32
      %jit3A_96 = arith.constant 0.000000e+00 : f32
      %broadcast_in_dim3A_97 = vector.broadcast %jit3A_95 : f32 to vector<16xf32>
      %broadcast_in_dim3A_98 = vector.broadcast %jit3A_96 : f32 to vector<16xf32>
      %select_n3A_99 = arith.select %lt3A_94, %broadcast_in_dim3A_97, %broadcast_in_dim3A_98 : vector<16xi1>, vector<16xf32>
      %sub3A_100 = arith.subf %convert_element_type3A_93, %select_n3A_99 : vector<16xf32>
      %sub3A_101 = arith.subf %add3A_91, %sub3A_100 : vector<16xf32>
      %swap3A = arith.index_cast %mul3A_74 : i32 to index
      %swap3A_102 = tpu.vector_load %arg10[%swap3A] {strides = array<i32>} : memref<8192xf32, #tpu.memory_space<vmem>>, vector<16xf32>,
      tpu.vector_store %arg10[%swap3A], %sub3A_88 {strides = array<i32>} : memref<8192xf32, #tpu.memory_space<vmem>>, vector<16xf32>,
      %swap3A_103 = arith.index_cast %mul3A_74 : i32 to index
      %swap3A_104 = tpu.vector_load %arg11[%swap3A_103] {strides = array<i32>} : memref<8192xf32, #tpu.memory_space<vmem>>, vector<16xf32>,
      tpu.vector_store %arg11[%swap3A_103], %sub3A_101 {strides = array<i32>} : memref<8192xf32, #tpu.memory_space<vmem>>, vector<16xf32>,
    }
    %scan3A_50 = arith.constant 512 : i32
    %add3A_51 = arith.constant 262144 : i32
    %add3A_52 = arith.addi %add3A_51, %mul3A_2 : i32
    "tpu.region"() ({
      %run_scoped3A_68 = tpu.sem_alloc : memref<!tpu.dma_semaphore, #tpu.memory_space<semaphore_mem>>
      %dma_start3A = tpu.memref_slice %arg8[%add3A_52] : memref<786432xf32, #tpu.memory_space<hbm>> -> memref<8192xf32, #tpu.memory_space<hbm>>
      %dma_start3A_69 = tpu.memref_slice %arg8[%add3A_52] : memref<786432xf32, #tpu.memory_space<hbm>> -> memref<8192xf32, #tpu.memory_space<hbm>>
      tpu.enqueue_dma source(%arg10 : memref<8192xf32, #tpu.memory_space<vmem>>) target(%dma_start3A_69 : memref<8192xf32, #tpu.memory_space<hbm>>) target_semaphore(%run_scoped3A_68 : memref<!tpu.dma_semaphore, #tpu.memory_space<semaphore_mem>>)
      %dma_wait3A = tpu.memref_slice %arg8[%add3A_52] : memref<786432xf32, #tpu.memory_space<hbm>> -> memref<8192xf32, #tpu.memory_space<hbm>>
      %dma_wait3A_70 = tpu.memref_slice %arg8[%add3A_52] : memref<786432xf32, #tpu.memory_space<hbm>> -> memref<8192xf32, #tpu.memory_space<hbm>>
      tpu.wait_dma2 semaphore(%run_scoped3A_68 : memref<!tpu.dma_semaphore, #tpu.memory_space<semaphore_mem>>) src(%arg10 : memref<8192xf32, #tpu.memory_space<vmem>>) dst(%dma_wait3A_70 : memref<8192xf32, #tpu.memory_space<hbm>>)
      tpu.yield
    }) : () -> ()
    %add3A_53 = arith.constant 262144 : i32
    %add3A_54 = arith.addi %add3A_53, %mul3A_2 : i32
    "tpu.region"() ({
      %run_scoped3A_68 = tpu.sem_alloc : memref<!tpu.dma_semaphore, #tpu.memory_space<semaphore_mem>>
      %dma_start3A = tpu.memref_slice %arg7[%add3A_54] : memref<786432xf32, #tpu.memory_space<hbm>> -> memref<8192xf32, #tpu.memory_space<hbm>>
      %dma_start3A_69 = tpu.memref_slice %arg7[%add3A_54] : memref<786432xf32, #tpu.memory_space<hbm>> -> memref<8192xf32, #tpu.memory_space<hbm>>
      tpu.enqueue_dma source(%arg11 : memref<8192xf32, #tpu.memory_space<vmem>>) target(%dma_start3A_69 : memref<8192xf32, #tpu.memory_space<hbm>>) target_semaphore(%run_scoped3A_68 : memref<!tpu.dma_semaphore, #tpu.memory_space<semaphore_mem>>)
      %dma_wait3A = tpu.memref_slice %arg7[%add3A_54] : memref<786432xf32, #tpu.memory_space<hbm>> -> memref<8192xf32, #tpu.memory_space<hbm>>
      %dma_wait3A_70 = tpu.memref_slice %arg7[%add3A_54] : memref<786432xf32, #tpu.memory_space<hbm>> -> memref<8192xf32, #tpu.memory_space<hbm>>
      tpu.wait_dma2 semaphore(%run_scoped3A_68 : memref<!tpu.dma_semaphore, #tpu.memory_space<semaphore_mem>>) src(%arg11 : memref<8192xf32, #tpu.memory_space<vmem>>) dst(%dma_wait3A_70 : memref<8192xf32, #tpu.memory_space<hbm>>)
      tpu.yield
    }) : () -> ()
    %add3A_55 = arith.constant 524288 : i32
    %add3A_56 = arith.addi %add3A_55, %mul3A_2 : i32
    "tpu.region"() ({
      %run_scoped3A_68 = tpu.sem_alloc : memref<!tpu.dma_semaphore, #tpu.memory_space<semaphore_mem>>
      %dma_start3A = tpu.memref_slice %arg3[%add3A_56] : memref<786432xf32, #tpu.memory_space<hbm>> -> memref<8192xf32, #tpu.memory_space<hbm>>
      %dma_start3A_69 = tpu.memref_slice %arg3[%add3A_56] : memref<786432xf32, #tpu.memory_space<hbm>> -> memref<8192xf32, #tpu.memory_space<hbm>>
      tpu.enqueue_dma source(%dma_start3A_69 : memref<8192xf32, #tpu.memory_space<hbm>>) target(%arg10 : memref<8192xf32, #tpu.memory_space<vmem>>) target_semaphore(%run_scoped3A_68 : memref<!tpu.dma_semaphore, #tpu.memory_space<semaphore_mem>>)
      %dma_wait3A = tpu.memref_slice %arg3[%add3A_56] : memref<786432xf32, #tpu.memory_space<hbm>> -> memref<8192xf32, #tpu.memory_space<hbm>>
      %dma_wait3A_70 = tpu.memref_slice %arg3[%add3A_56] : memref<786432xf32, #tpu.memory_space<hbm>> -> memref<8192xf32, #tpu.memory_space<hbm>>
      tpu.wait_dma2 semaphore(%run_scoped3A_68 : memref<!tpu.dma_semaphore, #tpu.memory_space<semaphore_mem>>) src(%dma_wait3A_70 : memref<8192xf32, #tpu.memory_space<hbm>>) dst(%arg10 : memref<8192xf32, #tpu.memory_space<vmem>>)
      tpu.yield
    }) : () -> ()
    %add3A_57 = arith.constant 524288 : i32
    %add3A_58 = arith.addi %add3A_57, %mul3A_2 : i32
    "tpu.region"() ({
      %run_scoped3A_68 = tpu.sem_alloc : memref<!tpu.dma_semaphore, #tpu.memory_space<semaphore_mem>>
      %dma_start3A = tpu.memref_slice %arg4[%add3A_58] : memref<786432xf32, #tpu.memory_space<hbm>> -> memref<8192xf32, #tpu.memory_space<hbm>>
      %dma_start3A_69 = tpu.memref_slice %arg4[%add3A_58] : memref<786432xf32, #tpu.memory_space<hbm>> -> memref<8192xf32, #tpu.memory_space<hbm>>
      tpu.enqueue_dma source(%dma_start3A_69 : memref<8192xf32, #tpu.memory_space<hbm>>) target(%arg11 : memref<8192xf32, #tpu.memory_space<vmem>>) target_semaphore(%run_scoped3A_68 : memref<!tpu.dma_semaphore, #tpu.memory_space<semaphore_mem>>)
      %dma_wait3A = tpu.memref_slice %arg4[%add3A_58] : memref<786432xf32, #tpu.memory_space<hbm>> -> memref<8192xf32, #tpu.memory_space<hbm>>
      %dma_wait3A_70 = tpu.memref_slice %arg4[%add3A_58] : memref<786432xf32, #tpu.memory_space<hbm>> -> memref<8192xf32, #tpu.memory_space<hbm>>
      tpu.wait_dma2 semaphore(%run_scoped3A_68 : memref<!tpu.dma_semaphore, #tpu.memory_space<semaphore_mem>>) src(%dma_wait3A_70 : memref<8192xf32, #tpu.memory_space<hbm>>) dst(%arg11 : memref<8192xf32, #tpu.memory_space<vmem>>)
      tpu.yield
    }) : () -> ()
    %scan3A_59 = arith.constant 0 : i32
    %scan3A_60 = arith.constant 512 : i32
    %scan3A_61 = arith.addi %scan3A_59, %scan3A_60 : i32
    %scan3A_62 = arith.constant 1 : i32
    scf.for %scan3A_68 = %scan3A_59 to %scan3A_61 step %scan3A_62  : i32 {
      %mul3A_69 = arith.constant 1 : i32
      %mul3A_70 = arith.muli %scan3A_68, %mul3A_69 : i32
      %add3A_71 = arith.constant 0 : i32
      %add3A_72 = arith.addi %add3A_71, %mul3A_70 : i32
      %mul3A_73 = arith.constant 16 : i32
      %mul3A_74 = arith.muli %add3A_72, %mul3A_73 : i32
      %get3A = arith.index_cast %mul3A_74 : i32 to index
      %get3A_75 = tpu.vector_load %arg9[%get3A] {strides = array<i32>} : memref<8192xi32, #tpu.memory_space<vmem>>, vector<16xi32>,
      %gather3A = tpu.vector_load_idx %arg14[%get3A_75] : memref<2048xf32, #tpu.memory_space<vmem>>[vector<16xi32>], vector<16xf32>,
      %get3A_76 = arith.index_cast %mul3A_74 : i32 to index
      %get3A_77 = tpu.vector_load %arg10[%get3A_76] {strides = array<i32>} : memref<8192xf32, #tpu.memory_space<vmem>>, vector<16xf32>,
      %sub3A = arith.subf %get3A_77, %gather3A : vector<16xf32>
      %add3A_78 = arith.constant 5.000000e-01 : f32
      %add3A_79 = vector.broadcast %add3A_78 : f32 to vector<16xf32>
      %add3A_80 = arith.addf %sub3A, %add3A_79 : vector<16xf32>
      %convert_element_type3A = arith.fptosi %add3A_80 : vector<16xf32> to vector<16xi32>
      %convert_element_type3A_81 = arith.sitofp %convert_element_type3A : vector<16xi32> to vector<16xf32>
      %lt3A = arith.cmpf olt, %add3A_80, %convert_element_type3A_81 : vector<16xf32>
      %jit3A = arith.constant 1.000000e+00 : f32
      %jit3A_82 = arith.constant 0.000000e+00 : f32
      %broadcast_in_dim3A = vector.broadcast %jit3A : f32 to vector<16xf32>
      %broadcast_in_dim3A_83 = vector.broadcast %jit3A_82 : f32 to vector<16xf32>
      %select_n3A = arith.select %lt3A, %broadcast_in_dim3A, %broadcast_in_dim3A_83 : vector<16xi1>, vector<16xf32>
      %sub3A_84 = arith.subf %convert_element_type3A_81, %select_n3A : vector<16xf32>
      %sub3A_85 = arith.subf %add3A_80, %sub3A_84 : vector<16xf32>
      %sub3A_86 = arith.constant 5.000000e-01 : f32
      %sub3A_87 = vector.broadcast %sub3A_86 : f32 to vector<16xf32>
      %sub3A_88 = arith.subf %sub3A_85, %sub3A_87 : vector<16xf32>
      %get3A_89 = arith.index_cast %mul3A_74 : i32 to index
      %get3A_90 = tpu.vector_load %arg11[%get3A_89] {strides = array<i32>} : memref<8192xf32, #tpu.memory_space<vmem>>, vector<16xf32>,
      %add3A_91 = arith.addf %get3A_90, %sub3A_88 : vector<16xf32>
      %convert_element_type3A_92 = arith.fptosi %add3A_91 : vector<16xf32> to vector<16xi32>
      %convert_element_type3A_93 = arith.sitofp %convert_element_type3A_92 : vector<16xi32> to vector<16xf32>
      %lt3A_94 = arith.cmpf olt, %add3A_91, %convert_element_type3A_93 : vector<16xf32>
      %jit3A_95 = arith.constant 1.000000e+00 : f32
      %jit3A_96 = arith.constant 0.000000e+00 : f32
      %broadcast_in_dim3A_97 = vector.broadcast %jit3A_95 : f32 to vector<16xf32>
      %broadcast_in_dim3A_98 = vector.broadcast %jit3A_96 : f32 to vector<16xf32>
      %select_n3A_99 = arith.select %lt3A_94, %broadcast_in_dim3A_97, %broadcast_in_dim3A_98 : vector<16xi1>, vector<16xf32>
      %sub3A_100 = arith.subf %convert_element_type3A_93, %select_n3A_99 : vector<16xf32>
      %sub3A_101 = arith.subf %add3A_91, %sub3A_100 : vector<16xf32>
      %swap3A = arith.index_cast %mul3A_74 : i32 to index
      %swap3A_102 = tpu.vector_load %arg10[%swap3A] {strides = array<i32>} : memref<8192xf32, #tpu.memory_space<vmem>>, vector<16xf32>,
      tpu.vector_store %arg10[%swap3A], %sub3A_88 {strides = array<i32>} : memref<8192xf32, #tpu.memory_space<vmem>>, vector<16xf32>,
      %swap3A_103 = arith.index_cast %mul3A_74 : i32 to index
      %swap3A_104 = tpu.vector_load %arg11[%swap3A_103] {strides = array<i32>} : memref<8192xf32, #tpu.memory_space<vmem>>, vector<16xf32>,
      tpu.vector_store %arg11[%swap3A_103], %sub3A_101 {strides = array<i32>} : memref<8192xf32, #tpu.memory_space<vmem>>, vector<16xf32>,
    }
    %scan3A_63 = arith.constant 512 : i32
    %add3A_64 = arith.constant 524288 : i32
    %add3A_65 = arith.addi %add3A_64, %mul3A_2 : i32
    "tpu.region"() ({
      %run_scoped3A_68 = tpu.sem_alloc : memref<!tpu.dma_semaphore, #tpu.memory_space<semaphore_mem>>
      %dma_start3A = tpu.memref_slice %arg8[%add3A_65] : memref<786432xf32, #tpu.memory_space<hbm>> -> memref<8192xf32, #tpu.memory_space<hbm>>
      %dma_start3A_69 = tpu.memref_slice %arg8[%add3A_65] : memref<786432xf32, #tpu.memory_space<hbm>> -> memref<8192xf32, #tpu.memory_space<hbm>>
      tpu.enqueue_dma source(%arg10 : memref<8192xf32, #tpu.memory_space<vmem>>) target(%dma_start3A_69 : memref<8192xf32, #tpu.memory_space<hbm>>) target_semaphore(%run_scoped3A_68 : memref<!tpu.dma_semaphore, #tpu.memory_space<semaphore_mem>>)
      %dma_wait3A = tpu.memref_slice %arg8[%add3A_65] : memref<786432xf32, #tpu.memory_space<hbm>> -> memref<8192xf32, #tpu.memory_space<hbm>>
      %dma_wait3A_70 = tpu.memref_slice %arg8[%add3A_65] : memref<786432xf32, #tpu.memory_space<hbm>> -> memref<8192xf32, #tpu.memory_space<hbm>>
      tpu.wait_dma2 semaphore(%run_scoped3A_68 : memref<!tpu.dma_semaphore, #tpu.memory_space<semaphore_mem>>) src(%arg10 : memref<8192xf32, #tpu.memory_space<vmem>>) dst(%dma_wait3A_70 : memref<8192xf32, #tpu.memory_space<hbm>>)
      tpu.yield
    }) : () -> ()
    %add3A_66 = arith.constant 524288 : i32
    %add3A_67 = arith.addi %add3A_66, %mul3A_2 : i32
    "tpu.region"() ({
      %run_scoped3A_68 = tpu.sem_alloc : memref<!tpu.dma_semaphore, #tpu.memory_space<semaphore_mem>>
      %dma_start3A = tpu.memref_slice %arg7[%add3A_67] : memref<786432xf32, #tpu.memory_space<hbm>> -> memref<8192xf32, #tpu.memory_space<hbm>>
      %dma_start3A_69 = tpu.memref_slice %arg7[%add3A_67] : memref<786432xf32, #tpu.memory_space<hbm>> -> memref<8192xf32, #tpu.memory_space<hbm>>
      tpu.enqueue_dma source(%arg11 : memref<8192xf32, #tpu.memory_space<vmem>>) target(%dma_start3A_69 : memref<8192xf32, #tpu.memory_space<hbm>>) target_semaphore(%run_scoped3A_68 : memref<!tpu.dma_semaphore, #tpu.memory_space<semaphore_mem>>)
      %dma_wait3A = tpu.memref_slice %arg7[%add3A_67] : memref<786432xf32, #tpu.memory_space<hbm>> -> memref<8192xf32, #tpu.memory_space<hbm>>
      %dma_wait3A_70 = tpu.memref_slice %arg7[%add3A_67] : memref<786432xf32, #tpu.memory_space<hbm>> -> memref<8192xf32, #tpu.memory_space<hbm>>
      tpu.wait_dma2 semaphore(%run_scoped3A_68 : memref<!tpu.dma_semaphore, #tpu.memory_space<semaphore_mem>>) src(%arg11 : memref<8192xf32, #tpu.memory_space<vmem>>) dst(%dma_wait3A_70 : memref<8192xf32, #tpu.memory_space<hbm>>)
      tpu.yield
    }) : () -> ()
    return
  }
}

</mosaic_0001>

<sc_bundles>
// kernel: kernel.11.cloned.1.call-start
scs
__scs_entry_jumppad:
0x0: {  	(pc) =	sbr.rel $0x88, $3  }
0x1: {  	(tag) =	ssettag $0x0;
	lr =	simm.s32 $0x1  }
0x2: {  	[smem:$0x3F9B] =	sst lr;
	_ =	strace $0xD0000000  }
0x3: {  	_ = 	snop  }
0x4: {  	_ = 	snop  }
0x5: {  	_ = 	snop  }
0x6: {  	_ = 	snop  }
0x7: {  	_ = 	snop  }
__scs_overlays_trampoline_lowered:
0x8: {  	[smem:$0x3FAA] =	sst s0  }
0x9: {  	[smem:$0x3FAB] =	sst s1  }
0xa: {  	[smem:$0x3FAC] =	sst s2  }
0xb: {  	[smem:$0x3FAD] =	sst s3  }
0xc: {  	[smem:$0x3FAE] =	sst s4  }
0xd: {  	[smem:$0x3FAF] =	sst s5  }
0xe: {  	[smem:$0x3FB0] =	sst s6  }
0xf: {  	[smem:$0x3FB1] =	sst s7  }
0x10: {  	[smem:$0x3FB2] =	sst s8  }
0x11: {  	[smem:$0x3FB3] =	sst s9;
	s0 =	simm.s32 @!p0 $0x0  }
0x12: {  	s1 =	sld [smem:$0x3F99];
	s0 =	simm.s32 @p0 $0x1  }
0x13: {  	[smem:$0x3FB4] =	sst s0;
	s0 =	simm.s32 @!p1 $0x0  }
0x14: {  	s2 =	sld [smem:$0x3F98];
	s0 =	simm.s32 @p1 $0x1  }
0x15: {  	[smem:$0x3FB5] =	sst s0;
	s0 =	simm.s32 @!p2 $0x0  }
0x16: {  	s3 =	sld [smem:$0x3FDB];
	s0 =	simm.s32 @p2 $0x1  }
0x17: {  	s4 =	simm.s32 $0x1BF5;
	[smem:$0x3FB7] =	sst s0  }
0x18: {  	s0 =	sld [smem:$0x3F9A];
	_ =	swait.ge [sflag:s4], $0x0  }
0x19: {  	s7 =	sld [smem:$0x3F9B]  }
0x1a: {  	s8 =	sadd.s32 $0xFFFFE003, lr  }
0x1b: {  	s9 =	sadd.s32 $0xFFFFFEF7, lr;
	s5 =	simm.s32 $0xFFFFFFFF;
	p2 =	slt.u32 s8, $0xFFFFF086  }
0x1c: {  	p1 =	slt.u32 s9, $0xF7A;
	s5 =	simm.s32 @!p2 $0x0  }
0x1d: {  	s5 =	simm.s32 @p1 $0x1;
	p0 =	seq.s32 s7, s2  }
0x1e: {  	s7 =	smul.u32 @!p0 $0xF7A, s2;
	p2 =	seq.s32 @!p0 s5, $0x0  }
0x1f: {  	s9 =	smul.u32 $0xF7A, s1;
	s8 =	simm.s32 @!p0 $0x1BF5;
	p2 =	por !p2, p0  }
0x20: {  	[sflag:s8] =	ssyncset.s32 @!p0 $0xFFFFF086;
	s6 =	sadd.s32 @!p0 s3, s7;
	s7 =	simm.s32 @!p0 $0x108  }
0x21: {  	s3 =	sadd.s32 s3, s9;
	s6 =	sadd.s32 @!p0 $0x88, s6;
	s7 =	simm.s32 @p2 $0x1082  }
0x22: {  	[simem:s7], [sflag:s8] =	dma.local @!p0 [hbm:s6], $0xF7A  }
0x23: {  	s9 =	sor.u32 $0xD0000000, s2;
	s6 =	simm.s32 $0x108;
	_ =	swait.ge @!p0 [sflag:s8], $0x0  }
0x24: {  	s3 =	sadd.s32 $0x88, s3;
	s6 =	simm.s32 @!p1 $0x1082;
	[sflag:s4] =	ssyncset.s32 $0xFFFFF086  }
0x25: {  	[simem:s6], [sflag:s4] =	dma.local [hbm:s3], $0xF7A  }
0x26: {  	[smem:$0x3F9B] =	sst s1;
	(tag) =	ssettag s2;
	_ =	strace s9  }
0x27: {  	s1 =	sld [smem:$0x3FAB]  }
0x28: {  	s2 =	sld [smem:$0x3FAC]  }
0x29: {  	s4 =	sld [smem:$0x3FAE]  }
0x2a: {  	p0 =	seq.s32 s5, $0x0;
	s5 =	sld [smem:$0x3FAF]  }
0x2b: {  	s6 =	sld [smem:$0x3FB0]  }
0x2c: {  	s7 =	sld [smem:$0x3FB1]  }
0x2d: {  	s3 =	simm.s32 $0x108;
	s8 =	sld [smem:$0x3FB2]  }
0x2e: {  	s3 =	simm.s32 @!p0 $0x1082;
	s9 =	sld [smem:$0x3FB3]  }
0x2f: {  	lr =	sadd.s32 s0, s3;
	s0 =	sld [smem:$0x3FAA]  }
0x30: {  	s3 =	sld [smem:$0x3FAD]  }
0x31: {  	[smem:$0x3FB6] =	sst s10  }
0x32: {  	s10 =	sld [smem:$0x3FB4];
	_ =	sdelay $0x3  }
0x33: {  	p0 =	seq.s32 s10, $0x1;
	s10 =	sld [smem:$0x3FB6];
	_ =	sdelay $0x3  }
0x34: {  	[smem:$0x3FB6] =	sst s10  }
0x35: {  	s10 =	sld [smem:$0x3FB5];
	_ =	sdelay $0x3  }
0x36: {  	p1 =	seq.s32 s10, $0x1;
	s10 =	sld [smem:$0x3FB6];
	_ =	sdelay $0x3  }
0x37: {  	[smem:$0x3FB6] =	sst s10  }
0x38: {  	s10 =	sld [smem:$0x3FB7]  }
0x39: {  	_ = 	snop;
	(pc) =	sbr.ind lr, $3  }
0x3a: {  	_ = 	snop  }
0x3b: {  	_ = 	snop  }
0x3c: {  	p2 =	seq.s32 s10, $0x1;
	s10 =	sld [smem:$0x3FB6]  }
0x3d: {  	_ =	shalt  }
0x3e: {  	_ =	shalt  }
0x3f: {  	_ =	shalt  }
0x40: {  	_ =	shalt  }
0x41: {  	_ =	shalt  }
0x42: {  	_ =	shalt  }
0x43: {  	_ =	shalt  }
0x44: {  	_ =	shalt  }
0x45: {  	_ =	shalt  }
0x46: {  	_ =	shalt  }
0x47: {  	_ =	shalt  }
0x48: {  	_ =	shalt  }
0x49: {  	_ =	shalt  }
0x4a: {  	_ =	shalt  }
0x4b: {  	_ =	shalt  }
0x4c: {  	_ =	shalt  }
0x4d: {  	_ =	shalt  }
0x4e: {  	_ =	shalt  }
0x4f: {  	_ =	shalt  }
0x50: {  	_ =	shalt  }
0x51: {  	_ =	shalt  }
0x52: {  	_ =	shalt  }
0x53: {  	_ =	shalt  }
0x54: {  	_ =	shalt  }
0x55: {  	_ =	shalt  }
0x56: {  	_ =	shalt  }
0x57: {  	_ =	shalt  }
0x58: {  	_ =	shalt  }
0x59: {  	_ =	shalt  }
0x5a: {  	_ =	shalt  }
0x5b: {  	_ =	shalt  }
0x5c: {  	_ =	shalt  }
0x5d: {  	_ =	shalt  }
0x5e: {  	_ =	shalt  }
0x5f: {  	_ =	shalt  }
0x60: {  	_ =	shalt  }
0x61: {  	_ =	shalt  }
0x62: {  	_ =	shalt  }
0x63: {  	_ =	shalt  }
0x64: {  	_ =	shalt  }
0x65: {  	_ =	shalt  }
0x66: {  	_ =	shalt  }
0x67: {  	_ =	shalt  }
0x68: {  	_ =	shalt  }
0x69: {  	_ =	shalt  }
0x6a: {  	_ =	shalt  }
0x6b: {  	_ =	shalt  }
0x6c: {  	_ =	shalt  }
0x6d: {  	_ =	shalt  }
0x6e: {  	_ =	shalt  }
0x6f: {  	_ =	shalt  }
0x70: {  	_ =	shalt  }
0x71: {  	_ =	shalt  }
0x72: {  	_ =	shalt  }
0x73: {  	_ =	shalt  }
0x74: {  	_ =	shalt  }
0x75: {  	_ =	shalt  }
0x76: {  	_ =	shalt  }
0x77: {  	_ =	shalt  }
0x78: {  	_ =	shalt  }
0x79: {  	_ =	shalt  }
0x7a: {  	_ =	shalt  }
0x7b: {  	_ =	shalt  }
0x7c: {  	_ =	shalt  }
0x7d: {  	_ =	shalt  }
0x7e: {  	_ =	shalt  }
0x7f: {  	_ =	shalt  }
0x80: {  	_ =	shalt  }
0x81: {  	_ =	shalt  }
0x82: {  	_ =	shalt  }
0x83: {  	_ =	shalt  }
0x84: {  	_ =	shalt  }
0x85: {  	_ =	shalt  }
0x86: {  	_ =	shalt  }
0x87: {  	_ =	shalt  }
.Lfunc_end0:
.L_simem_size_0:
called_computation.2_lowered:
.L_overlay_start_0:
0x88: {  	s2 =	sld [smem:$0x3FD9]  }
0x89: {  	s3 =	sld [smem:$0x3FFE];
	_ =	sdelay $0x1  }
0x8a: {  	s1 =	srdreg.scid  }
0x8b: {  	s0 =	sand.u32 $0x1, s1  }
0x8c: {  	s14 =	sshll.u32 s0, $0xA;
	s2 =	sadd.s32 s3, s2  }
0x8d: {  	s2 =	sadd.s32 s2, s14  }
0x8e: {  	[smem:$0x3FC2] =	sst s2  }
0x8f: {  	_ = 	snop  }
0x90: {  	s2 =	sld [smem:$0x3FD0];
	_ =	sdelay $0x2  }
0x91: {  	s4 =	simm.s32 $0xA;
	s5 =	simm.s32 $0x10;
	s15 =	sld [smem:$0x3FC7]  }
0x92: {  	[smem:s5], [sflag:s4] =	dma.local [hbm:s2], $0x1  }
0x93: {  	_ =	swait.eq [sflag:s4], $0x1  }
0x94: {  	[sflag:s4] =	ssyncset.done $0x0  }
0x95: {  	s16 =	sld [smem:$0x10];
	[sflag:s4] =	ssyncadd.s32 $0xFFFFFFFF  }
0x96: {  	s17 =	sld [smem:$0x14];
	(tm) =	ssettm $0x1  }
0x97: {  	s18 =	sld [smem:$0x3FFB];
	_ =	sdelay $0x3  }
0x98: {  	_ =	strace s18  }
0x99: {  	s5 =	sld [smem:$0x3FFC];
	_ =	sdelay $0x3  }
0x9a: {  	_ =	strace s5  }
0x9b: {  	s5 =	sld [smem:$0x3FFD];
	_ =	sdelay $0x3  }
0x9c: {  	_ =	strace s5  }
0x9d: {  	_ =	strace $0x8FFFFFFF  }
0x9e: {  	s19 =	sld [smem:$0x3FDB];
	_ =	sdelay $0x1  }
0x9f: {  	s6 =	simm.s32 $_scs_section_size  }
0xa0: {  	s7 =	simm.s32 $_size__tile_overlayer_lowered;
	s8 =	simm.s32 $_tile_overlayer_lowered  }
0xa1: {  	s22 =	simm.s32 $0x1BFF;
	s21 =	sshll.u32 s8, $0x1;
	s5 =	sadd.s32 s6, s19  }
0xa2: {  	s9 =	simm.s32 $0x0;
	s20 =	sshll.u32 s7, $0x1;
	s7 =	sadd.s32 s21, s5  }
0xa3: {  	[timem:s9], [sflag:s22] =	dma.local [hbm:s7], s20  }
0xa4: {  	_ =	swait.ge [sflag:s22], s20  }
0xa5: {  	s6 =	ssub.s32 $0x0, s20;
	[sflag:s22] =	ssyncset.done $0x0  }
0xa6: {  	[sflag:s22] =	ssyncadd.s32 s6;
	_ =	sdelay $0x1  }
0xa7: {  	s23 =	simm.s32 $0x1B8B  }
0xa8: {  	_ =	swait.ge [sflag:s23], $0x1  }
0xa9: {  	[sflag:s23] =	ssyncset.done $0x0  }
0xaa: {  	s25 =	simm.s32 $0x1B8E;
	s24 =	sld [smem:$0x3FFE];
	[sflag:s23] =	ssyncadd.s32 $0xFFFFFFFF  }
0xab: {  	s26 =	simm.s32 $execute0_lowered;
	[smem:$0x3FD2] =	sst s25  }
0xac: {  	s7 =	sshll.u32 s26, $0x1;
	_ =	strace $0x8000004C;
	[dreg:$0x1] =	wrdreg $0xFFFFFFFF  }
0xad: {  	s28 =	simm.s32 $_size_execute0_lowered;
	s5 =	sadd.s32 s5, s7;
	[dreg:$0x0] =	wrdreg $0x0  }
0xae: {  	s7 =	sshll.u32 s28, $0x1;
	[dreg:$0x2] =	wrdreg s5  }
0xaf: {  	[dreg:$0x3] =	wrdreg s7  }
0xb0: {  	[dreg:$0x4] =	wrdreg $0xC0  }
0xb1: {  	_ =	task [dreg:s9], $0x5FFFF  }
0xb2: {  	[dreg:$0x1] =	wrdreg $0xFFFFFFFF  }
0xb3: {  	[dreg:$0x0] =	wrdreg $0x60  }
0xb4: {  	[dreg:$0x2] =	wrdreg s15  }
0xb5: {  	[dreg:$0x3] =	wrdreg s24  }
0xb6: {  	[dreg:$0x4] =	wrdreg s16  }
0xb7: {  	[dreg:$0x5] =	wrdreg s17  }
0xb8: {  	[dreg:$0x6] =	wrdreg $0x9  }
0xb9: {  	_ =	task.clear_ibuf [dreg:s9], $0x7FFFF;
	_ =	strace $0x9000004C  }
0xba: {  	s29 =	simm.s32 $0x9;
	_ =	strace $0x8000004E  }
0xbb: {  	_ =	swait.ge [sflag:s29], $0x1  }
0xbc: {  	[sflag:s29] =	ssyncadd.s32 $0xFFFFFFFF  }
0xbd: {  	_ =	strace $0x9000004E  }
0xbe: {  	_ =	sfence  }
0xbf: {  	s30 =	sld [smem:$0x0];
	_ =	sdelay $0x2  }
0xc0: {  	s31 =	sshll.u32 s1, $0xD;
	s1 =	sshrl.u32 s1, $0x2  }
0xc1: {  	s3 =	sand.u32 $0x4000, s31;
	s1 =	sadd.s32 s1, s30  }
0xc2: {  	s0 =	sor.u32 s3, s0;
	s1 =	sshll.u32 s1, $0x11  }
0xc3: {  	s0 =	sor.u32 s1, s0  }
0xc4: {  	s0 =	sadd.s32 $0x8F2B, s0  }
0xc5: {  	[sflag:s0] =	ssyncadd.remote.s32 $0x1  }
0xc6: {  	_ =	sfence.sel $0xFFFF  }
0xc7: {  	[dreg:$0x0] =	wrdreg $0xFFFFFFFF;
	(pc) =	sbr.abs _section_cstart, $3  }
0xc8: {  	[dreg:$0x1] =	wrdreg $0xFFFFFFFF  }
0xc9: {  	_ =	task.clear_ibuf [dreg:s9], $0x2FFFF;
	_ =	strace $0x9FFFFFFF  }
0xca: {  	(tm) =	ssettm $0x7FFFFFFF  }
0xcb: {  	_ =	shalt  }
tec
execute0_lowered:
.L_overlay_start_1:
0x0: {  	(tag) =	ssettag $0x1  }
0x1: {  	s0 =	rddreg [dreg:$0x0]  }
0x2: {  	s1 =	rddreg [dreg:$0x1]  }
0x3: {  	s2 =	rddreg [dreg:$0x2]  }
0x4: {  	s3 =	rddreg [dreg:$0x3]  }
0x5: {  	s4 =	simm.s32 $0x0;
	s5 =	srdreg.scid;
	s9 =	stileid.u32  }
0x6: {  	s29 =	simm.s32 $0x1;
	s30 =	simm.s32 $0x8000;
	s31 =	simm.s32 $0x400  }
0x7: {  	s28 =	simm.s32 $0x7000;
	[smem:$0x7FF] =	sst s4;
	s20 =	sadd.s32 $0x33800, s1  }
0x8: {  	s6 =	sadd.s32 $0x4B800, s1;
	s21 =	sadd.s32 $0x3600, s1;
	s5 =	sand.u32 $0x1, s5  }
0x9: {  	s9 =	sshll.u32 s9, $0xB;
	_ =	strace $0x8000004D;
	[dreg:$0x5] =	wrdreg s6  }
0xa: {  	s22 =	sadd.s32 $0x3610, s1;
	s23 =	sadd.s32 $0x4B830, s1;
	[dreg:$0x6] =	wrdreg s21  }
0xb: {  	s24 =	sadd.s32 $0x4B810, s1;
	s10 =	sadd.s32 $0x4B850, s1;
	[dreg:$0x7] =	wrdreg s22  }
0xc: {  	s4 =	simm.s32 $0x0;
	s6 =	sadd.s32 $0x4C000, s1;
	[dreg:$0x8] =	wrdreg s23  }
0xd: {  	s7 =	ssub.s32 $0x2, s5;
	s5 =	sshll.u32 s5, $0xA;
	[dreg:$0x9] =	wrdreg s24  }
0xe: {  	s8 =	sshrl.u32 s7, $0x1;
	s5 =	sor.u32 s5, s9;
	s9 =	sadd.s32 $0x4B820, s1  }
0xf: {  	s7 =	ssub.s32 s7, s8;
	s8 =	sadd.s32 $0x4B840, s1;
	s11 =	sadd.s32 s0, s5  }
0x10: {  	s12 =	sadd.s32 s20, s5;
	s13 =	sadd.s32 s2, s5;
	s25 =	sor.u32 $0x8000, s5  }
0x11: {  	s14 =	sadd.s32 s6, s5;
	s15 =	sadd.s32 s3, s5;
	s26 =	sor.u32 $0x10000, s5  }
0x12: {  	s0 =	simm.s32 $0x6000;
	s1 =	simm.s32 $0x2000;
	s16 =	sadd.s32 s20, s25  }
0x13: {  	s17 =	sadd.s32 s2, s25;
	s18 =	sadd.s32 s6, s25;
	s19 =	sadd.s32 s3, s25  }
0x14: {  	s20 =	sadd.s32 s20, s26;
	s21 =	sadd.s32 s2, s26;
	s22 =	sadd.s32 s6, s26  }
0x15: {  	s23 =	sadd.s32 s3, s26;
	s24 =	smax.u32 s7, $0x1;
	s25 =	simm.s32 $0x80  }
0x16: {  	v0 =	vimm.f32 $0.0e+00;
	s26 =	simm.s32 $0x100;
	s2 =	simm.s32 $0x6800;
	s3 =	simm.s32 $0x4000  }
.LBB2_1:
0x17: {  	s5 =	rddreg [dreg:$0x6];
	s6 =	simm.s32 $0x7800  }
0x18: {  	[tilespmem:s6], [sflag:$0x1] =	stream.strided.gather [hbm4b:s5+s25], $0x800, s26, s25, $0x38;
	[tilespmem:$0x8800] =	vst v63  }
0x19: {  	_ =	swait.ge [sflag:s29], $0x800  }
0x1a: {  	[sflag:s29] =	ssyncset.done $0x0  }
0x1b: {  	s7 =	rddreg [dreg:$0x7];
	[sflag:s29] =	ssyncadd.s32 $0xFFFFF800  }
0x1c: {  	[tilespmem:s30], [sflag:$0x1] =	stream.strided.gather [hbm4b:s7+s25], $0x800, s26, s25, $0x38;
	[tilespmem:$0x8800] =	vst v63  }
0x1d: {  	_ =	swait.ge [sflag:s29], $0x800  }
0x1e: {  	[sflag:s29] =	ssyncset.done $0x0  }
0x1f: {  	s5 =	simm.s32 $0x0;
	[sflag:s29] =	ssyncadd.s32 $0xFFFFF800  }
0x20: {  	s6 =	simm.s32 $0x40;
	v1 =	vld [tilespmem:s5+$0x8000]  }
.LBB2_2:
0x21: {  	p0 =	sne.s32 s6, $0x1FC0;
	v2 =	vld [tilespmem:s5+$0x7800];
	_ =	sdelay $0x3  }
.Ltmp0:
0x22: {  	(pc) =	sbr.rel @p0 .LBB2_2-.Ltmp0, $3  }
0x23: {  	v1 =	vadd.f32 v1, v2;
	_ =	sdelay $0x1  }
0x24: {  	s7 =	sshra.s32 s6, $0x2;
	v2 =	vmax.f32 v1, $1.000000000e+00  }
0x25: {  	s6 =	sadd.s32 $0x40, s6;
	v1 =	vld [tilespmem:s7+$0x8000];
	[tilespmem:s5+$0x7800] =	vst v2;
	s5 =	smov.u32 s7  }
0x26: {  	v2 =	vld [tilespmem:s5+$0x7800];
	_ =	sdelay $0x4  }
0x27: {  	v1 =	vadd.f32 v1, v2;
	_ =	sdelay $0x1  }
0x28: {  	v1 =	vmax.f32 v1, $1.000000000e+00  }
0x29: {  	s6 =	rddreg [dreg:$0x5];
	[tilespmem:s5+$0x7800] =	vst v1  }
0x2a: {  	[tilespmem:s0], [sflag:$0x1] =	stream.strided.gather [hbm4b:s6+s25], $0x800, s31, s25, $0x38;
	[tilespmem:$0x8800] =	vst v63  }
0x2b: {  	_ =	swait.ge [sflag:s29], $0x800  }
0x2c: {  	[sflag:s29] =	ssyncset.done $0x0  }
0x2d: {  	s7 =	rddreg [dreg:$0x8];
	[sflag:s29] =	ssyncadd.s32 $0xFFFFF800  }
0x2e: {  	[tilespmem:s30], [sflag:$0x1] =	stream.strided.gather [hbm4b:s7+s25], $0x800, s31, s25, $0x38;
	[tilespmem:$0x8800] =	vst v63  }
0x2f: {  	_ =	swait.ge [sflag:s29], $0x800  }
0x30: {  	[sflag:s29] =	ssyncset.done $0x0  }
0x31: {  	s5 =	simm.s32 $0x0;
	[sflag:s29] =	ssyncadd.s32 $0xFFFFF800  }
0x32: {  	v2 =	vld [tilespmem:s5+$0x7800];
	_ =	sdelay $0x4  }
0x33: {  	(erf) = vrcp.f32 v2;
	_ =	sdelay $0x1  }
0x34: {  	v1 =	vld [tilespmem:s5+$0x8000]  }
0x35: {  	v2 =	vld [tilespmem:s5+$0x6000]  }
0x36: {  	s6 =	simm.s32 $0x10;
	s7 =	simm.s32 $0x80  }
.LBB2_4:
0x37: {  	p0 =	sne.s32 s7, $0x1FC0;
	v3 =	vld [tilespmem:s6+$0x7800];
	_ =	sdelay $0x2  }
0x38: {  	v1 =	vadd.f32 v1, v2  }
0x39: {  	v2 =	vpop (erf)  }
.Ltmp1:
0x3a: {  	(erf) = vrcp.f32 v3;
	v2 =	vmul.f32 v2, v1;
	(pc) =	sbr.rel @p0 .LBB2_4-.Ltmp1, $4  }
0x3b: {  	_ = 	snop  }
0x3c: {  	v1 =	vld [tilespmem:s6+$0x8000];
	[tilespmem:s5+$0x6000] =	vst v2;
	s5 =	smov.u32 s6  }
0x3d: {  	v2 =	vld [tilespmem:s5+$0x6000]  }
0x3e: {  	s6 =	sshra.s32 s7, $0x2;
	s7 =	sadd.s32 $0x40, s7  }
0x3f: {  	v3 =	vld [tilespmem:s6+$0x7800];
	_ =	sdelay $0x2  }
0x40: {  	v1 =	vadd.f32 v1, v2  }
0x41: {  	v2 =	vpop (erf)  }
0x42: {  	(erf) = vrcp.f32 v3;
	v1 =	vmul.f32 v2, v1;
	_ =	sdelay $0x1  }
0x43: {  	v2 =	vld [tilespmem:s6+$0x8000];
	[tilespmem:s5+$0x6000] =	vst v1  }
0x44: {  	v1 =	vld [tilespmem:s6+$0x6000];
	_ =	sdelay $0x4  }
0x45: {  	v1 =	vadd.f32 v2, v1  }
0x46: {  	v2 =	vpop (erf)  }
0x47: {  	v1 =	vmul.f32 v2, v1;
	_ =	sdelay $0x1  }
0x48: {  	s7 =	rddreg [dreg:$0x9];
	[tilespmem:s6+$0x6000] =	vst v1  }
0x49: {  	[tilespmem:s2], [sflag:$0x1] =	stream.strided.gather [hbm4b:s7+s25], $0x800, s31, s25, $0x38;
	[tilespmem:$0x8800] =	vst v63  }
0x4a: {  	_ =	swait.ge [sflag:s29], $0x800  }
0x4b: {  	[sflag:s29] =	ssyncset.done $0x0  }
0x4c: {  	[sflag:s29] =	ssyncadd.s32 $0xFFFFF800  }
0x4d: {  	[tilespmem:s30], [sflag:$0x1] =	stream.strided.gather [hbm4b:s8+s25], $0x800, s31, s25, $0x38;
	[tilespmem:$0x8800] =	vst v63  }
0x4e: {  	_ =	swait.ge [sflag:s29], $0x800  }
0x4f: {  	[sflag:s29] =	ssyncset.done $0x0  }
0x50: {  	s5 =	simm.s32 $0x0;
	[sflag:s29] =	ssyncadd.s32 $0xFFFFF800  }
0x51: {  	v2 =	vld [tilespmem:s5+$0x7800];
	_ =	sdelay $0x4  }
0x52: {  	(erf) = vrcp.f32 v2;
	_ =	sdelay $0x1  }
0x53: {  	v1 =	vld [tilespmem:s5+$0x8000]  }
0x54: {  	v2 =	vld [tilespmem:s5+$0x6800]  }
0x55: {  	s6 =	simm.s32 $0x10;
	s7 =	simm.s32 $0x80  }
.LBB2_6:
0x56: {  	p0 =	sne.s32 s7, $0x1FC0;
	v3 =	vld [tilespmem:s6+$0x7800];
	_ =	sdelay $0x2  }
0x57: {  	v1 =	vadd.f32 v1, v2  }
0x58: {  	v2 =	vpop (erf)  }
.Ltmp2:
0x59: {  	(erf) = vrcp.f32 v3;
	v2 =	vmul.f32 v2, v1;
	(pc) =	sbr.rel @p0 .LBB2_6-.Ltmp2, $4  }
0x5a: {  	_ = 	snop  }
0x5b: {  	v1 =	vld [tilespmem:s6+$0x8000];
	[tilespmem:s5+$0x6800] =	vst v2;
	s5 =	smov.u32 s6  }
0x5c: {  	v2 =	vld [tilespmem:s5+$0x6800]  }
0x5d: {  	s6 =	sshra.s32 s7, $0x2;
	s7 =	sadd.s32 $0x40, s7  }
0x5e: {  	v3 =	vld [tilespmem:s6+$0x7800];
	_ =	sdelay $0x2  }
0x5f: {  	v1 =	vadd.f32 v1, v2  }
0x60: {  	v2 =	vpop (erf)  }
0x61: {  	(erf) = vrcp.f32 v3;
	v1 =	vmul.f32 v2, v1;
	_ =	sdelay $0x1  }
0x62: {  	v2 =	vld [tilespmem:s6+$0x8000];
	[tilespmem:s5+$0x6800] =	vst v1  }
0x63: {  	v1 =	vld [tilespmem:s6+$0x6800];
	_ =	sdelay $0x4  }
0x64: {  	v1 =	vadd.f32 v2, v1  }
0x65: {  	v2 =	vpop (erf)  }
0x66: {  	v1 =	vmul.f32 v2, v1;
	_ =	sdelay $0x1  }
0x67: {  	[tilespmem:s6+$0x6800] =	vst v1  }
0x68: {  	[tilespmem:s28], [sflag:$0x1] =	stream.strided.gather [hbm4b:s9+s25], $0x800, s31, s25, $0x38;
	[tilespmem:$0x8800] =	vst v63  }
0x69: {  	_ =	swait.ge [sflag:s29], $0x800  }
0x6a: {  	[sflag:s29] =	ssyncset.done $0x0  }
0x6b: {  	[sflag:s29] =	ssyncadd.s32 $0xFFFFF800  }
0x6c: {  	[tilespmem:s30], [sflag:$0x1] =	stream.strided.gather [hbm4b:s10+s25], $0x800, s31, s25, $0x38;
	[tilespmem:$0x8800] =	vst v63  }
0x6d: {  	_ =	swait.ge [sflag:s29], $0x800  }
0x6e: {  	[sflag:s29] =	ssyncset.done $0x0  }
0x6f: {  	s5 =	simm.s32 $0x0;
	[sflag:s29] =	ssyncadd.s32 $0xFFFFF800  }
0x70: {  	v2 =	vld [tilespmem:s5+$0x7800];
	_ =	sdelay $0x4  }
0x71: {  	(erf) = vrcp.f32 v2;
	_ =	sdelay $0x1  }
0x72: {  	v1 =	vld [tilespmem:s5+$0x8000]  }
0x73: {  	v2 =	vld [tilespmem:s5+$0x7000]  }
0x74: {  	s7 =	simm.s32 $0x80;
	s6 =	simm.s32 $0x10  }
.LBB2_8:
0x75: {  	p0 =	sne.s32 s7, $0x1FC0;
	v3 =	vld [tilespmem:s6+$0x7800];
	_ =	sdelay $0x2  }
0x76: {  	v1 =	vadd.f32 v1, v2  }
0x77: {  	v2 =	vpop (erf)  }
.Ltmp3:
0x78: {  	(erf) = vrcp.f32 v3;
	v2 =	vmul.f32 v2, v1;
	(pc) =	sbr.rel @p0 .LBB2_8-.Ltmp3, $4  }
0x79: {  	_ = 	snop  }
0x7a: {  	v1 =	vld [tilespmem:s6+$0x8000];
	[tilespmem:s5+$0x7000] =	vst v2;
	s5 =	smov.u32 s6  }
0x7b: {  	v2 =	vld [tilespmem:s5+$0x7000]  }
0x7c: {  	s6 =	sshra.s32 s7, $0x2;
	s7 =	sadd.s32 $0x40, s7  }
0x7d: {  	v3 =	vld [tilespmem:s6+$0x7800];
	_ =	sdelay $0x2  }
0x7e: {  	v1 =	vadd.f32 v1, v2  }
0x7f: {  	v2 =	vpop (erf)  }
0x80: {  	(erf) = vrcp.f32 v3;
	v1 =	vmul.f32 v2, v1;
	_ =	sdelay $0x1  }
0x81: {  	v2 =	vld [tilespmem:s6+$0x8000];
	[tilespmem:s5+$0x7000] =	vst v1  }
0x82: {  	v1 =	vld [tilespmem:s6+$0x7000];
	_ =	sdelay $0x4  }
0x83: {  	v1 =	vadd.f32 v2, v1  }
0x84: {  	v2 =	vpop (erf)  }
0x85: {  	v1 =	vmul.f32 v2, v1;
	_ =	sdelay $0x1  }
0x86: {  	s7 =	simm.s32 $0x0;
	[tilespmem:s6+$0x7000] =	vst v1  }
0x87: {  	[tilespmem:s7], [sflag:$0x1] =	stream.linear.gather [hbm4b:s11+s7], $0x2000, $0x38;
	[tilespmem:$0x8800] =	vst v63  }
0x88: {  	_ =	swait.ge [sflag:s29], $0x2000  }
0x89: {  	[sflag:s29] =	ssyncset.done $0x0  }
0x8a: {  	[sflag:s29] =	ssyncadd.s32 $0xFFFFE000  }
0x8b: {  	[tilespmem:s1], [sflag:$0x1] =	stream.linear.gather [hbm4b:s12+s7], $0x2000, $0x38;
	[tilespmem:$0x8800] =	vst v63  }
0x8c: {  	_ =	swait.ge [sflag:s29], $0x2000  }
0x8d: {  	[sflag:s29] =	ssyncset.done $0x0  }
0x8e: {  	[sflag:s29] =	ssyncadd.s32 $0xFFFFE000  }
0x8f: {  	[tilespmem:s3], [sflag:$0x1] =	stream.linear.gather [hbm4b:s13+s7], $0x2000, $0x38;
	[tilespmem:$0x8800] =	vst v63  }
0x90: {  	_ =	swait.ge [sflag:s29], $0x2000  }
0x91: {  	[sflag:s29] =	ssyncset.done $0x0  }
0x92: {  	s5 =	simm.s32 $0x0;
	[sflag:s29] =	ssyncadd.s32 $0xFFFFE000  }
0x93: {  	v1 =	vld [tilespmem:s5+$0x0];
	_ =	sdelay $0x6  }
0x94: {  	v2 =	vld [tilespmem:s5+$0x2000]  }
0x95: {  	v1 =	vld.idx.msk [tilespmem:v1+s0+$0x0], $0xffff;
	_ =	sdelay $0x4  }
0x96: {  	v1 =	vsub.f32 v2, v1;
	_ =	sdelay $0x1  }
0x97: {  	v1 =	vadd.f32 $5.000000000e-01, v1;
	_ =	sdelay $0x1  }
0x98: {  	v2 =	vtrunc.f32 v1  }
0x99: {  	v2 =	vcvt.f32.s32 v2;
	_ =	sdelay $0x1  }
0x9a: {  	v2 =	vcvt.s32.f32 v2;
	_ =	sdelay $0x1  }
0x9b: {  	vm0 =	vlt.f32 v1, v2  }
0x9c: {  	v3 =	vsel vm0, $0x3F800000, v0  }
0x9d: {  	v2 =	vsub.f32 v3, v2  }
0x9e: {  	v3 =	vld [tilespmem:s5+$0x4000]  }
0x9f: {  	v1 =	vadd.f32 v2, v1;
	_ =	sdelay $0x1  }
0xa0: {  	v2 =	vadd.f32 $-5.000000000e-01, v1;
	_ =	sdelay $0x1  }
0xa1: {  	v1 =	vadd.f32 v2, v3;
	_ =	sdelay $0x1  }
0xa2: {  	v3 =	vtrunc.f32 v1  }
0xa3: {  	v3 =	vcvt.f32.s32 v3;
	_ =	sdelay $0x1  }
0xa4: {  	s6 =	simm.s32 $0x80;
	s7 =	simm.s32 $0x10;
	[tilespmem:s5+$0x2000] =	vst v2;
	v2 =	vcvt.s32.f32 v3  }
.LBB2_10:
0xa5: {  	p0 =	sne.s32 s6, $0x7FC0;
	v3 =	vld [tilespmem:s7+$0x0]  }
0xa6: {  	vm0 =	vlt.f32 v1, v2  }
0xa7: {  	v4 =	vsel vm0, $0x3F800000, v0  }
0xa8: {  	v2 =	vsub.f32 v4, v2;
	_ =	sdelay $0x1  }
0xa9: {  	v1 =	vadd.f32 v2, v1;
	_ =	sdelay $0x1  }
0xaa: {  	[tilespmem:s5+$0x4000] =	vst v1;
	s5 =	smov.u32 s7  }
0xab: {  	v1 =	vld.idx.msk [tilespmem:v3+s0+$0x0], $0xffff  }
0xac: {  	v2 =	vld [tilespmem:s5+$0x2000];
	_ =	sdelay $0x4  }
0xad: {  	v1 =	vsub.f32 v2, v1;
	_ =	sdelay $0x1  }
0xae: {  	v1 =	vadd.f32 $5.000000000e-01, v1;
	_ =	sdelay $0x1  }
0xaf: {  	v2 =	vtrunc.f32 v1  }
0xb0: {  	v2 =	vcvt.f32.s32 v2;
	_ =	sdelay $0x1  }
0xb1: {  	v2 =	vcvt.s32.f32 v2;
	_ =	sdelay $0x1  }
0xb2: {  	vm0 =	vlt.f32 v1, v2  }
0xb3: {  	v3 =	vsel vm0, $0x3F800000, v0  }
0xb4: {  	v2 =	vsub.f32 v3, v2  }
0xb5: {  	v3 =	vld [tilespmem:s5+$0x4000]  }
0xb6: {  	v1 =	vadd.f32 v2, v1;
	_ =	sdelay $0x1  }
0xb7: {  	v2 =	vadd.f32 $-5.000000000e-01, v1;
	_ =	sdelay $0x1  }
0xb8: {  	v1 =	vadd.f32 v2, v3;
	[tilespmem:s5+$0x2000] =	vst v2  }
.Ltmp4:
0xb9: {  	(pc) =	sbr.rel @p0 .LBB2_10-.Ltmp4, $3  }
0xba: {  	v2 =	vtrunc.f32 v1  }
0xbb: {  	v2 =	vcvt.f32.s32 v2;
	_ =	sdelay $0x1  }
0xbc: {  	s7 =	sshra.s32 s6, $0x2;
	s6 =	sadd.s32 $0x40, s6;
	v2 =	vcvt.s32.f32 v2  }
0xbd: {  	v3 =	vld [tilespmem:s7+$0x0]  }
0xbe: {  	vm0 =	vlt.f32 v1, v2  }
0xbf: {  	v4 =	vsel vm0, $0x3F800000, v0  }
0xc0: {  	v2 =	vsub.f32 v4, v2;
	_ =	sdelay $0x1  }
0xc1: {  	v1 =	vadd.f32 v2, v1;
	_ =	sdelay $0x1  }
0xc2: {  	[tilespmem:s5+$0x4000] =	vst v1  }
0xc3: {  	v1 =	vld.idx.msk [tilespmem:v3+s0+$0x0], $0xffff  }
0xc4: {  	v2 =	vld [tilespmem:s7+$0x2000];
	_ =	sdelay $0x4  }
0xc5: {  	v1 =	vsub.f32 v2, v1;
	_ =	sdelay $0x1  }
0xc6: {  	v1 =	vadd.f32 $5.000000000e-01, v1;
	_ =	sdelay $0x1  }
0xc7: {  	v2 =	vtrunc.f32 v1  }
0xc8: {  	v2 =	vcvt.f32.s32 v2;
	_ =	sdelay $0x1  }
0xc9: {  	v2 =	vcvt.s32.f32 v2;
	_ =	sdelay $0x1  }
0xca: {  	vm13 =	vlt.f32 v1, v2  }
0xcb: {  	v3 =	vsel vm13, $0x3F800000, v0  }
0xcc: {  	v2 =	vsub.f32 v3, v2  }
0xcd: {  	v3 =	vld [tilespmem:s7+$0x4000]  }
0xce: {  	v1 =	vadd.f32 v2, v1;
	_ =	sdelay $0x1  }
0xcf: {  	v1 =	vadd.f32 $-5.000000000e-01, v1;
	_ =	sdelay $0x1  }
0xd0: {  	v2 =	vadd.f32 v1, v3;
	_ =	sdelay $0x1  }
0xd1: {  	v3 =	vtrunc.f32 v2  }
0xd2: {  	v3 =	vcvt.f32.s32 v3;
	_ =	sdelay $0x1  }
0xd3: {  	v3 =	vcvt.s32.f32 v3;
	_ =	sdelay $0x1  }
0xd4: {  	vm14 =	vlt.f32 v2, v3  }
0xd5: {  	v63 =	vsel vm14, $0x3F800000, v0  }
0xd6: {  	v3 =	vsub.f32 v63, v3;
	_ =	sdelay $0x1  }
0xd7: {  	v2 =	vadd.f32 v3, v2  }
0xd8: {  	[tilespmem:s7+$0x2000] =	vst v1  }
0xd9: {  	[tilespmem:s7+$0x4000] =	vst v2;
	s7 =	simm.s32 $0x0  }
0xda: {  	[hbm4b:s14+s7] =	stream.linear.scatter [tilespmem:s1], [sflag:$0x1], $0x2000, $0x38;
	[tilespmem:$0x8800] =	vst v63  }
0xdb: {  	_ =	swait.ge [sflag:s29], $0x2000  }
0xdc: {  	[sflag:s29] =	ssyncset.done $0x0  }
0xdd: {  	[sflag:s29] =	ssyncadd.s32 $0xFFFFE000  }
0xde: {  	[hbm4b:s15+s7] =	stream.linear.scatter [tilespmem:s3], [sflag:$0x1], $0x2000, $0x38;
	[tilespmem:$0x8800] =	vst v63  }
0xdf: {  	_ =	swait.ge [sflag:s29], $0x2000  }
0xe0: {  	[sflag:s29] =	ssyncset.done $0x0  }
0xe1: {  	[sflag:s29] =	ssyncadd.s32 $0xFFFFE000  }
0xe2: {  	[tilespmem:s1], [sflag:$0x1] =	stream.linear.gather [hbm4b:s16+s7], $0x2000, $0x38;
	[tilespmem:$0x8800] =	vst v63  }
0xe3: {  	_ =	swait.ge [sflag:s29], $0x2000  }
0xe4: {  	[sflag:s29] =	ssyncset.done $0x0  }
0xe5: {  	[sflag:s29] =	ssyncadd.s32 $0xFFFFE000  }
0xe6: {  	[tilespmem:s3], [sflag:$0x1] =	stream.linear.gather [hbm4b:s17+s7], $0x2000, $0x38;
	[tilespmem:$0x8800] =	vst v63  }
0xe7: {  	_ =	swait.ge [sflag:s29], $0x2000  }
0xe8: {  	[sflag:s29] =	ssyncset.done $0x0  }
0xe9: {  	s5 =	simm.s32 $0x0;
	[sflag:s29] =	ssyncadd.s32 $0xFFFFE000  }
0xea: {  	v1 =	vld [tilespmem:s5+$0x0];
	_ =	sdelay $0x6  }
0xeb: {  	v2 =	vld [tilespmem:s5+$0x2000]  }
0xec: {  	v1 =	vld.idx.msk [tilespmem:v1+s2+$0x0], $0xffff;
	_ =	sdelay $0x4  }
0xed: {  	v1 =	vsub.f32 v2, v1;
	_ =	sdelay $0x1  }
0xee: {  	v1 =	vadd.f32 $5.000000000e-01, v1;
	_ =	sdelay $0x1  }
0xef: {  	v2 =	vtrunc.f32 v1  }
0xf0: {  	v2 =	vcvt.f32.s32 v2;
	_ =	sdelay $0x1  }
0xf1: {  	v2 =	vcvt.s32.f32 v2;
	_ =	sdelay $0x1  }
0xf2: {  	vm15 =	vlt.f32 v1, v2  }
0xf3: {  	v3 =	vsel vm15, $0x3F800000, v0  }
0xf4: {  	v2 =	vsub.f32 v3, v2  }
0xf5: {  	v3 =	vld [tilespmem:s5+$0x4000]  }
0xf6: {  	v1 =	vadd.f32 v2, v1;
	_ =	sdelay $0x1  }
0xf7: {  	v2 =	vadd.f32 $-5.000000000e-01, v1;
	_ =	sdelay $0x1  }
0xf8: {  	v1 =	vadd.f32 v2, v3;
	_ =	sdelay $0x1  }
0xf9: {  	v3 =	vtrunc.f32 v1  }
0xfa: {  	v3 =	vcvt.f32.s32 v3;
	_ =	sdelay $0x1  }
0xfb: {  	s6 =	simm.s32 $0x80;
	s7 =	simm.s32 $0x10;
	[tilespmem:s5+$0x2000] =	vst v2;
	v2 =	vcvt.s32.f32 v3  }
.LBB2_12:
0xfc: {  	p0 =	sne.s32 s6, $0x7FC0;
	v3 =	vld [tilespmem:s7+$0x0]  }
0xfd: {  	vm0 =	vlt.f32 v1, v2  }
0xfe: {  	v4 =	vsel vm0, $0x3F800000, v0  }
0xff: {  	v2 =	vsub.f32 v4, v2;
	_ =	sdelay $0x1  }
0x100: {  	v1 =	vadd.f32 v2, v1;
	_ =	sdelay $0x1  }
0x101: {  	[tilespmem:s5+$0x4000] =	vst v1;
	s5 =	smov.u32 s7  }
0x102: {  	v1 =	vld.idx.msk [tilespmem:v3+s2+$0x0], $0xffff  }
0x103: {  	v2 =	vld [tilespmem:s5+$0x2000];
	_ =	sdelay $0x4  }
0x104: {  	v1 =	vsub.f32 v2, v1;
	_ =	sdelay $0x1  }
0x105: {  	v1 =	vadd.f32 $5.000000000e-01, v1;
	_ =	sdelay $0x1  }
0x106: {  	v2 =	vtrunc.f32 v1  }
0x107: {  	v2 =	vcvt.f32.s32 v2;
	_ =	sdelay $0x1  }
0x108: {  	v2 =	vcvt.s32.f32 v2;
	_ =	sdelay $0x1  }
0x109: {  	vm0 =	vlt.f32 v1, v2  }
0x10a: {  	v3 =	vsel vm0, $0x3F800000, v0  }
0x10b: {  	v2 =	vsub.f32 v3, v2  }
0x10c: {  	v3 =	vld [tilespmem:s5+$0x4000]  }
0x10d: {  	v1 =	vadd.f32 v2, v1;
	_ =	sdelay $0x1  }
0x10e: {  	v2 =	vadd.f32 $-5.000000000e-01, v1;
	_ =	sdelay $0x1  }
0x10f: {  	v1 =	vadd.f32 v2, v3;
	[tilespmem:s5+$0x2000] =	vst v2  }
.Ltmp5:
0x110: {  	(pc) =	sbr.rel @p0 .LBB2_12-.Ltmp5, $3  }
0x111: {  	v2 =	vtrunc.f32 v1  }
0x112: {  	v2 =	vcvt.f32.s32 v2;
	_ =	sdelay $0x1  }
0x113: {  	s7 =	sshra.s32 s6, $0x2;
	s6 =	sadd.s32 $0x40, s6;
	v2 =	vcvt.s32.f32 v2  }
0x114: {  	v3 =	vld [tilespmem:s7+$0x0]  }
0x115: {  	vm0 =	vlt.f32 v1, v2  }
0x116: {  	v4 =	vsel vm0, $0x3F800000, v0  }
0x117: {  	v2 =	vsub.f32 v4, v2;
	_ =	sdelay $0x1  }
0x118: {  	v1 =	vadd.f32 v2, v1;
	_ =	sdelay $0x1  }
0x119: {  	[tilespmem:s5+$0x4000] =	vst v1  }
0x11a: {  	v1 =	vld.idx.msk [tilespmem:v3+s2+$0x0], $0xffff  }
0x11b: {  	v2 =	vld [tilespmem:s7+$0x2000];
	_ =	sdelay $0x4  }
0x11c: {  	v1 =	vsub.f32 v2, v1;
	_ =	sdelay $0x1  }
0x11d: {  	v1 =	vadd.f32 $5.000000000e-01, v1;
	_ =	sdelay $0x1  }
0x11e: {  	v2 =	vtrunc.f32 v1  }
0x11f: {  	v2 =	vcvt.f32.s32 v2;
	_ =	sdelay $0x1  }
0x120: {  	v2 =	vcvt.s32.f32 v2;
	_ =	sdelay $0x1  }
0x121: {  	vm13 =	vlt.f32 v1, v2  }
0x122: {  	v3 =	vsel vm13, $0x3F800000, v0  }
0x123: {  	v2 =	vsub.f32 v3, v2  }
0x124: {  	v3 =	vld [tilespmem:s7+$0x4000]  }
0x125: {  	v1 =	vadd.f32 v2, v1;
	_ =	sdelay $0x1  }
0x126: {  	v1 =	vadd.f32 $-5.000000000e-01, v1;
	_ =	sdelay $0x1  }
0x127: {  	v2 =	vadd.f32 v1, v3;
	_ =	sdelay $0x1  }
0x128: {  	v3 =	vtrunc.f32 v2  }
0x129: {  	v3 =	vcvt.f32.s32 v3;
	_ =	sdelay $0x1  }
0x12a: {  	v3 =	vcvt.s32.f32 v3;
	_ =	sdelay $0x1  }
0x12b: {  	vm14 =	vlt.f32 v2, v3  }
0x12c: {  	v63 =	vsel vm14, $0x3F800000, v0  }
0x12d: {  	v3 =	vsub.f32 v63, v3;
	_ =	sdelay $0x1  }
0x12e: {  	v2 =	vadd.f32 v3, v2  }
0x12f: {  	[tilespmem:s7+$0x2000] =	vst v1  }
0x130: {  	[tilespmem:s7+$0x4000] =	vst v2;
	s7 =	simm.s32 $0x0  }
0x131: {  	[hbm4b:s18+s7] =	stream.linear.scatter [tilespmem:s1], [sflag:$0x1], $0x2000, $0x38;
	[tilespmem:$0x8800] =	vst v63  }
0x132: {  	_ =	swait.ge [sflag:s29], $0x2000  }
0x133: {  	[sflag:s29] =	ssyncset.done $0x0  }
0x134: {  	[sflag:s29] =	ssyncadd.s32 $0xFFFFE000  }
0x135: {  	[hbm4b:s19+s7] =	stream.linear.scatter [tilespmem:s3], [sflag:$0x1], $0x2000, $0x38;
	[tilespmem:$0x8800] =	vst v63  }
0x136: {  	_ =	swait.ge [sflag:s29], $0x2000  }
0x137: {  	[sflag:s29] =	ssyncset.done $0x0  }
0x138: {  	[sflag:s29] =	ssyncadd.s32 $0xFFFFE000  }
0x139: {  	[tilespmem:s1], [sflag:$0x1] =	stream.linear.gather [hbm4b:s20+s7], $0x2000, $0x38;
	[tilespmem:$0x8800] =	vst v63  }
0x13a: {  	_ =	swait.ge [sflag:s29], $0x2000  }
0x13b: {  	[sflag:s29] =	ssyncset.done $0x0  }
0x13c: {  	[sflag:s29] =	ssyncadd.s32 $0xFFFFE000  }
0x13d: {  	[tilespmem:s3], [sflag:$0x1] =	stream.linear.gather [hbm4b:s21+s7], $0x2000, $0x38;
	[tilespmem:$0x8800] =	vst v63  }
0x13e: {  	_ =	swait.ge [sflag:s29], $0x2000  }
0x13f: {  	[sflag:s29] =	ssyncset.done $0x0  }
0x140: {  	s5 =	simm.s32 $0x0;
	[sflag:s29] =	ssyncadd.s32 $0xFFFFE000  }
0x141: {  	v1 =	vld [tilespmem:s5+$0x0];
	_ =	sdelay $0x6  }
0x142: {  	v2 =	vld [tilespmem:s5+$0x2000]  }
0x143: {  	v1 =	vld.idx.msk [tilespmem:v1+s28+$0x0], $0xffff;
	_ =	sdelay $0x4  }
0x144: {  	v1 =	vsub.f32 v2, v1;
	_ =	sdelay $0x1  }
0x145: {  	v1 =	vadd.f32 $5.000000000e-01, v1;
	_ =	sdelay $0x1  }
0x146: {  	v2 =	vtrunc.f32 v1  }
0x147: {  	v2 =	vcvt.f32.s32 v2;
	_ =	sdelay $0x1  }
0x148: {  	v2 =	vcvt.s32.f32 v2;
	_ =	sdelay $0x1  }
0x149: {  	vm15 =	vlt.f32 v1, v2  }
0x14a: {  	v3 =	vsel vm15, $0x3F800000, v0  }
0x14b: {  	v2 =	vsub.f32 v3, v2  }
0x14c: {  	v3 =	vld [tilespmem:s5+$0x4000]  }
0x14d: {  	v1 =	vadd.f32 v2, v1;
	_ =	sdelay $0x1  }
0x14e: {  	v2 =	vadd.f32 $-5.000000000e-01, v1;
	_ =	sdelay $0x1  }
0x14f: {  	v1 =	vadd.f32 v2, v3;
	_ =	sdelay $0x1  }
0x150: {  	v3 =	vtrunc.f32 v1  }
0x151: {  	v3 =	vcvt.f32.s32 v3;
	_ =	sdelay $0x1  }
0x152: {  	s6 =	simm.s32 $0x80;
	s7 =	simm.s32 $0x10;
	[tilespmem:s5+$0x2000] =	vst v2;
	v2 =	vcvt.s32.f32 v3  }
.LBB2_14:
0x153: {  	p0 =	sne.s32 s6, $0x7FC0;
	v3 =	vld [tilespmem:s7+$0x0]  }
0x154: {  	vm0 =	vlt.f32 v1, v2  }
0x155: {  	v4 =	vsel vm0, $0x3F800000, v0  }
0x156: {  	v2 =	vsub.f32 v4, v2;
	_ =	sdelay $0x1  }
0x157: {  	v1 =	vadd.f32 v2, v1;
	_ =	sdelay $0x1  }
0x158: {  	[tilespmem:s5+$0x4000] =	vst v1;
	s5 =	smov.u32 s7  }
0x159: {  	v1 =	vld.idx.msk [tilespmem:v3+s28+$0x0], $0xffff  }
0x15a: {  	v2 =	vld [tilespmem:s5+$0x2000];
	_ =	sdelay $0x4  }
0x15b: {  	v1 =	vsub.f32 v2, v1;
	_ =	sdelay $0x1  }
0x15c: {  	v1 =	vadd.f32 $5.000000000e-01, v1;
	_ =	sdelay $0x1  }
0x15d: {  	v2 =	vtrunc.f32 v1  }
0x15e: {  	v2 =	vcvt.f32.s32 v2;
	_ =	sdelay $0x1  }
0x15f: {  	v2 =	vcvt.s32.f32 v2;
	_ =	sdelay $0x1  }
0x160: {  	vm0 =	vlt.f32 v1, v2  }
0x161: {  	v3 =	vsel vm0, $0x3F800000, v0  }
0x162: {  	v2 =	vsub.f32 v3, v2  }
0x163: {  	v3 =	vld [tilespmem:s5+$0x4000]  }
0x164: {  	v1 =	vadd.f32 v2, v1;
	_ =	sdelay $0x1  }
0x165: {  	v2 =	vadd.f32 $-5.000000000e-01, v1;
	_ =	sdelay $0x1  }
0x166: {  	v1 =	vadd.f32 v2, v3;
	[tilespmem:s5+$0x2000] =	vst v2  }
.Ltmp6:
0x167: {  	(pc) =	sbr.rel @p0 .LBB2_14-.Ltmp6, $3  }
0x168: {  	v2 =	vtrunc.f32 v1  }
0x169: {  	v2 =	vcvt.f32.s32 v2;
	_ =	sdelay $0x1  }
0x16a: {  	s7 =	sshra.s32 s6, $0x2;
	s6 =	sadd.s32 $0x40, s6;
	v2 =	vcvt.s32.f32 v2  }
0x16b: {  	v3 =	vld [tilespmem:s7+$0x0]  }
0x16c: {  	vm0 =	vlt.f32 v1, v2  }
0x16d: {  	v4 =	vsel vm0, $0x3F800000, v0  }
0x16e: {  	v2 =	vsub.f32 v4, v2;
	_ =	sdelay $0x1  }
0x16f: {  	v1 =	vadd.f32 v2, v1;
	_ =	sdelay $0x1  }
0x170: {  	[tilespmem:s5+$0x4000] =	vst v1  }
0x171: {  	v1 =	vld.idx.msk [tilespmem:v3+s28+$0x0], $0xffff  }
0x172: {  	v2 =	vld [tilespmem:s7+$0x2000];
	_ =	sdelay $0x4  }
0x173: {  	v1 =	vsub.f32 v2, v1;
	_ =	sdelay $0x1  }
0x174: {  	v1 =	vadd.f32 $5.000000000e-01, v1;
	_ =	sdelay $0x1  }
0x175: {  	v2 =	vtrunc.f32 v1  }
0x176: {  	v2 =	vcvt.f32.s32 v2;
	_ =	sdelay $0x1  }
0x177: {  	v2 =	vcvt.s32.f32 v2;
	_ =	sdelay $0x1  }
0x178: {  	vm14 =	vlt.f32 v1, v2  }
0x179: {  	v3 =	vsel vm14, $0x3F800000, v0  }
0x17a: {  	v2 =	vsub.f32 v3, v2  }
0x17b: {  	v3 =	vld [tilespmem:s7+$0x4000]  }
0x17c: {  	v1 =	vadd.f32 v2, v1;
	_ =	sdelay $0x1  }
0x17d: {  	v1 =	vadd.f32 $-5.000000000e-01, v1;
	_ =	sdelay $0x1  }
0x17e: {  	v2 =	vadd.f32 v1, v3;
	_ =	sdelay $0x1  }
0x17f: {  	v3 =	vtrunc.f32 v2  }
0x180: {  	v3 =	vcvt.f32.s32 v3;
	_ =	sdelay $0x1  }
0x181: {  	v3 =	vcvt.s32.f32 v3;
	_ =	sdelay $0x1  }
0x182: {  	vm15 =	vlt.f32 v2, v3  }
0x183: {  	v63 =	vsel vm15, $0x3F800000, v0  }
0x184: {  	v3 =	vsub.f32 v63, v3;
	_ =	sdelay $0x1  }
0x185: {  	v2 =	vadd.f32 v3, v2  }
0x186: {  	[tilespmem:s7+$0x2000] =	vst v1  }
0x187: {  	[tilespmem:s7+$0x4000] =	vst v2;
	s7 =	simm.s32 $0x0  }
0x188: {  	[hbm4b:s22+s7] =	stream.linear.scatter [tilespmem:s1], [sflag:$0x1], $0x2000, $0x38;
	[tilespmem:$0x8800] =	vst v63  }
0x189: {  	s4 =	sadd.s32 $0x1, s4;
	_ =	swait.ge [sflag:s29], $0x2000  }
0x18a: {  	p0 =	sne.s32 s4, s24;
	[sflag:s29] =	ssyncset.done $0x0  }
.Ltmp7:
0x18b: {  	[sflag:s29] =	ssyncadd.s32 $0xFFFFE000;
	(pc) =	sbr.rel @p0 .LBB2_1-.Ltmp7, $4  }
0x18c: {  	[hbm4b:s23+s7] =	stream.linear.scatter [tilespmem:s3], [sflag:$0x1], $0x2000, $0x38;
	[tilespmem:$0x8800] =	vst v63  }
0x18d: {  	_ =	swait.ge [sflag:s29], $0x2000  }
0x18e: {  	[sflag:s29] =	ssyncset.done $0x0  }
0x18f: {  	[sflag:s29] =	ssyncadd.s32 $0xFFFFE000  }
0x190: {  	_ =	sfence.sel $0x180000  }
0x191: {  	[bflag:$0x0] =	sbarrier.arrive $0xFFFF  }
0x192: {  	_ =	strace $0x9000004D  }
0x193: {  	s0 =	stileid.u32;
	[bflag:$0x2] =	sbarrier.arrive $0xFFFF  }
0x194: {  	p0 =	sne.s32 s0, $0x0;
	s0 =	rddreg [dreg:$0x4]  }
0x195: {  	s0 =	sadd.s32 @!p0 $0x100000, s0  }
0x196: {  	[sflag:s0] =	ssyncadd.tile.s32 @!p0 $0x1;
	_ =	shalt  }
.Lfunc_end2:
_tile_overlayer_lowered:
.L_overlay_start_2:
0x197: {  	(tag) =	ssettag $0x2  }
0x198: {  	s0 =	rddreg [dreg:$0x0];
	s2 =	stileid.u32  }
0x199: {  	s1 =	rddreg [dreg:$0x1];
	p0 =	sne.s32 s2, $0x0  }
0x19a: {  	s3 =	rddreg [dreg:$0x2];
	[bflag:$0x3] =	sbarrier.arrive $0xFFFF;
	s2 =	simm.s32 @!p0 $0x1C01  }
0x19b: {  	[timem:s3], [sflag:s2] =	dma.local @!p0 [hbm:s0], s1  }
0x19c: {  	s0 =	simm.s32 @!p0 $0x1  }
0x19d: {  	_ =	swait.ge @!p0 [sflag:s0], s1  }
0x19e: {  	s1 =	ssub.s32 @!p0 $0x0, s1;
	[sflag:s0] =	ssyncset.done @!p0 $0x0  }
0x19f: {  	[sflag:s0] =	ssyncadd.s32 @!p0 s1  }
0x1a0: {  	[bflag:$0x3] =	sbarrier.arrive $0xFFFF  }
0x1a1: {  	_ =	shalt  }

// kernel: kernel.5.cloned.1.call-start
scs
__scs_entry_jumppad:
0x0: {  	(pc) =	sbr.rel $0x88, $3  }
0x1: {  	(tag) =	ssettag $0x0;
	lr =	simm.s32 $0x1  }
0x2: {  	[smem:$0x3F9B] =	sst lr;
	_ =	strace $0xD0000000  }
0x3: {  	_ = 	snop  }
0x4: {  	_ = 	snop  }
0x5: {  	_ = 	snop  }
0x6: {  	_ = 	snop  }
0x7: {  	_ = 	snop  }
__scs_overlays_trampoline_lowered:
0x8: {  	[smem:$0x3FAA] =	sst s0  }
0x9: {  	[smem:$0x3FAB] =	sst s1  }
0xa: {  	[smem:$0x3FAC] =	sst s2  }
0xb: {  	[smem:$0x3FAD] =	sst s3  }
0xc: {  	[smem:$0x3FAE] =	sst s4  }
0xd: {  	[smem:$0x3FAF] =	sst s5  }
0xe: {  	[smem:$0x3FB0] =	sst s6  }
0xf: {  	[smem:$0x3FB1] =	sst s7  }
0x10: {  	[smem:$0x3FB2] =	sst s8  }
0x11: {  	[smem:$0x3FB3] =	sst s9;
	s0 =	simm.s32 @!p0 $0x0  }
0x12: {  	s1 =	sld [smem:$0x3F99];
	s0 =	simm.s32 @p0 $0x1  }
0x13: {  	[smem:$0x3FB4] =	sst s0;
	s0 =	simm.s32 @!p1 $0x0  }
0x14: {  	s2 =	sld [smem:$0x3F98];
	s0 =	simm.s32 @p1 $0x1  }
0x15: {  	[smem:$0x3FB5] =	sst s0;
	s0 =	simm.s32 @!p2 $0x0  }
0x16: {  	s3 =	sld [smem:$0x3FDB];
	s0 =	simm.s32 @p2 $0x1  }
0x17: {  	s4 =	simm.s32 $0x1BF5;
	[smem:$0x3FB7] =	sst s0  }
0x18: {  	s0 =	sld [smem:$0x3F9A];
	_ =	swait.ge [sflag:s4], $0x0  }
0x19: {  	s7 =	sld [smem:$0x3F9B]  }
0x1a: {  	s8 =	sadd.s32 $0xFFFFE003, lr  }
0x1b: {  	s9 =	sadd.s32 $0xFFFFFEF7, lr;
	s5 =	simm.s32 $0xFFFFFFFF;
	p2 =	slt.u32 s8, $0xFFFFF086  }
0x1c: {  	p1 =	slt.u32 s9, $0xF7A;
	s5 =	simm.s32 @!p2 $0x0  }
0x1d: {  	s5 =	simm.s32 @p1 $0x1;
	p0 =	seq.s32 s7, s2  }
0x1e: {  	s7 =	smul.u32 @!p0 $0xF7A, s2;
	p2 =	seq.s32 @!p0 s5, $0x0  }
0x1f: {  	s9 =	smul.u32 $0xF7A, s1;
	s8 =	simm.s32 @!p0 $0x1BF5;
	p2 =	por !p2, p0  }
0x20: {  	[sflag:s8] =	ssyncset.s32 @!p0 $0xFFFFF086;
	s6 =	sadd.s32 @!p0 s3, s7;
	s7 =	simm.s32 @!p0 $0x108  }
0x21: {  	s3 =	sadd.s32 s3, s9;
	s6 =	sadd.s32 @!p0 $0x88, s6;
	s7 =	simm.s32 @p2 $0x1082  }
0x22: {  	[simem:s7], [sflag:s8] =	dma.local @!p0 [hbm:s6], $0xF7A  }
0x23: {  	s9 =	sor.u32 $0xD0000000, s2;
	s6 =	simm.s32 $0x108;
	_ =	swait.ge @!p0 [sflag:s8], $0x0  }
0x24: {  	s3 =	sadd.s32 $0x88, s3;
	s6 =	simm.s32 @!p1 $0x1082;
	[sflag:s4] =	ssyncset.s32 $0xFFFFF086  }
0x25: {  	[simem:s6], [sflag:s4] =	dma.local [hbm:s3], $0xF7A  }
0x26: {  	[smem:$0x3F9B] =	sst s1;
	(tag) =	ssettag s2;
	_ =	strace s9  }
0x27: {  	s1 =	sld [smem:$0x3FAB]  }
0x28: {  	s2 =	sld [smem:$0x3FAC]  }
0x29: {  	s4 =	sld [smem:$0x3FAE]  }
0x2a: {  	p0 =	seq.s32 s5, $0x0;
	s5 =	sld [smem:$0x3FAF]  }
0x2b: {  	s6 =	sld [smem:$0x3FB0]  }
0x2c: {  	s7 =	sld [smem:$0x3FB1]  }
0x2d: {  	s3 =	simm.s32 $0x108;
	s8 =	sld [smem:$0x3FB2]  }
0x2e: {  	s3 =	simm.s32 @!p0 $0x1082;
	s9 =	sld [smem:$0x3FB3]  }
0x2f: {  	lr =	sadd.s32 s0, s3;
	s0 =	sld [smem:$0x3FAA]  }
0x30: {  	s3 =	sld [smem:$0x3FAD]  }
0x31: {  	[smem:$0x3FB6] =	sst s10  }
0x32: {  	s10 =	sld [smem:$0x3FB4];
	_ =	sdelay $0x3  }
0x33: {  	p0 =	seq.s32 s10, $0x1;
	s10 =	sld [smem:$0x3FB6];
	_ =	sdelay $0x3  }
0x34: {  	[smem:$0x3FB6] =	sst s10  }
0x35: {  	s10 =	sld [smem:$0x3FB5];
	_ =	sdelay $0x3  }
0x36: {  	p1 =	seq.s32 s10, $0x1;
	s10 =	sld [smem:$0x3FB6];
	_ =	sdelay $0x3  }
0x37: {  	[smem:$0x3FB6] =	sst s10  }
0x38: {  	s10 =	sld [smem:$0x3FB7]  }
0x39: {  	_ = 	snop;
	(pc) =	sbr.ind lr, $3  }
0x3a: {  	_ = 	snop  }
0x3b: {  	_ = 	snop  }
0x3c: {  	p2 =	seq.s32 s10, $0x1;
	s10 =	sld [smem:$0x3FB6]  }
0x3d: {  	_ =	shalt  }
0x3e: {  	_ =	shalt  }
0x3f: {  	_ =	shalt  }
0x40: {  	_ =	shalt  }
0x41: {  	_ =	shalt  }
0x42: {  	_ =	shalt  }
0x43: {  	_ =	shalt  }
0x44: {  	_ =	shalt  }
0x45: {  	_ =	shalt  }
0x46: {  	_ =	shalt  }
0x47: {  	_ =	shalt  }
0x48: {  	_ =	shalt  }
0x49: {  	_ =	shalt  }
0x4a: {  	_ =	shalt  }
0x4b: {  	_ =	shalt  }
0x4c: {  	_ =	shalt  }
0x4d: {  	_ =	shalt  }
0x4e: {  	_ =	shalt  }
0x4f: {  	_ =	shalt  }
0x50: {  	_ =	shalt  }
0x51: {  	_ =	shalt  }
0x52: {  	_ =	shalt  }
0x53: {  	_ =	shalt  }
0x54: {  	_ =	shalt  }
0x55: {  	_ =	shalt  }
0x56: {  	_ =	shalt  }
0x57: {  	_ =	shalt  }
0x58: {  	_ =	shalt  }
0x59: {  	_ =	shalt  }
0x5a: {  	_ =	shalt  }
0x5b: {  	_ =	shalt  }
0x5c: {  	_ =	shalt  }
0x5d: {  	_ =	shalt  }
0x5e: {  	_ =	shalt  }
0x5f: {  	_ =	shalt  }
0x60: {  	_ =	shalt  }
0x61: {  	_ =	shalt  }
0x62: {  	_ =	shalt  }
0x63: {  	_ =	shalt  }
0x64: {  	_ =	shalt  }
0x65: {  	_ =	shalt  }
0x66: {  	_ =	shalt  }
0x67: {  	_ =	shalt  }
0x68: {  	_ =	shalt  }
0x69: {  	_ =	shalt  }
0x6a: {  	_ =	shalt  }
0x6b: {  	_ =	shalt  }
0x6c: {  	_ =	shalt  }
0x6d: {  	_ =	shalt  }
0x6e: {  	_ =	shalt  }
0x6f: {  	_ =	shalt  }
0x70: {  	_ =	shalt  }
0x71: {  	_ =	shalt  }
0x72: {  	_ =	shalt  }
0x73: {  	_ =	shalt  }
0x74: {  	_ =	shalt  }
0x75: {  	_ =	shalt  }
0x76: {  	_ =	shalt  }
0x77: {  	_ =	shalt  }
0x78: {  	_ =	shalt  }
0x79: {  	_ =	shalt  }
0x7a: {  	_ =	shalt  }
0x7b: {  	_ =	shalt  }
0x7c: {  	_ =	shalt  }
0x7d: {  	_ =	shalt  }
0x7e: {  	_ =	shalt  }
0x7f: {  	_ =	shalt  }
0x80: {  	_ =	shalt  }
0x81: {  	_ =	shalt  }
0x82: {  	_ =	shalt  }
0x83: {  	_ =	shalt  }
0x84: {  	_ =	shalt  }
0x85: {  	_ =	shalt  }
0x86: {  	_ =	shalt  }
0x87: {  	_ =	shalt  }
.Lfunc_end0:
.L_simem_size_0:
called_computation_lowered:
.L_overlay_start_0:
0x88: {  	s2 =	sld [smem:$0x3FD9]  }
0x89: {  	s3 =	sld [smem:$0x3FFE];
	_ =	sdelay $0x1  }
0x8a: {  	s1 =	srdreg.scid  }
0x8b: {  	s0 =	sand.u32 $0x1, s1  }
0x8c: {  	s14 =	sshll.u32 s0, $0xA;
	s2 =	sadd.s32 s3, s2  }
0x8d: {  	s2 =	sadd.s32 s2, s14  }
0x8e: {  	[smem:$0x3FC2] =	sst s2  }
0x8f: {  	_ = 	snop  }
0x90: {  	s2 =	sld [smem:$0x3FD0];
	_ =	sdelay $0x2  }
0x91: {  	s4 =	simm.s32 $0xA;
	s5 =	simm.s32 $0x10;
	s15 =	sld [smem:$0x3FC7]  }
0x92: {  	[smem:s5], [sflag:s4] =	dma.local [hbm:s2], $0x1  }
0x93: {  	_ =	swait.eq [sflag:s4], $0x1  }
0x94: {  	[sflag:s4] =	ssyncset.done $0x0  }
0x95: {  	s16 =	sld [smem:$0x12];
	[sflag:s4] =	ssyncadd.s32 $0xFFFFFFFF  }
0x96: {  	s17 =	sld [smem:$0x13];
	(tm) =	ssettm $0x1  }
0x97: {  	s18 =	sld [smem:$0x3FFB];
	_ =	sdelay $0x3  }
0x98: {  	_ =	strace s18  }
0x99: {  	s5 =	sld [smem:$0x3FFC];
	_ =	sdelay $0x3  }
0x9a: {  	_ =	strace s5  }
0x9b: {  	s5 =	sld [smem:$0x3FFD];
	_ =	sdelay $0x3  }
0x9c: {  	_ =	strace s5  }
0x9d: {  	_ =	strace $0x8FFFFFFF  }
0x9e: {  	s19 =	sld [smem:$0x3FDB];
	_ =	sdelay $0x1  }
0x9f: {  	s6 =	simm.s32 $_scs_section_size  }
0xa0: {  	s7 =	simm.s32 $_size__tile_overlayer_lowered;
	s8 =	simm.s32 $_tile_overlayer_lowered  }
0xa1: {  	s22 =	simm.s32 $0x1BFF;
	s21 =	sshll.u32 s8, $0x1;
	s5 =	sadd.s32 s6, s19  }
0xa2: {  	s9 =	simm.s32 $0x0;
	s20 =	sshll.u32 s7, $0x1;
	s7 =	sadd.s32 s21, s5  }
0xa3: {  	[timem:s9], [sflag:s22] =	dma.local [hbm:s7], s20  }
0xa4: {  	_ =	swait.ge [sflag:s22], s20  }
0xa5: {  	s6 =	ssub.s32 $0x0, s20;
	[sflag:s22] =	ssyncset.done $0x0  }
0xa6: {  	[sflag:s22] =	ssyncadd.s32 s6;
	_ =	sdelay $0x1  }
0xa7: {  	s23 =	simm.s32 $0x1B8B  }
0xa8: {  	_ =	swait.ge [sflag:s23], $0x1  }
0xa9: {  	[sflag:s23] =	ssyncset.done $0x0  }
0xaa: {  	s25 =	simm.s32 $0x1B8E;
	s24 =	sld [smem:$0x3FFE];
	[sflag:s23] =	ssyncadd.s32 $0xFFFFFFFF  }
0xab: {  	s26 =	simm.s32 $execute0_lowered;
	[smem:$0x3FD2] =	sst s25  }
0xac: {  	s7 =	sshll.u32 s26, $0x1;
	_ =	strace $0x80000046;
	[dreg:$0x1] =	wrdreg $0xFFFFFFFF  }
0xad: {  	s28 =	simm.s32 $_size_execute0_lowered;
	s5 =	sadd.s32 s5, s7;
	[dreg:$0x0] =	wrdreg $0x0  }
0xae: {  	s7 =	sshll.u32 s28, $0x1;
	[dreg:$0x2] =	wrdreg s5  }
0xaf: {  	[dreg:$0x3] =	wrdreg s7  }
0xb0: {  	[dreg:$0x4] =	wrdreg $0xC0  }
0xb1: {  	_ =	task [dreg:s9], $0x5FFFF  }
0xb2: {  	[dreg:$0x1] =	wrdreg $0xFFFFFFFF  }
0xb3: {  	[dreg:$0x0] =	wrdreg $0x60  }
0xb4: {  	[dreg:$0x2] =	wrdreg s15  }
0xb5: {  	[dreg:$0x3] =	wrdreg s17  }
0xb6: {  	[dreg:$0x4] =	wrdreg s16  }
0xb7: {  	[dreg:$0x5] =	wrdreg s24  }
0xb8: {  	[dreg:$0x6] =	wrdreg $0x68000  }
0xb9: {  	[dreg:$0x7] =	wrdreg $0x68800  }
0xba: {  	[dreg:$0x8] =	wrdreg $0x69000  }
0xbb: {  	[dreg:$0x9] =	wrdreg $0x69800  }
0xbc: {  	[dreg:$0xa] =	wrdreg $0x6A000  }
0xbd: {  	[dreg:$0xb] =	wrdreg $0x6A800  }
0xbe: {  	[dreg:$0xc] =	wrdreg $0x6B000  }
0xbf: {  	[dreg:$0xd] =	wrdreg $0x9  }
0xc0: {  	_ =	task.clear_ibuf [dreg:s9], $0xEFFFF;
	_ =	strace $0x90000046  }
0xc1: {  	s29 =	simm.s32 $0x9;
	_ =	strace $0x80000048  }
0xc2: {  	_ =	swait.ge [sflag:s29], $0x1  }
0xc3: {  	[sflag:s29] =	ssyncadd.s32 $0xFFFFFFFF  }
0xc4: {  	_ =	strace $0x90000048  }
0xc5: {  	_ =	sfence  }
0xc6: {  	s30 =	sld [smem:$0x0];
	_ =	sdelay $0x2  }
0xc7: {  	s31 =	sshll.u32 s1, $0xD;
	s1 =	sshrl.u32 s1, $0x2  }
0xc8: {  	s3 =	sand.u32 $0x4000, s31;
	s1 =	sadd.s32 s1, s30  }
0xc9: {  	s0 =	sor.u32 s3, s0;
	s1 =	sshll.u32 s1, $0x11  }
0xca: {  	s0 =	sor.u32 s1, s0  }
0xcb: {  	s0 =	sadd.s32 $0x8F2B, s0  }
0xcc: {  	[sflag:s0] =	ssyncadd.remote.s32 $0x1  }
0xcd: {  	_ =	sfence.sel $0xFFFF  }
0xce: {  	[dreg:$0x0] =	wrdreg $0xFFFFFFFF;
	(pc) =	sbr.abs _section_cstart, $3  }
0xcf: {  	[dreg:$0x1] =	wrdreg $0xFFFFFFFF  }
0xd0: {  	_ =	task.clear_ibuf [dreg:s9], $0x2FFFF;
	_ =	strace $0x9FFFFFFF  }
0xd1: {  	(tm) =	ssettm $0x7FFFFFFF  }
tec
execute0_lowered:
.L_overlay_start_1:
0x0: {  	(tag) =	ssettag $0x1  }
0x1: {  	s9 =	rddreg [dreg:$0x0]  }
0x2: {  	s12 =	rddreg [dreg:$0x1]  }
0x3: {  	s15 =	rddreg [dreg:$0x2]  }
0x4: {  	s10 =	rddreg [dreg:$0x3]  }
0x5: {  	s0 =	rddreg [dreg:$0x4]  }
0x6: {  	s1 =	rddreg [dreg:$0x5]  }
0x7: {  	s3 =	rddreg [dreg:$0x6]  }
0x8: {  	s4 =	rddreg [dreg:$0x7]  }
0x9: {  	s5 =	rddreg [dreg:$0x8]  }
0xa: {  	s6 =	rddreg [dreg:$0x9]  }
0xb: {  	s7 =	rddreg [dreg:$0xa]  }
0xc: {  	s8 =	simm.s32 $0x0;
	s11 =	srdreg.scid;
	s24 =	stileid.u32  }
0xd: {  	s28 =	simm.s32 $0x0;
	[smem:$0x7FF] =	sst s8;
	s18 =	sadd.s32 $0x2600, s10  }
0xe: {  	s21 =	sadd.s32 $0x2E00, s10;
	s14 =	sand.u32 $0x1, s11;
	s17 =	sshll.u32 s24, $0xB  }
0xf: {  	p0 =	sne.s32 s24, $0x0;
	s24 =	simm.s32 $0x1;
	_ =	strace $0x80000047  }
0x10: {  	s11 =	sshll.u32 s14, $0x4;
	s13 =	ssub.s32 $0x2, s14;
	s30 =	smul.u32 $0x180, s14  }
0x11: {  	s19 =	sshll.u32 s14, $0xA;
	s20 =	smul.u32 $0x30, s14;
	s16 =	sshrl.u32 s13, $0x1  }
0x12: {  	s22 =	sadd.s32 s11, s10;
	s26 =	sor.u32 s19, s17;
	s23 =	ssub.s32 s13, s16  }
0x13: {  	s9 =	sadd.s32 s9, s26;
	s10 =	sadd.s32 s12, s26;
	s29 =	sor.u32 $0x8000, s26  }
0x14: {  	s17 =	sor.u32 $0x10000, s26;
	s13 =	sadd.s32 s15, s26;
	s31 =	sshrl.u32 s30, $0x3  }
0x15: {  	s16 =	sadd.s32 s18, s20;
	s19 =	sadd.s32 s21, s20;
	s22 =	sadd.s32 $0x3600, s22  }
0x16: {  	s11 =	sadd.s32 s12, s29;
	s12 =	sadd.s32 s12, s17;
	s14 =	sadd.s32 s15, s29  }
0x17: {  	s15 =	sadd.s32 s15, s17;
	s25 =	sadd.s32 $0x10, s31;
	s26 =	sadd.s32 $0x20, s31  }
0x18: {  	s23 =	smax.u32 s23, $0x1;
	s17 =	sadd.s32 s18, s25;
	s18 =	sadd.s32 s18, s26  }
0x19: {  	v0 =	vimm.f32 $1.000000000e+00;
	v1 =	vimm.f32 $0.0e+00;
	s20 =	sadd.s32 s21, s25;
	s21 =	sadd.s32 s21, s26;
	s25 =	simm.s32 $0x2000  }
.LBB2_1:
0x1a: {  	s29 =	simm.s32 $0x0  }
.LBB2_2:
0x1b: {  	p1 =	sne.s32 s29, $0x7FC0  }
.Ltmp0:
0x1c: {  	_ = 	snop;
	(pc) =	sbr.rel @p1 .LBB2_2-.Ltmp0, $3  }
0x1d: {  	_ =	sdelay $0x1  }
0x1e: {  	s30 =	sshra.s32 s29, $0x2  }
0x1f: {  	s29 =	sadd.s32 $0x40, s29;
	[tilespmem:s30+$0x4000] =	vst v0  }
0x20: {  	s29 =	simm.s32 $0x40;
	s30 =	simm.s32 $0x0  }
.LBB2_4:
0x21: {  	p1 =	sne.s32 s29, $0x1FC0;
	[tilespmem:s30+$0x6000] =	vst v1;
	s30 =	smov.u32 s29;
	s29 =	sadd.s32 $0x40, s29  }
.Ltmp1:
0x22: {  	(pc) =	sbr.rel @p1 .LBB2_4-.Ltmp1, $2  }
0x23: {  	_ =	sdelay $0x2  }
0x24: {  	s30 =	sshra.s32 s30, $0x2  }
0x25: {  	[tilespmem:s30+$0x6000] =	vst v1;
	s30 =	simm.s32 @!p0 $0x6000;
	s29 =	simm.s32 @!p0 $0x1  }
0x26: {  	[spmem:s0] =	stream.linear.scatter @!p0 [tilespmem:s30], [sflag:$0x1], $0x800, $0x38;
	[tilespmem:$0x6B80] =	vst v63  }
0x27: {  	_ =	swait.ge @!p0 [sflag:s29], $0x800  }
0x28: {  	[sflag:s29] =	ssyncset.done @!p0 $0x0  }
0x29: {  	[sflag:s29] =	ssyncadd.s32 @!p0 $0xFFFFF800  }
0x2a: {  	[spmem:s1] =	stream.linear.scatter @!p0 [tilespmem:s30], [sflag:$0x1], $0x800, $0x38;
	[tilespmem:$0x6B80] =	vst v63  }
0x2b: {  	_ =	swait.ge @!p0 [sflag:s29], $0x800  }
0x2c: {  	[sflag:s29] =	ssyncset.done @!p0 $0x0  }
0x2d: {  	[sflag:s29] =	ssyncadd.s32 @!p0 $0xFFFFF800  }
0x2e: {  	[spmem:s3] =	stream.linear.scatter @!p0 [tilespmem:s30], [sflag:$0x1], $0x800, $0x38;
	[tilespmem:$0x6B80] =	vst v63  }
0x2f: {  	_ =	swait.ge @!p0 [sflag:s29], $0x800  }
0x30: {  	[sflag:s29] =	ssyncset.done @!p0 $0x0  }
0x31: {  	[sflag:s29] =	ssyncadd.s32 @!p0 $0xFFFFF800  }
0x32: {  	[spmem:s4] =	stream.linear.scatter @!p0 [tilespmem:s30], [sflag:$0x1], $0x800, $0x38;
	[tilespmem:$0x6B80] =	vst v63  }
0x33: {  	_ =	swait.ge @!p0 [sflag:s29], $0x800  }
0x34: {  	[sflag:s29] =	ssyncset.done @!p0 $0x0  }
0x35: {  	[sflag:s29] =	ssyncadd.s32 @!p0 $0xFFFFF800  }
0x36: {  	[spmem:s5] =	stream.linear.scatter @!p0 [tilespmem:s30], [sflag:$0x1], $0x800, $0x38;
	[tilespmem:$0x6B80] =	vst v63  }
0x37: {  	_ =	swait.ge @!p0 [sflag:s29], $0x800  }
0x38: {  	[sflag:s29] =	ssyncset.done @!p0 $0x0  }
0x39: {  	[sflag:s29] =	ssyncadd.s32 @!p0 $0xFFFFF800  }
0x3a: {  	[spmem:s6] =	stream.linear.scatter @!p0 [tilespmem:s30], [sflag:$0x1], $0x800, $0x38;
	[tilespmem:$0x6B80] =	vst v63  }
0x3b: {  	_ =	swait.ge @!p0 [sflag:s29], $0x800  }
0x3c: {  	[sflag:s29] =	ssyncset.done @!p0 $0x0  }
0x3d: {  	[sflag:s29] =	ssyncadd.s32 @!p0 $0xFFFFF800  }
0x3e: {  	[spmem:s7] =	stream.linear.scatter @!p0 [tilespmem:s30], [sflag:$0x1], $0x800, $0x38;
	[tilespmem:$0x6B80] =	vst v63  }
0x3f: {  	_ =	swait.ge @!p0 [sflag:s29], $0x800  }
0x40: {  	[sflag:s29] =	ssyncset.done @!p0 $0x0  }
0x41: {  	[sflag:s29] =	ssyncadd.s32 @!p0 $0xFFFFF800  }
0x42: {  	[bflag:$0x0] =	sbarrier.arrive $0xFFFF  }
0x43: {  	[tilespmem:s8], [sflag:$0x1] =	stream.linear.gather [hbm4b:s9+s8], $0x2000, $0x38;
	[tilespmem:$0x6B80] =	vst v63  }
0x44: {  	_ =	swait.ge [sflag:s24], $0x2000  }
0x45: {  	[sflag:s24] =	ssyncset.done $0x0  }
0x46: {  	[sflag:s24] =	ssyncadd.s32 $0xFFFFE000  }
0x47: {  	[tilespmem:s25], [sflag:$0x1] =	stream.linear.gather [hbm4b:s10+s8], $0x2000, $0x38;
	[tilespmem:$0x6B80] =	vst v63  }
0x48: {  	_ =	swait.ge [sflag:s24], $0x2000  }
0x49: {  	[sflag:s24] =	ssyncset.done $0x0  }
0x4a: {  	[sflag:s24] =	ssyncadd.s32 $0xFFFFE000  }
0x4b: {  	[spmem:s0] =	stream.indirect.scatter.add.f32 [tilespmem:s25], [sflag:$0x1], $0x1, s8, s25, $0xb8;
	[tilespmem:$0x6B80] =	vst v63  }
0x4c: {  	_ =	swait.ge [sflag:s24], $0x2000  }
0x4d: {  	[sflag:s24] =	ssyncset.done $0x0  }
0x4e: {  	[sflag:s24] =	ssyncadd.s32 $0xFFFFE000  }
0x4f: {  	[tilespmem:s25], [sflag:$0x1] =	stream.linear.gather [hbm4b:s11+s8], $0x2000, $0x38;
	[tilespmem:$0x6B80] =	vst v63  }
0x50: {  	_ =	swait.ge [sflag:s24], $0x2000  }
0x51: {  	[sflag:s24] =	ssyncset.done $0x0  }
0x52: {  	[sflag:s24] =	ssyncadd.s32 $0xFFFFE000  }
0x53: {  	[spmem:s1] =	stream.indirect.scatter.add.f32 [tilespmem:s25], [sflag:$0x1], $0x1, s8, s25, $0xb8;
	[tilespmem:$0x6B80] =	vst v63  }
0x54: {  	_ =	swait.ge [sflag:s24], $0x2000  }
0x55: {  	[sflag:s24] =	ssyncset.done $0x0  }
0x56: {  	[sflag:s24] =	ssyncadd.s32 $0xFFFFE000  }
0x57: {  	[tilespmem:s25], [sflag:$0x1] =	stream.linear.gather [hbm4b:s12+s8], $0x2000, $0x38;
	[tilespmem:$0x6B80] =	vst v63  }
0x58: {  	_ =	swait.ge [sflag:s24], $0x2000  }
0x59: {  	[sflag:s24] =	ssyncset.done $0x0  }
0x5a: {  	[sflag:s24] =	ssyncadd.s32 $0xFFFFE000  }
0x5b: {  	[spmem:s3] =	stream.indirect.scatter.add.f32 [tilespmem:s25], [sflag:$0x1], $0x1, s8, s25, $0xb8;
	[tilespmem:$0x6B80] =	vst v63  }
0x5c: {  	_ =	swait.ge [sflag:s24], $0x2000  }
0x5d: {  	[sflag:s24] =	ssyncset.done $0x0  }
0x5e: {  	[sflag:s24] =	ssyncadd.s32 $0xFFFFE000  }
0x5f: {  	[tilespmem:s25], [sflag:$0x1] =	stream.linear.gather [hbm4b:s13+s8], $0x2000, $0x38;
	[tilespmem:$0x6B80] =	vst v63  }
0x60: {  	_ =	swait.ge [sflag:s24], $0x2000  }
0x61: {  	[sflag:s24] =	ssyncset.done $0x0  }
0x62: {  	[sflag:s24] =	ssyncadd.s32 $0xFFFFE000  }
0x63: {  	[spmem:s4] =	stream.indirect.scatter.add.f32 [tilespmem:s25], [sflag:$0x1], $0x1, s8, s25, $0xb8;
	[tilespmem:$0x6B80] =	vst v63  }
0x64: {  	_ =	swait.ge [sflag:s24], $0x2000  }
0x65: {  	[sflag:s24] =	ssyncset.done $0x0  }
0x66: {  	[sflag:s24] =	ssyncadd.s32 $0xFFFFE000  }
0x67: {  	[tilespmem:s25], [sflag:$0x1] =	stream.linear.gather [hbm4b:s14+s8], $0x2000, $0x38;
	[tilespmem:$0x6B80] =	vst v63  }
0x68: {  	_ =	swait.ge [sflag:s24], $0x2000  }
0x69: {  	[sflag:s24] =	ssyncset.done $0x0  }
0x6a: {  	[sflag:s24] =	ssyncadd.s32 $0xFFFFE000  }
0x6b: {  	[spmem:s5] =	stream.indirect.scatter.add.f32 [tilespmem:s25], [sflag:$0x1], $0x1, s8, s25, $0xb8;
	[tilespmem:$0x6B80] =	vst v63  }
0x6c: {  	_ =	swait.ge [sflag:s24], $0x2000  }
0x6d: {  	[sflag:s24] =	ssyncset.done $0x0  }
0x6e: {  	[sflag:s24] =	ssyncadd.s32 $0xFFFFE000  }
0x6f: {  	[tilespmem:s25], [sflag:$0x1] =	stream.linear.gather [hbm4b:s15+s8], $0x2000, $0x38;
	[tilespmem:$0x6B80] =	vst v63  }
0x70: {  	_ =	swait.ge [sflag:s24], $0x2000  }
0x71: {  	[sflag:s24] =	ssyncset.done $0x0  }
0x72: {  	[sflag:s24] =	ssyncadd.s32 $0xFFFFE000  }
0x73: {  	[spmem:s6] =	stream.indirect.scatter.add.f32 [tilespmem:s25], [sflag:$0x1], $0x1, s8, s25, $0xb8;
	[tilespmem:$0x6B80] =	vst v63  }
0x74: {  	_ =	swait.ge [sflag:s24], $0x2000  }
0x75: {  	[sflag:s24] =	ssyncset.done $0x0  }
0x76: {  	s2 =	simm.s32 $0x4000;
	[sflag:s24] =	ssyncadd.s32 $0xFFFFE000  }
0x77: {  	[spmem:s7] =	stream.indirect.scatter.add.f32 [tilespmem:s2], [sflag:$0x1], $0x1, s8, s25, $0xb8;
	[tilespmem:$0x6B80] =	vst v63  }
0x78: {  	_ =	swait.ge [sflag:s24], $0x2000  }
0x79: {  	[sflag:s24] =	ssyncset.done $0x0  }
0x7a: {  	s31 =	simm.s32 @!p0 $0x80;
	s26 =	simm.s32 @!p0 $0x1C01;
	[sflag:s24] =	ssyncadd.s32 $0xFFFFE000  }
0x7b: {  	s30 =	sshrl.u32 @!p0 s0, $0x3;
	s2 =	simm.s32 @!p0 $0x10;
	[bflag:$0x0] =	sbarrier.arrive $0xFFFF  }
0x7c: {  	[hbm:s16@s31], [sflag:s26] =	dma.strided @!p0 [spmem:s30@s2], $0x100, s29, $0x10   }
0x7d: {  	_ =	swait.ge @!p0 [sflag:s29], $0x100  }
0x7e: {  	[sflag:s29] =	ssyncset.done @!p0 $0x0  }
0x7f: {  	s30 =	sshrl.u32 @!p0 s1, $0x3;
	[sflag:s29] =	ssyncadd.s32 @!p0 $0xFFFFFF00  }
0x80: {  	[hbm:s17@s31], [sflag:s26] =	dma.strided @!p0 [spmem:s30@s2], $0x100, s29, $0x10   }
0x81: {  	_ =	swait.ge @!p0 [sflag:s29], $0x100  }
0x82: {  	[sflag:s29] =	ssyncset.done @!p0 $0x0  }
0x83: {  	s30 =	sshrl.u32 @!p0 s3, $0x3;
	[sflag:s29] =	ssyncadd.s32 @!p0 $0xFFFFFF00  }
0x84: {  	[hbm:s18@s31], [sflag:s26] =	dma.strided @!p0 [spmem:s30@s2], $0x100, s29, $0x10   }
0x85: {  	_ =	swait.ge @!p0 [sflag:s29], $0x100  }
0x86: {  	[sflag:s29] =	ssyncset.done @!p0 $0x0  }
0x87: {  	s30 =	sshrl.u32 @!p0 s4, $0x3;
	[sflag:s29] =	ssyncadd.s32 @!p0 $0xFFFFFF00  }
0x88: {  	[hbm:s19@s31], [sflag:s26] =	dma.strided @!p0 [spmem:s30@s2], $0x100, s29, $0x10   }
0x89: {  	_ =	swait.ge @!p0 [sflag:s29], $0x100  }
0x8a: {  	[sflag:s29] =	ssyncset.done @!p0 $0x0  }
0x8b: {  	s30 =	sshrl.u32 @!p0 s5, $0x3;
	[sflag:s29] =	ssyncadd.s32 @!p0 $0xFFFFFF00  }
0x8c: {  	[hbm:s20@s31], [sflag:s26] =	dma.strided @!p0 [spmem:s30@s2], $0x100, s29, $0x10   }
0x8d: {  	_ =	swait.ge @!p0 [sflag:s29], $0x100  }
0x8e: {  	[sflag:s29] =	ssyncset.done @!p0 $0x0  }
0x8f: {  	s30 =	sshrl.u32 @!p0 s6, $0x3;
	[sflag:s29] =	ssyncadd.s32 @!p0 $0xFFFFFF00  }
0x90: {  	[hbm:s21@s31], [sflag:s26] =	dma.strided @!p0 [spmem:s30@s2], $0x100, s29, $0x10   }
0x91: {  	s28 =	sadd.s32 $0x1, s28;
	_ =	swait.ge @!p0 [sflag:s29], $0x100  }
0x92: {  	p1 =	sne.s32 s28, s23;
	s30 =	sshrl.u32 @!p0 s7, $0x3;
	[sflag:s29] =	ssyncset.done @!p0 $0x0  }
.Ltmp2:
0x93: {  	s31 =	simm.s32 @!p0 $0x20;
	[sflag:s29] =	ssyncadd.s32 @!p0 $0xFFFFFF00;
	(pc) =	sbr.rel @p1 .LBB2_1-.Ltmp2, $4  }
0x94: {  	[hbm:s22@s31], [sflag:s26] =	dma.strided @!p0 [spmem:s30@s2], $0x100, s29, $0x10   }
0x95: {  	_ =	swait.ge @!p0 [sflag:s29], $0x100  }
0x96: {  	[sflag:s29] =	ssyncset.done @!p0 $0x0  }
0x97: {  	[sflag:s29] =	ssyncadd.s32 @!p0 $0xFFFFFF00  }
0x98: {  	_ =	sfence.sel $0x180000  }
0x99: {  	[bflag:$0x0] =	sbarrier.arrive $0xFFFF  }
0x9a: {  	_ =	strace $0x90000047  }
0x9b: {  	[bflag:$0x2] =	sbarrier.arrive $0xFFFF  }
0x9c: {  	s0 =	rddreg [dreg:$0xb]  }
0x9d: {  	s0 =	sadd.s32 @!p0 $0x100000, s0  }
0x9e: {  	[sflag:s0] =	ssyncadd.tile.s32 @!p0 $0x1;
	_ =	shalt  }
.Lfunc_end2:
_tile_overlayer_lowered:
.L_overlay_start_2:
0x9f: {  	(tag) =	ssettag $0x2  }
0xa0: {  	s0 =	rddreg [dreg:$0x0];
	s2 =	stileid.u32  }
0xa1: {  	s1 =	rddreg [dreg:$0x1];
	p0 =	sne.s32 s2, $0x0  }
0xa2: {  	s3 =	rddreg [dreg:$0x2];
	[bflag:$0x3] =	sbarrier.arrive $0xFFFF;
	s2 =	simm.s32 @!p0 $0x1C01  }
0xa3: {  	[timem:s3], [sflag:s2] =	dma.local @!p0 [hbm:s0], s1  }
0xa4: {  	s0 =	simm.s32 @!p0 $0x1  }
0xa5: {  	_ =	swait.ge @!p0 [sflag:s0], s1  }
0xa6: {  	s1 =	ssub.s32 @!p0 $0x0, s1;
	[sflag:s0] =	ssyncset.done @!p0 $0x0  }
0xa7: {  	[sflag:s0] =	ssyncadd.s32 @!p0 s1  }
0xa8: {  	[bflag:$0x3] =	sbarrier.arrive $0xFFFF  }
0xa9: {  	_ =	shalt  }

// kernel: kernel.8.cloned.1.call-start
scs
__scs_entry_jumppad:
0x0: {  	(pc) =	sbr.rel $0x88, $3  }
0x1: {  	(tag) =	ssettag $0x0;
	lr =	simm.s32 $0x1  }
0x2: {  	[smem:$0x3F9B] =	sst lr;
	_ =	strace $0xD0000000  }
0x3: {  	_ = 	snop  }
0x4: {  	_ = 	snop  }
0x5: {  	_ = 	snop  }
0x6: {  	_ = 	snop  }
0x7: {  	_ = 	snop  }
__scs_overlays_trampoline_lowered:
0x8: {  	[smem:$0x3FAA] =	sst s0  }
0x9: {  	[smem:$0x3FAB] =	sst s1  }
0xa: {  	[smem:$0x3FAC] =	sst s2  }
0xb: {  	[smem:$0x3FAD] =	sst s3  }
0xc: {  	[smem:$0x3FAE] =	sst s4  }
0xd: {  	[smem:$0x3FAF] =	sst s5  }
0xe: {  	[smem:$0x3FB0] =	sst s6  }
0xf: {  	[smem:$0x3FB1] =	sst s7  }
0x10: {  	[smem:$0x3FB2] =	sst s8  }
0x11: {  	[smem:$0x3FB3] =	sst s9;
	s0 =	simm.s32 @!p0 $0x0  }
0x12: {  	s1 =	sld [smem:$0x3F99];
	s0 =	simm.s32 @p0 $0x1  }
0x13: {  	[smem:$0x3FB4] =	sst s0;
	s0 =	simm.s32 @!p1 $0x0  }
0x14: {  	s2 =	sld [smem:$0x3F98];
	s0 =	simm.s32 @p1 $0x1  }
0x15: {  	[smem:$0x3FB5] =	sst s0;
	s0 =	simm.s32 @!p2 $0x0  }
0x16: {  	s3 =	sld [smem:$0x3FDB];
	s0 =	simm.s32 @p2 $0x1  }
0x17: {  	s4 =	simm.s32 $0x1BF5;
	[smem:$0x3FB7] =	sst s0  }
0x18: {  	s0 =	sld [smem:$0x3F9A];
	_ =	swait.ge [sflag:s4], $0x0  }
0x19: {  	s7 =	sld [smem:$0x3F9B]  }
0x1a: {  	s8 =	sadd.s32 $0xFFFFE003, lr  }
0x1b: {  	s9 =	sadd.s32 $0xFFFFFEF7, lr;
	s5 =	simm.s32 $0xFFFFFFFF;
	p2 =	slt.u32 s8, $0xFFFFF086  }
0x1c: {  	p1 =	slt.u32 s9, $0xF7A;
	s5 =	simm.s32 @!p2 $0x0  }
0x1d: {  	s5 =	simm.s32 @p1 $0x1;
	p0 =	seq.s32 s7, s2  }
0x1e: {  	s7 =	smul.u32 @!p0 $0xF7A, s2;
	p2 =	seq.s32 @!p0 s5, $0x0  }
0x1f: {  	s9 =	smul.u32 $0xF7A, s1;
	s8 =	simm.s32 @!p0 $0x1BF5;
	p2 =	por !p2, p0  }
0x20: {  	[sflag:s8] =	ssyncset.s32 @!p0 $0xFFFFF086;
	s6 =	sadd.s32 @!p0 s3, s7;
	s7 =	simm.s32 @!p0 $0x108  }
0x21: {  	s3 =	sadd.s32 s3, s9;
	s6 =	sadd.s32 @!p0 $0x88, s6;
	s7 =	simm.s32 @p2 $0x1082  }
0x22: {  	[simem:s7], [sflag:s8] =	dma.local @!p0 [hbm:s6], $0xF7A  }
0x23: {  	s9 =	sor.u32 $0xD0000000, s2;
	s6 =	simm.s32 $0x108;
	_ =	swait.ge @!p0 [sflag:s8], $0x0  }
0x24: {  	s3 =	sadd.s32 $0x88, s3;
	s6 =	simm.s32 @!p1 $0x1082;
	[sflag:s4] =	ssyncset.s32 $0xFFFFF086  }
0x25: {  	[simem:s6], [sflag:s4] =	dma.local [hbm:s3], $0xF7A  }
0x26: {  	[smem:$0x3F9B] =	sst s1;
	(tag) =	ssettag s2;
	_ =	strace s9  }
0x27: {  	s1 =	sld [smem:$0x3FAB]  }
0x28: {  	s2 =	sld [smem:$0x3FAC]  }
0x29: {  	s4 =	sld [smem:$0x3FAE]  }
0x2a: {  	p0 =	seq.s32 s5, $0x0;
	s5 =	sld [smem:$0x3FAF]  }
0x2b: {  	s6 =	sld [smem:$0x3FB0]  }
0x2c: {  	s7 =	sld [smem:$0x3FB1]  }
0x2d: {  	s3 =	simm.s32 $0x108;
	s8 =	sld [smem:$0x3FB2]  }
0x2e: {  	s3 =	simm.s32 @!p0 $0x1082;
	s9 =	sld [smem:$0x3FB3]  }
0x2f: {  	lr =	sadd.s32 s0, s3;
	s0 =	sld [smem:$0x3FAA]  }
0x30: {  	s3 =	sld [smem:$0x3FAD]  }
0x31: {  	[smem:$0x3FB6] =	sst s10  }
0x32: {  	s10 =	sld [smem:$0x3FB4];
	_ =	sdelay $0x3  }
0x33: {  	p0 =	seq.s32 s10, $0x1;
	s10 =	sld [smem:$0x3FB6];
	_ =	sdelay $0x3  }
0x34: {  	[smem:$0x3FB6] =	sst s10  }
0x35: {  	s10 =	sld [smem:$0x3FB5];
	_ =	sdelay $0x3  }
0x36: {  	p1 =	seq.s32 s10, $0x1;
	s10 =	sld [smem:$0x3FB6];
	_ =	sdelay $0x3  }
0x37: {  	[smem:$0x3FB6] =	sst s10  }
0x38: {  	s10 =	sld [smem:$0x3FB7]  }
0x39: {  	_ = 	snop;
	(pc) =	sbr.ind lr, $3  }
0x3a: {  	_ = 	snop  }
0x3b: {  	_ = 	snop  }
0x3c: {  	p2 =	seq.s32 s10, $0x1;
	s10 =	sld [smem:$0x3FB6]  }
0x3d: {  	_ =	shalt  }
0x3e: {  	_ =	shalt  }
0x3f: {  	_ =	shalt  }
0x40: {  	_ =	shalt  }
0x41: {  	_ =	shalt  }
0x42: {  	_ =	shalt  }
0x43: {  	_ =	shalt  }
0x44: {  	_ =	shalt  }
0x45: {  	_ =	shalt  }
0x46: {  	_ =	shalt  }
0x47: {  	_ =	shalt  }
0x48: {  	_ =	shalt  }
0x49: {  	_ =	shalt  }
0x4a: {  	_ =	shalt  }
0x4b: {  	_ =	shalt  }
0x4c: {  	_ =	shalt  }
0x4d: {  	_ =	shalt  }
0x4e: {  	_ =	shalt  }
0x4f: {  	_ =	shalt  }
0x50: {  	_ =	shalt  }
0x51: {  	_ =	shalt  }
0x52: {  	_ =	shalt  }
0x53: {  	_ =	shalt  }
0x54: {  	_ =	shalt  }
0x55: {  	_ =	shalt  }
0x56: {  	_ =	shalt  }
0x57: {  	_ =	shalt  }
0x58: {  	_ =	shalt  }
0x59: {  	_ =	shalt  }
0x5a: {  	_ =	shalt  }
0x5b: {  	_ =	shalt  }
0x5c: {  	_ =	shalt  }
0x5d: {  	_ =	shalt  }
0x5e: {  	_ =	shalt  }
0x5f: {  	_ =	shalt  }
0x60: {  	_ =	shalt  }
0x61: {  	_ =	shalt  }
0x62: {  	_ =	shalt  }
0x63: {  	_ =	shalt  }
0x64: {  	_ =	shalt  }
0x65: {  	_ =	shalt  }
0x66: {  	_ =	shalt  }
0x67: {  	_ =	shalt  }
0x68: {  	_ =	shalt  }
0x69: {  	_ =	shalt  }
0x6a: {  	_ =	shalt  }
0x6b: {  	_ =	shalt  }
0x6c: {  	_ =	shalt  }
0x6d: {  	_ =	shalt  }
0x6e: {  	_ =	shalt  }
0x6f: {  	_ =	shalt  }
0x70: {  	_ =	shalt  }
0x71: {  	_ =	shalt  }
0x72: {  	_ =	shalt  }
0x73: {  	_ =	shalt  }
0x74: {  	_ =	shalt  }
0x75: {  	_ =	shalt  }
0x76: {  	_ =	shalt  }
0x77: {  	_ =	shalt  }
0x78: {  	_ =	shalt  }
0x79: {  	_ =	shalt  }
0x7a: {  	_ =	shalt  }
0x7b: {  	_ =	shalt  }
0x7c: {  	_ =	shalt  }
0x7d: {  	_ =	shalt  }
0x7e: {  	_ =	shalt  }
0x7f: {  	_ =	shalt  }
0x80: {  	_ =	shalt  }
0x81: {  	_ =	shalt  }
0x82: {  	_ =	shalt  }
0x83: {  	_ =	shalt  }
0x84: {  	_ =	shalt  }
0x85: {  	_ =	shalt  }
0x86: {  	_ =	shalt  }
0x87: {  	_ =	shalt  }
.Lfunc_end0:
.L_simem_size_0:
called_computation.1_lowered:
.L_overlay_start_0:
0x88: {  	s2 =	sld [smem:$0x3FD9]  }
0x89: {  	s3 =	sld [smem:$0x3FFE];
	_ =	sdelay $0x1  }
0x8a: {  	s1 =	srdreg.scid  }
0x8b: {  	s0 =	sand.u32 $0x1, s1  }
0x8c: {  	s14 =	sshll.u32 s0, $0xA;
	s2 =	sadd.s32 s3, s2  }
0x8d: {  	s2 =	sadd.s32 s2, s14  }
0x8e: {  	[smem:$0x3FC2] =	sst s2  }
0x8f: {  	_ = 	snop  }
0x90: {  	s2 =	sld [smem:$0x3FD0];
	_ =	sdelay $0x1  }
0x91: {  	s15 =	sld [smem:$0x3FC9]  }
0x92: {  	s5 =	simm.s32 $0xA;
	s6 =	simm.s32 $0x10;
	s4 =	sld [smem:$0x3FC7]  }
0x93: {  	[smem:s6], [sflag:s5] =	dma.local [hbm:s2], $0x1  }
0x94: {  	_ =	swait.eq [sflag:s5], $0x1  }
0x95: {  	s16 =	sld [smem:$0x11]  }
0x96: {  	s17 =	sld [smem:$0x12];
	[sflag:s5] =	ssyncset.done $0x0  }
0x97: {  	s7 =	sld [smem:$0x13];
	[sflag:s5] =	ssyncadd.s32 $0xFFFFFFFF  }
0x98: {  	s18 =	sld [smem:$0x14];
	(tm) =	ssettm $0x1  }
0x99: {  	s8 =	sld [smem:$0x3FFB];
	_ =	sdelay $0x3  }
0x9a: {  	_ =	strace s8  }
0x9b: {  	s8 =	sld [smem:$0x3FFC];
	_ =	sdelay $0x3  }
0x9c: {  	_ =	strace s8  }
0x9d: {  	s8 =	sld [smem:$0x3FFD];
	_ =	sdelay $0x3  }
0x9e: {  	_ =	strace s8  }
0x9f: {  	_ =	strace $0x8FFFFFFF  }
0xa0: {  	s19 =	sld [smem:$0x3FDB];
	_ =	sdelay $0x1  }
0xa1: {  	s9 =	simm.s32 $_scs_section_size  }
0xa2: {  	s10 =	simm.s32 $_size__tile_overlayer_lowered;
	s11 =	simm.s32 $_tile_overlayer_lowered  }
0xa3: {  	s22 =	simm.s32 $0x1BFF;
	s21 =	sshll.u32 s11, $0x1;
	s8 =	sadd.s32 s9, s19  }
0xa4: {  	s12 =	simm.s32 $0x0;
	s20 =	sshll.u32 s10, $0x1;
	s10 =	sadd.s32 s21, s8  }
0xa5: {  	[timem:s12], [sflag:s22] =	dma.local [hbm:s10], s20  }
0xa6: {  	_ =	swait.ge [sflag:s22], s20  }
0xa7: {  	s9 =	ssub.s32 $0x0, s20;
	[sflag:s22] =	ssyncset.done $0x0  }
0xa8: {  	[sflag:s22] =	ssyncadd.s32 s9;
	_ =	sdelay $0x1  }
0xa9: {  	s23 =	simm.s32 $0x1B8B  }
0xaa: {  	_ =	swait.ge [sflag:s23], $0x1  }
0xab: {  	[sflag:s23] =	ssyncset.done $0x0  }
0xac: {  	s25 =	simm.s32 $0x1B8E;
	s24 =	sld [smem:$0x3FFE];
	[sflag:s23] =	ssyncadd.s32 $0xFFFFFFFF  }
0xad: {  	s26 =	simm.s32 $execute0_lowered;
	[smem:$0x3FD2] =	sst s25  }
0xae: {  	s10 =	sshll.u32 s26, $0x1;
	_ =	strace $0x80000049;
	[dreg:$0x1] =	wrdreg $0xFFFFFFFF  }
0xaf: {  	s28 =	simm.s32 $_size_execute0_lowered;
	s8 =	sadd.s32 s8, s10;
	[dreg:$0x0] =	wrdreg $0x0  }
0xb0: {  	s10 =	sshll.u32 s28, $0x1;
	[dreg:$0x2] =	wrdreg s8  }
0xb1: {  	[dreg:$0x3] =	wrdreg s10  }
0xb2: {  	[dreg:$0x4] =	wrdreg $0xC0  }
0xb3: {  	_ =	task [dreg:s12], $0x5FFFF  }
0xb4: {  	[dreg:$0x1] =	wrdreg $0xFFFFFFFF  }
0xb5: {  	[dreg:$0x0] =	wrdreg $0x60  }
0xb6: {  	[dreg:$0x2] =	wrdreg s4  }
0xb7: {  	[dreg:$0x3] =	wrdreg s15  }
0xb8: {  	[dreg:$0x4] =	wrdreg s18  }
0xb9: {  	[dreg:$0x5] =	wrdreg s7  }
0xba: {  	[dreg:$0x6] =	wrdreg s17  }
0xbb: {  	[dreg:$0x7] =	wrdreg s24  }
0xbc: {  	[dreg:$0x8] =	wrdreg s16  }
0xbd: {  	[dreg:$0x9] =	wrdreg $0x160000  }
0xbe: {  	[dreg:$0xa] =	wrdreg $0x160800  }
0xbf: {  	[dreg:$0xb] =	wrdreg $0x161000  }
0xc0: {  	[dreg:$0xc] =	wrdreg $0x9  }
0xc1: {  	_ =	task.clear_ibuf [dreg:s12], $0xDFFFF;
	_ =	strace $0x90000049  }
0xc2: {  	s29 =	simm.s32 $0x9;
	_ =	strace $0x8000004B  }
0xc3: {  	_ =	swait.ge [sflag:s29], $0x1  }
0xc4: {  	[sflag:s29] =	ssyncadd.s32 $0xFFFFFFFF  }
0xc5: {  	_ =	strace $0x9000004B  }
0xc6: {  	_ =	sfence  }
0xc7: {  	s30 =	sld [smem:$0x0];
	_ =	sdelay $0x2  }
0xc8: {  	s31 =	sshll.u32 s1, $0xD;
	s1 =	sshrl.u32 s1, $0x2  }
0xc9: {  	s3 =	sand.u32 $0x4000, s31;
	s1 =	sadd.s32 s1, s30  }
0xca: {  	s0 =	sor.u32 s3, s0;
	s1 =	sshll.u32 s1, $0x11  }
0xcb: {  	s0 =	sor.u32 s1, s0  }
0xcc: {  	s0 =	sadd.s32 $0x8F2B, s0  }
0xcd: {  	[sflag:s0] =	ssyncadd.remote.s32 $0x1  }
0xce: {  	_ =	sfence.sel $0xFFFF  }
0xcf: {  	[dreg:$0x0] =	wrdreg $0xFFFFFFFF;
	(pc) =	sbr.abs _section_cstart, $3  }
0xd0: {  	[dreg:$0x1] =	wrdreg $0xFFFFFFFF  }
0xd1: {  	_ =	task.clear_ibuf [dreg:s12], $0x2FFFF;
	_ =	strace $0x9FFFFFFF  }
0xd2: {  	(tm) =	ssettm $0x7FFFFFFF  }
0xd3: {  	_ =	shalt  }
tec
execute0_lowered:
.L_overlay_start_1:
0x0: {  	(tag) =	ssettag $0x1  }
0x1: {  	s6 =	rddreg [dreg:$0x2];
	s2 =	srdreg.scid  }
0x2: {  	s7 =	rddreg [dreg:$0x3];
	s3 =	stileid.u32;
	s5 =	sand.u32 $0x1, s2  }
0x3: {  	s8 =	rddreg [dreg:$0x4];
	s20 =	sshll.u32 s3, $0xB;
	s10 =	sshll.u32 s5, $0xA  }
0x4: {  	s1 =	rddreg [dreg:$0x5];
	s10 =	sor.u32 s10, s20  }
0x5: {  	s4 =	rddreg [dreg:$0x6];
	s0 =	simm.s32 $0x0;
	s14 =	sor.u32 $0x8000, s10  }
0x6: {  	[smem:$0x7FF] =	sst s0;
	s22 =	sadd.s32 s6, s14  }
0x7: {  	s15 =	sadd.s32 s7, s14;
	[dreg:$0xb] =	wrdreg s22  }
0x8: {  	s23 =	sor.u32 $0x10000, s10;
	s24 =	sadd.s32 s8, s14;
	[dreg:$0xc] =	wrdreg s15  }
0x9: {  	s25 =	sadd.s32 s6, s23;
	[dreg:$0xd] =	wrdreg s24  }
0xa: {  	s26 =	sadd.s32 s7, s23;
	[dreg:$0xe] =	wrdreg s25  }
0xb: {  	s9 =	sadd.s32 $0x3800, s1;
	s16 =	sadd.s32 s8, s23;
	[dreg:$0xf] =	wrdreg s26  }
0xc: {  	s11 =	sadd.s32 $0x1B800, s1;
	s17 =	sadd.s32 s9, s14;
	[dreg:$0x10] =	wrdreg s16  }
0xd: {  	s18 =	sadd.s32 s11, s14;
	[dreg:$0x11] =	wrdreg s17  }
0xe: {  	s13 =	sadd.s32 $0x33800, s1;
	s19 =	sadd.s32 s4, s14;
	[dreg:$0x12] =	wrdreg s18  }
0xf: {  	s12 =	ssub.s32 $0x2, s5;
	s14 =	sadd.s32 s13, s14;
	[dreg:$0x13] =	wrdreg s19  }
0x10: {  	s21 =	sshrl.u32 s12, $0x1;
	s20 =	sadd.s32 s9, s23;
	[dreg:$0x14] =	wrdreg s14  }
0x11: {  	s2 =	ssub.s32 s12, s21;
	s21 =	sadd.s32 s11, s23;
	[dreg:$0x15] =	wrdreg s20  }
0x12: {  	s12 =	sadd.s32 s13, s23;
	[dreg:$0x16] =	wrdreg s21  }
0x13: {  	[dreg:$0x18] =	wrdreg s12  }
0x14: {  	s22 =	sadd.s32 s4, s23;
	s23 =	rddreg [dreg:$0x0]  }
0x15: {  	s25 =	rddreg [dreg:$0x1]  }
0x16: {  	s16 =	sadd.s32 s6, s10;
	[dreg:$0x17] =	wrdreg s22  }
0x17: {  	s17 =	sadd.s32 s7, s10;
	[dreg:$0x1d] =	wrdreg s16  }
0x18: {  	s18 =	sadd.s32 s8, s10;
	[dreg:$0x1e] =	wrdreg s17  }
0x19: {  	s19 =	sadd.s32 s9, s10;
	[dreg:$0x1f] =	wrdreg s18  }
0x1a: {  	s20 =	sadd.s32 s11, s10;
	[smem:$0x7D3] =	sst s19  }
0x1b: {  	s21 =	sadd.s32 s4, s10;
	[smem:$0x7D4] =	sst s20  }
0x1c: {  	s14 =	sor.u32 $0x200, s10;
	s24 =	sadd.s32 s23, s10;
	[smem:$0x7D5] =	sst s21  }
0x1d: {  	s12 =	sadd.s32 s23, s14;
	[dreg:$0x19] =	wrdreg s24  }
0x1e: {  	s26 =	sadd.s32 s25, s10;
	[dreg:$0x1a] =	wrdreg s12  }
0x1f: {  	s22 =	sadd.s32 s13, s10;
	[dreg:$0x1b] =	wrdreg s26  }
0x20: {  	s23 =	sadd.s32 s6, s14;
	[smem:$0x7D6] =	sst s22  }
0x21: {  	s15 =	sadd.s32 s8, s14;
	[smem:$0x7D7] =	sst s23  }
0x22: {  	s18 =	sadd.s32 s9, s14;
	[smem:$0x7DD] =	sst s15  }
0x23: {  	s19 =	sadd.s32 s11, s14;
	[smem:$0x7E0] =	sst s18  }
0x24: {  	s20 =	sadd.s32 s4, s14;
	[smem:$0x7E1] =	sst s19  }
0x25: {  	s21 =	sadd.s32 s13, s14;
	[smem:$0x7E2] =	sst s20  }
0x26: {  	s12 =	sadd.s32 s25, s14;
	[smem:$0x7E3] =	sst s21  }
0x27: {  	s25 =	sadd.s32 s7, s14;
	[dreg:$0x1c] =	wrdreg s12;
	s12 =	sor.u32 $0x8200, s10  }
0x28: {  	s10 =	sor.u32 $0x10200, s10;
	[smem:$0x7DA] =	sst s25;
	s24 =	sadd.s32 s6, s12  }
0x29: {  	s6 =	sadd.s32 s6, s10;
	[smem:$0x7D8] =	sst s24  }
0x2a: {  	s26 =	sadd.s32 s7, s12;
	[smem:$0x7D9] =	sst s6  }
0x2b: {  	s7 =	sadd.s32 s7, s10;
	[smem:$0x7DB] =	sst s26  }
0x2c: {  	s16 =	sadd.s32 s8, s12;
	[smem:$0x7DC] =	sst s7  }
0x2d: {  	s17 =	sadd.s32 s8, s10;
	[smem:$0x7DE] =	sst s16  }
0x2e: {  	s22 =	sadd.s32 s9, s12;
	[smem:$0x7DF] =	sst s17  }
0x2f: {  	s23 =	sadd.s32 s11, s12;
	[smem:$0x7E4] =	sst s22  }
0x30: {  	s25 =	sadd.s32 s13, s12;
	[smem:$0x7E5] =	sst s23  }
0x31: {  	s24 =	sadd.s32 s4, s12;
	[smem:$0x7E7] =	sst s25  }
0x32: {  	s26 =	sadd.s32 s9, s10;
	[smem:$0x7E6] =	sst s24  }
0x33: {  	s8 =	smul.u32 $0x180, s5;
	s7 =	sadd.s32 s11, s10;
	[smem:$0x7E8] =	sst s26  }
0x34: {  	s5 =	smul.u32 $0x30, s5;
	s4 =	sadd.s32 s4, s10;
	[smem:$0x7E9] =	sst s7  }
0x35: {  	s9 =	sadd.s32 s13, s10;
	s10 =	sadd.s32 $0x4B800, s1;
	[smem:$0x7EA] =	sst s4  }
0x36: {  	[smem:$0x7EB] =	sst s9;
	s5 =	sadd.s32 s10, s5  }
0x37: {  	s11 =	sadd.s32 $0x2600, s1;
	[smem:$0x7EC] =	sst s5  }
0x38: {  	s12 =	sadd.s32 $0x2E00, s1;
	_ =	strace $0x8000004A;
	[smem:$0x7ED] =	sst s11  }
0x39: {  	s13 =	sadd.s32 $0x3600, s1;
	[smem:$0x7EE] =	sst s12  }
0x3a: {  	s28 =	simm.s32 $0x7000;
	s14 =	sadd.s32 $0x3610, s1;
	[smem:$0x7EF] =	sst s13  }
0x3b: {  	s29 =	simm.s32 $0xA000;
	s15 =	sadd.s32 $0x2630, s1;
	[smem:$0x7F0] =	sst s14  }
0x3c: {  	s30 =	simm.s32 $0xE000;
	s16 =	sadd.s32 $0x2E30, s1;
	[smem:$0x7F1] =	sst s15  }
0x3d: {  	s31 =	simm.s32 $0x8000;
	s17 =	sadd.s32 $0x2610, s1;
	[smem:$0x7F2] =	sst s16  }
0x3e: {  	p0 =	sne.s32 s3, $0x0;
	s18 =	sadd.s32 $0x2640, s1;
	[smem:$0x7F3] =	sst s17  }
0x3f: {  	s3 =	simm.s32 $0x11000;
	s19 =	sadd.s32 $0x2E10, s1;
	[smem:$0x7F4] =	sst s18  }
0x40: {  	s20 =	sadd.s32 $0x2E40, s1;
	s21 =	sadd.s32 $0x2620, s1;
	[smem:$0x7F5] =	sst s19  }
0x41: {  	s22 =	sadd.s32 $0x2650, s1;
	s23 =	sadd.s32 $0x2E20, s1;
	[smem:$0x7F6] =	sst s20  }
0x42: {  	s1 =	sadd.s32 $0x2E50, s1;
	s4 =	sshrl.u32 s8, $0x3;
	[smem:$0x7F7] =	sst s21  }
0x43: {  	s26 =	smax.u32 s2, $0x1;
	s8 =	simm.s32 $0x80;
	[smem:$0x7F8] =	sst s22  }
0x44: {  	s9 =	simm.s32 $0x13800;
	s2 =	simm.s32 $0xF000;
	[smem:$0x7F9] =	sst s23  }
0x45: {  	s4 =	sadd.s32 s10, s4;
	s10 =	simm.s32 $0x1;
	[smem:$0x7FA] =	sst s1  }
0x46: {  	s24 =	sadd.s32 $0x10, s4;
	s25 =	sadd.s32 $0x20, s4;
	[smem:$0x7FD] =	sst s26  }
0x47: {  	s11 =	simm.s32 $0x15800;
	s12 =	simm.s32 $0x400;
	s13 =	simm.s32 $0x12000  }
0x48: {  	s14 =	simm.s32 $0x12800;
	s15 =	simm.s32 $0x14000;
	s17 =	simm.s32 $0x13000  }
0x49: {  	s20 =	simm.s32 $0x14800;
	s21 =	simm.s32 $0x1000;
	s26 =	simm.s32 $0xD000  }
0x4a: {  	s1 =	simm.s32 $0xB000;
	s4 =	simm.s32 $0x0;
	[smem:$0x7FB] =	sst s24  }
0x4b: {  	v0 =	vimm.f32 $0.0e+00;
	[smem:$0x7FC] =	sst s25;
	s24 =	simm.s32 $0x6000;
	s25 =	simm.s32 $0x9000  }
.LBB2_1:
0x4c: {  	s5 =	simm.s32 $0x40;
	s6 =	simm.s32 $0x0  }
.LBB2_2:
0x4d: {  	p1 =	sne.s32 s5, $0x1FC0;
	[tilespmem:s6+$0x15800] =	vst v0;
	s6 =	smov.u32 s5;
	s5 =	sadd.s32 $0x40, s5  }
.Ltmp0:
0x4e: {  	(pc) =	sbr.rel @p1 .LBB2_2-.Ltmp0, $2  }
0x4f: {  	_ =	sdelay $0x2  }
0x50: {  	s6 =	sshra.s32 s6, $0x2  }
0x51: {  	[tilespmem:s6+$0x15800] =	vst v0;
	s5 =	simm.s32 @!p0 $0x15800;
	s6 =	rddreg [dreg:$0x7]  }
0x52: {  	[spmem:s6] =	stream.linear.scatter @!p0 [tilespmem:s5], [sflag:$0x1], $0x800, $0x38;
	[tilespmem:$0x16180] =	vst v63  }
0x53: {  	s6 =	simm.s32 @!p0 $0x1  }
0x54: {  	_ =	swait.ge @!p0 [sflag:s6], $0x800  }
0x55: {  	[sflag:s6] =	ssyncset.done @!p0 $0x0  }
0x56: {  	[sflag:s6] =	ssyncadd.s32 @!p0 $0xFFFFF800  }
0x57: {  	s7 =	rddreg [dreg:$0x8]  }
0x58: {  	[spmem:s7] =	stream.linear.scatter @!p0 [tilespmem:s5], [sflag:$0x1], $0x800, $0x38;
	[tilespmem:$0x16180] =	vst v63  }
0x59: {  	_ =	swait.ge @!p0 [sflag:s6], $0x800  }
0x5a: {  	[sflag:s6] =	ssyncset.done @!p0 $0x0  }
0x5b: {  	[sflag:s6] =	ssyncadd.s32 @!p0 $0xFFFFF800  }
0x5c: {  	s7 =	rddreg [dreg:$0x9]  }
0x5d: {  	[spmem:s7] =	stream.linear.scatter @!p0 [tilespmem:s5], [sflag:$0x1], $0x800, $0x38;
	[tilespmem:$0x16180] =	vst v63  }
0x5e: {  	_ =	swait.ge @!p0 [sflag:s6], $0x800  }
0x5f: {  	s18 =	sld [smem:$0x7EF]  }
0x60: {  	[sflag:s6] =	ssyncset.done @!p0 $0x0  }
0x61: {  	s19 =	simm.s32 $0x100;
	s22 =	simm.s32 $0x15000;
	[sflag:s6] =	ssyncadd.s32 @!p0 $0xFFFFF800  }
0x62: {  	[tilespmem:s22], [sflag:$0x1] =	stream.strided.gather [hbm4b:s18+s8], $0x800, s19, s8, $0x38;
	[tilespmem:$0x16180] =	vst v63  }
0x63: {  	_ =	swait.ge [sflag:s10], $0x800  }
0x64: {  	s23 =	sld [smem:$0x7F0]  }
0x65: {  	[sflag:s10] =	ssyncset.done $0x0  }
0x66: {  	[sflag:s10] =	ssyncadd.s32 $0xFFFFF800  }
0x67: {  	[tilespmem:s11], [sflag:$0x1] =	stream.strided.gather [hbm4b:s23+s8], $0x800, s19, s8, $0x38;
	[tilespmem:$0x16180] =	vst v63  }
0x68: {  	_ =	swait.ge [sflag:s10], $0x800  }
0x69: {  	[sflag:s10] =	ssyncset.done $0x0  }
0x6a: {  	s5 =	simm.s32 $0x0;
	[sflag:s10] =	ssyncadd.s32 $0xFFFFF800  }
0x6b: {  	s6 =	simm.s32 $0x40;
	s23 =	simm.s32 $0xC000;
	v1 =	vld [tilespmem:s5+$0x15800]  }
.LBB2_4:
0x6c: {  	p1 =	sne.s32 s6, $0x1FC0;
	v2 =	vld [tilespmem:s5+$0x15000];
	_ =	sdelay $0x3  }
.Ltmp1:
0x6d: {  	(pc) =	sbr.rel @p1 .LBB2_4-.Ltmp1, $3  }
0x6e: {  	v1 =	vadd.f32 v1, v2;
	_ =	sdelay $0x1  }
0x6f: {  	s7 =	sshra.s32 s6, $0x2;
	v2 =	vmax.f32 v1, $1.000000000e+00  }
0x70: {  	s6 =	sadd.s32 $0x40, s6;
	v1 =	vld [tilespmem:s7+$0x15800];
	[tilespmem:s5+$0x15000] =	vst v2;
	s5 =	smov.u32 s7  }
0x71: {  	v2 =	vld [tilespmem:s5+$0x15000];
	_ =	sdelay $0x4  }
0x72: {  	v1 =	vadd.f32 v1, v2  }
0x73: {  	s19 =	sld [smem:$0x7ED]  }
0x74: {  	v1 =	vmax.f32 v1, $1.000000000e+00  }
0x75: {  	[tilespmem:s5+$0x15000] =	vst v1  }
0x76: {  	[tilespmem:s13], [sflag:$0x1] =	stream.strided.gather [hbm4b:s19+s8], $0x800, s12, s8, $0x38;
	[tilespmem:$0x16180] =	vst v63  }
0x77: {  	_ =	swait.ge [sflag:s10], $0x800  }
0x78: {  	s22 =	sld [smem:$0x7F1]  }
0x79: {  	[sflag:s10] =	ssyncset.done $0x0  }
0x7a: {  	[sflag:s10] =	ssyncadd.s32 $0xFFFFF800  }
0x7b: {  	[tilespmem:s11], [sflag:$0x1] =	stream.strided.gather [hbm4b:s22+s8], $0x800, s12, s8, $0x38;
	[tilespmem:$0x16180] =	vst v63  }
0x7c: {  	_ =	swait.ge [sflag:s10], $0x800  }
0x7d: {  	[sflag:s10] =	ssyncset.done $0x0  }
0x7e: {  	s5 =	simm.s32 $0x0;
	[sflag:s10] =	ssyncadd.s32 $0xFFFFF800  }
0x7f: {  	v2 =	vld [tilespmem:s5+$0x15000];
	_ =	sdelay $0x4  }
0x80: {  	(erf) = vrcp.f32 v2;
	_ =	sdelay $0x1  }
0x81: {  	v1 =	vld [tilespmem:s5+$0x15800]  }
0x82: {  	v2 =	vld [tilespmem:s5+$0x12000]  }
0x83: {  	s6 =	simm.s32 $0x10;
	s7 =	simm.s32 $0x80  }
.LBB2_6:
0x84: {  	p1 =	sne.s32 s7, $0x1FC0;
	v3 =	vld [tilespmem:s6+$0x15000];
	_ =	sdelay $0x2  }
0x85: {  	v1 =	vadd.f32 v1, v2  }
0x86: {  	v2 =	vpop (erf)  }
.Ltmp2:
0x87: {  	(erf) = vrcp.f32 v3;
	v2 =	vmul.f32 v2, v1;
	(pc) =	sbr.rel @p1 .LBB2_6-.Ltmp2, $4  }
0x88: {  	_ = 	snop  }
0x89: {  	v1 =	vld [tilespmem:s6+$0x15800];
	[tilespmem:s5+$0x12000] =	vst v2;
	s5 =	smov.u32 s6  }
0x8a: {  	v2 =	vld [tilespmem:s5+$0x12000]  }
0x8b: {  	s6 =	sshra.s32 s7, $0x2;
	s7 =	sadd.s32 $0x40, s7  }
0x8c: {  	v3 =	vld [tilespmem:s6+$0x15000];
	_ =	sdelay $0x2  }
0x8d: {  	v1 =	vadd.f32 v1, v2  }
0x8e: {  	v2 =	vpop (erf)  }
0x8f: {  	(erf) = vrcp.f32 v3;
	v1 =	vmul.f32 v2, v1;
	_ =	sdelay $0x1  }
0x90: {  	v2 =	vld [tilespmem:s6+$0x15800];
	[tilespmem:s5+$0x12000] =	vst v1  }
0x91: {  	v1 =	vld [tilespmem:s6+$0x12000];
	_ =	sdelay $0x4  }
0x92: {  	v1 =	vadd.f32 v2, v1  }
0x93: {  	v2 =	vpop (erf)  }
0x94: {  	s19 =	sld [smem:$0x7EE];
	v1 =	vmul.f32 v2, v1;
	_ =	sdelay $0x1  }
0x95: {  	[tilespmem:s6+$0x12000] =	vst v1  }
0x96: {  	[tilespmem:s9], [sflag:$0x1] =	stream.strided.gather [hbm4b:s19+s8], $0x800, s12, s8, $0x38;
	[tilespmem:$0x16180] =	vst v63  }
0x97: {  	_ =	swait.ge [sflag:s10], $0x800  }
0x98: {  	s22 =	sld [smem:$0x7F2]  }
0x99: {  	[sflag:s10] =	ssyncset.done $0x0  }
0x9a: {  	[sflag:s10] =	ssyncadd.s32 $0xFFFFF800  }
0x9b: {  	[tilespmem:s11], [sflag:$0x1] =	stream.strided.gather [hbm4b:s22+s8], $0x800, s12, s8, $0x38;
	[tilespmem:$0x16180] =	vst v63  }
0x9c: {  	_ =	swait.ge [sflag:s10], $0x800  }
0x9d: {  	[sflag:s10] =	ssyncset.done $0x0  }
0x9e: {  	s5 =	simm.s32 $0x0;
	[sflag:s10] =	ssyncadd.s32 $0xFFFFF800  }
0x9f: {  	v2 =	vld [tilespmem:s5+$0x15000];
	_ =	sdelay $0x4  }
0xa0: {  	(erf) = vrcp.f32 v2;
	_ =	sdelay $0x1  }
0xa1: {  	v1 =	vld [tilespmem:s5+$0x15800]  }
0xa2: {  	v2 =	vld [tilespmem:s5+$0x13800]  }
0xa3: {  	s7 =	simm.s32 $0x80;
	s6 =	simm.s32 $0x10  }
.LBB2_8:
0xa4: {  	p1 =	sne.s32 s7, $0x1FC0;
	v3 =	vld [tilespmem:s6+$0x15000];
	_ =	sdelay $0x2  }
0xa5: {  	v1 =	vadd.f32 v1, v2  }
0xa6: {  	v2 =	vpop (erf)  }
.Ltmp3:
0xa7: {  	(erf) = vrcp.f32 v3;
	v2 =	vmul.f32 v2, v1;
	(pc) =	sbr.rel @p1 .LBB2_8-.Ltmp3, $4  }
0xa8: {  	_ = 	snop  }
0xa9: {  	v1 =	vld [tilespmem:s6+$0x15800];
	[tilespmem:s5+$0x13800] =	vst v2;
	s5 =	smov.u32 s6  }
0xaa: {  	v2 =	vld [tilespmem:s5+$0x13800]  }
0xab: {  	s6 =	sshra.s32 s7, $0x2;
	s7 =	sadd.s32 $0x40, s7  }
0xac: {  	v3 =	vld [tilespmem:s6+$0x15000];
	_ =	sdelay $0x2  }
0xad: {  	v1 =	vadd.f32 v1, v2  }
0xae: {  	v2 =	vpop (erf)  }
0xaf: {  	(erf) = vrcp.f32 v3;
	v1 =	vmul.f32 v2, v1;
	_ =	sdelay $0x1  }
0xb0: {  	v2 =	vld [tilespmem:s6+$0x15800];
	[tilespmem:s5+$0x13800] =	vst v1  }
0xb1: {  	v1 =	vld [tilespmem:s6+$0x13800];
	_ =	sdelay $0x4  }
0xb2: {  	v1 =	vadd.f32 v2, v1  }
0xb3: {  	v2 =	vpop (erf)  }
0xb4: {  	s19 =	sld [smem:$0x7F3];
	v1 =	vmul.f32 v2, v1;
	_ =	sdelay $0x1  }
0xb5: {  	[tilespmem:s6+$0x13800] =	vst v1  }
0xb6: {  	[tilespmem:s14], [sflag:$0x1] =	stream.strided.gather [hbm4b:s19+s8], $0x800, s12, s8, $0x38;
	[tilespmem:$0x16180] =	vst v63  }
0xb7: {  	_ =	swait.ge [sflag:s10], $0x800  }
0xb8: {  	s22 =	sld [smem:$0x7F4]  }
0xb9: {  	[sflag:s10] =	ssyncset.done $0x0  }
0xba: {  	[sflag:s10] =	ssyncadd.s32 $0xFFFFF800  }
0xbb: {  	[tilespmem:s11], [sflag:$0x1] =	stream.strided.gather [hbm4b:s22+s8], $0x800, s12, s8, $0x38;
	[tilespmem:$0x16180] =	vst v63  }
0xbc: {  	_ =	swait.ge [sflag:s10], $0x800  }
0xbd: {  	[sflag:s10] =	ssyncset.done $0x0  }
0xbe: {  	s5 =	simm.s32 $0x0;
	[sflag:s10] =	ssyncadd.s32 $0xFFFFF800  }
0xbf: {  	v2 =	vld [tilespmem:s5+$0x15000];
	_ =	sdelay $0x4  }
0xc0: {  	(erf) = vrcp.f32 v2;
	_ =	sdelay $0x1  }
0xc1: {  	v1 =	vld [tilespmem:s5+$0x15800]  }
0xc2: {  	v2 =	vld [tilespmem:s5+$0x12800]  }
0xc3: {  	s7 =	simm.s32 $0x80;
	s6 =	simm.s32 $0x10  }
.LBB2_10:
0xc4: {  	p1 =	sne.s32 s7, $0x1FC0;
	v3 =	vld [tilespmem:s6+$0x15000];
	_ =	sdelay $0x2  }
0xc5: {  	v1 =	vadd.f32 v1, v2  }
0xc6: {  	v2 =	vpop (erf)  }
.Ltmp4:
0xc7: {  	(erf) = vrcp.f32 v3;
	v2 =	vmul.f32 v2, v1;
	(pc) =	sbr.rel @p1 .LBB2_10-.Ltmp4, $4  }
0xc8: {  	_ = 	snop  }
0xc9: {  	v1 =	vld [tilespmem:s6+$0x15800];
	[tilespmem:s5+$0x12800] =	vst v2;
	s5 =	smov.u32 s6  }
0xca: {  	v2 =	vld [tilespmem:s5+$0x12800]  }
0xcb: {  	s6 =	sshra.s32 s7, $0x2;
	s7 =	sadd.s32 $0x40, s7  }
0xcc: {  	v3 =	vld [tilespmem:s6+$0x15000];
	_ =	sdelay $0x2  }
0xcd: {  	v1 =	vadd.f32 v1, v2  }
0xce: {  	v2 =	vpop (erf)  }
0xcf: {  	(erf) = vrcp.f32 v3;
	v1 =	vmul.f32 v2, v1;
	_ =	sdelay $0x1  }
0xd0: {  	v2 =	vld [tilespmem:s6+$0x15800];
	[tilespmem:s5+$0x12800] =	vst v1  }
0xd1: {  	v1 =	vld [tilespmem:s6+$0x12800];
	_ =	sdelay $0x4  }
0xd2: {  	v1 =	vadd.f32 v2, v1  }
0xd3: {  	v2 =	vpop (erf)  }
0xd4: {  	s19 =	sld [smem:$0x7F5];
	v1 =	vmul.f32 v2, v1;
	_ =	sdelay $0x1  }
0xd5: {  	[tilespmem:s6+$0x12800] =	vst v1  }
0xd6: {  	[tilespmem:s15], [sflag:$0x1] =	stream.strided.gather [hbm4b:s19+s8], $0x800, s12, s8, $0x38;
	[tilespmem:$0x16180] =	vst v63  }
0xd7: {  	_ =	swait.ge [sflag:s10], $0x800  }
0xd8: {  	s22 =	sld [smem:$0x7F6]  }
0xd9: {  	[sflag:s10] =	ssyncset.done $0x0  }
0xda: {  	[sflag:s10] =	ssyncadd.s32 $0xFFFFF800  }
0xdb: {  	[tilespmem:s11], [sflag:$0x1] =	stream.strided.gather [hbm4b:s22+s8], $0x800, s12, s8, $0x38;
	[tilespmem:$0x16180] =	vst v63  }
0xdc: {  	_ =	swait.ge [sflag:s10], $0x800  }
0xdd: {  	[sflag:s10] =	ssyncset.done $0x0  }
0xde: {  	s5 =	simm.s32 $0x0;
	[sflag:s10] =	ssyncadd.s32 $0xFFFFF800  }
0xdf: {  	v2 =	vld [tilespmem:s5+$0x15000];
	_ =	sdelay $0x4  }
0xe0: {  	(erf) = vrcp.f32 v2;
	_ =	sdelay $0x1  }
0xe1: {  	v1 =	vld [tilespmem:s5+$0x15800]  }
0xe2: {  	v2 =	vld [tilespmem:s5+$0x14000]  }
0xe3: {  	s7 =	simm.s32 $0x80;
	s6 =	simm.s32 $0x10  }
.LBB2_12:
0xe4: {  	p1 =	sne.s32 s7, $0x1FC0;
	v3 =	vld [tilespmem:s6+$0x15000];
	_ =	sdelay $0x2  }
0xe5: {  	v1 =	vadd.f32 v1, v2  }
0xe6: {  	v2 =	vpop (erf)  }
.Ltmp5:
0xe7: {  	(erf) = vrcp.f32 v3;
	v2 =	vmul.f32 v2, v1;
	(pc) =	sbr.rel @p1 .LBB2_12-.Ltmp5, $4  }
0xe8: {  	_ = 	snop  }
0xe9: {  	v1 =	vld [tilespmem:s6+$0x15800];
	[tilespmem:s5+$0x14000] =	vst v2;
	s5 =	smov.u32 s6  }
0xea: {  	v2 =	vld [tilespmem:s5+$0x14000]  }
0xeb: {  	s6 =	sshra.s32 s7, $0x2;
	s7 =	sadd.s32 $0x40, s7  }
0xec: {  	v3 =	vld [tilespmem:s6+$0x15000];
	_ =	sdelay $0x2  }
0xed: {  	v1 =	vadd.f32 v1, v2  }
0xee: {  	v2 =	vpop (erf)  }
0xef: {  	(erf) = vrcp.f32 v3;
	v1 =	vmul.f32 v2, v1;
	_ =	sdelay $0x1  }
0xf0: {  	v2 =	vld [tilespmem:s6+$0x15800];
	[tilespmem:s5+$0x14000] =	vst v1  }
0xf1: {  	v1 =	vld [tilespmem:s6+$0x14000];
	_ =	sdelay $0x4  }
0xf2: {  	v1 =	vadd.f32 v2, v1  }
0xf3: {  	v2 =	vpop (erf)  }
0xf4: {  	s19 =	sld [smem:$0x7F7];
	v1 =	vmul.f32 v2, v1;
	_ =	sdelay $0x1  }
0xf5: {  	[tilespmem:s6+$0x14000] =	vst v1  }
0xf6: {  	[tilespmem:s17], [sflag:$0x1] =	stream.strided.gather [hbm4b:s19+s8], $0x800, s12, s8, $0x38;
	[tilespmem:$0x16180] =	vst v63  }
0xf7: {  	_ =	swait.ge [sflag:s10], $0x800  }
0xf8: {  	s22 =	sld [smem:$0x7F8]  }
0xf9: {  	[sflag:s10] =	ssyncset.done $0x0  }
0xfa: {  	[sflag:s10] =	ssyncadd.s32 $0xFFFFF800  }
0xfb: {  	[tilespmem:s11], [sflag:$0x1] =	stream.strided.gather [hbm4b:s22+s8], $0x800, s12, s8, $0x38;
	[tilespmem:$0x16180] =	vst v63  }
0xfc: {  	_ =	swait.ge [sflag:s10], $0x800  }
0xfd: {  	[sflag:s10] =	ssyncset.done $0x0  }
0xfe: {  	s5 =	simm.s32 $0x0;
	[sflag:s10] =	ssyncadd.s32 $0xFFFFF800  }
0xff: {  	v2 =	vld [tilespmem:s5+$0x15000];
	_ =	sdelay $0x4  }
0x100: {  	(erf) = vrcp.f32 v2;
	_ =	sdelay $0x1  }
0x101: {  	v1 =	vld [tilespmem:s5+$0x15800]  }
0x102: {  	v2 =	vld [tilespmem:s5+$0x13000]  }
0x103: {  	s7 =	simm.s32 $0x80;
	s6 =	simm.s32 $0x10  }
.LBB2_14:
0x104: {  	p1 =	sne.s32 s7, $0x1FC0;
	v3 =	vld [tilespmem:s6+$0x15000];
	_ =	sdelay $0x2  }
0x105: {  	v1 =	vadd.f32 v1, v2  }
0x106: {  	v2 =	vpop (erf)  }
.Ltmp6:
0x107: {  	(erf) = vrcp.f32 v3;
	v2 =	vmul.f32 v2, v1;
	(pc) =	sbr.rel @p1 .LBB2_14-.Ltmp6, $4  }
0x108: {  	_ = 	snop  }
0x109: {  	v1 =	vld [tilespmem:s6+$0x15800];
	[tilespmem:s5+$0x13000] =	vst v2;
	s5 =	smov.u32 s6  }
0x10a: {  	v2 =	vld [tilespmem:s5+$0x13000]  }
0x10b: {  	s6 =	sshra.s32 s7, $0x2;
	s7 =	sadd.s32 $0x40, s7  }
0x10c: {  	v3 =	vld [tilespmem:s6+$0x15000];
	_ =	sdelay $0x2  }
0x10d: {  	v1 =	vadd.f32 v1, v2  }
0x10e: {  	v2 =	vpop (erf)  }
0x10f: {  	(erf) = vrcp.f32 v3;
	v1 =	vmul.f32 v2, v1;
	_ =	sdelay $0x1  }
0x110: {  	v2 =	vld [tilespmem:s6+$0x15800];
	[tilespmem:s5+$0x13000] =	vst v1  }
0x111: {  	v1 =	vld [tilespmem:s6+$0x13000];
	_ =	sdelay $0x4  }
0x112: {  	v1 =	vadd.f32 v2, v1  }
0x113: {  	v2 =	vpop (erf)  }
0x114: {  	s19 =	sld [smem:$0x7F9];
	v1 =	vmul.f32 v2, v1;
	_ =	sdelay $0x1  }
0x115: {  	[tilespmem:s6+$0x13000] =	vst v1  }
0x116: {  	[tilespmem:s20], [sflag:$0x1] =	stream.strided.gather [hbm4b:s19+s8], $0x800, s12, s8, $0x38;
	[tilespmem:$0x16180] =	vst v63  }
0x117: {  	_ =	swait.ge [sflag:s10], $0x800  }
0x118: {  	s22 =	sld [smem:$0x7FA]  }
0x119: {  	[sflag:s10] =	ssyncset.done $0x0  }
0x11a: {  	[sflag:s10] =	ssyncadd.s32 $0xFFFFF800  }
0x11b: {  	[tilespmem:s11], [sflag:$0x1] =	stream.strided.gather [hbm4b:s22+s8], $0x800, s12, s8, $0x38;
	[tilespmem:$0x16180] =	vst v63  }
0x11c: {  	_ =	swait.ge [sflag:s10], $0x800  }
0x11d: {  	[sflag:s10] =	ssyncset.done $0x0  }
0x11e: {  	s5 =	simm.s32 $0x0;
	[sflag:s10] =	ssyncadd.s32 $0xFFFFF800  }
0x11f: {  	v2 =	vld [tilespmem:s5+$0x15000];
	_ =	sdelay $0x4  }
0x120: {  	(erf) = vrcp.f32 v2;
	_ =	sdelay $0x1  }
0x121: {  	v1 =	vld [tilespmem:s5+$0x15800]  }
0x122: {  	v2 =	vld [tilespmem:s5+$0x14800]  }
0x123: {  	s7 =	simm.s32 $0x80;
	s6 =	simm.s32 $0x10  }
.LBB2_16:
0x124: {  	p1 =	sne.s32 s7, $0x1FC0;
	v3 =	vld [tilespmem:s6+$0x15000];
	_ =	sdelay $0x2  }
0x125: {  	v1 =	vadd.f32 v1, v2  }
0x126: {  	v2 =	vpop (erf)  }
.Ltmp7:
0x127: {  	(erf) = vrcp.f32 v3;
	v2 =	vmul.f32 v2, v1;
	(pc) =	sbr.rel @p1 .LBB2_16-.Ltmp7, $4  }
0x128: {  	_ = 	snop  }
0x129: {  	v1 =	vld [tilespmem:s6+$0x15800];
	[tilespmem:s5+$0x14800] =	vst v2;
	s5 =	smov.u32 s6  }
0x12a: {  	v2 =	vld [tilespmem:s5+$0x14800]  }
0x12b: {  	s6 =	sshra.s32 s7, $0x2;
	s7 =	sadd.s32 $0x40, s7  }
0x12c: {  	v3 =	vld [tilespmem:s6+$0x15000];
	_ =	sdelay $0x2  }
0x12d: {  	v1 =	vadd.f32 v1, v2  }
0x12e: {  	v2 =	vpop (erf)  }
0x12f: {  	(erf) = vrcp.f32 v3;
	v1 =	vmul.f32 v2, v1;
	_ =	sdelay $0x1  }
0x130: {  	v2 =	vld [tilespmem:s6+$0x15800];
	[tilespmem:s5+$0x14800] =	vst v1  }
0x131: {  	v1 =	vld [tilespmem:s6+$0x14800];
	_ =	sdelay $0x4  }
0x132: {  	v1 =	vadd.f32 v2, v1  }
0x133: {  	v2 =	vpop (erf)  }
0x134: {  	v1 =	vmul.f32 v2, v1;
	_ =	sdelay $0x1  }
0x135: {  	[tilespmem:s6+$0x14800] =	vst v1  }
0x136: {  	[bflag:$0x0] =	sbarrier.arrive $0xFFFF  }
0x137: {  	s5 =	simm.s32 $0x0;
	s7 =	rddreg [dreg:$0x19]  }
0x138: {  	[tilespmem:s5], [sflag:$0x1] =	stream.linear.gather [hbm4b:s7+s5], $0x1000, $0x38;
	[tilespmem:$0x16180] =	vst v63  }
0x139: {  	_ =	swait.ge [sflag:s10], $0x1000  }
0x13a: {  	[sflag:s10] =	ssyncset.done $0x0  }
0x13b: {  	s16 =	rddreg [dreg:$0x1b];
	[sflag:s10] =	ssyncadd.s32 $0xFFFFF000  }
0x13c: {  	[tilespmem:s21], [sflag:$0x1] =	stream.linear.gather [hbm4b:s16+s5], $0x1000, $0x38;
	[tilespmem:$0x16180] =	vst v63  }
0x13d: {  	_ =	swait.ge [sflag:s10], $0x1000  }
0x13e: {  	[sflag:s10] =	ssyncset.done $0x0  }
0x13f: {  	s18 =	rddreg [dreg:$0x1d];
	[sflag:s10] =	ssyncadd.s32 $0xFFFFF000  }
0x140: {  	[tilespmem:s23], [sflag:$0x1] =	stream.linear.gather [hbm4b:s18+s5], $0x1000, $0x38;
	[tilespmem:$0x16180] =	vst v63  }
0x141: {  	_ =	swait.ge [sflag:s10], $0x1000  }
0x142: {  	[sflag:s10] =	ssyncset.done $0x0  }
0x143: {  	s19 =	rddreg [dreg:$0x1e];
	[sflag:s10] =	ssyncadd.s32 $0xFFFFF000  }
0x144: {  	[tilespmem:s24], [sflag:$0x1] =	stream.linear.gather [hbm4b:s19+s5], $0x1000, $0x38;
	[tilespmem:$0x16180] =	vst v63  }
0x145: {  	_ =	swait.ge [sflag:s10], $0x1000  }
0x146: {  	[sflag:s10] =	ssyncset.done $0x0  }
0x147: {  	s22 =	rddreg [dreg:$0x1f];
	[sflag:s10] =	ssyncadd.s32 $0xFFFFF000  }
0x148: {  	[tilespmem:s25], [sflag:$0x1] =	stream.linear.gather [hbm4b:s22+s5], $0x1000, $0x38;
	[tilespmem:$0x16180] =	vst v63  }
0x149: {  	_ =	swait.ge [sflag:s10], $0x1000  }
0x14a: {  	[sflag:s10] =	ssyncset.done $0x0  }
0x14b: {  	s24 =	rddreg [dreg:$0xb];
	[sflag:s10] =	ssyncadd.s32 $0xFFFFF000  }
0x14c: {  	[tilespmem:s26], [sflag:$0x1] =	stream.linear.gather [hbm4b:s24+s5], $0x1000, $0x38;
	[tilespmem:$0x16180] =	vst v63  }
0x14d: {  	_ =	swait.ge [sflag:s10], $0x1000  }
0x14e: {  	[sflag:s10] =	ssyncset.done $0x0  }
0x14f: {  	s25 =	rddreg [dreg:$0xc];
	[sflag:s10] =	ssyncadd.s32 $0xFFFFF000  }
0x150: {  	[tilespmem:s28], [sflag:$0x1] =	stream.linear.gather [hbm4b:s25+s5], $0x1000, $0x38;
	[tilespmem:$0x16180] =	vst v63  }
0x151: {  	_ =	swait.ge [sflag:s10], $0x1000  }
0x152: {  	[sflag:s10] =	ssyncset.done $0x0  }
0x153: {  	s26 =	rddreg [dreg:$0xd];
	[sflag:s10] =	ssyncadd.s32 $0xFFFFF000  }
0x154: {  	[tilespmem:s29], [sflag:$0x1] =	stream.linear.gather [hbm4b:s26+s5], $0x1000, $0x38;
	[tilespmem:$0x16180] =	vst v63  }
0x155: {  	_ =	swait.ge [sflag:s10], $0x1000  }
0x156: {  	[sflag:s10] =	ssyncset.done $0x0  }
0x157: {  	s28 =	rddreg [dreg:$0xe];
	[sflag:s10] =	ssyncadd.s32 $0xFFFFF000  }
0x158: {  	[tilespmem:s30], [sflag:$0x1] =	stream.linear.gather [hbm4b:s28+s5], $0x1000, $0x38;
	[tilespmem:$0x16180] =	vst v63  }
0x159: {  	_ =	swait.ge [sflag:s10], $0x1000  }
0x15a: {  	[sflag:s10] =	ssyncset.done $0x0  }
0x15b: {  	s29 =	rddreg [dreg:$0xf];
	[sflag:s10] =	ssyncadd.s32 $0xFFFFF000  }
0x15c: {  	[tilespmem:s31], [sflag:$0x1] =	stream.linear.gather [hbm4b:s29+s5], $0x1000, $0x38;
	[tilespmem:$0x16180] =	vst v63  }
0x15d: {  	_ =	swait.ge [sflag:s10], $0x1000  }
0x15e: {  	[sflag:s10] =	ssyncset.done $0x0  }
0x15f: {  	s30 =	rddreg [dreg:$0x10];
	[sflag:s10] =	ssyncadd.s32 $0xFFFFF000  }
0x160: {  	[tilespmem:s1], [sflag:$0x1] =	stream.linear.gather [hbm4b:s30+s5], $0x1000, $0x38;
	[tilespmem:$0x16180] =	vst v63  }
0x161: {  	_ =	swait.ge [sflag:s10], $0x1000  }
0x162: {  	[sflag:s10] =	ssyncset.done $0x0  }
0x163: {  	s16 =	simm.s32 $0x0;
	[sflag:s10] =	ssyncadd.s32 $0xFFFFF000  }
0x164: {  	v1 =	vld [tilespmem:s16+$0x1000];
	_ =	sdelay $0x4  }
0x165: {  	v1 =	vadd.f32 v1, v1;
	_ =	sdelay $0x1  }
0x166: {  	v2 =	vsub.f32 $0.0e+00, v1;
	_ =	sdelay $0x1  }
0x167: {  	v2 =	vmul.f32 $1.442695020e+00, v2;
	_ =	sdelay $0x1  }
0x168: {  	(erf) = vpow2.f32 v2;
	_ =	sdelay $0x5  }
0x169: {  	s7 =	simm.s32 $0x10  }
0x16a: {  	v2 =	vld [tilespmem:s7+$0x1000];
	_ =	sdelay $0x1  }
0x16b: {  	v4 =	vpop (erf)  }
0x16c: {  	v3 =	vadd.f32 $1.000000000e+00, v4;
	_ =	sdelay $0x1  }
0x16d: {  	v2 =	vadd.f32 v2, v2;
	(erf) = vrcp.f32 v3;
	_ =	sdelay $0x1  }
0x16e: {  	v3 =	vsub.f32 $0.0e+00, v2;
	_ =	sdelay $0x1  }
0x16f: {  	v3 =	vmul.f32 $1.442695020e+00, v3;
	_ =	sdelay $0x1  }
0x170: {  	(erf) = vpow2.f32 v3;
	_ =	sdelay $0x1  }
0x171: {  	v5 =	vmul.f32 $8.000000000e+00, v4;
	v3 =	vmul.f32 v4, v4  }
0x172: {  	v6 =	vpop (erf)  }
0x173: {  	s6 =	simm.s32 $0x20;
	v1 =	vadd.f32 v1, v1;
	[tilespmem:s16+$0x2000] =	vst v4;
	v3 =	vsub.f32 $1.000000000e+00, v3;
	v5 =	vmul.f32 v6, v5  }
0x174: {  	v7 =	vld [tilespmem:s6+$0x1000]  }
0x175: {  	v3 =	vmax.f32 v3, $9.999999740e-06;
	v1 =	vadd.f32 v5, v1  }
0x176: {  	v8 =	vmul.f32 $5.000000000e-01, v3;
	v5 =	vshra.s32 v3, $0x1  }
0x177: {  	v5 =	vsub.s32 $0x5F3759DF, v5;
	v1 =	vadd.f32 $-4.000000000e+00, v1  }
0x178: {  	v10 =	vpop (erf);
	v9 =	vmul.f32 v5, v8  }
0x179: {  	v19 =	vadd.f32 v7, v7;
	v11 =	vadd.f32 $1.000000000e+00, v10;
	v16 =	vmax.f32 v1, $9.999999740e-06  }
0x17a: {  	v1 =	vmul.f32 v5, v9;
	v7 =	vshra.s32 v16, $0x1;
	v12 =	vmul.f32 $5.000000000e-01, v16  }
0x17b: {  	(erf) = vrcp.f32 v11;
	v9 =	vsub.f32 $0.0e+00, v19;
	v7 =	vsub.s32 $0x5F3759DF, v7  }
0x17c: {  	v11 =	vmul.f32 v7, v12  }
0x17d: {  	v1 =	vsub.f32 $1.500000000e+00, v1;
	v9 =	vmul.f32 $1.442695020e+00, v9  }
0x17e: {  	v13 =	vmul.f32 v10, v10;
	v11 =	vmul.f32 v7, v11  }
0x17f: {  	v4 =	vsub.f32 $1.000000000e+00, v4;
	v14 =	vmul.f32 v5, v1;
	(erf) = vpow2.f32 v9  }
0x180: {  	v1 =	vsub.f32 $1.000000000e+00, v13;
	v5 =	vsub.f32 $1.500000000e+00, v11  }
0x181: {  	v9 =	vmul.f32 v14, v8  }
0x182: {  	v4 =	vmul.f32 v6, v4;
	v1 =	vmax.f32 v1, $9.999999740e-06;
	v6 =	vmul.f32 v7, v5  }
0x183: {  	v7 =	vmul.f32 v9, v14;
	v5 =	vshra.s32 v1, $0x1;
	v9 =	vmul.f32 $8.000000000e+00, v10  }
0x184: {  	[tilespmem:s16+$0x4000] =	vst v4;
	v11 =	vpop (erf);
	v4 =	vsub.s32 $0x5F3759DF, v5;
	v5 =	vmul.f32 $5.000000000e-01, v1;
	v13 =	vmul.f32 v6, v12  }
0x185: {  	s18 =	simm.s32 $0x30;
	v2 =	vadd.f32 v2, v2;
	[tilespmem:s7+$0x2000] =	vst v10;
	v7 =	vsub.f32 $1.500000000e+00, v7;
	v15 =	vmul.f32 v11, v9  }
0x186: {  	v18 =	vld [tilespmem:s18+$0x1000];
	v10 =	vsub.f32 $1.000000000e+00, v10;
	v17 =	vmul.f32 v4, v5;
	v13 =	vmul.f32 v13, v6  }
0x187: {  	v9 =	vmul.f32 v7, v14;
	v2 =	vadd.f32 v15, v2  }
0x188: {  	v10 =	vmul.f32 v11, v10;
	v20 =	vpop (erf);
	v7 =	vmul.f32 v4, v17;
	v11 =	vsub.f32 $1.500000000e+00, v13  }
0x189: {  	v14 =	vmul.f32 v9, v8;
	v2 =	vadd.f32 $-4.000000000e+00, v2;
	v8 =	vadd.f32 $1.000000000e+00, v20  }
0x18a: {  	v15 =	vmul.f32 v20, v20;
	v13 =	vsub.f32 $1.500000000e+00, v7;
	v17 =	vmul.f32 v11, v6  }
0x18b: {  	v6 =	vadd.f32 v18, v18;
	v7 =	vmax.f32 v2, $9.999999740e-06;
	(erf) = vrcp.f32 v8  }
0x18c: {  	v2 =	vshra.s32 v7, $0x1;
	v8 =	vmul.f32 $5.000000000e-01, v7;
	v11 =	vmul.f32 v4, v13  }
0x18d: {  	v12 =	vmul.f32 v17, v12;
	v4 =	vsub.f32 $0.0e+00, v6;
	v18 =	vsub.s32 $0x5F3759DF, v2  }
0x18e: {  	v15 =	vsub.f32 $1.000000000e+00, v15;
	v2 =	vmul.f32 v18, v8;
	v21 =	vmul.f32 v11, v5  }
0x18f: {  	v13 =	vmul.f32 v12, v17;
	v4 =	vmul.f32 $1.442695020e+00, v4  }
0x190: {  	v19 =	vadd.f32 v19, v19;
	v22 =	vmul.f32 v18, v2;
	v2 =	vmax.f32 v15, $9.999999740e-06  }
0x191: {  	v15 =	vmul.f32 v21, v11;
	v13 =	vsub.f32 $1.500000000e+00, v13;
	(erf) = vpow2.f32 v4  }
0x192: {  	v4 =	vshra.s32 v2, $0x1;
	v21 =	vsub.f32 $1.500000000e+00, v22;
	v22 =	vmul.f32 v14, v9  }
0x193: {  	v17 =	vmul.f32 v13, v17;
	v13 =	vsub.s32 $0x5F3759DF, v4;
	v4 =	vmul.f32 $5.000000000e-01, v2  }
0x194: {  	v12 =	vsub.f32 $1.000000000e+00, v20;
	v14 =	vmul.f32 v18, v21;
	v21 =	vmul.f32 $8.000000000e+00, v20  }
0x195: {  	[tilespmem:s7+$0x4000] =	vst v10;
	v15 =	vsub.f32 $1.500000000e+00, v15;
	v18 =	vmul.f32 v13, v4;
	v10 =	vmul.f32 v17, v16;
	v16 =	vpop (erf)  }
0x196: {  	s19 =	simm.s32 $0x40;
	s22 =	simm.s32 $0x140;
	s5 =	simm.s32 $0x80;
	[tilespmem:s6+$0x2000] =	vst v20;
	v17 =	vsub.f32 $1.500000000e+00, v22;
	v20 =	vmul.f32 v16, v21;
	v21 =	vmul.f32 v14, v8  }
.LBB2_18:
0x197: {  	p1 =	sne.s32 s22, $0x3FC0;
	v22 =	vld [tilespmem:s19+$0x1000];
	v18 =	vmul.f32 v13, v18;
	v11 =	vmul.f32 v15, v11;
	[tilespmem:s16+$0x5000] =	vst v10;
	v10 =	vmov v7  }
0x198: {  	v17 =	vmul.f32 v17, v9;
	v7 =	vadd.f32 v20, v19;
	v15 =	vmul.f32 v21, v14  }
0x199: {  	v12 =	vmul.f32 v16, v12;
	v18 =	vsub.f32 $1.500000000e+00, v18;
	v16 =	vmul.f32 v11, v5;
	v9 =	vmovc v11;
	v5 =	vmovc v4  }
0x19a: {  	v17 =	vmul.f32 v17, v3;
	v19 =	vpop (erf);
	v4 =	vadd.f32 $-4.000000000e+00, v7;
	v15 =	vsub.f32 $1.500000000e+00, v15  }
0x19b: {  	v3 =	vmovc v1;
	v20 =	vmul.f32 v19, v19;
	v21 =	vadd.f32 $1.000000000e+00, v19;
	v11 =	vmul.f32 v13, v18;
	[tilespmem:s6+$0x4000] =	vst v12  }
0x19c: {  	v1 =	vmovc v2;
	v22 =	vadd.f32 v22, v22;
	v7 =	vmax.f32 v4, $9.999999740e-06;
	v14 =	vmul.f32 v15, v14;
	[tilespmem:s16+$0x3000] =	vst v17;
	s16 =	smov.u32 s7;
	s7 =	smov.u32 s6;
	s6 =	smov.u32 s18  }
0x19d: {  	s18 =	smov.u32 s19;
	[tilespmem:s6+$0x2000] =	vst v19;
	(erf) = vrcp.f32 v21;
	v2 =	vshra.s32 v7, $0x1;
	v4 =	vmul.f32 $5.000000000e-01, v7  }
0x19e: {  	v12 =	vsub.f32 $0.0e+00, v22;
	v17 =	vsub.s32 $0x5F3759DF, v2;
	v2 =	vmul.f32 v14, v8  }
0x19f: {  	v13 =	vsub.f32 $1.000000000e+00, v20;
	v15 =	vmul.f32 v11, v5;
	v18 =	vmul.f32 v17, v4;
	v8 =	vmovc v4  }
0x1a0: {  	v4 =	vmul.f32 $1.442695020e+00, v12;
	v12 =	vsub.f32 $1.000000000e+00, v19;
	v20 =	vmul.f32 v2, v14  }
0x1a1: {  	v15 =	vmul.f32 v15, v11;
	v2 =	vmax.f32 v13, $9.999999740e-06;
	v18 =	vmul.f32 v17, v18  }
0x1a2: {  	(erf) = vpow2.f32 v4;
	v4 =	vshra.s32 v2, $0x1;
	v20 =	vsub.f32 $1.500000000e+00, v20  }
.Ltmp8:
0x1a3: {  	v13 =	vsub.s32 $0x5F3759DF, v4;
	v4 =	vmul.f32 $5.000000000e-01, v2;
	v18 =	vsub.f32 $1.500000000e+00, v18;
	(pc) =	sbr.rel @p1 .LBB2_18-.Ltmp8, $4  }
0x1a4: {  	v21 =	vmul.f32 v16, v9;
	v15 =	vsub.f32 $1.500000000e+00, v15;
	v20 =	vmul.f32 v20, v14  }
0x1a5: {  	v23 =	vmul.f32 $8.000000000e+00, v19;
	v14 =	vmul.f32 v17, v18  }
0x1a6: {  	v18 =	vmul.f32 v13, v4;
	v17 =	vsub.f32 $1.500000000e+00, v21;
	v16 =	vpop (erf);
	v10 =	vmul.f32 v20, v10  }
0x1a7: {  	s19 =	sshra.s32 s22, $0x2;
	s22 =	sadd.s32 $0x40, s22;
	v19 =	vadd.f32 v6, v6;
	v6 =	vmovc v22;
	v20 =	vmul.f32 v16, v23;
	v21 =	vmul.f32 v14, v8  }
0x1a8: {  	v22 =	vld [tilespmem:s19+$0x1000];
	_ =	sdelay $0x4  }
0x1a9: {  	v22 =	vadd.f32 v22, v22;
	_ =	sdelay $0x1  }
0x1aa: {  	v23 =	vpop (erf);
	v24 =	vsub.f32 $0.0e+00, v22  }
0x1ab: {  	v25 =	vadd.f32 $1.000000000e+00, v23  }
0x1ac: {  	v24 =	vmul.f32 $1.442695020e+00, v24  }
0x1ad: {  	(erf) = vrcp.f32 v25  }
0x1ae: {  	(erf) = vpow2.f32 v24;
	_ =	sdelay $0x4  }
0x1af: {  	v18 =	vmul.f32 v13, v18;
	v19 =	vadd.f32 v20, v19  }
0x1b0: {  	v11 =	vmul.f32 v15, v11;
	v9 =	vmul.f32 v17, v9  }
0x1b1: {  	v12 =	vmul.f32 v16, v12;
	v31 =	vmul.f32 v21, v14  }
0x1b2: {  	v6 =	vadd.f32 v6, v6;
	v32 =	vsub.f32 $1.500000000e+00, v18;
	v5 =	vmul.f32 v11, v5;
	v17 =	vpop (erf)  }
0x1b3: {  	v3 =	vmul.f32 v9, v3;
	v33 =	vadd.f32 $-4.000000000e+00, v19;
	v34 =	vsub.f32 $1.500000000e+00, v31;
	v19 =	vpop (erf)  }
0x1b4: {  	v35 =	vmul.f32 v23, v23;
	v37 =	vmul.f32 v13, v32;
	v36 =	vadd.f32 $1.000000000e+00, v19  }
0x1b5: {  	v43 =	vmul.f32 $8.000000000e+00, v23;
	v5 =	vmul.f32 v5, v11;
	v61 =	vsub.f32 $1.000000000e+00, v23  }
0x1b6: {  	v15 =	vmax.f32 v33, $9.999999740e-06;
	v38 =	vmul.f32 v34, v14;
	(erf) = vrcp.f32 v36  }
0x1b7: {  	v16 =	vshra.s32 v15, $0x1;
	v39 =	vmul.f32 $5.000000000e-01, v15;
	v40 =	vmul.f32 v37, v4  }
0x1b8: {  	v5 =	vsub.f32 $1.500000000e+00, v5;
	v16 =	vsub.s32 $0x5F3759DF, v16;
	v8 =	vmul.f32 v38, v8  }
0x1b9: {  	v41 =	vsub.f32 $1.000000000e+00, v35;
	v42 =	vmul.f32 v16, v39;
	v21 =	vmul.f32 v40, v37  }
0x1ba: {  	v22 =	vadd.f32 v22, v22;
	v5 =	vmul.f32 v5, v11;
	v24 =	vmul.f32 v17, v43  }
0x1bb: {  	v9 =	vmax.f32 v41, $9.999999740e-06;
	v8 =	vmul.f32 v8, v38;
	v20 =	vmul.f32 v16, v42  }
0x1bc: {  	v44 =	vshra.s32 v9, $0x1;
	v26 =	vmul.f32 $5.000000000e-01, v9;
	v6 =	vadd.f32 v24, v6  }
0x1bd: {  	v25 =	vsub.s32 $0x5F3759DF, v44;
	v21 =	vsub.f32 $1.500000000e+00, v21;
	v20 =	vsub.f32 $1.500000000e+00, v20  }
0x1be: {  	v1 =	vmul.f32 v5, v1;
	v6 =	vadd.f32 $-4.000000000e+00, v6;
	v46 =	vmul.f32 $8.000000000e+00, v19  }
0x1bf: {  	v8 =	vsub.f32 $1.500000000e+00, v8;
	v47 =	vmul.f32 v25, v26;
	v45 =	vmul.f32 v16, v20;
	v48 =	vpop (erf)  }
0x1c0: {  	v27 =	vmul.f32 v19, v19;
	v6 =	vmax.f32 v6, $9.999999740e-06;
	v16 =	vmul.f32 v48, v46  }
0x1c1: {  	v13 =	vmul.f32 v21, v37;
	v8 =	vmul.f32 v8, v38;
	v50 =	vshra.s32 v6, $0x1  }
0x1c2: {  	v28 =	vmul.f32 $5.000000000e-01, v6;
	v27 =	vsub.f32 $1.000000000e+00, v27;
	v16 =	vadd.f32 v16, v22  }
0x1c3: {  	v20 =	vmul.f32 v25, v47;
	v4 =	vmul.f32 v13, v4;
	v51 =	vsub.s32 $0x5F3759DF, v50  }
0x1c4: {  	v53 =	vmul.f32 v51, v28;
	v27 =	vmax.f32 v27, $9.999999740e-06;
	v16 =	vadd.f32 $-4.000000000e+00, v16  }
0x1c5: {  	v7 =	vmul.f32 v8, v7;
	v29 =	vshra.s32 v27, $0x1;
	v30 =	vmul.f32 $5.000000000e-01, v27  }
0x1c6: {  	v29 =	vsub.s32 $0x5F3759DF, v29;
	v24 =	vmul.f32 v51, v53;
	v16 =	vmax.f32 v16, $9.999999740e-06  }
0x1c7: {  	v33 =	vmul.f32 v29, v30;
	v31 =	vshra.s32 v16, $0x1;
	v32 =	vmul.f32 $5.000000000e-01, v16  }
0x1c8: {  	v49 =	vmul.f32 v45, v39;
	v24 =	vsub.f32 $1.500000000e+00, v24;
	v31 =	vsub.s32 $0x5F3759DF, v31  }
0x1c9: {  	v54 =	vmul.f32 v29, v33;
	v34 =	vmul.f32 v31, v32  }
0x1ca: {  	v20 =	vsub.f32 $1.500000000e+00, v20;
	v17 =	vmul.f32 v17, v61;
	v21 =	vmul.f32 v51, v24  }
0x1cb: {  	[tilespmem:s16+$0x5000] =	vst v10;
	v52 =	vmul.f32 v49, v45;
	v57 =	vsub.f32 $1.500000000e+00, v54;
	v55 =	vmul.f32 v31, v34  }
0x1cc: {  	[tilespmem:s6+$0x4000] =	vst v12;
	v20 =	vmul.f32 v25, v20;
	v60 =	vmul.f32 v21, v28  }
0x1cd: {  	[tilespmem:s16+$0x3000] =	vst v3;
	v3 =	vmul.f32 v4, v13;
	v18 =	vmul.f32 v29, v57;
	v59 =	vsub.f32 $1.500000000e+00, v55  }
0x1ce: {  	v58 =	vmul.f32 v20, v26;
	v22 =	vsub.f32 $1.500000000e+00, v52;
	v25 =	vmul.f32 v60, v21  }
0x1cf: {  	v62 =	vmul.f32 v18, v30;
	v24 =	vmul.f32 v31, v59  }
0x1d0: {  	v14 =	vmul.f32 v22, v45;
	v22 =	vmul.f32 v58, v20  }
0x1d1: {  	v25 =	vsub.f32 $1.500000000e+00, v25;
	v36 =	vmul.f32 v62, v18;
	v63 =	vmul.f32 v24, v32  }
0x1d2: {  	[tilespmem:s18+$0x2000] =	vst v23;
	v3 =	vsub.f32 $1.500000000e+00, v3;
	v56 =	vmul.f32 v14, v39;
	v22 =	vsub.f32 $1.500000000e+00, v22  }
0x1d3: {  	[tilespmem:s7+$0x5000] =	vst v7;
	v40 =	vmul.f32 v25, v21;
	v38 =	vsub.f32 $1.500000000e+00, v36;
	v37 =	vmul.f32 v63, v24  }
0x1d4: {  	[tilespmem:s18+$0x4000] =	vst v17;
	v11 =	vmul.f32 v56, v14;
	v39 =	vmul.f32 v22, v20  }
0x1d5: {  	[tilespmem:s7+$0x3000] =	vst v1;
	v1 =	vmul.f32 v3, v13;
	v42 =	vmul.f32 v38, v18;
	v41 =	vsub.f32 $1.500000000e+00, v37  }
0x1d6: {  	v44 =	vmul.f32 v40, v28;
	v11 =	vsub.f32 $1.500000000e+00, v11;
	v4 =	vmul.f32 v39, v26  }
0x1d7: {  	v46 =	vmul.f32 v42, v30;
	v43 =	vmul.f32 v41, v24  }
0x1d8: {  	v5 =	vmul.f32 v11, v14;
	v4 =	vmul.f32 v4, v39  }
0x1d9: {  	v45 =	vsub.f32 $1.000000000e+00, v19;
	v12 =	vmul.f32 v44, v40;
	v21 =	vmul.f32 v43, v32  }
0x1da: {  	v5 =	vmul.f32 v5, v15;
	v3 =	vsub.f32 $1.500000000e+00, v4;
	v4 =	vmul.f32 v46, v42  }
0x1db: {  	[tilespmem:s19+$0x2000] =	vst v19;
	v48 =	vmul.f32 v48, v45;
	v12 =	vsub.f32 $1.500000000e+00, v12;
	v47 =	vmul.f32 v21, v43  }
0x1dc: {  	v1 =	vmul.f32 v1, v2;
	[tilespmem:s6+$0x5000] =	vst v5;
	v2 =	vmul.f32 v3, v39;
	v3 =	vsub.f32 $1.500000000e+00, v4  }
0x1dd: {  	v49 =	vmul.f32 v12, v40;
	[tilespmem:s19+$0x4000] =	vst v48;
	v50 =	vsub.f32 $1.500000000e+00, v47  }
0x1de: {  	[tilespmem:s6+$0x3000] =	vst v1;
	v1 =	vmul.f32 v2, v9;
	v2 =	vmul.f32 v3, v42  }
0x1df: {  	v4 =	vmul.f32 v49, v6;
	v5 =	vmul.f32 v50, v43  }
0x1e0: {  	[tilespmem:s18+$0x3000] =	vst v1;
	v1 =	vmul.f32 v2, v27  }
0x1e1: {  	[tilespmem:s18+$0x5000] =	vst v4;
	v3 =	vmul.f32 v5, v16  }
0x1e2: {  	[tilespmem:s19+$0x3000] =	vst v1  }
0x1e3: {  	s6 =	simm.s32 $0x0;
	[tilespmem:s19+$0x5000] =	vst v3  }
0x1e4: {  	v1 =	vld [tilespmem:s6+$0x0];
	_ =	sdelay $0x5  }
0x1e5: {  	v2 =	vld [tilespmem:s6+$0x2000]  }
0x1e6: {  	v4 =	vld [tilespmem:s6+$0x6000]  }
0x1e7: {  	v3 =	vld.idx.msk [tilespmem:v1+s13+$0x0], $0xffff  }
0x1e8: {  	v5 =	vld [tilespmem:s6+$0xC000]  }
0x1e9: {  	v51 =	vld [tilespmem:s6+$0x3000];
	_ =	sdelay $0x2  }
0x1ea: {  	v7 =	vld.idx.msk [tilespmem:v1+s9+$0x0], $0xffff;
	v3 =	vsub.f32 v4, v3  }
0x1eb: {  	v4 =	vld [tilespmem:s6+$0x9000]  }
0x1ec: {  	v52 =	vld [tilespmem:s6+$0x5000];
	v53 =	vmul.f32 v5, v2;
	v54 =	vmul.f32 v3, v51  }
0x1ed: {  	[tilespmem:s6+$0x6000] =	vst v3;
	v3 =	vld [tilespmem:s6+$0x4000]  }
0x1ee: {  	v9 =	vadd.f32 v53, v54;
	_ =	sdelay $0x1  }
0x1ef: {  	v4 =	vsub.f32 v4, v7;
	v5 =	vadd.f32 v9, v5;
	_ =	sdelay $0x1  }
0x1f0: {  	v7 =	vmul.f32 v4, v52;
	v5 =	vmul.f32 v5, v3;
	_ =	sdelay $0x1  }
0x1f1: {  	v5 =	vadd.f32 v5, v7;
	_ =	sdelay $0x1  }
0x1f2: {  	v5 =	vadd.f32 $5.000000000e-01, v5;
	_ =	sdelay $0x1  }
0x1f3: {  	v55 =	vtrunc.f32 v5  }
0x1f4: {  	v7 =	vcvt.f32.s32 v55;
	_ =	sdelay $0x1  }
0x1f5: {  	v7 =	vcvt.s32.f32 v7;
	_ =	sdelay $0x1  }
0x1f6: {  	vm0 =	vlt.f32 v5, v7  }
0x1f7: {  	v56 =	vsel vm0, $0x3F800000, v0  }
0x1f8: {  	v7 =	vsub.f32 v56, v7;
	_ =	sdelay $0x1  }
0x1f9: {  	v5 =	vadd.f32 v7, v5;
	_ =	sdelay $0x1  }
0x1fa: {  	[tilespmem:s6+$0xC000] =	vst v9;
	v5 =	vadd.f32 $-5.000000000e-01, v5  }
0x1fb: {  	[tilespmem:s6+$0x9000] =	vst v4  }
0x1fc: {  	[tilespmem:s6+$0xF000] =	vst v5;
	v5 =	vld [tilespmem:s6+$0x7000]  }
0x1fd: {  	v4 =	vld.idx.msk [tilespmem:v1+s14+$0x0], $0xffff;
	_ =	sdelay $0x1  }
0x1fe: {  	v57 =	vld [tilespmem:s6+$0xD000];
	_ =	sdelay $0x2  }
0x1ff: {  	v9 =	vld.idx.msk [tilespmem:v1+s15+$0x0], $0xffff;
	v4 =	vsub.f32 v5, v4  }
0x200: {  	v5 =	vld [tilespmem:s6+$0xA000]  }
0x201: {  	v58 =	vmul.f32 v57, v2;
	v59 =	vmul.f32 v4, v51;
	_ =	sdelay $0x1  }
0x202: {  	v10 =	vadd.f32 v58, v59;
	_ =	sdelay $0x1  }
0x203: {  	v5 =	vsub.f32 v5, v9;
	v7 =	vadd.f32 v10, v57;
	_ =	sdelay $0x1  }
0x204: {  	v9 =	vmul.f32 v5, v52;
	v7 =	vmul.f32 v7, v3;
	_ =	sdelay $0x1  }
0x205: {  	v7 =	vadd.f32 v7, v9;
	_ =	sdelay $0x1  }
0x206: {  	v7 =	vadd.f32 $5.000000000e-01, v7;
	_ =	sdelay $0x1  }
0x207: {  	v60 =	vtrunc.f32 v7  }
0x208: {  	v9 =	vcvt.f32.s32 v60;
	_ =	sdelay $0x1  }
0x209: {  	v9 =	vcvt.s32.f32 v9;
	_ =	sdelay $0x1  }
0x20a: {  	vm14 =	vlt.f32 v7, v9  }
0x20b: {  	v61 =	vsel vm14, $0x3F800000, v0  }
0x20c: {  	v9 =	vsub.f32 v61, v9;
	_ =	sdelay $0x1  }
0x20d: {  	v7 =	vadd.f32 v9, v7  }
0x20e: {  	[tilespmem:s6+$0x7000] =	vst v4  }
0x20f: {  	[tilespmem:s6+$0xD000] =	vst v10;
	v4 =	vadd.f32 $-5.000000000e-01, v7  }
0x210: {  	[tilespmem:s6+$0xA000] =	vst v5  }
0x211: {  	[tilespmem:s6+$0x10000] =	vst v4;
	v4 =	vld [tilespmem:s6+$0x8000]  }
0x212: {  	v5 =	vld.idx.msk [tilespmem:v1+s17+$0x0], $0xffff;
	_ =	sdelay $0x1  }
0x213: {  	v62 =	vld [tilespmem:s6+$0xE000];
	_ =	sdelay $0x2  }
0x214: {  	v1 =	vld.idx.msk [tilespmem:v1+s20+$0x0], $0xffff;
	v4 =	vsub.f32 v4, v5  }
0x215: {  	v5 =	vld [tilespmem:s6+$0xB000]  }
0x216: {  	v2 =	vmul.f32 v62, v2;
	v6 =	vmul.f32 v4, v51;
	_ =	sdelay $0x1  }
0x217: {  	v2 =	vadd.f32 v2, v6;
	_ =	sdelay $0x1  }
0x218: {  	v1 =	vsub.f32 v5, v1;
	v5 =	vadd.f32 v2, v62;
	_ =	sdelay $0x1  }
0x219: {  	v3 =	vmul.f32 v5, v3;
	v5 =	vmul.f32 v1, v52;
	_ =	sdelay $0x1  }
0x21a: {  	v3 =	vadd.f32 v3, v5;
	_ =	sdelay $0x1  }
0x21b: {  	v3 =	vadd.f32 $5.000000000e-01, v3;
	_ =	sdelay $0x1  }
0x21c: {  	v5 =	vtrunc.f32 v3  }
0x21d: {  	v5 =	vcvt.f32.s32 v5;
	_ =	sdelay $0x1  }
0x21e: {  	[tilespmem:s6+$0x8000] =	vst v4;
	v5 =	vcvt.s32.f32 v5  }
0x21f: {  	[tilespmem:s6+$0xE000] =	vst v2  }
0x220: {  	s16 =	simm.s32 $0x10;
	[tilespmem:s6+$0xB000] =	vst v1;
	vm15 =	vlt.f32 v3, v5  }
0x221: {  	v2 =	vld [tilespmem:s16+$0x0];
	v63 =	vsel vm15, $0x3F800000, v0  }
0x222: {  	v4 =	vsub.f32 v63, v5;
	_ =	sdelay $0x1  }
0x223: {  	v3 =	vadd.f32 v4, v3;
	_ =	sdelay $0x1  }
0x224: {  	v1 =	vld [tilespmem:s16+$0x2000];
	v3 =	vadd.f32 $-5.000000000e-01, v3  }
.LBB2_20:
0x225: {  	_ = 	snop  }
0x226: {  	p1 =	sne.s32 s5, $0x3FC0;
	s7 =	smov.u32 s5;
	s5 =	sadd.s32 $0x40, s5;
	[tilespmem:s6+$0x11000] =	vst v3  }
0x227: {  	s6 =	smov.u32 s16;
	v3 =	vld.idx.msk [tilespmem:v2+s13+$0x0], $0xffff  }
0x228: {  	v5 =	vld [tilespmem:s6+$0x6000]  }
0x229: {  	v6 =	vld [tilespmem:s6+$0xC000]  }
0x22a: {  	v4 =	vld [tilespmem:s6+$0x3000];
	_ =	sdelay $0x2  }
0x22b: {  	v7 =	vld.idx.msk [tilespmem:v2+s9+$0x0], $0xffff;
	v5 =	vsub.f32 v5, v3  }
0x22c: {  	v8 =	vld [tilespmem:s6+$0x9000];
	v9 =	vmul.f32 v6, v1  }
0x22d: {  	v3 =	vld [tilespmem:s6+$0x5000];
	v10 =	vmul.f32 v5, v4;
	[tilespmem:s6+$0x6000] =	vst v5  }
0x22e: {  	v5 =	vld [tilespmem:s6+$0x4000]  }
0x22f: {  	v9 =	vadd.f32 v9, v10;
	_ =	sdelay $0x1  }
0x230: {  	v7 =	vsub.f32 v8, v7;
	v6 =	vadd.f32 v9, v6;
	[tilespmem:s6+$0xC000] =	vst v9;
	_ =	sdelay $0x1  }
0x231: {  	v6 =	vmul.f32 v6, v5;
	v8 =	vmul.f32 v7, v3;
	[tilespmem:s6+$0x9000] =	vst v7;
	_ =	sdelay $0x1  }
0x232: {  	v6 =	vadd.f32 v6, v8;
	_ =	sdelay $0x1  }
0x233: {  	v6 =	vadd.f32 $5.000000000e-01, v6;
	_ =	sdelay $0x1  }
0x234: {  	v7 =	vtrunc.f32 v6  }
0x235: {  	v7 =	vcvt.f32.s32 v7;
	_ =	sdelay $0x1  }
0x236: {  	v7 =	vcvt.s32.f32 v7;
	_ =	sdelay $0x1  }
0x237: {  	vm0 =	vlt.f32 v6, v7  }
0x238: {  	v8 =	vsel vm0, $0x3F800000, v0  }
0x239: {  	v7 =	vsub.f32 v8, v7;
	_ =	sdelay $0x1  }
0x23a: {  	v6 =	vadd.f32 v7, v6;
	_ =	sdelay $0x1  }
0x23b: {  	v6 =	vadd.f32 $-5.000000000e-01, v6;
	_ =	sdelay $0x1  }
0x23c: {  	[tilespmem:s6+$0xF000] =	vst v6  }
0x23d: {  	v6 =	vld.idx.msk [tilespmem:v2+s14+$0x0], $0xffff  }
0x23e: {  	v7 =	vld [tilespmem:s6+$0x7000];
	_ =	sdelay $0x1  }
0x23f: {  	v8 =	vld [tilespmem:s6+$0xD000];
	_ =	sdelay $0x2  }
0x240: {  	v9 =	vld.idx.msk [tilespmem:v2+s15+$0x0], $0xffff;
	v6 =	vsub.f32 v7, v6  }
0x241: {  	v7 =	vld [tilespmem:s6+$0xA000]  }
0x242: {  	v10 =	vmul.f32 v8, v1;
	v11 =	vmul.f32 v6, v4;
	[tilespmem:s6+$0x7000] =	vst v6;
	_ =	sdelay $0x1  }
0x243: {  	v6 =	vadd.f32 v10, v11;
	_ =	sdelay $0x1  }
0x244: {  	v7 =	vsub.f32 v7, v9;
	v8 =	vadd.f32 v6, v8;
	[tilespmem:s6+$0xD000] =	vst v6;
	_ =	sdelay $0x1  }
0x245: {  	v6 =	vmul.f32 v8, v5;
	v8 =	vmul.f32 v7, v3;
	[tilespmem:s6+$0xA000] =	vst v7;
	_ =	sdelay $0x1  }
0x246: {  	v6 =	vadd.f32 v6, v8;
	_ =	sdelay $0x1  }
0x247: {  	v6 =	vadd.f32 $5.000000000e-01, v6;
	_ =	sdelay $0x1  }
0x248: {  	v7 =	vtrunc.f32 v6  }
0x249: {  	v7 =	vcvt.f32.s32 v7;
	_ =	sdelay $0x1  }
0x24a: {  	v7 =	vcvt.s32.f32 v7;
	_ =	sdelay $0x1  }
0x24b: {  	vm0 =	vlt.f32 v6, v7  }
0x24c: {  	v8 =	vsel vm0, $0x3F800000, v0  }
0x24d: {  	v7 =	vsub.f32 v8, v7;
	_ =	sdelay $0x1  }
0x24e: {  	v6 =	vadd.f32 v7, v6;
	_ =	sdelay $0x1  }
0x24f: {  	v6 =	vadd.f32 $-5.000000000e-01, v6;
	_ =	sdelay $0x1  }
0x250: {  	[tilespmem:s6+$0x10000] =	vst v6;
	v6 =	vld [tilespmem:s6+$0x8000]  }
0x251: {  	v7 =	vld.idx.msk [tilespmem:v2+s17+$0x0], $0xffff  }
0x252: {  	v2 =	vld.idx.msk [tilespmem:v2+s20+$0x0], $0xffff  }
0x253: {  	v8 =	vld [tilespmem:s6+$0xB000]  }
0x254: {  	v9 =	vld [tilespmem:s6+$0xE000];
	_ =	sdelay $0x2  }
0x255: {  	v6 =	vsub.f32 v6, v7  }
0x256: {  	v2 =	vsub.f32 v8, v2  }
0x257: {  	v4 =	vmul.f32 v6, v4;
	v1 =	vmul.f32 v9, v1;
	[tilespmem:s6+$0x8000] =	vst v6  }
0x258: {  	[tilespmem:s6+$0xB000] =	vst v2  }
0x259: {  	v1 =	vadd.f32 v1, v4;
	_ =	sdelay $0x1  }
0x25a: {  	v4 =	vadd.f32 v1, v9;
	[tilespmem:s6+$0xE000] =	vst v1;
	_ =	sdelay $0x1  }
0x25b: {  	v2 =	vmul.f32 v2, v3;
	v1 =	vmul.f32 v4, v5;
	_ =	sdelay $0x1  }
0x25c: {  	v1 =	vadd.f32 v1, v2;
	_ =	sdelay $0x1  }
0x25d: {  	v3 =	vadd.f32 $5.000000000e-01, v1;
	_ =	sdelay $0x1  }
0x25e: {  	v1 =	vtrunc.f32 v3  }
0x25f: {  	v1 =	vcvt.f32.s32 v1;
	_ =	sdelay $0x1  }
0x260: {  	v4 =	vcvt.s32.f32 v1;
	_ =	sdelay $0x1  }
0x261: {  	s16 =	sshra.s32 s7, $0x2;
	vm0 =	vlt.f32 v3, v4  }
0x262: {  	v2 =	vld [tilespmem:s16+$0x0];
	v5 =	vsel vm0, $0x3F800000, v0  }
.Ltmp9:
0x263: {  	v1 =	vld [tilespmem:s16+$0x2000];
	v4 =	vsub.f32 v5, v4;
	(pc) =	sbr.rel @p1 .LBB2_20-.Ltmp9, $3  }
0x264: {  	_ = 	snop  }
0x265: {  	v3 =	vadd.f32 v4, v3;
	_ =	sdelay $0x1  }
0x266: {  	v3 =	vadd.f32 $-5.000000000e-01, v3  }
0x267: {  	_ =	sdelay $0x2  }
0x268: {  	[tilespmem:s6+$0x11000] =	vst v3  }
0x269: {  	v3 =	vld.idx.msk [tilespmem:v2+s13+$0x0], $0xffff  }
0x26a: {  	v4 =	vld [tilespmem:s16+$0x6000]  }
0x26b: {  	v5 =	vld [tilespmem:s16+$0xC000]  }
0x26c: {  	v6 =	vld [tilespmem:s16+$0x3000];
	_ =	sdelay $0x2  }
0x26d: {  	v7 =	vld.idx.msk [tilespmem:v2+s9+$0x0], $0xffff;
	v3 =	vsub.f32 v4, v3  }
0x26e: {  	v4 =	vld [tilespmem:s16+$0x9000]  }
0x26f: {  	v8 =	vld [tilespmem:s16+$0x5000];
	v9 =	vmul.f32 v5, v1;
	v10 =	vmul.f32 v3, v6  }
0x270: {  	[tilespmem:s16+$0x6000] =	vst v3;
	v3 =	vld [tilespmem:s16+$0x4000]  }
0x271: {  	v9 =	vadd.f32 v9, v10;
	_ =	sdelay $0x1  }
0x272: {  	v4 =	vsub.f32 v4, v7;
	v5 =	vadd.f32 v9, v5;
	_ =	sdelay $0x1  }
0x273: {  	v7 =	vmul.f32 v4, v8;
	v5 =	vmul.f32 v5, v3;
	_ =	sdelay $0x1  }
0x274: {  	v5 =	vadd.f32 v5, v7;
	_ =	sdelay $0x1  }
0x275: {  	v5 =	vadd.f32 $5.000000000e-01, v5;
	_ =	sdelay $0x1  }
0x276: {  	v7 =	vtrunc.f32 v5  }
0x277: {  	v7 =	vcvt.f32.s32 v7;
	_ =	sdelay $0x1  }
0x278: {  	v7 =	vcvt.s32.f32 v7;
	_ =	sdelay $0x1  }
0x279: {  	vm0 =	vlt.f32 v5, v7  }
0x27a: {  	v10 =	vsel vm0, $0x3F800000, v0  }
0x27b: {  	v7 =	vsub.f32 v10, v7;
	_ =	sdelay $0x1  }
0x27c: {  	v5 =	vadd.f32 v7, v5;
	_ =	sdelay $0x1  }
0x27d: {  	[tilespmem:s16+$0xC000] =	vst v9;
	v5 =	vadd.f32 $-5.000000000e-01, v5  }
0x27e: {  	[tilespmem:s16+$0x9000] =	vst v4  }
0x27f: {  	[tilespmem:s16+$0xF000] =	vst v5;
	v5 =	vld [tilespmem:s16+$0x7000]  }
0x280: {  	v4 =	vld.idx.msk [tilespmem:v2+s14+$0x0], $0xffff;
	_ =	sdelay $0x1  }
0x281: {  	v7 =	vld [tilespmem:s16+$0xD000];
	_ =	sdelay $0x2  }
0x282: {  	v9 =	vld.idx.msk [tilespmem:v2+s15+$0x0], $0xffff;
	v4 =	vsub.f32 v5, v4  }
0x283: {  	v5 =	vld [tilespmem:s16+$0xA000]  }
0x284: {  	v10 =	vmul.f32 v7, v1;
	v11 =	vmul.f32 v4, v6;
	_ =	sdelay $0x1  }
0x285: {  	v10 =	vadd.f32 v10, v11;
	_ =	sdelay $0x1  }
0x286: {  	v5 =	vsub.f32 v5, v9;
	v7 =	vadd.f32 v10, v7;
	_ =	sdelay $0x1  }
0x287: {  	v9 =	vmul.f32 v5, v8;
	v7 =	vmul.f32 v7, v3;
	_ =	sdelay $0x1  }
0x288: {  	v7 =	vadd.f32 v7, v9;
	_ =	sdelay $0x1  }
0x289: {  	v7 =	vadd.f32 $5.000000000e-01, v7;
	_ =	sdelay $0x1  }
0x28a: {  	v9 =	vtrunc.f32 v7  }
0x28b: {  	v9 =	vcvt.f32.s32 v9;
	_ =	sdelay $0x1  }
0x28c: {  	v9 =	vcvt.s32.f32 v9;
	_ =	sdelay $0x1  }
0x28d: {  	vm14 =	vlt.f32 v7, v9  }
0x28e: {  	v11 =	vsel vm14, $0x3F800000, v0  }
0x28f: {  	v9 =	vsub.f32 v11, v9;
	_ =	sdelay $0x1  }
0x290: {  	v7 =	vadd.f32 v9, v7  }
0x291: {  	[tilespmem:s16+$0x7000] =	vst v4  }
0x292: {  	[tilespmem:s16+$0xD000] =	vst v10;
	v4 =	vadd.f32 $-5.000000000e-01, v7  }
0x293: {  	[tilespmem:s16+$0xA000] =	vst v5  }
0x294: {  	[tilespmem:s16+$0x10000] =	vst v4;
	v4 =	vld [tilespmem:s16+$0x8000]  }
0x295: {  	v5 =	vld.idx.msk [tilespmem:v2+s17+$0x0], $0xffff;
	_ =	sdelay $0x1  }
0x296: {  	v7 =	vld [tilespmem:s16+$0xE000];
	_ =	sdelay $0x2  }
0x297: {  	v2 =	vld.idx.msk [tilespmem:v2+s20+$0x0], $0xffff;
	v4 =	vsub.f32 v4, v5  }
0x298: {  	v5 =	vld [tilespmem:s16+$0xB000]  }
0x299: {  	v1 =	vmul.f32 v7, v1;
	v6 =	vmul.f32 v4, v6;
	_ =	sdelay $0x1  }
0x29a: {  	v1 =	vadd.f32 v1, v6;
	_ =	sdelay $0x1  }
0x29b: {  	v2 =	vsub.f32 v5, v2;
	v5 =	vadd.f32 v1, v7;
	_ =	sdelay $0x1  }
0x29c: {  	v3 =	vmul.f32 v5, v3;
	v5 =	vmul.f32 v2, v8;
	_ =	sdelay $0x1  }
0x29d: {  	v3 =	vadd.f32 v3, v5;
	_ =	sdelay $0x1  }
0x29e: {  	v3 =	vadd.f32 $5.000000000e-01, v3;
	_ =	sdelay $0x1  }
0x29f: {  	v5 =	vtrunc.f32 v3  }
0x2a0: {  	v5 =	vcvt.f32.s32 v5;
	_ =	sdelay $0x1  }
0x2a1: {  	v5 =	vcvt.s32.f32 v5;
	_ =	sdelay $0x1  }
0x2a2: {  	vm15 =	vlt.f32 v3, v5  }
0x2a3: {  	v6 =	vsel vm15, $0x3F800000, v0  }
0x2a4: {  	v5 =	vsub.f32 v6, v5;
	_ =	sdelay $0x1  }
0x2a5: {  	v3 =	vadd.f32 v5, v3  }
0x2a6: {  	[tilespmem:s16+$0x8000] =	vst v4  }
0x2a7: {  	[tilespmem:s16+$0xB000] =	vst v2;
	v2 =	vadd.f32 $-5.000000000e-01, v3  }
0x2a8: {  	[tilespmem:s16+$0xE000] =	vst v1  }
0x2a9: {  	s5 =	simm.s32 $0x0;
	s7 =	rddreg [dreg:$0x7];
	[tilespmem:s16+$0x11000] =	vst v2  }
0x2aa: {  	[spmem:s7] =	stream.indirect.scatter.add.f32 [tilespmem:s2], [sflag:$0x1], $0x1, s5, s21, $0xb8;
	[tilespmem:$0x16180] =	vst v63  }
0x2ab: {  	_ =	swait.ge [sflag:s10], $0x1000  }
0x2ac: {  	s16 =	sld [smem:$0x7D3]  }
0x2ad: {  	[sflag:s10] =	ssyncset.done $0x0  }
0x2ae: {  	s7 =	simm.s32 $0x6000;
	[sflag:s10] =	ssyncadd.s32 $0xFFFFF000  }
0x2af: {  	[hbm4b:s16+s5] =	stream.linear.scatter [tilespmem:s7], [sflag:$0x1], $0x1000, $0x38;
	[tilespmem:$0x16180] =	vst v63  }
0x2b0: {  	_ =	swait.ge [sflag:s10], $0x1000  }
0x2b1: {  	s18 =	sld [smem:$0x7D4]  }
0x2b2: {  	[sflag:s10] =	ssyncset.done $0x0  }
0x2b3: {  	s16 =	simm.s32 $0x9000;
	[sflag:s10] =	ssyncadd.s32 $0xFFFFF000  }
0x2b4: {  	[hbm4b:s18+s5] =	stream.linear.scatter [tilespmem:s16], [sflag:$0x1], $0x1000, $0x38;
	[tilespmem:$0x16180] =	vst v63  }
0x2b5: {  	_ =	swait.ge [sflag:s10], $0x1000  }
0x2b6: {  	s19 =	sld [smem:$0x7D5]  }
0x2b7: {  	[sflag:s10] =	ssyncset.done $0x0  }
0x2b8: {  	[sflag:s10] =	ssyncadd.s32 $0xFFFFF000  }
0x2b9: {  	[hbm4b:s19+s5] =	stream.linear.scatter [tilespmem:s23], [sflag:$0x1], $0x1000, $0x38;
	[tilespmem:$0x16180] =	vst v63  }
0x2ba: {  	_ =	swait.ge [sflag:s10], $0x1000  }
0x2bb: {  	s22 =	sld [smem:$0x7D6]  }
0x2bc: {  	[sflag:s10] =	ssyncset.done $0x0  }
0x2bd: {  	[sflag:s10] =	ssyncadd.s32 $0xFFFFF000  }
0x2be: {  	[hbm4b:s22+s5] =	stream.linear.scatter [tilespmem:s2], [sflag:$0x1], $0x1000, $0x38;
	[tilespmem:$0x16180] =	vst v63  }
0x2bf: {  	_ =	swait.ge [sflag:s10], $0x1000  }
0x2c0: {  	[sflag:s10] =	ssyncset.done $0x0  }
0x2c1: {  	[sflag:s10] =	ssyncadd.s32 $0xFFFFF000  }
0x2c2: {  	s1 =	simm.s32 $0x10000;
	s24 =	rddreg [dreg:$0x8]  }
0x2c3: {  	[spmem:s24] =	stream.indirect.scatter.add.f32 [tilespmem:s1], [sflag:$0x1], $0x1, s5, s21, $0xb8;
	[tilespmem:$0x16180] =	vst v63  }
0x2c4: {  	_ =	swait.ge [sflag:s10], $0x1000  }
0x2c5: {  	[sflag:s10] =	ssyncset.done $0x0  }
0x2c6: {  	s19 =	simm.s32 $0x7000;
	s25 =	rddreg [dreg:$0x11];
	[sflag:s10] =	ssyncadd.s32 $0xFFFFF000  }
0x2c7: {  	[hbm4b:s25+s5] =	stream.linear.scatter [tilespmem:s19], [sflag:$0x1], $0x1000, $0x38;
	[tilespmem:$0x16180] =	vst v63  }
0x2c8: {  	_ =	swait.ge [sflag:s10], $0x1000  }
0x2c9: {  	[sflag:s10] =	ssyncset.done $0x0  }
0x2ca: {  	s22 =	simm.s32 $0xA000;
	s26 =	rddreg [dreg:$0x12];
	[sflag:s10] =	ssyncadd.s32 $0xFFFFF000  }
0x2cb: {  	[hbm4b:s26+s5] =	stream.linear.scatter [tilespmem:s22], [sflag:$0x1], $0x1000, $0x38;
	[tilespmem:$0x16180] =	vst v63  }
0x2cc: {  	_ =	swait.ge [sflag:s10], $0x1000  }
0x2cd: {  	[sflag:s10] =	ssyncset.done $0x0  }
0x2ce: {  	s18 =	simm.s32 $0xD000;
	s2 =	rddreg [dreg:$0x13];
	[sflag:s10] =	ssyncadd.s32 $0xFFFFF000  }
0x2cf: {  	[hbm4b:s2+s5] =	stream.linear.scatter [tilespmem:s18], [sflag:$0x1], $0x1000, $0x38;
	[tilespmem:$0x16180] =	vst v63  }
0x2d0: {  	_ =	swait.ge [sflag:s10], $0x1000  }
0x2d1: {  	[sflag:s10] =	ssyncset.done $0x0  }
0x2d2: {  	s24 =	rddreg [dreg:$0x14];
	[sflag:s10] =	ssyncadd.s32 $0xFFFFF000  }
0x2d3: {  	[hbm4b:s24+s5] =	stream.linear.scatter [tilespmem:s1], [sflag:$0x1], $0x1000, $0x38;
	[tilespmem:$0x16180] =	vst v63  }
0x2d4: {  	_ =	swait.ge [sflag:s10], $0x1000  }
0x2d5: {  	[sflag:s10] =	ssyncset.done $0x0  }
0x2d6: {  	[sflag:s10] =	ssyncadd.s32 $0xFFFFF000  }
0x2d7: {  	s25 =	rddreg [dreg:$0x9]  }
0x2d8: {  	[spmem:s25] =	stream.indirect.scatter.add.f32 [tilespmem:s3], [sflag:$0x1], $0x1, s5, s21, $0xb8;
	[tilespmem:$0x16180] =	vst v63  }
0x2d9: {  	_ =	swait.ge [sflag:s10], $0x1000  }
0x2da: {  	[sflag:s10] =	ssyncset.done $0x0  }
0x2db: {  	s26 =	rddreg [dreg:$0x15];
	[sflag:s10] =	ssyncadd.s32 $0xFFFFF000  }
0x2dc: {  	[hbm4b:s26+s5] =	stream.linear.scatter [tilespmem:s31], [sflag:$0x1], $0x1000, $0x38;
	[tilespmem:$0x16180] =	vst v63  }
0x2dd: {  	_ =	swait.ge [sflag:s10], $0x1000  }
0x2de: {  	[sflag:s10] =	ssyncset.done $0x0  }
0x2df: {  	s2 =	simm.s32 $0xB000;
	s1 =	rddreg [dreg:$0x16];
	[sflag:s10] =	ssyncadd.s32 $0xFFFFF000  }
0x2e0: {  	[hbm4b:s1+s5] =	stream.linear.scatter [tilespmem:s2], [sflag:$0x1], $0x1000, $0x38;
	[tilespmem:$0x16180] =	vst v63  }
0x2e1: {  	_ =	swait.ge [sflag:s10], $0x1000  }
0x2e2: {  	[sflag:s10] =	ssyncset.done $0x0  }
0x2e3: {  	s31 =	simm.s32 $0xE000;
	s24 =	rddreg [dreg:$0x17];
	[sflag:s10] =	ssyncadd.s32 $0xFFFFF000  }
0x2e4: {  	[hbm4b:s24+s5] =	stream.linear.scatter [tilespmem:s31], [sflag:$0x1], $0x1000, $0x38;
	[tilespmem:$0x16180] =	vst v63  }
0x2e5: {  	_ =	swait.ge [sflag:s10], $0x1000  }
0x2e6: {  	[sflag:s10] =	ssyncset.done $0x0  }
0x2e7: {  	s25 =	rddreg [dreg:$0x18];
	[sflag:s10] =	ssyncadd.s32 $0xFFFFF000  }
0x2e8: {  	[hbm4b:s25+s5] =	stream.linear.scatter [tilespmem:s3], [sflag:$0x1], $0x1000, $0x38;
	[tilespmem:$0x16180] =	vst v63  }
0x2e9: {  	_ =	swait.ge [sflag:s10], $0x1000  }
0x2ea: {  	[sflag:s10] =	ssyncset.done $0x0  }
0x2eb: {  	s26 =	rddreg [dreg:$0x1a];
	[sflag:s10] =	ssyncadd.s32 $0xFFFFF000  }
0x2ec: {  	[tilespmem:s5], [sflag:$0x1] =	stream.linear.gather [hbm4b:s26+s5], $0x1000, $0x38;
	[tilespmem:$0x16180] =	vst v63  }
0x2ed: {  	_ =	swait.ge [sflag:s10], $0x1000  }
0x2ee: {  	[sflag:s10] =	ssyncset.done $0x0  }
0x2ef: {  	s1 =	rddreg [dreg:$0x1c];
	[sflag:s10] =	ssyncadd.s32 $0xFFFFF000  }
0x2f0: {  	[tilespmem:s21], [sflag:$0x1] =	stream.linear.gather [hbm4b:s1+s5], $0x1000, $0x38;
	[tilespmem:$0x16180] =	vst v63  }
0x2f1: {  	_ =	swait.ge [sflag:s10], $0x1000  }
0x2f2: {  	s24 =	sld [smem:$0x7D7]  }
0x2f3: {  	[sflag:s10] =	ssyncset.done $0x0  }
0x2f4: {  	[sflag:s10] =	ssyncadd.s32 $0xFFFFF000  }
0x2f5: {  	[tilespmem:s23], [sflag:$0x1] =	stream.linear.gather [hbm4b:s24+s5], $0x1000, $0x38;
	[tilespmem:$0x16180] =	vst v63  }
0x2f6: {  	_ =	swait.ge [sflag:s10], $0x1000  }
0x2f7: {  	s25 =	sld [smem:$0x7DA]  }
0x2f8: {  	[sflag:s10] =	ssyncset.done $0x0  }
0x2f9: {  	[sflag:s10] =	ssyncadd.s32 $0xFFFFF000  }
0x2fa: {  	[tilespmem:s7], [sflag:$0x1] =	stream.linear.gather [hbm4b:s25+s5], $0x1000, $0x38;
	[tilespmem:$0x16180] =	vst v63  }
0x2fb: {  	_ =	swait.ge [sflag:s10], $0x1000  }
0x2fc: {  	s26 =	sld [smem:$0x7DD]  }
0x2fd: {  	[sflag:s10] =	ssyncset.done $0x0  }
0x2fe: {  	[sflag:s10] =	ssyncadd.s32 $0xFFFFF000  }
0x2ff: {  	[tilespmem:s16], [sflag:$0x1] =	stream.linear.gather [hbm4b:s26+s5], $0x1000, $0x38;
	[tilespmem:$0x16180] =	vst v63  }
0x300: {  	_ =	swait.ge [sflag:s10], $0x1000  }
0x301: {  	s1 =	sld [smem:$0x7D8]  }
0x302: {  	[sflag:s10] =	ssyncset.done $0x0  }
0x303: {  	[sflag:s10] =	ssyncadd.s32 $0xFFFFF000  }
0x304: {  	[tilespmem:s18], [sflag:$0x1] =	stream.linear.gather [hbm4b:s1+s5], $0x1000, $0x38;
	[tilespmem:$0x16180] =	vst v63  }
0x305: {  	_ =	swait.ge [sflag:s10], $0x1000  }
0x306: {  	s7 =	sld [smem:$0x7DB]  }
0x307: {  	[sflag:s10] =	ssyncset.done $0x0  }
0x308: {  	[sflag:s10] =	ssyncadd.s32 $0xFFFFF000  }
0x309: {  	[tilespmem:s19], [sflag:$0x1] =	stream.linear.gather [hbm4b:s7+s5], $0x1000, $0x38;
	[tilespmem:$0x16180] =	vst v63  }
0x30a: {  	_ =	swait.ge [sflag:s10], $0x1000  }
0x30b: {  	s16 =	sld [smem:$0x7DE]  }
0x30c: {  	[sflag:s10] =	ssyncset.done $0x0  }
0x30d: {  	[sflag:s10] =	ssyncadd.s32 $0xFFFFF000  }
0x30e: {  	[tilespmem:s22], [sflag:$0x1] =	stream.linear.gather [hbm4b:s16+s5], $0x1000, $0x38;
	[tilespmem:$0x16180] =	vst v63  }
0x30f: {  	_ =	swait.ge [sflag:s10], $0x1000  }
0x310: {  	s18 =	sld [smem:$0x7D9]  }
0x311: {  	[sflag:s10] =	ssyncset.done $0x0  }
0x312: {  	[sflag:s10] =	ssyncadd.s32 $0xFFFFF000  }
0x313: {  	[tilespmem:s31], [sflag:$0x1] =	stream.linear.gather [hbm4b:s18+s5], $0x1000, $0x38;
	[tilespmem:$0x16180] =	vst v63  }
0x314: {  	_ =	swait.ge [sflag:s10], $0x1000  }
0x315: {  	s19 =	sld [smem:$0x7DC]  }
0x316: {  	[sflag:s10] =	ssyncset.done $0x0  }
0x317: {  	s31 =	simm.s32 $0x8000;
	[sflag:s10] =	ssyncadd.s32 $0xFFFFF000  }
0x318: {  	[tilespmem:s31], [sflag:$0x1] =	stream.linear.gather [hbm4b:s19+s5], $0x1000, $0x38;
	[tilespmem:$0x16180] =	vst v63  }
0x319: {  	_ =	swait.ge [sflag:s10], $0x1000  }
0x31a: {  	s22 =	sld [smem:$0x7DF]  }
0x31b: {  	[sflag:s10] =	ssyncset.done $0x0  }
0x31c: {  	[sflag:s10] =	ssyncadd.s32 $0xFFFFF000  }
0x31d: {  	[tilespmem:s2], [sflag:$0x1] =	stream.linear.gather [hbm4b:s22+s5], $0x1000, $0x38;
	[tilespmem:$0x16180] =	vst v63  }
0x31e: {  	_ =	swait.ge [sflag:s10], $0x1000  }
0x31f: {  	[sflag:s10] =	ssyncset.done $0x0  }
0x320: {  	s16 =	simm.s32 $0x0;
	[sflag:s10] =	ssyncadd.s32 $0xFFFFF000  }
0x321: {  	v1 =	vld [tilespmem:s16+$0x1000];
	_ =	sdelay $0x4  }
0x322: {  	v1 =	vadd.f32 v1, v1;
	_ =	sdelay $0x1  }
0x323: {  	v2 =	vsub.f32 $0.0e+00, v1;
	_ =	sdelay $0x1  }
0x324: {  	v2 =	vmul.f32 $1.442695020e+00, v2;
	_ =	sdelay $0x1  }
0x325: {  	(erf) = vpow2.f32 v2;
	_ =	sdelay $0x5  }
0x326: {  	s7 =	simm.s32 $0x10  }
0x327: {  	v2 =	vld [tilespmem:s7+$0x1000];
	_ =	sdelay $0x1  }
0x328: {  	v4 =	vpop (erf)  }
0x329: {  	v3 =	vadd.f32 $1.000000000e+00, v4;
	_ =	sdelay $0x1  }
0x32a: {  	v2 =	vadd.f32 v2, v2;
	(erf) = vrcp.f32 v3;
	_ =	sdelay $0x1  }
0x32b: {  	v3 =	vsub.f32 $0.0e+00, v2;
	_ =	sdelay $0x1  }
0x32c: {  	v3 =	vmul.f32 $1.442695020e+00, v3;
	_ =	sdelay $0x1  }
0x32d: {  	(erf) = vpow2.f32 v3;
	_ =	sdelay $0x1  }
0x32e: {  	v5 =	vmul.f32 $8.000000000e+00, v4;
	v3 =	vmul.f32 v4, v4  }
0x32f: {  	v6 =	vpop (erf)  }
0x330: {  	s6 =	simm.s32 $0x20;
	v1 =	vadd.f32 v1, v1;
	[tilespmem:s16+$0x2000] =	vst v4;
	v3 =	vsub.f32 $1.000000000e+00, v3;
	v5 =	vmul.f32 v6, v5  }
0x331: {  	v7 =	vld [tilespmem:s6+$0x1000]  }
0x332: {  	v3 =	vmax.f32 v3, $9.999999740e-06;
	v1 =	vadd.f32 v5, v1  }
0x333: {  	v8 =	vmul.f32 $5.000000000e-01, v3;
	v5 =	vshra.s32 v3, $0x1  }
0x334: {  	v5 =	vsub.s32 $0x5F3759DF, v5;
	v1 =	vadd.f32 $-4.000000000e+00, v1  }
0x335: {  	v10 =	vpop (erf);
	v9 =	vmul.f32 v5, v8  }
0x336: {  	v19 =	vadd.f32 v7, v7;
	v11 =	vadd.f32 $1.000000000e+00, v10;
	v16 =	vmax.f32 v1, $9.999999740e-06  }
0x337: {  	v1 =	vmul.f32 v5, v9;
	v7 =	vshra.s32 v16, $0x1;
	v12 =	vmul.f32 $5.000000000e-01, v16  }
0x338: {  	(erf) = vrcp.f32 v11;
	v9 =	vsub.f32 $0.0e+00, v19;
	v7 =	vsub.s32 $0x5F3759DF, v7  }
0x339: {  	v11 =	vmul.f32 v7, v12  }
0x33a: {  	v1 =	vsub.f32 $1.500000000e+00, v1;
	v9 =	vmul.f32 $1.442695020e+00, v9  }
0x33b: {  	v13 =	vmul.f32 v10, v10;
	v11 =	vmul.f32 v7, v11  }
0x33c: {  	v4 =	vsub.f32 $1.000000000e+00, v4;
	v14 =	vmul.f32 v5, v1;
	(erf) = vpow2.f32 v9  }
0x33d: {  	v1 =	vsub.f32 $1.000000000e+00, v13;
	v5 =	vsub.f32 $1.500000000e+00, v11  }
0x33e: {  	v9 =	vmul.f32 v14, v8  }
0x33f: {  	v4 =	vmul.f32 v6, v4;
	v1 =	vmax.f32 v1, $9.999999740e-06;
	v6 =	vmul.f32 v7, v5  }
0x340: {  	v7 =	vmul.f32 v9, v14;
	v5 =	vshra.s32 v1, $0x1;
	v9 =	vmul.f32 $8.000000000e+00, v10  }
0x341: {  	[tilespmem:s16+$0x4000] =	vst v4;
	v11 =	vpop (erf);
	v4 =	vsub.s32 $0x5F3759DF, v5;
	v5 =	vmul.f32 $5.000000000e-01, v1;
	v13 =	vmul.f32 v6, v12  }
0x342: {  	s18 =	simm.s32 $0x30;
	v2 =	vadd.f32 v2, v2;
	[tilespmem:s7+$0x2000] =	vst v10;
	v7 =	vsub.f32 $1.500000000e+00, v7;
	v15 =	vmul.f32 v11, v9  }
0x343: {  	v18 =	vld [tilespmem:s18+$0x1000];
	v10 =	vsub.f32 $1.000000000e+00, v10;
	v17 =	vmul.f32 v4, v5;
	v13 =	vmul.f32 v13, v6  }
0x344: {  	v9 =	vmul.f32 v7, v14;
	v2 =	vadd.f32 v15, v2  }
0x345: {  	v10 =	vmul.f32 v11, v10;
	v20 =	vpop (erf);
	v7 =	vmul.f32 v4, v17;
	v11 =	vsub.f32 $1.500000000e+00, v13  }
0x346: {  	v14 =	vmul.f32 v9, v8;
	v2 =	vadd.f32 $-4.000000000e+00, v2;
	v8 =	vadd.f32 $1.000000000e+00, v20  }
0x347: {  	v15 =	vmul.f32 v20, v20;
	v13 =	vsub.f32 $1.500000000e+00, v7;
	v17 =	vmul.f32 v11, v6  }
0x348: {  	v6 =	vadd.f32 v18, v18;
	v7 =	vmax.f32 v2, $9.999999740e-06;
	(erf) = vrcp.f32 v8  }
0x349: {  	v2 =	vshra.s32 v7, $0x1;
	v8 =	vmul.f32 $5.000000000e-01, v7;
	v11 =	vmul.f32 v4, v13  }
0x34a: {  	v12 =	vmul.f32 v17, v12;
	v4 =	vsub.f32 $0.0e+00, v6;
	v18 =	vsub.s32 $0x5F3759DF, v2  }
0x34b: {  	v15 =	vsub.f32 $1.000000000e+00, v15;
	v2 =	vmul.f32 v18, v8;
	v21 =	vmul.f32 v11, v5  }
0x34c: {  	v13 =	vmul.f32 v12, v17;
	v4 =	vmul.f32 $1.442695020e+00, v4  }
0x34d: {  	v19 =	vadd.f32 v19, v19;
	v22 =	vmul.f32 v18, v2;
	v2 =	vmax.f32 v15, $9.999999740e-06  }
0x34e: {  	v15 =	vmul.f32 v21, v11;
	v13 =	vsub.f32 $1.500000000e+00, v13;
	(erf) = vpow2.f32 v4  }
0x34f: {  	v4 =	vshra.s32 v2, $0x1;
	v21 =	vsub.f32 $1.500000000e+00, v22;
	v22 =	vmul.f32 v14, v9  }
0x350: {  	s28 =	simm.s32 $0x7000;
	v17 =	vmul.f32 v13, v17;
	v13 =	vsub.s32 $0x5F3759DF, v4;
	v4 =	vmul.f32 $5.000000000e-01, v2  }
0x351: {  	s29 =	simm.s32 $0xA000;
	s30 =	simm.s32 $0xE000;
	s24 =	simm.s32 $0x6000;
	v12 =	vsub.f32 $1.000000000e+00, v20;
	v14 =	vmul.f32 v18, v21;
	v21 =	vmul.f32 $8.000000000e+00, v20  }
0x352: {  	s25 =	simm.s32 $0x9000;
	s26 =	simm.s32 $0xD000;
	s1 =	simm.s32 $0xB000;
	[tilespmem:s7+$0x4000] =	vst v10;
	v15 =	vsub.f32 $1.500000000e+00, v15;
	v18 =	vmul.f32 v13, v4;
	v10 =	vmul.f32 v17, v16;
	v16 =	vpop (erf)  }
0x353: {  	s19 =	simm.s32 $0x40;
	s5 =	simm.s32 $0x80;
	s22 =	simm.s32 $0x140;
	[tilespmem:s6+$0x2000] =	vst v20;
	v17 =	vsub.f32 $1.500000000e+00, v22;
	v20 =	vmul.f32 v16, v21;
	v21 =	vmul.f32 v14, v8  }
.LBB2_22:
0x354: {  	p1 =	sne.s32 s22, $0x3FC0;
	v22 =	vld [tilespmem:s19+$0x1000];
	v18 =	vmul.f32 v13, v18;
	v11 =	vmul.f32 v15, v11;
	[tilespmem:s16+$0x5000] =	vst v10;
	v10 =	vmov v7  }
0x355: {  	v17 =	vmul.f32 v17, v9;
	v7 =	vadd.f32 v20, v19;
	v15 =	vmul.f32 v21, v14  }
0x356: {  	v12 =	vmul.f32 v16, v12;
	v18 =	vsub.f32 $1.500000000e+00, v18;
	v16 =	vmul.f32 v11, v5;
	v9 =	vmovc v11;
	v5 =	vmovc v4  }
0x357: {  	v17 =	vmul.f32 v17, v3;
	v19 =	vpop (erf);
	v4 =	vadd.f32 $-4.000000000e+00, v7;
	v15 =	vsub.f32 $1.500000000e+00, v15  }
0x358: {  	v3 =	vmovc v1;
	v20 =	vmul.f32 v19, v19;
	v21 =	vadd.f32 $1.000000000e+00, v19;
	v11 =	vmul.f32 v13, v18;
	[tilespmem:s6+$0x4000] =	vst v12  }
0x359: {  	v1 =	vmovc v2;
	v22 =	vadd.f32 v22, v22;
	v7 =	vmax.f32 v4, $9.999999740e-06;
	v14 =	vmul.f32 v15, v14;
	[tilespmem:s16+$0x3000] =	vst v17;
	s16 =	smov.u32 s7;
	s7 =	smov.u32 s6;
	s6 =	smov.u32 s18  }
0x35a: {  	s18 =	smov.u32 s19;
	[tilespmem:s6+$0x2000] =	vst v19;
	(erf) = vrcp.f32 v21;
	v2 =	vshra.s32 v7, $0x1;
	v4 =	vmul.f32 $5.000000000e-01, v7  }
0x35b: {  	v12 =	vsub.f32 $0.0e+00, v22;
	v17 =	vsub.s32 $0x5F3759DF, v2;
	v2 =	vmul.f32 v14, v8  }
0x35c: {  	v13 =	vsub.f32 $1.000000000e+00, v20;
	v15 =	vmul.f32 v11, v5;
	v18 =	vmul.f32 v17, v4;
	v8 =	vmovc v4  }
0x35d: {  	v4 =	vmul.f32 $1.442695020e+00, v12;
	v12 =	vsub.f32 $1.000000000e+00, v19;
	v20 =	vmul.f32 v2, v14  }
0x35e: {  	v15 =	vmul.f32 v15, v11;
	v2 =	vmax.f32 v13, $9.999999740e-06;
	v18 =	vmul.f32 v17, v18  }
0x35f: {  	(erf) = vpow2.f32 v4;
	v4 =	vshra.s32 v2, $0x1;
	v20 =	vsub.f32 $1.500000000e+00, v20  }
.Ltmp10:
0x360: {  	v13 =	vsub.s32 $0x5F3759DF, v4;
	v4 =	vmul.f32 $5.000000000e-01, v2;
	v18 =	vsub.f32 $1.500000000e+00, v18;
	(pc) =	sbr.rel @p1 .LBB2_22-.Ltmp10, $4  }
0x361: {  	v21 =	vmul.f32 v16, v9;
	v15 =	vsub.f32 $1.500000000e+00, v15;
	v20 =	vmul.f32 v20, v14  }
0x362: {  	v23 =	vmul.f32 $8.000000000e+00, v19;
	v14 =	vmul.f32 v17, v18  }
0x363: {  	v18 =	vmul.f32 v13, v4;
	v17 =	vsub.f32 $1.500000000e+00, v21;
	v16 =	vpop (erf);
	v10 =	vmul.f32 v20, v10  }
0x364: {  	s19 =	sshra.s32 s22, $0x2;
	s22 =	sadd.s32 $0x40, s22;
	v19 =	vadd.f32 v6, v6;
	v6 =	vmovc v22;
	v20 =	vmul.f32 v16, v23;
	v21 =	vmul.f32 v14, v8  }
0x365: {  	v22 =	vld [tilespmem:s19+$0x1000];
	_ =	sdelay $0x4  }
0x366: {  	v22 =	vadd.f32 v22, v22;
	_ =	sdelay $0x1  }
0x367: {  	v23 =	vpop (erf);
	v24 =	vsub.f32 $0.0e+00, v22  }
0x368: {  	v25 =	vadd.f32 $1.000000000e+00, v23  }
0x369: {  	v24 =	vmul.f32 $1.442695020e+00, v24  }
0x36a: {  	(erf) = vrcp.f32 v25  }
0x36b: {  	(erf) = vpow2.f32 v24;
	_ =	sdelay $0x4  }
0x36c: {  	v18 =	vmul.f32 v13, v18;
	v19 =	vadd.f32 v20, v19  }
0x36d: {  	v11 =	vmul.f32 v15, v11;
	v9 =	vmul.f32 v17, v9  }
0x36e: {  	v12 =	vmul.f32 v16, v12;
	v31 =	vmul.f32 v21, v14  }
0x36f: {  	v6 =	vadd.f32 v6, v6;
	v32 =	vsub.f32 $1.500000000e+00, v18;
	v5 =	vmul.f32 v11, v5;
	v17 =	vpop (erf)  }
0x370: {  	v3 =	vmul.f32 v9, v3;
	v33 =	vadd.f32 $-4.000000000e+00, v19;
	v34 =	vsub.f32 $1.500000000e+00, v31;
	v19 =	vpop (erf)  }
0x371: {  	v35 =	vmul.f32 v23, v23;
	v37 =	vmul.f32 v13, v32;
	v36 =	vadd.f32 $1.000000000e+00, v19  }
0x372: {  	v43 =	vmul.f32 $8.000000000e+00, v23;
	v5 =	vmul.f32 v5, v11;
	v61 =	vsub.f32 $1.000000000e+00, v23  }
0x373: {  	v15 =	vmax.f32 v33, $9.999999740e-06;
	v38 =	vmul.f32 v34, v14;
	(erf) = vrcp.f32 v36  }
0x374: {  	v16 =	vshra.s32 v15, $0x1;
	v39 =	vmul.f32 $5.000000000e-01, v15;
	v40 =	vmul.f32 v37, v4  }
0x375: {  	v5 =	vsub.f32 $1.500000000e+00, v5;
	v16 =	vsub.s32 $0x5F3759DF, v16;
	v8 =	vmul.f32 v38, v8  }
0x376: {  	v41 =	vsub.f32 $1.000000000e+00, v35;
	v42 =	vmul.f32 v16, v39;
	v21 =	vmul.f32 v40, v37  }
0x377: {  	v22 =	vadd.f32 v22, v22;
	v5 =	vmul.f32 v5, v11;
	v24 =	vmul.f32 v17, v43  }
0x378: {  	v9 =	vmax.f32 v41, $9.999999740e-06;
	v8 =	vmul.f32 v8, v38;
	v20 =	vmul.f32 v16, v42  }
0x379: {  	v44 =	vshra.s32 v9, $0x1;
	v26 =	vmul.f32 $5.000000000e-01, v9;
	v6 =	vadd.f32 v24, v6  }
0x37a: {  	v25 =	vsub.s32 $0x5F3759DF, v44;
	v21 =	vsub.f32 $1.500000000e+00, v21;
	v20 =	vsub.f32 $1.500000000e+00, v20  }
0x37b: {  	v1 =	vmul.f32 v5, v1;
	v6 =	vadd.f32 $-4.000000000e+00, v6;
	v46 =	vmul.f32 $8.000000000e+00, v19  }
0x37c: {  	v8 =	vsub.f32 $1.500000000e+00, v8;
	v47 =	vmul.f32 v25, v26;
	v45 =	vmul.f32 v16, v20;
	v48 =	vpop (erf)  }
0x37d: {  	v27 =	vmul.f32 v19, v19;
	v6 =	vmax.f32 v6, $9.999999740e-06;
	v16 =	vmul.f32 v48, v46  }
0x37e: {  	v13 =	vmul.f32 v21, v37;
	v8 =	vmul.f32 v8, v38;
	v50 =	vshra.s32 v6, $0x1  }
0x37f: {  	v28 =	vmul.f32 $5.000000000e-01, v6;
	v27 =	vsub.f32 $1.000000000e+00, v27;
	v16 =	vadd.f32 v16, v22  }
0x380: {  	v20 =	vmul.f32 v25, v47;
	v4 =	vmul.f32 v13, v4;
	v51 =	vsub.s32 $0x5F3759DF, v50  }
0x381: {  	v53 =	vmul.f32 v51, v28;
	v27 =	vmax.f32 v27, $9.999999740e-06;
	v16 =	vadd.f32 $-4.000000000e+00, v16  }
0x382: {  	v7 =	vmul.f32 v8, v7;
	v29 =	vshra.s32 v27, $0x1;
	v30 =	vmul.f32 $5.000000000e-01, v27  }
0x383: {  	v29 =	vsub.s32 $0x5F3759DF, v29;
	v24 =	vmul.f32 v51, v53;
	v16 =	vmax.f32 v16, $9.999999740e-06  }
0x384: {  	v33 =	vmul.f32 v29, v30;
	v31 =	vshra.s32 v16, $0x1;
	v32 =	vmul.f32 $5.000000000e-01, v16  }
0x385: {  	v49 =	vmul.f32 v45, v39;
	v24 =	vsub.f32 $1.500000000e+00, v24;
	v31 =	vsub.s32 $0x5F3759DF, v31  }
0x386: {  	v54 =	vmul.f32 v29, v33;
	v34 =	vmul.f32 v31, v32  }
0x387: {  	v20 =	vsub.f32 $1.500000000e+00, v20;
	v17 =	vmul.f32 v17, v61;
	v21 =	vmul.f32 v51, v24  }
0x388: {  	[tilespmem:s16+$0x5000] =	vst v10;
	v52 =	vmul.f32 v49, v45;
	v57 =	vsub.f32 $1.500000000e+00, v54;
	v55 =	vmul.f32 v31, v34  }
0x389: {  	[tilespmem:s6+$0x4000] =	vst v12;
	v20 =	vmul.f32 v25, v20;
	v60 =	vmul.f32 v21, v28  }
0x38a: {  	[tilespmem:s16+$0x3000] =	vst v3;
	v3 =	vmul.f32 v4, v13;
	v18 =	vmul.f32 v29, v57;
	v59 =	vsub.f32 $1.500000000e+00, v55  }
0x38b: {  	v58 =	vmul.f32 v20, v26;
	v22 =	vsub.f32 $1.500000000e+00, v52;
	v25 =	vmul.f32 v60, v21  }
0x38c: {  	v62 =	vmul.f32 v18, v30;
	v24 =	vmul.f32 v31, v59  }
0x38d: {  	v14 =	vmul.f32 v22, v45;
	v22 =	vmul.f32 v58, v20  }
0x38e: {  	v25 =	vsub.f32 $1.500000000e+00, v25;
	v36 =	vmul.f32 v62, v18;
	v63 =	vmul.f32 v24, v32  }
0x38f: {  	[tilespmem:s18+$0x2000] =	vst v23;
	v3 =	vsub.f32 $1.500000000e+00, v3;
	v56 =	vmul.f32 v14, v39;
	v22 =	vsub.f32 $1.500000000e+00, v22  }
0x390: {  	[tilespmem:s7+$0x5000] =	vst v7;
	v40 =	vmul.f32 v25, v21;
	v38 =	vsub.f32 $1.500000000e+00, v36;
	v37 =	vmul.f32 v63, v24  }
0x391: {  	[tilespmem:s18+$0x4000] =	vst v17;
	v11 =	vmul.f32 v56, v14;
	v39 =	vmul.f32 v22, v20  }
0x392: {  	[tilespmem:s7+$0x3000] =	vst v1;
	v1 =	vmul.f32 v3, v13;
	v42 =	vmul.f32 v38, v18;
	v41 =	vsub.f32 $1.500000000e+00, v37  }
0x393: {  	v44 =	vmul.f32 v40, v28;
	v11 =	vsub.f32 $1.500000000e+00, v11;
	v4 =	vmul.f32 v39, v26  }
0x394: {  	v46 =	vmul.f32 v42, v30;
	v43 =	vmul.f32 v41, v24  }
0x395: {  	v5 =	vmul.f32 v11, v14;
	v4 =	vmul.f32 v4, v39  }
0x396: {  	v45 =	vsub.f32 $1.000000000e+00, v19;
	v12 =	vmul.f32 v44, v40;
	v21 =	vmul.f32 v43, v32  }
0x397: {  	v5 =	vmul.f32 v5, v15;
	v3 =	vsub.f32 $1.500000000e+00, v4;
	v4 =	vmul.f32 v46, v42  }
0x398: {  	[tilespmem:s19+$0x2000] =	vst v19;
	v48 =	vmul.f32 v48, v45;
	v12 =	vsub.f32 $1.500000000e+00, v12;
	v47 =	vmul.f32 v21, v43  }
0x399: {  	v1 =	vmul.f32 v1, v2;
	[tilespmem:s6+$0x5000] =	vst v5;
	v2 =	vmul.f32 v3, v39;
	v3 =	vsub.f32 $1.500000000e+00, v4  }
0x39a: {  	v49 =	vmul.f32 v12, v40;
	[tilespmem:s19+$0x4000] =	vst v48;
	v50 =	vsub.f32 $1.500000000e+00, v47  }
0x39b: {  	[tilespmem:s6+$0x3000] =	vst v1;
	v1 =	vmul.f32 v2, v9;
	v2 =	vmul.f32 v3, v42  }
0x39c: {  	v4 =	vmul.f32 v49, v6;
	v5 =	vmul.f32 v50, v43  }
0x39d: {  	[tilespmem:s18+$0x3000] =	vst v1;
	v1 =	vmul.f32 v2, v27  }
0x39e: {  	[tilespmem:s18+$0x5000] =	vst v4;
	v3 =	vmul.f32 v5, v16  }
0x39f: {  	[tilespmem:s19+$0x3000] =	vst v1  }
0x3a0: {  	s6 =	simm.s32 $0x0;
	[tilespmem:s19+$0x5000] =	vst v3  }
0x3a1: {  	v1 =	vld [tilespmem:s6+$0x0];
	_ =	sdelay $0x5  }
0x3a2: {  	v2 =	vld [tilespmem:s6+$0x2000]  }
0x3a3: {  	v4 =	vld [tilespmem:s6+$0x6000]  }
0x3a4: {  	v3 =	vld.idx.msk [tilespmem:v1+s13+$0x0], $0xffff  }
0x3a5: {  	v5 =	vld [tilespmem:s6+$0xC000]  }
0x3a6: {  	v51 =	vld [tilespmem:s6+$0x3000];
	_ =	sdelay $0x2  }
0x3a7: {  	v7 =	vld.idx.msk [tilespmem:v1+s9+$0x0], $0xffff;
	v3 =	vsub.f32 v4, v3  }
0x3a8: {  	v4 =	vld [tilespmem:s6+$0x9000]  }
0x3a9: {  	v52 =	vld [tilespmem:s6+$0x5000];
	v53 =	vmul.f32 v5, v2;
	v54 =	vmul.f32 v3, v51  }
0x3aa: {  	[tilespmem:s6+$0x6000] =	vst v3;
	v3 =	vld [tilespmem:s6+$0x4000]  }
0x3ab: {  	v9 =	vadd.f32 v53, v54;
	_ =	sdelay $0x1  }
0x3ac: {  	v4 =	vsub.f32 v4, v7;
	v5 =	vadd.f32 v9, v5;
	_ =	sdelay $0x1  }
0x3ad: {  	v7 =	vmul.f32 v4, v52;
	v5 =	vmul.f32 v5, v3;
	_ =	sdelay $0x1  }
0x3ae: {  	v5 =	vadd.f32 v5, v7;
	_ =	sdelay $0x1  }
0x3af: {  	v5 =	vadd.f32 $5.000000000e-01, v5;
	_ =	sdelay $0x1  }
0x3b0: {  	v55 =	vtrunc.f32 v5  }
0x3b1: {  	v7 =	vcvt.f32.s32 v55;
	_ =	sdelay $0x1  }
0x3b2: {  	v7 =	vcvt.s32.f32 v7;
	_ =	sdelay $0x1  }
0x3b3: {  	vm0 =	vlt.f32 v5, v7  }
0x3b4: {  	v56 =	vsel vm0, $0x3F800000, v0  }
0x3b5: {  	v7 =	vsub.f32 v56, v7;
	_ =	sdelay $0x1  }
0x3b6: {  	v5 =	vadd.f32 v7, v5;
	_ =	sdelay $0x1  }
0x3b7: {  	[tilespmem:s6+$0xC000] =	vst v9;
	v5 =	vadd.f32 $-5.000000000e-01, v5  }
0x3b8: {  	[tilespmem:s6+$0x9000] =	vst v4  }
0x3b9: {  	[tilespmem:s6+$0xF000] =	vst v5;
	v5 =	vld [tilespmem:s6+$0x7000]  }
0x3ba: {  	v4 =	vld.idx.msk [tilespmem:v1+s14+$0x0], $0xffff;
	_ =	sdelay $0x1  }
0x3bb: {  	v57 =	vld [tilespmem:s6+$0xD000];
	_ =	sdelay $0x2  }
0x3bc: {  	v9 =	vld.idx.msk [tilespmem:v1+s15+$0x0], $0xffff;
	v4 =	vsub.f32 v5, v4  }
0x3bd: {  	v5 =	vld [tilespmem:s6+$0xA000]  }
0x3be: {  	v58 =	vmul.f32 v57, v2;
	v59 =	vmul.f32 v4, v51;
	_ =	sdelay $0x1  }
0x3bf: {  	v10 =	vadd.f32 v58, v59;
	_ =	sdelay $0x1  }
0x3c0: {  	v5 =	vsub.f32 v5, v9;
	v7 =	vadd.f32 v10, v57;
	_ =	sdelay $0x1  }
0x3c1: {  	v9 =	vmul.f32 v5, v52;
	v7 =	vmul.f32 v7, v3;
	_ =	sdelay $0x1  }
0x3c2: {  	v7 =	vadd.f32 v7, v9;
	_ =	sdelay $0x1  }
0x3c3: {  	v7 =	vadd.f32 $5.000000000e-01, v7;
	_ =	sdelay $0x1  }
0x3c4: {  	v60 =	vtrunc.f32 v7  }
0x3c5: {  	v9 =	vcvt.f32.s32 v60;
	_ =	sdelay $0x1  }
0x3c6: {  	v9 =	vcvt.s32.f32 v9;
	_ =	sdelay $0x1  }
0x3c7: {  	vm14 =	vlt.f32 v7, v9  }
0x3c8: {  	v61 =	vsel vm14, $0x3F800000, v0  }
0x3c9: {  	v9 =	vsub.f32 v61, v9;
	_ =	sdelay $0x1  }
0x3ca: {  	v7 =	vadd.f32 v9, v7  }
0x3cb: {  	[tilespmem:s6+$0x7000] =	vst v4  }
0x3cc: {  	[tilespmem:s6+$0xD000] =	vst v10;
	v4 =	vadd.f32 $-5.000000000e-01, v7  }
0x3cd: {  	[tilespmem:s6+$0xA000] =	vst v5  }
0x3ce: {  	[tilespmem:s6+$0x10000] =	vst v4;
	v4 =	vld [tilespmem:s6+$0x8000]  }
0x3cf: {  	v5 =	vld.idx.msk [tilespmem:v1+s17+$0x0], $0xffff;
	_ =	sdelay $0x1  }
0x3d0: {  	v62 =	vld [tilespmem:s6+$0xE000];
	_ =	sdelay $0x2  }
0x3d1: {  	v1 =	vld.idx.msk [tilespmem:v1+s20+$0x0], $0xffff;
	v4 =	vsub.f32 v4, v5  }
0x3d2: {  	v5 =	vld [tilespmem:s6+$0xB000]  }
0x3d3: {  	v2 =	vmul.f32 v62, v2;
	v6 =	vmul.f32 v4, v51;
	_ =	sdelay $0x1  }
0x3d4: {  	v2 =	vadd.f32 v2, v6;
	_ =	sdelay $0x1  }
0x3d5: {  	v1 =	vsub.f32 v5, v1;
	v5 =	vadd.f32 v2, v62;
	_ =	sdelay $0x1  }
0x3d6: {  	v3 =	vmul.f32 v5, v3;
	v5 =	vmul.f32 v1, v52;
	_ =	sdelay $0x1  }
0x3d7: {  	v3 =	vadd.f32 v3, v5;
	_ =	sdelay $0x1  }
0x3d8: {  	v3 =	vadd.f32 $5.000000000e-01, v3;
	_ =	sdelay $0x1  }
0x3d9: {  	v5 =	vtrunc.f32 v3  }
0x3da: {  	v5 =	vcvt.f32.s32 v5;
	_ =	sdelay $0x1  }
0x3db: {  	[tilespmem:s6+$0x8000] =	vst v4;
	v5 =	vcvt.s32.f32 v5  }
0x3dc: {  	[tilespmem:s6+$0xE000] =	vst v2  }
0x3dd: {  	s16 =	simm.s32 $0x10;
	[tilespmem:s6+$0xB000] =	vst v1;
	vm15 =	vlt.f32 v3, v5  }
0x3de: {  	v2 =	vld [tilespmem:s16+$0x0];
	v63 =	vsel vm15, $0x3F800000, v0  }
0x3df: {  	v4 =	vsub.f32 v63, v5;
	_ =	sdelay $0x1  }
0x3e0: {  	v3 =	vadd.f32 v4, v3;
	_ =	sdelay $0x1  }
0x3e1: {  	v1 =	vld [tilespmem:s16+$0x2000];
	v3 =	vadd.f32 $-5.000000000e-01, v3  }
.LBB2_24:
0x3e2: {  	_ = 	snop  }
0x3e3: {  	p1 =	sne.s32 s5, $0x3FC0;
	s7 =	smov.u32 s5;
	s5 =	sadd.s32 $0x40, s5;
	[tilespmem:s6+$0x11000] =	vst v3  }
0x3e4: {  	s6 =	smov.u32 s16;
	v3 =	vld.idx.msk [tilespmem:v2+s13+$0x0], $0xffff  }
0x3e5: {  	v5 =	vld [tilespmem:s6+$0x6000]  }
0x3e6: {  	v6 =	vld [tilespmem:s6+$0xC000]  }
0x3e7: {  	v4 =	vld [tilespmem:s6+$0x3000];
	_ =	sdelay $0x2  }
0x3e8: {  	v7 =	vld.idx.msk [tilespmem:v2+s9+$0x0], $0xffff;
	v5 =	vsub.f32 v5, v3  }
0x3e9: {  	v8 =	vld [tilespmem:s6+$0x9000];
	v9 =	vmul.f32 v6, v1  }
0x3ea: {  	v3 =	vld [tilespmem:s6+$0x5000];
	v10 =	vmul.f32 v5, v4;
	[tilespmem:s6+$0x6000] =	vst v5  }
0x3eb: {  	v5 =	vld [tilespmem:s6+$0x4000]  }
0x3ec: {  	v9 =	vadd.f32 v9, v10;
	_ =	sdelay $0x1  }
0x3ed: {  	v7 =	vsub.f32 v8, v7;
	v6 =	vadd.f32 v9, v6;
	[tilespmem:s6+$0xC000] =	vst v9;
	_ =	sdelay $0x1  }
0x3ee: {  	v6 =	vmul.f32 v6, v5;
	v8 =	vmul.f32 v7, v3;
	[tilespmem:s6+$0x9000] =	vst v7;
	_ =	sdelay $0x1  }
0x3ef: {  	v6 =	vadd.f32 v6, v8;
	_ =	sdelay $0x1  }
0x3f0: {  	v6 =	vadd.f32 $5.000000000e-01, v6;
	_ =	sdelay $0x1  }
0x3f1: {  	v7 =	vtrunc.f32 v6  }
0x3f2: {  	v7 =	vcvt.f32.s32 v7;
	_ =	sdelay $0x1  }
0x3f3: {  	v7 =	vcvt.s32.f32 v7;
	_ =	sdelay $0x1  }
0x3f4: {  	vm0 =	vlt.f32 v6, v7  }
0x3f5: {  	v8 =	vsel vm0, $0x3F800000, v0  }
0x3f6: {  	v7 =	vsub.f32 v8, v7;
	_ =	sdelay $0x1  }
0x3f7: {  	v6 =	vadd.f32 v7, v6;
	_ =	sdelay $0x1  }
0x3f8: {  	v6 =	vadd.f32 $-5.000000000e-01, v6;
	_ =	sdelay $0x1  }
0x3f9: {  	[tilespmem:s6+$0xF000] =	vst v6  }
0x3fa: {  	v6 =	vld.idx.msk [tilespmem:v2+s14+$0x0], $0xffff  }
0x3fb: {  	v7 =	vld [tilespmem:s6+$0x7000];
	_ =	sdelay $0x1  }
0x3fc: {  	v8 =	vld [tilespmem:s6+$0xD000];
	_ =	sdelay $0x2  }
0x3fd: {  	v9 =	vld.idx.msk [tilespmem:v2+s15+$0x0], $0xffff;
	v6 =	vsub.f32 v7, v6  }
0x3fe: {  	v7 =	vld [tilespmem:s6+$0xA000]  }
0x3ff: {  	v10 =	vmul.f32 v8, v1;
	v11 =	vmul.f32 v6, v4;
	[tilespmem:s6+$0x7000] =	vst v6;
	_ =	sdelay $0x1  }
0x400: {  	v6 =	vadd.f32 v10, v11;
	_ =	sdelay $0x1  }
0x401: {  	v7 =	vsub.f32 v7, v9;
	v8 =	vadd.f32 v6, v8;
	[tilespmem:s6+$0xD000] =	vst v6;
	_ =	sdelay $0x1  }
0x402: {  	v6 =	vmul.f32 v8, v5;
	v8 =	vmul.f32 v7, v3;
	[tilespmem:s6+$0xA000] =	vst v7;
	_ =	sdelay $0x1  }
0x403: {  	v6 =	vadd.f32 v6, v8;
	_ =	sdelay $0x1  }
0x404: {  	v6 =	vadd.f32 $5.000000000e-01, v6;
	_ =	sdelay $0x1  }
0x405: {  	v7 =	vtrunc.f32 v6  }
0x406: {  	v7 =	vcvt.f32.s32 v7;
	_ =	sdelay $0x1  }
0x407: {  	v7 =	vcvt.s32.f32 v7;
	_ =	sdelay $0x1  }
0x408: {  	vm0 =	vlt.f32 v6, v7  }
0x409: {  	v8 =	vsel vm0, $0x3F800000, v0  }
0x40a: {  	v7 =	vsub.f32 v8, v7;
	_ =	sdelay $0x1  }
0x40b: {  	v6 =	vadd.f32 v7, v6;
	_ =	sdelay $0x1  }
0x40c: {  	v6 =	vadd.f32 $-5.000000000e-01, v6;
	_ =	sdelay $0x1  }
0x40d: {  	[tilespmem:s6+$0x10000] =	vst v6;
	v6 =	vld [tilespmem:s6+$0x8000]  }
0x40e: {  	v7 =	vld.idx.msk [tilespmem:v2+s17+$0x0], $0xffff  }
0x40f: {  	v2 =	vld.idx.msk [tilespmem:v2+s20+$0x0], $0xffff  }
0x410: {  	v8 =	vld [tilespmem:s6+$0xB000]  }
0x411: {  	v9 =	vld [tilespmem:s6+$0xE000];
	_ =	sdelay $0x2  }
0x412: {  	v6 =	vsub.f32 v6, v7  }
0x413: {  	v2 =	vsub.f32 v8, v2  }
0x414: {  	v4 =	vmul.f32 v6, v4;
	v1 =	vmul.f32 v9, v1;
	[tilespmem:s6+$0x8000] =	vst v6  }
0x415: {  	[tilespmem:s6+$0xB000] =	vst v2  }
0x416: {  	v1 =	vadd.f32 v1, v4;
	_ =	sdelay $0x1  }
0x417: {  	v4 =	vadd.f32 v1, v9;
	[tilespmem:s6+$0xE000] =	vst v1;
	_ =	sdelay $0x1  }
0x418: {  	v2 =	vmul.f32 v2, v3;
	v1 =	vmul.f32 v4, v5;
	_ =	sdelay $0x1  }
0x419: {  	v1 =	vadd.f32 v1, v2;
	_ =	sdelay $0x1  }
0x41a: {  	v3 =	vadd.f32 $5.000000000e-01, v1;
	_ =	sdelay $0x1  }
0x41b: {  	v1 =	vtrunc.f32 v3  }
0x41c: {  	v1 =	vcvt.f32.s32 v1;
	_ =	sdelay $0x1  }
0x41d: {  	v4 =	vcvt.s32.f32 v1;
	_ =	sdelay $0x1  }
0x41e: {  	s16 =	sshra.s32 s7, $0x2;
	vm0 =	vlt.f32 v3, v4  }
0x41f: {  	v2 =	vld [tilespmem:s16+$0x0];
	v5 =	vsel vm0, $0x3F800000, v0  }
.Ltmp11:
0x420: {  	v1 =	vld [tilespmem:s16+$0x2000];
	v4 =	vsub.f32 v5, v4;
	(pc) =	sbr.rel @p1 .LBB2_24-.Ltmp11, $3  }
0x421: {  	_ = 	snop  }
0x422: {  	v3 =	vadd.f32 v4, v3;
	_ =	sdelay $0x1  }
0x423: {  	v3 =	vadd.f32 $-5.000000000e-01, v3  }
0x424: {  	_ =	sdelay $0x2  }
0x425: {  	[tilespmem:s6+$0x11000] =	vst v3  }
0x426: {  	v3 =	vld.idx.msk [tilespmem:v2+s13+$0x0], $0xffff  }
0x427: {  	v4 =	vld [tilespmem:s16+$0x6000]  }
0x428: {  	v5 =	vld [tilespmem:s16+$0xC000]  }
0x429: {  	v6 =	vld [tilespmem:s16+$0x3000];
	_ =	sdelay $0x2  }
0x42a: {  	v7 =	vld.idx.msk [tilespmem:v2+s9+$0x0], $0xffff;
	v3 =	vsub.f32 v4, v3  }
0x42b: {  	v47 =	vld [tilespmem:s16+$0x9000]  }
0x42c: {  	v8 =	vld [tilespmem:s16+$0x5000];
	v9 =	vmul.f32 v5, v1;
	v10 =	vmul.f32 v3, v6  }
0x42d: {  	[tilespmem:s16+$0x6000] =	vst v3;
	v3 =	vld [tilespmem:s16+$0x4000]  }
0x42e: {  	v9 =	vadd.f32 v9, v10;
	_ =	sdelay $0x1  }
0x42f: {  	v4 =	vsub.f32 v47, v7;
	v5 =	vadd.f32 v9, v5;
	_ =	sdelay $0x1  }
0x430: {  	v7 =	vmul.f32 v4, v8;
	v5 =	vmul.f32 v5, v3;
	_ =	sdelay $0x1  }
0x431: {  	v5 =	vadd.f32 v5, v7;
	_ =	sdelay $0x1  }
0x432: {  	v5 =	vadd.f32 $5.000000000e-01, v5;
	_ =	sdelay $0x1  }
0x433: {  	v48 =	vtrunc.f32 v5  }
0x434: {  	v7 =	vcvt.f32.s32 v48;
	_ =	sdelay $0x1  }
0x435: {  	v7 =	vcvt.s32.f32 v7;
	_ =	sdelay $0x1  }
0x436: {  	vm0 =	vlt.f32 v5, v7  }
0x437: {  	v49 =	vsel vm0, $0x3F800000, v0  }
0x438: {  	v7 =	vsub.f32 v49, v7;
	_ =	sdelay $0x1  }
0x439: {  	v5 =	vadd.f32 v7, v5;
	_ =	sdelay $0x1  }
0x43a: {  	[tilespmem:s16+$0x9000] =	vst v4;
	v5 =	vadd.f32 $-5.000000000e-01, v5  }
0x43b: {  	[tilespmem:s16+$0xC000] =	vst v9  }
0x43c: {  	v50 =	vld [tilespmem:s16+$0x7000];
	[tilespmem:s16+$0xF000] =	vst v5  }
0x43d: {  	v4 =	vld.idx.msk [tilespmem:v2+s14+$0x0], $0xffff;
	_ =	sdelay $0x1  }
0x43e: {  	v51 =	vld [tilespmem:s16+$0xD000];
	_ =	sdelay $0x2  }
0x43f: {  	v52 =	vld [tilespmem:s16+$0xA000];
	v4 =	vsub.f32 v50, v4  }
0x440: {  	v9 =	vld.idx.msk [tilespmem:v2+s15+$0x0], $0xffff  }
0x441: {  	v53 =	vmul.f32 v51, v1;
	v11 =	vmul.f32 v4, v6;
	_ =	sdelay $0x1  }
0x442: {  	v10 =	vadd.f32 v53, v11;
	_ =	sdelay $0x1  }
0x443: {  	v5 =	vsub.f32 v52, v9;
	v7 =	vadd.f32 v10, v51;
	_ =	sdelay $0x1  }
0x444: {  	v9 =	vmul.f32 v5, v8;
	v7 =	vmul.f32 v7, v3;
	_ =	sdelay $0x1  }
0x445: {  	v7 =	vadd.f32 v7, v9;
	_ =	sdelay $0x1  }
0x446: {  	v7 =	vadd.f32 $5.000000000e-01, v7;
	_ =	sdelay $0x1  }
0x447: {  	v54 =	vtrunc.f32 v7  }
0x448: {  	v9 =	vcvt.f32.s32 v54;
	_ =	sdelay $0x1  }
0x449: {  	v9 =	vcvt.s32.f32 v9;
	_ =	sdelay $0x1  }
0x44a: {  	vm14 =	vlt.f32 v7, v9  }
0x44b: {  	v55 =	vsel vm14, $0x3F800000, v0  }
0x44c: {  	v9 =	vsub.f32 v55, v9;
	_ =	sdelay $0x1  }
0x44d: {  	v7 =	vadd.f32 v9, v7  }
0x44e: {  	[tilespmem:s16+$0x7000] =	vst v4  }
0x44f: {  	[tilespmem:s16+$0xA000] =	vst v5;
	v56 =	vadd.f32 $-5.000000000e-01, v7  }
0x450: {  	[tilespmem:s16+$0xD000] =	vst v10  }
0x451: {  	v57 =	vld [tilespmem:s16+$0x8000];
	[tilespmem:s16+$0x10000] =	vst v56  }
0x452: {  	v5 =	vld.idx.msk [tilespmem:v2+s17+$0x0], $0xffff;
	_ =	sdelay $0x1  }
0x453: {  	v58 =	vld [tilespmem:s16+$0xE000];
	_ =	sdelay $0x2  }
0x454: {  	v59 =	vld [tilespmem:s16+$0xB000];
	v4 =	vsub.f32 v57, v5  }
0x455: {  	v2 =	vld.idx.msk [tilespmem:v2+s20+$0x0], $0xffff  }
0x456: {  	v1 =	vmul.f32 v58, v1;
	v6 =	vmul.f32 v4, v6;
	_ =	sdelay $0x1  }
0x457: {  	v1 =	vadd.f32 v1, v6;
	_ =	sdelay $0x1  }
0x458: {  	v2 =	vsub.f32 v59, v2;
	v60 =	vadd.f32 v1, v58;
	_ =	sdelay $0x1  }
0x459: {  	v61 =	vmul.f32 v2, v8;
	v3 =	vmul.f32 v60, v3;
	_ =	sdelay $0x1  }
0x45a: {  	v3 =	vadd.f32 v3, v61;
	_ =	sdelay $0x1  }
0x45b: {  	v3 =	vadd.f32 $5.000000000e-01, v3;
	_ =	sdelay $0x1  }
0x45c: {  	v62 =	vtrunc.f32 v3  }
0x45d: {  	v5 =	vcvt.f32.s32 v62;
	_ =	sdelay $0x1  }
0x45e: {  	v5 =	vcvt.s32.f32 v5;
	_ =	sdelay $0x1  }
0x45f: {  	vm15 =	vlt.f32 v3, v5  }
0x460: {  	v63 =	vsel vm15, $0x3F800000, v0  }
0x461: {  	v5 =	vsub.f32 v63, v5;
	_ =	sdelay $0x1  }
0x462: {  	v3 =	vadd.f32 v5, v3  }
0x463: {  	[tilespmem:s16+$0x8000] =	vst v4  }
0x464: {  	[tilespmem:s16+$0xB000] =	vst v2;
	v2 =	vadd.f32 $-5.000000000e-01, v3  }
0x465: {  	[tilespmem:s16+$0xE000] =	vst v1  }
0x466: {  	s2 =	simm.s32 $0xF000;
	s6 =	rddreg [dreg:$0x7];
	[tilespmem:s16+$0x11000] =	vst v2  }
0x467: {  	[spmem:s6] =	stream.indirect.scatter.add.f32 [tilespmem:s2], [sflag:$0x1], $0x1, s0, s21, $0xb8;
	[tilespmem:$0x16180] =	vst v63  }
0x468: {  	_ =	swait.ge [sflag:s10], $0x1000  }
0x469: {  	s5 =	sld [smem:$0x7E0]  }
0x46a: {  	[sflag:s10] =	ssyncset.done $0x0  }
0x46b: {  	[sflag:s10] =	ssyncadd.s32 $0xFFFFF000  }
0x46c: {  	[hbm4b:s5+s0] =	stream.linear.scatter [tilespmem:s24], [sflag:$0x1], $0x1000, $0x38;
	[tilespmem:$0x16180] =	vst v63  }
0x46d: {  	_ =	swait.ge [sflag:s10], $0x1000  }
0x46e: {  	s18 =	sld [smem:$0x7E1]  }
0x46f: {  	[sflag:s10] =	ssyncset.done $0x0  }
0x470: {  	[sflag:s10] =	ssyncadd.s32 $0xFFFFF000  }
0x471: {  	[hbm4b:s18+s0] =	stream.linear.scatter [tilespmem:s25], [sflag:$0x1], $0x1000, $0x38;
	[tilespmem:$0x16180] =	vst v63  }
0x472: {  	_ =	swait.ge [sflag:s10], $0x1000  }
0x473: {  	s19 =	sld [smem:$0x7E2]  }
0x474: {  	[sflag:s10] =	ssyncset.done $0x0  }
0x475: {  	[sflag:s10] =	ssyncadd.s32 $0xFFFFF000  }
0x476: {  	[hbm4b:s19+s0] =	stream.linear.scatter [tilespmem:s23], [sflag:$0x1], $0x1000, $0x38;
	[tilespmem:$0x16180] =	vst v63  }
0x477: {  	_ =	swait.ge [sflag:s10], $0x1000  }
0x478: {  	s22 =	sld [smem:$0x7E3]  }
0x479: {  	[sflag:s10] =	ssyncset.done $0x0  }
0x47a: {  	[sflag:s10] =	ssyncadd.s32 $0xFFFFF000  }
0x47b: {  	[hbm4b:s22+s0] =	stream.linear.scatter [tilespmem:s2], [sflag:$0x1], $0x1000, $0x38;
	[tilespmem:$0x16180] =	vst v63  }
0x47c: {  	_ =	swait.ge [sflag:s10], $0x1000  }
0x47d: {  	[sflag:s10] =	ssyncset.done $0x0  }
0x47e: {  	[sflag:s10] =	ssyncadd.s32 $0xFFFFF000  }
0x47f: {  	s7 =	simm.s32 $0x10000;
	s19 =	rddreg [dreg:$0x8]  }
0x480: {  	[spmem:s19] =	stream.indirect.scatter.add.f32 [tilespmem:s7], [sflag:$0x1], $0x1, s0, s21, $0xb8;
	[tilespmem:$0x16180] =	vst v63  }
0x481: {  	_ =	swait.ge [sflag:s10], $0x1000  }
0x482: {  	s23 =	sld [smem:$0x7E4]  }
0x483: {  	[sflag:s10] =	ssyncset.done $0x0  }
0x484: {  	[sflag:s10] =	ssyncadd.s32 $0xFFFFF000  }
0x485: {  	[hbm4b:s23+s0] =	stream.linear.scatter [tilespmem:s28], [sflag:$0x1], $0x1000, $0x38;
	[tilespmem:$0x16180] =	vst v63  }
0x486: {  	_ =	swait.ge [sflag:s10], $0x1000  }
0x487: {  	s16 =	sld [smem:$0x7E5]  }
0x488: {  	[sflag:s10] =	ssyncset.done $0x0  }
0x489: {  	[sflag:s10] =	ssyncadd.s32 $0xFFFFF000  }
0x48a: {  	[hbm4b:s16+s0] =	stream.linear.scatter [tilespmem:s29], [sflag:$0x1], $0x1000, $0x38;
	[tilespmem:$0x16180] =	vst v63  }
0x48b: {  	_ =	swait.ge [sflag:s10], $0x1000  }
0x48c: {  	s18 =	sld [smem:$0x7E6]  }
0x48d: {  	[sflag:s10] =	ssyncset.done $0x0  }
0x48e: {  	[sflag:s10] =	ssyncadd.s32 $0xFFFFF000  }
0x48f: {  	[hbm4b:s18+s0] =	stream.linear.scatter [tilespmem:s26], [sflag:$0x1], $0x1000, $0x38;
	[tilespmem:$0x16180] =	vst v63  }
0x490: {  	_ =	swait.ge [sflag:s10], $0x1000  }
0x491: {  	s22 =	sld [smem:$0x7E7]  }
0x492: {  	[sflag:s10] =	ssyncset.done $0x0  }
0x493: {  	[sflag:s10] =	ssyncadd.s32 $0xFFFFF000  }
0x494: {  	[hbm4b:s22+s0] =	stream.linear.scatter [tilespmem:s7], [sflag:$0x1], $0x1000, $0x38;
	[tilespmem:$0x16180] =	vst v63  }
0x495: {  	_ =	swait.ge [sflag:s10], $0x1000  }
0x496: {  	[sflag:s10] =	ssyncset.done $0x0  }
0x497: {  	[sflag:s10] =	ssyncadd.s32 $0xFFFFF000  }
0x498: {  	s22 =	rddreg [dreg:$0x9]  }
0x499: {  	[spmem:s22] =	stream.indirect.scatter.add.f32 [tilespmem:s3], [sflag:$0x1], $0x1, s0, s21, $0xb8;
	[tilespmem:$0x16180] =	vst v63  }
0x49a: {  	_ =	swait.ge [sflag:s10], $0x1000  }
0x49b: {  	s23 =	sld [smem:$0x7E8]  }
0x49c: {  	[sflag:s10] =	ssyncset.done $0x0  }
0x49d: {  	[sflag:s10] =	ssyncadd.s32 $0xFFFFF000  }
0x49e: {  	[hbm4b:s23+s0] =	stream.linear.scatter [tilespmem:s31], [sflag:$0x1], $0x1000, $0x38;
	[tilespmem:$0x16180] =	vst v63  }
0x49f: {  	_ =	swait.ge [sflag:s10], $0x1000  }
0x4a0: {  	s7 =	sld [smem:$0x7E9]  }
0x4a1: {  	[sflag:s10] =	ssyncset.done $0x0  }
0x4a2: {  	[sflag:s10] =	ssyncadd.s32 $0xFFFFF000  }
0x4a3: {  	[hbm4b:s7+s0] =	stream.linear.scatter [tilespmem:s1], [sflag:$0x1], $0x1000, $0x38;
	[tilespmem:$0x16180] =	vst v63  }
0x4a4: {  	_ =	swait.ge [sflag:s10], $0x1000  }
0x4a5: {  	s16 =	sld [smem:$0x7EA]  }
0x4a6: {  	[sflag:s10] =	ssyncset.done $0x0  }
0x4a7: {  	[sflag:s10] =	ssyncadd.s32 $0xFFFFF000  }
0x4a8: {  	[hbm4b:s16+s0] =	stream.linear.scatter [tilespmem:s30], [sflag:$0x1], $0x1000, $0x38;
	[tilespmem:$0x16180] =	vst v63  }
0x4a9: {  	_ =	swait.ge [sflag:s10], $0x1000  }
0x4aa: {  	s18 =	sld [smem:$0x7EB]  }
0x4ab: {  	[sflag:s10] =	ssyncset.done $0x0  }
0x4ac: {  	[sflag:s10] =	ssyncadd.s32 $0xFFFFF000  }
0x4ad: {  	[hbm4b:s18+s0] =	stream.linear.scatter [tilespmem:s3], [sflag:$0x1], $0x1000, $0x38;
	[tilespmem:$0x16180] =	vst v63  }
0x4ae: {  	_ =	swait.ge [sflag:s10], $0x1000  }
0x4af: {  	[sflag:s10] =	ssyncset.done $0x0  }
0x4b0: {  	[sflag:s10] =	ssyncadd.s32 $0xFFFFF000  }
0x4b1: {  	[bflag:$0x0] =	sbarrier.arrive $0xFFFF  }
0x4b2: {  	s23 =	sld [smem:$0x7EC]  }
0x4b3: {  	s5 =	sshrl.u32 @!p0 s6, $0x3;
	s6 =	simm.s32 @!p0 $0x1  }
0x4b4: {  	s7 =	simm.s32 @!p0 $0x80;
	s16 =	simm.s32 @!p0 $0x10;
	s18 =	simm.s32 @!p0 $0x1C01  }
0x4b5: {  	[hbm:s23@s7], [sflag:s18] =	dma.strided @!p0 [spmem:s5@s16], $0x100, s6, $0x10   }
0x4b6: {  	_ =	swait.ge @!p0 [sflag:s6], $0x100  }
0x4b7: {  	s5 =	sshrl.u32 @!p0 s19, $0x3;
	s19 =	sld [smem:$0x7FB]  }
0x4b8: {  	[sflag:s6] =	ssyncset.done @!p0 $0x0  }
0x4b9: {  	[sflag:s6] =	ssyncadd.s32 @!p0 $0xFFFFFF00  }
0x4ba: {  	[hbm:s19@s7], [sflag:s18] =	dma.strided @!p0 [spmem:s5@s16], $0x100, s6, $0x10   }
0x4bb: {  	_ =	swait.ge @!p0 [sflag:s6], $0x100  }
0x4bc: {  	s19 =	sld [smem:$0x7FC]  }
0x4bd: {  	[sflag:s6] =	ssyncset.done @!p0 $0x0  }
0x4be: {  	s5 =	sshrl.u32 @!p0 s22, $0x3;
	[sflag:s6] =	ssyncadd.s32 @!p0 $0xFFFFFF00  }
0x4bf: {  	[hbm:s19@s7], [sflag:s18] =	dma.strided @!p0 [spmem:s5@s16], $0x100, s6, $0x10   }
0x4c0: {  	_ =	swait.ge @!p0 [sflag:s6], $0x100  }
0x4c1: {  	s23 =	sld [smem:$0x7FD];
	_ =	sdelay $0x1  }
0x4c2: {  	s4 =	sadd.s32 $0x1, s4  }
0x4c3: {  	p1 =	sne.s32 s4, s23  }
.Ltmp12:
0x4c4: {  	_ = 	snop;
	(pc) =	sbr.rel @p1 .LBB2_1-.Ltmp12, $3  }
0x4c5: {  	_ =	sdelay $0x1  }
0x4c6: {  	[sflag:s6] =	ssyncset.done @!p0 $0x0  }
0x4c7: {  	[sflag:s6] =	ssyncadd.s32 @!p0 $0xFFFFFF00  }
0x4c8: {  	_ =	sfence.sel $0x180000  }
0x4c9: {  	[bflag:$0x0] =	sbarrier.arrive $0xFFFF  }
0x4ca: {  	_ =	strace $0x9000004A  }
0x4cb: {  	[bflag:$0x2] =	sbarrier.arrive $0xFFFF  }
0x4cc: {  	s0 =	rddreg [dreg:$0xa]  }
0x4cd: {  	s0 =	sadd.s32 @!p0 $0x100000, s0  }
0x4ce: {  	[sflag:s0] =	ssyncadd.tile.s32 @!p0 $0x1;
	_ =	shalt  }
.Lfunc_end2:
_tile_overlayer_lowered:
.L_overlay_start_2:
0x4cf: {  	(tag) =	ssettag $0x2  }
0x4d0: {  	s0 =	rddreg [dreg:$0x0];
	s2 =	stileid.u32  }
0x4d1: {  	s1 =	rddreg [dreg:$0x1];
	p0 =	sne.s32 s2, $0x0  }
0x4d2: {  	s3 =	rddreg [dreg:$0x2];
	[bflag:$0x3] =	sbarrier.arrive $0xFFFF;
	s2 =	simm.s32 @!p0 $0x1C01  }
0x4d3: {  	[timem:s3], [sflag:s2] =	dma.local @!p0 [hbm:s0], s1  }
0x4d4: {  	s0 =	simm.s32 @!p0 $0x1  }
0x4d5: {  	_ =	swait.ge @!p0 [sflag:s0], s1  }
0x4d6: {  	s1 =	ssub.s32 @!p0 $0x0, s1;
	[sflag:s0] =	ssyncset.done @!p0 $0x0  }
0x4d7: {  	[sflag:s0] =	ssyncadd.s32 @!p0 s1  }
0x4d8: {  	[bflag:$0x3] =	sbarrier.arrive $0xFFFF  }
0x4d9: {  	_ =	shalt  }

</sc_bundles>
